<compile_context>
chip_gen: v7x
topology: tpu7x:2x2x1
jax: 0.10.2.dev20260603
libtpu: 0.0.44.dev20260713+nightly
codegen_flags: <defaults>
</compile_context>

<pallas_src>
import functools

import jax
import jax.numpy as jnp
from jax import lax
from jax.experimental import pallas as pl
from jax.experimental.pallas import tpu as pltpu
from jax.experimental.pallas import tpu_sc as plsc

N = 10000
E = 320000
D = 128
H = 128

NC = 2
NS = 16
NW = NC * NS
L = 16

NP = 10240
RPT = NP // NS
EPW = E // NW
C = 80
NCHUNK = EPW // C
G = NCHUNK // 4
HL = H // L

_mesh = plsc.VectorSubcoreMesh(
    core_axis_name="c", subcore_axis_name="s", num_cores=NC, num_subcores=NS)


@functools.partial(
    pl.kernel,
    out_type=[
        jax.ShapeDtypeStruct((E, H), jnp.float32),
        jax.ShapeDtypeStruct((NW, H), jnp.float32),
        jax.ShapeDtypeStruct((NW, H), jnp.float32),
        jax.ShapeDtypeStruct((NC, NP), jnp.float32),
    ],
    mesh=_mesh,
    scratch_types=[
        [pltpu.VMEM((C,), jnp.int32)] * 4,
        [pltpu.VMEM((C,), jnp.int32)] * 4,
        [pltpu.VMEM((C, H), jnp.float32)] * 4,
        [pltpu.VMEM((C, H), jnp.float32)] * 4,
        [pltpu.VMEM((C, H), jnp.float32)] * 2,
        pltpu.VMEM((C,), jnp.float32),
        pltpu.VMEM((H,), jnp.float32),
        pltpu.VMEM((RPT,), jnp.float32),
        pltpu.VMEM_SHARED((NP,), jnp.float32),
        [pltpu.VMEM((C,), jnp.int32)] * 2,
        [pltpu.SemaphoreType.DMA] * 4,
        [pltpu.SemaphoreType.DMA] * 4,
        [pltpu.SemaphoreType.DMA] * 2,
        [pltpu.SemaphoreType.DMA] * 2,
    ],
)
def _sc_pass1(dst_hbm, src_hbm, p1_hbm, p2_hbm,
              mraw_hbm, s1_hbm, s2_hbm, cnt_hbm,
              didx, sidx, r1, r2, mbuf, ones_v, stat_v, zbuf, cnt_sp, didx2,
              isem, gsem, wsem, csem):
    cid = lax.axis_index("c")
    sid = lax.axis_index("s")
    wid = sid * NC + cid
    ebase = wid * EPW

    zero16 = jnp.zeros((L,), jnp.float32)
    for t in range(RPT // L):
        zbuf[pl.ds(t * L, L)] = zero16
    for t in range(C // L):
        ones_v[pl.ds(t * L, L)] = jnp.full((L,), 1.0, jnp.float32)
    pltpu.sync_copy(zbuf, cnt_sp.at[pl.ds(sid * RPT, RPT)])
    plsc.subcore_barrier()

    def idx_load(k, s):
        pltpu.async_copy(dst_hbm.at[pl.ds(ebase + k * C, C)], didx[s],
                         isem[s])
        pltpu.async_copy(src_hbm.at[pl.ds(ebase + k * C, C)], sidx[s],
                         isem[s])

    def idx_wait(s):
        pltpu.make_async_copy(dst_hbm.at[pl.ds(0, C)], didx[s],
                              isem[s]).wait()
        pltpu.make_async_copy(src_hbm.at[pl.ds(0, C)], sidx[s],
                              isem[s]).wait()

    def gather(s):
        pltpu.async_copy(p1_hbm.at[didx[s]], r1[s], gsem[s])
        pltpu.async_copy(p2_hbm.at[sidx[s]], r2[s], gsem[s])

    def gather_wait(s):
        pltpu.make_async_copy(p1_hbm.at[didx[s]], r1[s], gsem[s]).wait()
        pltpu.make_async_copy(p2_hbm.at[sidx[s]], r2[s], gsem[s]).wait()

    def step(k, u4, u2, g, accs, tail=False):
        gather_wait(u4)
        if not tail:
            s2 = (u4 + 2) % 4

            def pg():
                idx_wait(s2)
                gather(s2)

            if u4 == 3:
                pl.when(g < G - 1)(pg)
            else:
                pg()
        def ww():
            pltpu.make_async_copy(
                mbuf[u2], mraw_hbm.at[pl.ds(0, C)], wsem[u2]).wait()
            pltpu.make_async_copy(
                ones_v, cnt_sp.at[didx2[u2]], csem[u2]).wait()

        if tail or u4 >= 2:
            ww()
        else:
            pl.when(g >= 1)(ww)

        def row_body(i, a):
            a = list(a)
            for j in range(HL):
                sl = pl.ds(j * L, L)
                s = r1[u4][i, sl] + r2[u4][i, sl]
                mbuf[u2][i, sl] = s
                a[2 * j] = a[2 * j] + s
                a[2 * j + 1] = a[2 * j + 1] + s * s
            return tuple(a)

        accs = lax.fori_loop(0, C, row_body, accs)
        pltpu.async_copy(mbuf[u2], mraw_hbm.at[pl.ds(ebase + k * C, C)],
                         wsem[u2])
        for t in range(C // L):
            sl = pl.ds(t * L, L)
            didx2[u2][sl] = didx[u4][sl]
        pltpu.async_copy(ones_v, cnt_sp.at[didx2[u2]], csem[u2], add=True)
        if not tail:
            def pi():
                idx_load(k + 4, u4)

            if u4 == 0:
                pi()
            else:
                pl.when(g < G - 1)(pi)
        return accs

    for s in range(4):
        idx_load(s, s)
    idx_wait(0)
    gather(0)
    idx_wait(1)
    gather(1)

    def gbody(g, accs):
        for u in range(4):
            accs = step(4 * g + u, u, u % 2, g, accs)
        return accs

    accs = lax.fori_loop(
        0, G, gbody,
        tuple(jnp.zeros((L,), jnp.float32) for _ in range(2 * HL)))
    accs = step(NCHUNK - 1, 0, 0, G, accs, tail=True)
    pltpu.make_async_copy(mbuf[1], mraw_hbm.at[pl.ds(0, C)], wsem[1]).wait()
    pltpu.make_async_copy(mbuf[0], mraw_hbm.at[pl.ds(0, C)], wsem[0]).wait()
    pltpu.make_async_copy(ones_v, cnt_sp.at[didx2[1]], csem[1]).wait()
    pltpu.make_async_copy(ones_v, cnt_sp.at[didx2[0]], csem[0]).wait()

    for j in range(HL):
        stat_v[pl.ds(j * L, L)] = accs[2 * j]
    pltpu.sync_copy(stat_v, s1_hbm.at[wid])
    for j in range(HL):
        stat_v[pl.ds(j * L, L)] = accs[2 * j + 1]
    pltpu.sync_copy(stat_v, s2_hbm.at[wid])

    plsc.subcore_barrier()
    pltpu.sync_copy(cnt_sp.at[pl.ds(sid * RPT, RPT)],
                    cnt_hbm.at[cid, pl.ds(sid * RPT, RPT)])


@functools.partial(
    pl.kernel,
    out_type=[
        jax.ShapeDtypeStruct((E, H), jnp.float32),
        jax.ShapeDtypeStruct((NC, NP, H), jnp.float32),
    ],
    mesh=_mesh,
    scratch_types=[
        [pltpu.VMEM((C,), jnp.int32)] * 4,
        [pltpu.VMEM((C, H), jnp.float32)] * 2,
        [pltpu.VMEM((C, H), jnp.float32)] * 2,
        pltpu.VMEM((H,), jnp.float32),
        pltpu.VMEM((H,), jnp.float32),
        pltpu.VMEM_SHARED((NP, H), jnp.float32),
        [pltpu.SemaphoreType.DMA] * 4,
        [pltpu.SemaphoreType.DMA] * 2,
        [pltpu.SemaphoreType.DMA] * 2,
        [pltpu.SemaphoreType.DMA] * 2,
    ],
)
def _sc_pass2(dst_hbm, mraw_hbm, scale_hbm, shift_hbm,
              msg_hbm, agg_hbm,
              didx, min_v, mout_v, sc_v, sh_v, acc_sp,
              isem, rsem, wsem, ssem):
    cid = lax.axis_index("c")
    sid = lax.axis_index("s")
    wid = sid * NC + cid
    ebase = wid * EPW

    pltpu.sync_copy(scale_hbm, sc_v)
    pltpu.sync_copy(shift_hbm, sh_v)
    scs = [sc_v[pl.ds(j * L, L)] for j in range(HL)]
    shs = [sh_v[pl.ds(j * L, L)] for j in range(HL)]

    zero16 = jnp.zeros((L,), jnp.float32)

    def zrow(i, carry):
        for j in range(HL):
            mout_v[0][i, pl.ds(j * L, L)] = zero16
        return carry

    lax.fori_loop(0, C, zrow, 0)
    for t in range(RPT // C):
        pltpu.sync_copy(mout_v[0], acc_sp.at[pl.ds(sid * RPT + t * C, C)])
    plsc.subcore_barrier()

    def idx_load(k, s):
        pltpu.async_copy(dst_hbm.at[pl.ds(ebase + k * C, C)], didx[s],
                         isem[s])

    def idx_wait(s):
        pltpu.make_async_copy(dst_hbm.at[pl.ds(0, C)], didx[s],
                              isem[s]).wait()

    def mread(k, s):
        pltpu.async_copy(mraw_hbm.at[pl.ds(ebase + k * C, C)], min_v[s],
                         rsem[s])

    def mread_wait(s):
        pltpu.make_async_copy(mraw_hbm.at[pl.ds(0, C)], min_v[s],
                              rsem[s]).wait()

    def step(k, u4, u2, g, tail=False):
        mread_wait(u2)
        def ww():
            pltpu.make_async_copy(
                mout_v[u2], msg_hbm.at[pl.ds(0, C)], wsem[u2]).wait()
            pltpu.make_async_copy(
                mout_v[u2], acc_sp.at[didx[0]], ssem[u2]).wait()

        if tail or u4 >= 2:
            ww()
        else:
            pl.when(g >= 1)(ww)

        def row_body(i, c2):
            for j in range(HL):
                sl = pl.ds(j * L, L)
                mout_v[u2][i, sl] = jnp.maximum(
                    min_v[u2][i, sl] * scs[j] + shs[j], 0.0)
            return c2

        lax.fori_loop(0, C, row_body, 0)
        idx_wait(u4)
        pltpu.async_copy(mout_v[u2], msg_hbm.at[pl.ds(ebase + k * C, C)],
                         wsem[u2])
        pltpu.async_copy(mout_v[u2], acc_sp.at[didx[u4]], ssem[u2], add=True)
        if not tail:
            s2 = (u4 + 2) % 4

            def pf():
                mread(k + 2, u2)
                idx_load(k + 2, s2)

            if u4 == 3:
                pl.when(g < G - 1)(pf)
            else:
                pf()

    for s in range(2):
        idx_load(s, s)
        mread(s, s)

    def gbody(g, carry):
        for u in range(4):
            step(4 * g + u, u, u % 2, g)
        return carry

    lax.fori_loop(0, G, gbody, 0)
    step(NCHUNK - 1, 0, 0, G, tail=True)
    pltpu.make_async_copy(mout_v[1], msg_hbm.at[pl.ds(0, C)], wsem[1]).wait()
    pltpu.make_async_copy(mout_v[0], msg_hbm.at[pl.ds(0, C)], wsem[0]).wait()
    pltpu.make_async_copy(mout_v[1], acc_sp.at[didx[0]], ssem[1]).wait()
    pltpu.make_async_copy(mout_v[0], acc_sp.at[didx[0]], ssem[0]).wait()

    plsc.subcore_barrier()
    pltpu.sync_copy(acc_sp.at[pl.ds(sid * RPT, RPT)],
                    agg_hbm.at[cid, pl.ds(sid * RPT, RPT)])


def _proj_body(x_ref, w1_ref, w2_ref, o1_ref, o2_ref):
    xb = x_ref[...]
    o1_ref[...] = jnp.dot(xb, w1_ref[...], preferred_element_type=jnp.float32)
    o2_ref[...] = jnp.dot(xb, w2_ref[...], preferred_element_type=jnp.float32)


def _project(x, w1t, w2t):
    nb = 10
    bs = N // nb
    return pl.pallas_call(
        _proj_body,
        grid=(nb,),
        in_specs=[
            pl.BlockSpec((bs, D), lambda i: (i, 0)),
            pl.BlockSpec((D, H), lambda i: (0, 0)),
            pl.BlockSpec((D, H), lambda i: (0, 0)),
        ],
        out_specs=[
            pl.BlockSpec((bs, H), lambda i: (i, 0)),
            pl.BlockSpec((bs, H), lambda i: (i, 0)),
        ],
        out_shape=[
            jax.ShapeDtypeStruct((N, H), jnp.float32),
            jax.ShapeDtypeStruct((N, H), jnp.float32),
        ],
    )(x, w1t, w2t)


def _mean_body(a0_ref, a1_ref, c0_ref, c1_ref, o_ref):
    cnt = jnp.maximum(c0_ref[0] + c1_ref[0], 1.0)
    o_ref[...] = (a0_ref[0] + a1_ref[0]) / cnt


def _finalize(agg, cnt3):
    nb = 10
    bs = N // nb
    return pl.pallas_call(
        _mean_body,
        grid=(nb,),
        in_specs=[
            pl.BlockSpec((1, bs, H), lambda i: (0, i, 0)),
            pl.BlockSpec((1, bs, H), lambda i: (1, i, 0)),
            pl.BlockSpec((1, bs, 1), lambda i: (0, i, 0)),
            pl.BlockSpec((1, bs, 1), lambda i: (1, i, 0)),
        ],
        out_specs=pl.BlockSpec((bs, H), lambda i: (i, 0)),
        out_shape=jax.ShapeDtypeStruct((N, H), jnp.float32),
    )(agg, agg, cnt3, cnt3)


@jax.jit
def kernel(x, edge_index, W, b, gamma, beta):
    src = edge_index[0].astype(jnp.int32)
    dst = edge_index[1].astype(jnp.int32)
    w1t = W[:, :D].T
    w2t = W[:, D:].T

    p1, p2 = _project(x, w1t, w2t)

    mraw, s1p, s2p, cntp = _sc_pass1(dst, src, p1, p2)

    s1 = jnp.sum(s1p, axis=0)
    s2 = jnp.sum(s2p, axis=0)
    mean_s = s1 / E
    var = s2 / E - mean_s * mean_s
    scale = gamma / jnp.sqrt(var + 1e-5)
    shift = beta - mean_s * scale

    msg, aggp = _sc_pass2(dst, mraw, scale, shift)

    out = _finalize(aggp, cntp[:, :, None])
    return out, msg

# --- scband reference (transcript-rebuilt; emitter-appended) ---
"""Pipeline reference for scband-edge-conv-block-9715216023597 (READ-ONLY COPY).

The authoritative reference and input builder live on the scoring server;
editing this copy changes nothing except your own understanding.
"""

import jax, jax.numpy as jnp
import numpy as np

N = 10000
E = 320000
D = 128
H = 128

def setup_inputs(seed: int = 0) -> dict:
    key = jax.random.key(seed)
    k1, k2, k3, k4 = jax.random.split(key, 4)
    x = jax.random.normal(k1, (N, D), dtype=jnp.float32)
    edge_index = jax.random.randint(k2, (2, E), 0, N)
    # Learned parameters: Linear(2*D -> H) weight/bias (torch layout: [out, in]),
    # BatchNorm1d(H) gamma/beta
    W = jax.random.normal(k3, (H, 2 * D), dtype=jnp.float32) * 0.05
    b = jax.random.normal(k4, (H,), dtype=jnp.float32) * 0.05
    gamma = jnp.ones((H,), dtype=jnp.float32)
    beta = jnp.zeros((H,), dtype=jnp.float32)
    return {"x": x, "edge_index": edge_index, "W": W, "b": b, "gamma": gamma, "beta": beta}

def reference(x, edge_index, W, b, gamma, beta):
    # EdgeConv_f with message = nn(cat([x_i, x_j])) and aggr='mean'
    src = edge_index[0]  # x_j comes from source nodes
    dst = edge_index[1]  # x_i / aggregation index are target nodes (PyG flow='source_to_target')
    x_j = jnp.take(x, src, axis=0)
    x_i = jnpp_take = jnp.take(x, dst, axis=0)
    h = jnp.concatenate([x_i, x_j], axis=-1)          # [E, 2D]
    z = h @ W.T + b                                    # Linear
    # BatchNorm1d in training mode (module default): per-feature batch stats, biased var
    mean = jnp.mean(z, axis=0)
    var = jnp.mean((z - mean) ** 2, axis=0)
    zn = (z - mean) / jnp.sqrt(var + 1e-5) * gamma + beta
    msg = jax.nn.relu(zn)                              # edge_activations == message
    agg = jax.ops.segment_sum(msg, dst, num_segments=N)
    cnt = jax.ops.segment_sum(jnp.ones((E,), jnp.float32), dst, num_segments=N)
    out = agg / jnp.clip(cnt, 1.0)[:, None]            # scatter-mean; empty segments -> 0
    return (out, msg)

if __name__ == "__main__":
    import jax
    _d = setup_inputs()
    print(jax.jit(kernel)(*tuple(_d.values())))

</pallas_src>

<mosaic_0001>
#map = affine_map<(d0, d1) -> (0)>
#map1 = affine_map<(d0, d1) -> (0, 0)>
module attributes {stable_mosaic.version = 14 : i64} {
  func.func @_sc_pass1(%arg0: i32, %arg1: i32, %arg2: memref<320000xi32, #tpu.memory_space<hbm>>, %arg3: memref<320000xi32, #tpu.memory_space<hbm>>, %arg4: memref<10000x128xf32, #tpu.memory_space<hbm>>, %arg5: memref<10000x128xf32, #tpu.memory_space<hbm>>, %arg6: memref<320000x128xf32, #tpu.memory_space<hbm>>, %arg7: memref<32x128xf32, #tpu.memory_space<hbm>>, %arg8: memref<32x128xf32, #tpu.memory_space<hbm>>, %arg9: memref<2x10240xf32, #tpu.memory_space<hbm>>, %arg10: memref<80xi32, #tpu.memory_space<vmem>>, %arg11: memref<80xi32, #tpu.memory_space<vmem>>, %arg12: memref<80xi32, #tpu.memory_space<vmem>>, %arg13: memref<80xi32, #tpu.memory_space<vmem>>, %arg14: memref<80xi32, #tpu.memory_space<vmem>>, %arg15: memref<80xi32, #tpu.memory_space<vmem>>, %arg16: memref<80xi32, #tpu.memory_space<vmem>>, %arg17: memref<80xi32, #tpu.memory_space<vmem>>, %arg18: memref<80x128xf32, #tpu.memory_space<vmem>>, %arg19: memref<80x128xf32, #tpu.memory_space<vmem>>, %arg20: memref<80x128xf32, #tpu.memory_space<vmem>>, %arg21: memref<80x128xf32, #tpu.memory_space<vmem>>, %arg22: memref<80x128xf32, #tpu.memory_space<vmem>>, %arg23: memref<80x128xf32, #tpu.memory_space<vmem>>, %arg24: memref<80x128xf32, #tpu.memory_space<vmem>>, %arg25: memref<80x128xf32, #tpu.memory_space<vmem>>, %arg26: memref<80x128xf32, #tpu.memory_space<vmem>>, %arg27: memref<80x128xf32, #tpu.memory_space<vmem>>, %arg28: memref<80xf32, #tpu.memory_space<vmem>>, %arg29: memref<128xf32, #tpu.memory_space<vmem>>, %arg30: memref<640xf32, #tpu.memory_space<vmem>>, %arg31: memref<10240xf32, #tpu.memory_space<vmem_shared>>, %arg32: memref<80xi32, #tpu.memory_space<vmem>>, %arg33: memref<80xi32, #tpu.memory_space<vmem>>, %arg34: memref<!tpu.dma_semaphore, #tpu.memory_space<semaphore_mem>>, %arg35: memref<!tpu.dma_semaphore, #tpu.memory_space<semaphore_mem>>, %arg36: memref<!tpu.dma_semaphore, #tpu.memory_space<semaphore_mem>>, %arg37: memref<!tpu.dma_semaphore, #tpu.memory_space<semaphore_mem>>, %arg38: memref<!tpu.dma_semaphore, #tpu.memory_space<semaphore_mem>>, %arg39: memref<!tpu.dma_semaphore, #tpu.memory_space<semaphore_mem>>, %arg40: memref<!tpu.dma_semaphore, #tpu.memory_space<semaphore_mem>>, %arg41: memref<!tpu.dma_semaphore, #tpu.memory_space<semaphore_mem>>, %arg42: memref<!tpu.dma_semaphore, #tpu.memory_space<semaphore_mem>>, %arg43: memref<!tpu.dma_semaphore, #tpu.memory_space<semaphore_mem>>, %arg44: memref<!tpu.dma_semaphore, #tpu.memory_space<semaphore_mem>>, %arg45: memref<!tpu.dma_semaphore, #tpu.memory_space<semaphore_mem>>) attributes {dimension_semantics = [#tpu.dimension_semantics<core_parallel>, #tpu.dimension_semantics<subcore_parallel>], iteration_bounds = array<i64: 2, 16>, scalar_prefetch = 0 : i64, scratch_operands = 36 : i64, tpu.core_type = #tpu.core_type<sc_vector_subcore>, window_params = [{transform_indices = #map}, {transform_indices = #map}, {transform_indices = #map1}, {transform_indices = #map1}, {transform_indices = #map1}, {transform_indices = #map1}, {transform_indices = #map1}, {transform_indices = #map1}]} {
    %mul3A = arith.constant 2 : i32
    %mul3A_0 = arith.muli %arg1, %mul3A : i32
    %add3A = arith.addi %mul3A_0, %arg0 : i32
    %mul3A_1 = arith.constant 10000 : i32
    %mul3A_2 = arith.muli %add3A, %mul3A_1 : i32
    %broadcast_in_dim3A = arith.constant 0.000000e+00 : f32
    %broadcast_in_dim3A_3 = vector.broadcast %broadcast_in_dim3A : f32 to vector<16xf32>
    %swap3A = arith.constant 0 : index
    %swap3A_4 = tpu.vector_load %arg30[%swap3A] {strides = array<i32>} : memref<640xf32, #tpu.memory_space<vmem>>, vector<16xf32>,
    %swap3A_5 = vector.shape_cast %swap3A_4 : vector<16xf32> to vector<16xf32>
    %swap3A_6 = vector.shape_cast %broadcast_in_dim3A_3 : vector<16xf32> to vector<16xf32>
    tpu.vector_store %arg30[%swap3A], %swap3A_6 {strides = array<i32>} : memref<640xf32, #tpu.memory_space<vmem>>, vector<16xf32>,
    %swap3A_7 = arith.constant 16 : index
    %swap3A_8 = tpu.vector_load %arg30[%swap3A_7] {strides = array<i32>} : memref<640xf32, #tpu.memory_space<vmem>>, vector<16xf32>,
    %swap3A_9 = vector.shape_cast %swap3A_8 : vector<16xf32> to vector<16xf32>
    %swap3A_10 = vector.shape_cast %broadcast_in_dim3A_3 : vector<16xf32> to vector<16xf32>
    tpu.vector_store %arg30[%swap3A_7], %swap3A_10 {strides = array<i32>} : memref<640xf32, #tpu.memory_space<vmem>>, vector<16xf32>,
    %swap3A_11 = arith.constant 32 : index
    %swap3A_12 = tpu.vector_load %arg30[%swap3A_11] {strides = array<i32>} : memref<640xf32, #tpu.memory_space<vmem>>, vector<16xf32>,
    %swap3A_13 = vector.shape_cast %swap3A_12 : vector<16xf32> to vector<16xf32>
    %swap3A_14 = vector.shape_cast %broadcast_in_dim3A_3 : vector<16xf32> to vector<16xf32>
    tpu.vector_store %arg30[%swap3A_11], %swap3A_14 {strides = array<i32>} : memref<640xf32, #tpu.memory_space<vmem>>, vector<16xf32>,
    %swap3A_15 = arith.constant 48 : index
    %swap3A_16 = tpu.vector_load %arg30[%swap3A_15] {strides = array<i32>} : memref<640xf32, #tpu.memory_space<vmem>>, vector<16xf32>,
    %swap3A_17 = vector.shape_cast %swap3A_16 : vector<16xf32> to vector<16xf32>
    %swap3A_18 = vector.shape_cast %broadcast_in_dim3A_3 : vector<16xf32> to vector<16xf32>
    tpu.vector_store %arg30[%swap3A_15], %swap3A_18 {strides = array<i32>} : memref<640xf32, #tpu.memory_space<vmem>>, vector<16xf32>,
    %swap3A_19 = arith.constant 64 : index
    %swap3A_20 = tpu.vector_load %arg30[%swap3A_19] {strides = array<i32>} : memref<640xf32, #tpu.memory_space<vmem>>, vector<16xf32>,
    %swap3A_21 = vector.shape_cast %swap3A_20 : vector<16xf32> to vector<16xf32>
    %swap3A_22 = vector.shape_cast %broadcast_in_dim3A_3 : vector<16xf32> to vector<16xf32>
    tpu.vector_store %arg30[%swap3A_19], %swap3A_22 {strides = array<i32>} : memref<640xf32, #tpu.memory_space<vmem>>, vector<16xf32>,
    %swap3A_23 = arith.constant 80 : index
    %swap3A_24 = tpu.vector_load %arg30[%swap3A_23] {strides = array<i32>} : memref<640xf32, #tpu.memory_space<vmem>>, vector<16xf32>,
    %swap3A_25 = vector.shape_cast %swap3A_24 : vector<16xf32> to vector<16xf32>
    %swap3A_26 = vector.shape_cast %broadcast_in_dim3A_3 : vector<16xf32> to vector<16xf32>
    tpu.vector_store %arg30[%swap3A_23], %swap3A_26 {strides = array<i32>} : memref<640xf32, #tpu.memory_space<vmem>>, vector<16xf32>,
    %swap3A_27 = arith.constant 96 : index
    %swap3A_28 = tpu.vector_load %arg30[%swap3A_27] {strides = array<i32>} : memref<640xf32, #tpu.memory_space<vmem>>, vector<16xf32>,
    %swap3A_29 = vector.shape_cast %swap3A_28 : vector<16xf32> to vector<16xf32>
    %swap3A_30 = vector.shape_cast %broadcast_in_dim3A_3 : vector<16xf32> to vector<16xf32>
    tpu.vector_store %arg30[%swap3A_27], %swap3A_30 {strides = array<i32>} : memref<640xf32, #tpu.memory_space<vmem>>, vector<16xf32>,
    %swap3A_31 = arith.constant 112 : index
    %swap3A_32 = tpu.vector_load %arg30[%swap3A_31] {strides = array<i32>} : memref<640xf32, #tpu.memory_space<vmem>>, vector<16xf32>,
    %swap3A_33 = vector.shape_cast %swap3A_32 : vector<16xf32> to vector<16xf32>
    %swap3A_34 = vector.shape_cast %broadcast_in_dim3A_3 : vector<16xf32> to vector<16xf32>
    tpu.vector_store %arg30[%swap3A_31], %swap3A_34 {strides = array<i32>} : memref<640xf32, #tpu.memory_space<vmem>>, vector<16xf32>,
    %swap3A_35 = arith.constant 128 : index
    %swap3A_36 = tpu.vector_load %arg30[%swap3A_35] {strides = array<i32>} : memref<640xf32, #tpu.memory_space<vmem>>, vector<16xf32>,
    %swap3A_37 = vector.shape_cast %swap3A_36 : vector<16xf32> to vector<16xf32>
    %swap3A_38 = vector.shape_cast %broadcast_in_dim3A_3 : vector<16xf32> to vector<16xf32>
    tpu.vector_store %arg30[%swap3A_35], %swap3A_38 {strides = array<i32>} : memref<640xf32, #tpu.memory_space<vmem>>, vector<16xf32>,
    %swap3A_39 = arith.constant 144 : index
    %swap3A_40 = tpu.vector_load %arg30[%swap3A_39] {strides = array<i32>} : memref<640xf32, #tpu.memory_space<vmem>>, vector<16xf32>,
    %swap3A_41 = vector.shape_cast %swap3A_40 : vector<16xf32> to vector<16xf32>
    %swap3A_42 = vector.shape_cast %broadcast_in_dim3A_3 : vector<16xf32> to vector<16xf32>
    tpu.vector_store %arg30[%swap3A_39], %swap3A_42 {strides = array<i32>} : memref<640xf32, #tpu.memory_space<vmem>>, vector<16xf32>,
    %swap3A_43 = arith.constant 160 : index
    %swap3A_44 = tpu.vector_load %arg30[%swap3A_43] {strides = array<i32>} : memref<640xf32, #tpu.memory_space<vmem>>, vector<16xf32>,
    %swap3A_45 = vector.shape_cast %swap3A_44 : vector<16xf32> to vector<16xf32>
    %swap3A_46 = vector.shape_cast %broadcast_in_dim3A_3 : vector<16xf32> to vector<16xf32>
    tpu.vector_store %arg30[%swap3A_43], %swap3A_46 {strides = array<i32>} : memref<640xf32, #tpu.memory_space<vmem>>, vector<16xf32>,
    %swap3A_47 = arith.constant 176 : index
    %swap3A_48 = tpu.vector_load %arg30[%swap3A_47] {strides = array<i32>} : memref<640xf32, #tpu.memory_space<vmem>>, vector<16xf32>,
    %swap3A_49 = vector.shape_cast %swap3A_48 : vector<16xf32> to vector<16xf32>
    %swap3A_50 = vector.shape_cast %broadcast_in_dim3A_3 : vector<16xf32> to vector<16xf32>
    tpu.vector_store %arg30[%swap3A_47], %swap3A_50 {strides = array<i32>} : memref<640xf32, #tpu.memory_space<vmem>>, vector<16xf32>,
    %swap3A_51 = arith.constant 192 : index
    %swap3A_52 = tpu.vector_load %arg30[%swap3A_51] {strides = array<i32>} : memref<640xf32, #tpu.memory_space<vmem>>, vector<16xf32>,
    %swap3A_53 = vector.shape_cast %swap3A_52 : vector<16xf32> to vector<16xf32>
    %swap3A_54 = vector.shape_cast %broadcast_in_dim3A_3 : vector<16xf32> to vector<16xf32>
    tpu.vector_store %arg30[%swap3A_51], %swap3A_54 {strides = array<i32>} : memref<640xf32, #tpu.memory_space<vmem>>, vector<16xf32>,
    %swap3A_55 = arith.constant 208 : index
    %swap3A_56 = tpu.vector_load %arg30[%swap3A_55] {strides = array<i32>} : memref<640xf32, #tpu.memory_space<vmem>>, vector<16xf32>,
    %swap3A_57 = vector.shape_cast %swap3A_56 : vector<16xf32> to vector<16xf32>
    %swap3A_58 = vector.shape_cast %broadcast_in_dim3A_3 : vector<16xf32> to vector<16xf32>
    tpu.vector_store %arg30[%swap3A_55], %swap3A_58 {strides = array<i32>} : memref<640xf32, #tpu.memory_space<vmem>>, vector<16xf32>,
    %swap3A_59 = arith.constant 224 : index
    %swap3A_60 = tpu.vector_load %arg30[%swap3A_59] {strides = array<i32>} : memref<640xf32, #tpu.memory_space<vmem>>, vector<16xf32>,
    %swap3A_61 = vector.shape_cast %swap3A_60 : vector<16xf32> to vector<16xf32>
    %swap3A_62 = vector.shape_cast %broadcast_in_dim3A_3 : vector<16xf32> to vector<16xf32>
    tpu.vector_store %arg30[%swap3A_59], %swap3A_62 {strides = array<i32>} : memref<640xf32, #tpu.memory_space<vmem>>, vector<16xf32>,
    %swap3A_63 = arith.constant 240 : index
    %swap3A_64 = tpu.vector_load %arg30[%swap3A_63] {strides = array<i32>} : memref<640xf32, #tpu.memory_space<vmem>>, vector<16xf32>,
    %swap3A_65 = vector.shape_cast %swap3A_64 : vector<16xf32> to vector<16xf32>
    %swap3A_66 = vector.shape_cast %broadcast_in_dim3A_3 : vector<16xf32> to vector<16xf32>
    tpu.vector_store %arg30[%swap3A_63], %swap3A_66 {strides = array<i32>} : memref<640xf32, #tpu.memory_space<vmem>>, vector<16xf32>,
    %swap3A_67 = arith.constant 256 : index
    %swap3A_68 = tpu.vector_load %arg30[%swap3A_67] {strides = array<i32>} : memref<640xf32, #tpu.memory_space<vmem>>, vector<16xf32>,
    %swap3A_69 = vector.shape_cast %swap3A_68 : vector<16xf32> to vector<16xf32>
    %swap3A_70 = vector.shape_cast %broadcast_in_dim3A_3 : vector<16xf32> to vector<16xf32>
    tpu.vector_store %arg30[%swap3A_67], %swap3A_70 {strides = array<i32>} : memref<640xf32, #tpu.memory_space<vmem>>, vector<16xf32>,
    %swap3A_71 = arith.constant 272 : index
    %swap3A_72 = tpu.vector_load %arg30[%swap3A_71] {strides = array<i32>} : memref<640xf32, #tpu.memory_space<vmem>>, vector<16xf32>,
    %swap3A_73 = vector.shape_cast %swap3A_72 : vector<16xf32> to vector<16xf32>
    %swap3A_74 = vector.shape_cast %broadcast_in_dim3A_3 : vector<16xf32> to vector<16xf32>
    tpu.vector_store %arg30[%swap3A_71], %swap3A_74 {strides = array<i32>} : memref<640xf32, #tpu.memory_space<vmem>>, vector<16xf32>,
    %swap3A_75 = arith.constant 288 : index
    %swap3A_76 = tpu.vector_load %arg30[%swap3A_75] {strides = array<i32>} : memref<640xf32, #tpu.memory_space<vmem>>, vector<16xf32>,
    %swap3A_77 = vector.shape_cast %swap3A_76 : vector<16xf32> to vector<16xf32>
    %swap3A_78 = vector.shape_cast %broadcast_in_dim3A_3 : vector<16xf32> to vector<16xf32>
    tpu.vector_store %arg30[%swap3A_75], %swap3A_78 {strides = array<i32>} : memref<640xf32, #tpu.memory_space<vmem>>, vector<16xf32>,
    %swap3A_79 = arith.constant 304 : index
    %swap3A_80 = tpu.vector_load %arg30[%swap3A_79] {strides = array<i32>} : memref<640xf32, #tpu.memory_space<vmem>>, vector<16xf32>,
    %swap3A_81 = vector.shape_cast %swap3A_80 : vector<16xf32> to vector<16xf32>
    %swap3A_82 = vector.shape_cast %broadcast_in_dim3A_3 : vector<16xf32> to vector<16xf32>
    tpu.vector_store %arg30[%swap3A_79], %swap3A_82 {strides = array<i32>} : memref<640xf32, #tpu.memory_space<vmem>>, vector<16xf32>,
    %swap3A_83 = arith.constant 320 : index
    %swap3A_84 = tpu.vector_load %arg30[%swap3A_83] {strides = array<i32>} : memref<640xf32, #tpu.memory_space<vmem>>, vector<16xf32>,
    %swap3A_85 = vector.shape_cast %swap3A_84 : vector<16xf32> to vector<16xf32>
    %swap3A_86 = vector.shape_cast %broadcast_in_dim3A_3 : vector<16xf32> to vector<16xf32>
    tpu.vector_store %arg30[%swap3A_83], %swap3A_86 {strides = array<i32>} : memref<640xf32, #tpu.memory_space<vmem>>, vector<16xf32>,
    %swap3A_87 = arith.constant 336 : index
    %swap3A_88 = tpu.vector_load %arg30[%swap3A_87] {strides = array<i32>} : memref<640xf32, #tpu.memory_space<vmem>>, vector<16xf32>,
    %swap3A_89 = vector.shape_cast %swap3A_88 : vector<16xf32> to vector<16xf32>
    %swap3A_90 = vector.shape_cast %broadcast_in_dim3A_3 : vector<16xf32> to vector<16xf32>
    tpu.vector_store %arg30[%swap3A_87], %swap3A_90 {strides = array<i32>} : memref<640xf32, #tpu.memory_space<vmem>>, vector<16xf32>,
    %swap3A_91 = arith.constant 352 : index
    %swap3A_92 = tpu.vector_load %arg30[%swap3A_91] {strides = array<i32>} : memref<640xf32, #tpu.memory_space<vmem>>, vector<16xf32>,
    %swap3A_93 = vector.shape_cast %swap3A_92 : vector<16xf32> to vector<16xf32>
    %swap3A_94 = vector.shape_cast %broadcast_in_dim3A_3 : vector<16xf32> to vector<16xf32>
    tpu.vector_store %arg30[%swap3A_91], %swap3A_94 {strides = array<i32>} : memref<640xf32, #tpu.memory_space<vmem>>, vector<16xf32>,
    %swap3A_95 = arith.constant 368 : index
    %swap3A_96 = tpu.vector_load %arg30[%swap3A_95] {strides = array<i32>} : memref<640xf32, #tpu.memory_space<vmem>>, vector<16xf32>,
    %swap3A_97 = vector.shape_cast %swap3A_96 : vector<16xf32> to vector<16xf32>
    %swap3A_98 = vector.shape_cast %broadcast_in_dim3A_3 : vector<16xf32> to vector<16xf32>
    tpu.vector_store %arg30[%swap3A_95], %swap3A_98 {strides = array<i32>} : memref<640xf32, #tpu.memory_space<vmem>>, vector<16xf32>,
    %swap3A_99 = arith.constant 384 : index
    %swap3A_100 = tpu.vector_load %arg30[%swap3A_99] {strides = array<i32>} : memref<640xf32, #tpu.memory_space<vmem>>, vector<16xf32>,
    %swap3A_101 = vector.shape_cast %swap3A_100 : vector<16xf32> to vector<16xf32>
    %swap3A_102 = vector.shape_cast %broadcast_in_dim3A_3 : vector<16xf32> to vector<16xf32>
    tpu.vector_store %arg30[%swap3A_99], %swap3A_102 {strides = array<i32>} : memref<640xf32, #tpu.memory_space<vmem>>, vector<16xf32>,
    %swap3A_103 = arith.constant 400 : index
    %swap3A_104 = tpu.vector_load %arg30[%swap3A_103] {strides = array<i32>} : memref<640xf32, #tpu.memory_space<vmem>>, vector<16xf32>,
    %swap3A_105 = vector.shape_cast %swap3A_104 : vector<16xf32> to vector<16xf32>
    %swap3A_106 = vector.shape_cast %broadcast_in_dim3A_3 : vector<16xf32> to vector<16xf32>
    tpu.vector_store %arg30[%swap3A_103], %swap3A_106 {strides = array<i32>} : memref<640xf32, #tpu.memory_space<vmem>>, vector<16xf32>,
    %swap3A_107 = arith.constant 416 : index
    %swap3A_108 = tpu.vector_load %arg30[%swap3A_107] {strides = array<i32>} : memref<640xf32, #tpu.memory_space<vmem>>, vector<16xf32>,
    %swap3A_109 = vector.shape_cast %swap3A_108 : vector<16xf32> to vector<16xf32>
    %swap3A_110 = vector.shape_cast %broadcast_in_dim3A_3 : vector<16xf32> to vector<16xf32>
    tpu.vector_store %arg30[%swap3A_107], %swap3A_110 {strides = array<i32>} : memref<640xf32, #tpu.memory_space<vmem>>, vector<16xf32>,
    %swap3A_111 = arith.constant 432 : index
    %swap3A_112 = tpu.vector_load %arg30[%swap3A_111] {strides = array<i32>} : memref<640xf32, #tpu.memory_space<vmem>>, vector<16xf32>,
    %swap3A_113 = vector.shape_cast %swap3A_112 : vector<16xf32> to vector<16xf32>
    %swap3A_114 = vector.shape_cast %broadcast_in_dim3A_3 : vector<16xf32> to vector<16xf32>
    tpu.vector_store %arg30[%swap3A_111], %swap3A_114 {strides = array<i32>} : memref<640xf32, #tpu.memory_space<vmem>>, vector<16xf32>,
    %swap3A_115 = arith.constant 448 : index
    %swap3A_116 = tpu.vector_load %arg30[%swap3A_115] {strides = array<i32>} : memref<640xf32, #tpu.memory_space<vmem>>, vector<16xf32>,
    %swap3A_117 = vector.shape_cast %swap3A_116 : vector<16xf32> to vector<16xf32>
    %swap3A_118 = vector.shape_cast %broadcast_in_dim3A_3 : vector<16xf32> to vector<16xf32>
    tpu.vector_store %arg30[%swap3A_115], %swap3A_118 {strides = array<i32>} : memref<640xf32, #tpu.memory_space<vmem>>, vector<16xf32>,
    %swap3A_119 = arith.constant 464 : index
    %swap3A_120 = tpu.vector_load %arg30[%swap3A_119] {strides = array<i32>} : memref<640xf32, #tpu.memory_space<vmem>>, vector<16xf32>,
    %swap3A_121 = vector.shape_cast %swap3A_120 : vector<16xf32> to vector<16xf32>
    %swap3A_122 = vector.shape_cast %broadcast_in_dim3A_3 : vector<16xf32> to vector<16xf32>
    tpu.vector_store %arg30[%swap3A_119], %swap3A_122 {strides = array<i32>} : memref<640xf32, #tpu.memory_space<vmem>>, vector<16xf32>,
    %swap3A_123 = arith.constant 480 : index
    %swap3A_124 = tpu.vector_load %arg30[%swap3A_123] {strides = array<i32>} : memref<640xf32, #tpu.memory_space<vmem>>, vector<16xf32>,
    %swap3A_125 = vector.shape_cast %swap3A_124 : vector<16xf32> to vector<16xf32>
    %swap3A_126 = vector.shape_cast %broadcast_in_dim3A_3 : vector<16xf32> to vector<16xf32>
    tpu.vector_store %arg30[%swap3A_123], %swap3A_126 {strides = array<i32>} : memref<640xf32, #tpu.memory_space<vmem>>, vector<16xf32>,
    %swap3A_127 = arith.constant 496 : index
    %swap3A_128 = tpu.vector_load %arg30[%swap3A_127] {strides = array<i32>} : memref<640xf32, #tpu.memory_space<vmem>>, vector<16xf32>,
    %swap3A_129 = vector.shape_cast %swap3A_128 : vector<16xf32> to vector<16xf32>
    %swap3A_130 = vector.shape_cast %broadcast_in_dim3A_3 : vector<16xf32> to vector<16xf32>
    tpu.vector_store %arg30[%swap3A_127], %swap3A_130 {strides = array<i32>} : memref<640xf32, #tpu.memory_space<vmem>>, vector<16xf32>,
    %swap3A_131 = arith.constant 512 : index
    %swap3A_132 = tpu.vector_load %arg30[%swap3A_131] {strides = array<i32>} : memref<640xf32, #tpu.memory_space<vmem>>, vector<16xf32>,
    %swap3A_133 = vector.shape_cast %swap3A_132 : vector<16xf32> to vector<16xf32>
    %swap3A_134 = vector.shape_cast %broadcast_in_dim3A_3 : vector<16xf32> to vector<16xf32>
    tpu.vector_store %arg30[%swap3A_131], %swap3A_134 {strides = array<i32>} : memref<640xf32, #tpu.memory_space<vmem>>, vector<16xf32>,
    %swap3A_135 = arith.constant 528 : index
    %swap3A_136 = tpu.vector_load %arg30[%swap3A_135] {strides = array<i32>} : memref<640xf32, #tpu.memory_space<vmem>>, vector<16xf32>,
    %swap3A_137 = vector.shape_cast %swap3A_136 : vector<16xf32> to vector<16xf32>
    %swap3A_138 = vector.shape_cast %broadcast_in_dim3A_3 : vector<16xf32> to vector<16xf32>
    tpu.vector_store %arg30[%swap3A_135], %swap3A_138 {strides = array<i32>} : memref<640xf32, #tpu.memory_space<vmem>>, vector<16xf32>,
    %swap3A_139 = arith.constant 544 : index
    %swap3A_140 = tpu.vector_load %arg30[%swap3A_139] {strides = array<i32>} : memref<640xf32, #tpu.memory_space<vmem>>, vector<16xf32>,
    %swap3A_141 = vector.shape_cast %swap3A_140 : vector<16xf32> to vector<16xf32>
    %swap3A_142 = vector.shape_cast %broadcast_in_dim3A_3 : vector<16xf32> to vector<16xf32>
    tpu.vector_store %arg30[%swap3A_139], %swap3A_142 {strides = array<i32>} : memref<640xf32, #tpu.memory_space<vmem>>, vector<16xf32>,
    %swap3A_143 = arith.constant 560 : index
    %swap3A_144 = tpu.vector_load %arg30[%swap3A_143] {strides = array<i32>} : memref<640xf32, #tpu.memory_space<vmem>>, vector<16xf32>,
    %swap3A_145 = vector.shape_cast %swap3A_144 : vector<16xf32> to vector<16xf32>
    %swap3A_146 = vector.shape_cast %broadcast_in_dim3A_3 : vector<16xf32> to vector<16xf32>
    tpu.vector_store %arg30[%swap3A_143], %swap3A_146 {strides = array<i32>} : memref<640xf32, #tpu.memory_space<vmem>>, vector<16xf32>,
    %swap3A_147 = arith.constant 576 : index
    %swap3A_148 = tpu.vector_load %arg30[%swap3A_147] {strides = array<i32>} : memref<640xf32, #tpu.memory_space<vmem>>, vector<16xf32>,
    %swap3A_149 = vector.shape_cast %swap3A_148 : vector<16xf32> to vector<16xf32>
    %swap3A_150 = vector.shape_cast %broadcast_in_dim3A_3 : vector<16xf32> to vector<16xf32>
    tpu.vector_store %arg30[%swap3A_147], %swap3A_150 {strides = array<i32>} : memref<640xf32, #tpu.memory_space<vmem>>, vector<16xf32>,
    %swap3A_151 = arith.constant 592 : index
    %swap3A_152 = tpu.vector_load %arg30[%swap3A_151] {strides = array<i32>} : memref<640xf32, #tpu.memory_space<vmem>>, vector<16xf32>,
    %swap3A_153 = vector.shape_cast %swap3A_152 : vector<16xf32> to vector<16xf32>
    %swap3A_154 = vector.shape_cast %broadcast_in_dim3A_3 : vector<16xf32> to vector<16xf32>
    tpu.vector_store %arg30[%swap3A_151], %swap3A_154 {strides = array<i32>} : memref<640xf32, #tpu.memory_space<vmem>>, vector<16xf32>,
    %swap3A_155 = arith.constant 608 : index
    %swap3A_156 = tpu.vector_load %arg30[%swap3A_155] {strides = array<i32>} : memref<640xf32, #tpu.memory_space<vmem>>, vector<16xf32>,
    %swap3A_157 = vector.shape_cast %swap3A_156 : vector<16xf32> to vector<16xf32>
    %swap3A_158 = vector.shape_cast %broadcast_in_dim3A_3 : vector<16xf32> to vector<16xf32>
    tpu.vector_store %arg30[%swap3A_155], %swap3A_158 {strides = array<i32>} : memref<640xf32, #tpu.memory_space<vmem>>, vector<16xf32>,
    %swap3A_159 = arith.constant 624 : index
    %swap3A_160 = tpu.vector_load %arg30[%swap3A_159] {strides = array<i32>} : memref<640xf32, #tpu.memory_space<vmem>>, vector<16xf32>,
    %swap3A_161 = vector.shape_cast %swap3A_160 : vector<16xf32> to vector<16xf32>
    %swap3A_162 = vector.shape_cast %broadcast_in_dim3A_3 : vector<16xf32> to vector<16xf32>
    tpu.vector_store %arg30[%swap3A_159], %swap3A_162 {strides = array<i32>} : memref<640xf32, #tpu.memory_space<vmem>>, vector<16xf32>,
    %broadcast_in_dim3A_163 = arith.constant 1.000000e+00 : f32
    %broadcast_in_dim3A_164 = vector.broadcast %broadcast_in_dim3A_163 : f32 to vector<16xf32>
    %swap3A_165 = arith.constant 0 : index
    %swap3A_166 = tpu.vector_load %arg28[%swap3A_165] {strides = array<i32>} : memref<80xf32, #tpu.memory_space<vmem>>, vector<16xf32>,
    %swap3A_167 = vector.shape_cast %swap3A_166 : vector<16xf32> to vector<16xf32>
    %swap3A_168 = vector.shape_cast %broadcast_in_dim3A_164 : vector<16xf32> to vector<16xf32>
    tpu.vector_store %arg28[%swap3A_165], %swap3A_168 {strides = array<i32>} : memref<80xf32, #tpu.memory_space<vmem>>, vector<16xf32>,
    %broadcast_in_dim3A_169 = arith.constant 1.000000e+00 : f32
    %broadcast_in_dim3A_170 = vector.broadcast %broadcast_in_dim3A_169 : f32 to vector<16xf32>
    %swap3A_171 = arith.constant 16 : index
    %swap3A_172 = tpu.vector_load %arg28[%swap3A_171] {strides = array<i32>} : memref<80xf32, #tpu.memory_space<vmem>>, vector<16xf32>,
    %swap3A_173 = vector.shape_cast %swap3A_172 : vector<16xf32> to vector<16xf32>
    %swap3A_174 = vector.shape_cast %broadcast_in_dim3A_170 : vector<16xf32> to vector<16xf32>
    tpu.vector_store %arg28[%swap3A_171], %swap3A_174 {strides = array<i32>} : memref<80xf32, #tpu.memory_space<vmem>>, vector<16xf32>,
    %broadcast_in_dim3A_175 = arith.constant 1.000000e+00 : f32
    %broadcast_in_dim3A_176 = vector.broadcast %broadcast_in_dim3A_175 : f32 to vector<16xf32>
    %swap3A_177 = arith.constant 32 : index
    %swap3A_178 = tpu.vector_load %arg28[%swap3A_177] {strides = array<i32>} : memref<80xf32, #tpu.memory_space<vmem>>, vector<16xf32>,
    %swap3A_179 = vector.shape_cast %swap3A_178 : vector<16xf32> to vector<16xf32>
    %swap3A_180 = vector.shape_cast %broadcast_in_dim3A_176 : vector<16xf32> to vector<16xf32>
    tpu.vector_store %arg28[%swap3A_177], %swap3A_180 {strides = array<i32>} : memref<80xf32, #tpu.memory_space<vmem>>, vector<16xf32>,
    %broadcast_in_dim3A_181 = arith.constant 1.000000e+00 : f32
    %broadcast_in_dim3A_182 = vector.broadcast %broadcast_in_dim3A_181 : f32 to vector<16xf32>
    %swap3A_183 = arith.constant 48 : index
    %swap3A_184 = tpu.vector_load %arg28[%swap3A_183] {strides = array<i32>} : memref<80xf32, #tpu.memory_space<vmem>>, vector<16xf32>,
    %swap3A_185 = vector.shape_cast %swap3A_184 : vector<16xf32> to vector<16xf32>
    %swap3A_186 = vector.shape_cast %broadcast_in_dim3A_182 : vector<16xf32> to vector<16xf32>
    tpu.vector_store %arg28[%swap3A_183], %swap3A_186 {strides = array<i32>} : memref<80xf32, #tpu.memory_space<vmem>>, vector<16xf32>,
    %broadcast_in_dim3A_187 = arith.constant 1.000000e+00 : f32
    %broadcast_in_dim3A_188 = vector.broadcast %broadcast_in_dim3A_187 : f32 to vector<16xf32>
    %swap3A_189 = arith.constant 64 : index
    %swap3A_190 = tpu.vector_load %arg28[%swap3A_189] {strides = array<i32>} : memref<80xf32, #tpu.memory_space<vmem>>, vector<16xf32>,
    %swap3A_191 = vector.shape_cast %swap3A_190 : vector<16xf32> to vector<16xf32>
    %swap3A_192 = vector.shape_cast %broadcast_in_dim3A_188 : vector<16xf32> to vector<16xf32>
    tpu.vector_store %arg28[%swap3A_189], %swap3A_192 {strides = array<i32>} : memref<80xf32, #tpu.memory_space<vmem>>, vector<16xf32>,
    %mul3A_193 = arith.constant 640 : i32
    %mul3A_194 = arith.muli %arg1, %mul3A_193 : i32
    "tpu.region"() ({
      %run_scoped3A = tpu.sem_alloc : memref<!tpu.dma_semaphore, #tpu.memory_space<semaphore_mem>>
      %dma_start3A_437 = tpu.memref_slice %arg31[%mul3A_194] : memref<10240xf32, #tpu.memory_space<vmem_shared>> -> memref<640xf32, #tpu.memory_space<vmem_shared>>
      %dma_start3A_438 = tpu.memref_slice %arg31[%mul3A_194] : memref<10240xf32, #tpu.memory_space<vmem_shared>> -> memref<640xf32, #tpu.memory_space<vmem_shared>>
      tpu.enqueue_dma source(%arg30 : memref<640xf32, #tpu.memory_space<vmem>>) target(%dma_start3A_438 : memref<640xf32, #tpu.memory_space<vmem_shared>>) target_semaphore(%run_scoped3A : memref<!tpu.dma_semaphore, #tpu.memory_space<semaphore_mem>>)
      %dma_wait3A_439 = tpu.memref_slice %arg31[%mul3A_194] : memref<10240xf32, #tpu.memory_space<vmem_shared>> -> memref<640xf32, #tpu.memory_space<vmem_shared>>
      %dma_wait3A_440 = tpu.memref_slice %arg31[%mul3A_194] : memref<10240xf32, #tpu.memory_space<vmem_shared>> -> memref<640xf32, #tpu.memory_space<vmem_shared>>
      tpu.wait_dma2 semaphore(%run_scoped3A : memref<!tpu.dma_semaphore, #tpu.memory_space<semaphore_mem>>) src(%arg30 : memref<640xf32, #tpu.memory_space<vmem>>) dst(%dma_wait3A_440 : memref<640xf32, #tpu.memory_space<vmem_shared>>)
      tpu.yield
    }) : () -> ()
    %barrier3A = arith.constant 0 : index
    tpu.barrier barrier_id(%barrier3A)
    %add3A_195 = arith.constant 0 : i32
    %add3A_196 = arith.addi %mul3A_2, %add3A_195 : i32
    %dma_start3A = tpu.memref_slice %arg2[%add3A_196] : memref<320000xi32, #tpu.memory_space<hbm>> -> memref<80xi32, #tpu.memory_space<hbm>>
    %dma_start3A_197 = tpu.memref_slice %arg2[%add3A_196] : memref<320000xi32, #tpu.memory_space<hbm>> -> memref<80xi32, #tpu.memory_space<hbm>>
    tpu.enqueue_dma source(%dma_start3A_197 : memref<80xi32, #tpu.memory_space<hbm>>) target(%arg10 : memref<80xi32, #tpu.memory_space<vmem>>) target_semaphore(%arg34 : memref<!tpu.dma_semaphore, #tpu.memory_space<semaphore_mem>>)
    %add3A_198 = arith.constant 0 : i32
    %add3A_199 = arith.addi %mul3A_2, %add3A_198 : i32
    %dma_start3A_200 = tpu.memref_slice %arg3[%add3A_199] : memref<320000xi32, #tpu.memory_space<hbm>> -> memref<80xi32, #tpu.memory_space<hbm>>
    %dma_start3A_201 = tpu.memref_slice %arg3[%add3A_199] : memref<320000xi32, #tpu.memory_space<hbm>> -> memref<80xi32, #tpu.memory_space<hbm>>
    tpu.enqueue_dma source(%dma_start3A_201 : memref<80xi32, #tpu.memory_space<hbm>>) target(%arg14 : memref<80xi32, #tpu.memory_space<vmem>>) target_semaphore(%arg34 : memref<!tpu.dma_semaphore, #tpu.memory_space<semaphore_mem>>)
    %add3A_202 = arith.constant 80 : i32
    %add3A_203 = arith.addi %mul3A_2, %add3A_202 : i32
    %dma_start3A_204 = tpu.memref_slice %arg2[%add3A_203] : memref<320000xi32, #tpu.memory_space<hbm>> -> memref<80xi32, #tpu.memory_space<hbm>>
    %dma_start3A_205 = tpu.memref_slice %arg2[%add3A_203] : memref<320000xi32, #tpu.memory_space<hbm>> -> memref<80xi32, #tpu.memory_space<hbm>>
    tpu.enqueue_dma source(%dma_start3A_205 : memref<80xi32, #tpu.memory_space<hbm>>) target(%arg11 : memref<80xi32, #tpu.memory_space<vmem>>) target_semaphore(%arg35 : memref<!tpu.dma_semaphore, #tpu.memory_space<semaphore_mem>>)
    %add3A_206 = arith.constant 80 : i32
    %add3A_207 = arith.addi %mul3A_2, %add3A_206 : i32
    %dma_start3A_208 = tpu.memref_slice %arg3[%add3A_207] : memref<320000xi32, #tpu.memory_space<hbm>> -> memref<80xi32, #tpu.memory_space<hbm>>
    %dma_start3A_209 = tpu.memref_slice %arg3[%add3A_207] : memref<320000xi32, #tpu.memory_space<hbm>> -> memref<80xi32, #tpu.memory_space<hbm>>
    tpu.enqueue_dma source(%dma_start3A_209 : memref<80xi32, #tpu.memory_space<hbm>>) target(%arg15 : memref<80xi32, #tpu.memory_space<vmem>>) target_semaphore(%arg35 : memref<!tpu.dma_semaphore, #tpu.memory_space<semaphore_mem>>)
    %add3A_210 = arith.constant 160 : i32
    %add3A_211 = arith.addi %mul3A_2, %add3A_210 : i32
    %dma_start3A_212 = tpu.memref_slice %arg2[%add3A_211] : memref<320000xi32, #tpu.memory_space<hbm>> -> memref<80xi32, #tpu.memory_space<hbm>>
    %dma_start3A_213 = tpu.memref_slice %arg2[%add3A_211] : memref<320000xi32, #tpu.memory_space<hbm>> -> memref<80xi32, #tpu.memory_space<hbm>>
    tpu.enqueue_dma source(%dma_start3A_213 : memref<80xi32, #tpu.memory_space<hbm>>) target(%arg12 : memref<80xi32, #tpu.memory_space<vmem>>) target_semaphore(%arg36 : memref<!tpu.dma_semaphore, #tpu.memory_space<semaphore_mem>>)
    %add3A_214 = arith.constant 160 : i32
    %add3A_215 = arith.addi %mul3A_2, %add3A_214 : i32
    %dma_start3A_216 = tpu.memref_slice %arg3[%add3A_215] : memref<320000xi32, #tpu.memory_space<hbm>> -> memref<80xi32, #tpu.memory_space<hbm>>
    %dma_start3A_217 = tpu.memref_slice %arg3[%add3A_215] : memref<320000xi32, #tpu.memory_space<hbm>> -> memref<80xi32, #tpu.memory_space<hbm>>
    tpu.enqueue_dma source(%dma_start3A_217 : memref<80xi32, #tpu.memory_space<hbm>>) target(%arg16 : memref<80xi32, #tpu.memory_space<vmem>>) target_semaphore(%arg36 : memref<!tpu.dma_semaphore, #tpu.memory_space<semaphore_mem>>)
    %add3A_218 = arith.constant 240 : i32
    %add3A_219 = arith.addi %mul3A_2, %add3A_218 : i32
    %dma_start3A_220 = tpu.memref_slice %arg2[%add3A_219] : memref<320000xi32, #tpu.memory_space<hbm>> -> memref<80xi32, #tpu.memory_space<hbm>>
    %dma_start3A_221 = tpu.memref_slice %arg2[%add3A_219] : memref<320000xi32, #tpu.memory_space<hbm>> -> memref<80xi32, #tpu.memory_space<hbm>>
    tpu.enqueue_dma source(%dma_start3A_221 : memref<80xi32, #tpu.memory_space<hbm>>) target(%arg13 : memref<80xi32, #tpu.memory_space<vmem>>) target_semaphore(%arg37 : memref<!tpu.dma_semaphore, #tpu.memory_space<semaphore_mem>>)
    %add3A_222 = arith.constant 240 : i32
    %add3A_223 = arith.addi %mul3A_2, %add3A_222 : i32
    %dma_start3A_224 = tpu.memref_slice %arg3[%add3A_223] : memref<320000xi32, #tpu.memory_space<hbm>> -> memref<80xi32, #tpu.memory_space<hbm>>
    %dma_start3A_225 = tpu.memref_slice %arg3[%add3A_223] : memref<320000xi32, #tpu.memory_space<hbm>> -> memref<80xi32, #tpu.memory_space<hbm>>
    tpu.enqueue_dma source(%dma_start3A_225 : memref<80xi32, #tpu.memory_space<hbm>>) target(%arg17 : memref<80xi32, #tpu.memory_space<vmem>>) target_semaphore(%arg37 : memref<!tpu.dma_semaphore, #tpu.memory_space<semaphore_mem>>)
    %dma_wait3A = arith.constant 0 : i32
    %dma_wait3A_226 = tpu.memref_slice %arg2[%dma_wait3A] : memref<320000xi32, #tpu.memory_space<hbm>> -> memref<80xi32, #tpu.memory_space<hbm>>
    %dma_wait3A_227 = arith.constant 0 : i32
    %dma_wait3A_228 = tpu.memref_slice %arg2[%dma_wait3A_227] : memref<320000xi32, #tpu.memory_space<hbm>> -> memref<80xi32, #tpu.memory_space<hbm>>
    tpu.wait_dma2 semaphore(%arg34 : memref<!tpu.dma_semaphore, #tpu.memory_space<semaphore_mem>>) src(%dma_wait3A_228 : memref<80xi32, #tpu.memory_space<hbm>>) dst(%arg10 : memref<80xi32, #tpu.memory_space<vmem>>)
    %dma_wait3A_229 = arith.constant 0 : i32
    %dma_wait3A_230 = tpu.memref_slice %arg3[%dma_wait3A_229] : memref<320000xi32, #tpu.memory_space<hbm>> -> memref<80xi32, #tpu.memory_space<hbm>>
    %dma_wait3A_231 = arith.constant 0 : i32
    %dma_wait3A_232 = tpu.memref_slice %arg3[%dma_wait3A_231] : memref<320000xi32, #tpu.memory_space<hbm>> -> memref<80xi32, #tpu.memory_space<hbm>>
    tpu.wait_dma2 semaphore(%arg34 : memref<!tpu.dma_semaphore, #tpu.memory_space<semaphore_mem>>) src(%dma_wait3A_232 : memref<80xi32, #tpu.memory_space<hbm>>) dst(%arg14 : memref<80xi32, #tpu.memory_space<vmem>>)
    %dma_start3A_233 = arith.constant 0 : i32
    %dma_start3A_234 = arith.constant 0 : i32
    %dma_start3A_235 = tpu.memref_slice %arg4[%dma_start3A_233, %dma_start3A_234] : memref<10000x128xf32, #tpu.memory_space<hbm>> -> memref<10000x128xf32, #tpu.memory_space<hbm>>
    tpu.enqueue_indirect_dma source(%dma_start3A_235 : memref<10000x128xf32, #tpu.memory_space<hbm>>) target(%arg18 : memref<80x128xf32, #tpu.memory_space<vmem>>) offsets(%arg10 : memref<80xi32, #tpu.memory_space<vmem>>) semaphore(%arg38 : memref<!tpu.dma_semaphore, #tpu.memory_space<semaphore_mem>>)
    %dma_start3A_236 = arith.constant 0 : i32
    %dma_start3A_237 = arith.constant 0 : i32
    %dma_start3A_238 = tpu.memref_slice %arg5[%dma_start3A_236, %dma_start3A_237] : memref<10000x128xf32, #tpu.memory_space<hbm>> -> memref<10000x128xf32, #tpu.memory_space<hbm>>
    tpu.enqueue_indirect_dma source(%dma_start3A_238 : memref<10000x128xf32, #tpu.memory_space<hbm>>) target(%arg22 : memref<80x128xf32, #tpu.memory_space<vmem>>) offsets(%arg14 : memref<80xi32, #tpu.memory_space<vmem>>) semaphore(%arg38 : memref<!tpu.dma_semaphore, #tpu.memory_space<semaphore_mem>>)
    %dma_wait3A_239 = arith.constant 0 : i32
    %dma_wait3A_240 = tpu.memref_slice %arg2[%dma_wait3A_239] : memref<320000xi32, #tpu.memory_space<hbm>> -> memref<80xi32, #tpu.memory_space<hbm>>
    %dma_wait3A_241 = arith.constant 0 : i32
    %dma_wait3A_242 = tpu.memref_slice %arg2[%dma_wait3A_241] : memref<320000xi32, #tpu.memory_space<hbm>> -> memref<80xi32, #tpu.memory_space<hbm>>
    tpu.wait_dma2 semaphore(%arg35 : memref<!tpu.dma_semaphore, #tpu.memory_space<semaphore_mem>>) src(%dma_wait3A_242 : memref<80xi32, #tpu.memory_space<hbm>>) dst(%arg11 : memref<80xi32, #tpu.memory_space<vmem>>)
    %dma_wait3A_243 = arith.constant 0 : i32
    %dma_wait3A_244 = tpu.memref_slice %arg3[%dma_wait3A_243] : memref<320000xi32, #tpu.memory_space<hbm>> -> memref<80xi32, #tpu.memory_space<hbm>>
    %dma_wait3A_245 = arith.constant 0 : i32
    %dma_wait3A_246 = tpu.memref_slice %arg3[%dma_wait3A_245] : memref<320000xi32, #tpu.memory_space<hbm>> -> memref<80xi32, #tpu.memory_space<hbm>>
    tpu.wait_dma2 semaphore(%arg35 : memref<!tpu.dma_semaphore, #tpu.memory_space<semaphore_mem>>) src(%dma_wait3A_246 : memref<80xi32, #tpu.memory_space<hbm>>) dst(%arg15 : memref<80xi32, #tpu.memory_space<vmem>>)
    %dma_start3A_247 = arith.constant 0 : i32
    %dma_start3A_248 = arith.constant 0 : i32
    %dma_start3A_249 = tpu.memref_slice %arg4[%dma_start3A_247, %dma_start3A_248] : memref<10000x128xf32, #tpu.memory_space<hbm>> -> memref<10000x128xf32, #tpu.memory_space<hbm>>
    tpu.enqueue_indirect_dma source(%dma_start3A_249 : memref<10000x128xf32, #tpu.memory_space<hbm>>) target(%arg19 : memref<80x128xf32, #tpu.memory_space<vmem>>) offsets(%arg11 : memref<80xi32, #tpu.memory_space<vmem>>) semaphore(%arg39 : memref<!tpu.dma_semaphore, #tpu.memory_space<semaphore_mem>>)
    %dma_start3A_250 = arith.constant 0 : i32
    %dma_start3A_251 = arith.constant 0 : i32
    %dma_start3A_252 = tpu.memref_slice %arg5[%dma_start3A_250, %dma_start3A_251] : memref<10000x128xf32, #tpu.memory_space<hbm>> -> memref<10000x128xf32, #tpu.memory_space<hbm>>
    tpu.enqueue_indirect_dma source(%dma_start3A_252 : memref<10000x128xf32, #tpu.memory_space<hbm>>) target(%arg23 : memref<80x128xf32, #tpu.memory_space<vmem>>) offsets(%arg15 : memref<80xi32, #tpu.memory_space<vmem>>) semaphore(%arg39 : memref<!tpu.dma_semaphore, #tpu.memory_space<semaphore_mem>>)
    %broadcast_in_dim3A_253 = arith.constant 0.000000e+00 : f32
    %broadcast_in_dim3A_254 = vector.broadcast %broadcast_in_dim3A_253 : f32 to vector<16xf32>
    %broadcast_in_dim3A_255 = arith.constant 0.000000e+00 : f32
    %broadcast_in_dim3A_256 = vector.broadcast %broadcast_in_dim3A_255 : f32 to vector<16xf32>
    %broadcast_in_dim3A_257 = arith.constant 0.000000e+00 : f32
    %broadcast_in_dim3A_258 = vector.broadcast %broadcast_in_dim3A_257 : f32 to vector<16xf32>
    %broadcast_in_dim3A_259 = arith.constant 0.000000e+00 : f32
    %broadcast_in_dim3A_260 = vector.broadcast %broadcast_in_dim3A_259 : f32 to vector<16xf32>
    %broadcast_in_dim3A_261 = arith.constant 0.000000e+00 : f32
    %broadcast_in_dim3A_262 = vector.broadcast %broadcast_in_dim3A_261 : f32 to vector<16xf32>
    %broadcast_in_dim3A_263 = arith.constant 0.000000e+00 : f32
    %broadcast_in_dim3A_264 = vector.broadcast %broadcast_in_dim3A_263 : f32 to vector<16xf32>
    %broadcast_in_dim3A_265 = arith.constant 0.000000e+00 : f32
    %broadcast_in_dim3A_266 = vector.broadcast %broadcast_in_dim3A_265 : f32 to vector<16xf32>
    %broadcast_in_dim3A_267 = arith.constant 0.000000e+00 : f32
    %broadcast_in_dim3A_268 = vector.broadcast %broadcast_in_dim3A_267 : f32 to vector<16xf32>
    %broadcast_in_dim3A_269 = arith.constant 0.000000e+00 : f32
    %broadcast_in_dim3A_270 = vector.broadcast %broadcast_in_dim3A_269 : f32 to vector<16xf32>
    %broadcast_in_dim3A_271 = arith.constant 0.000000e+00 : f32
    %broadcast_in_dim3A_272 = vector.broadcast %broadcast_in_dim3A_271 : f32 to vector<16xf32>
    %broadcast_in_dim3A_273 = arith.constant 0.000000e+00 : f32
    %broadcast_in_dim3A_274 = vector.broadcast %broadcast_in_dim3A_273 : f32 to vector<16xf32>
    %broadcast_in_dim3A_275 = arith.constant 0.000000e+00 : f32
    %broadcast_in_dim3A_276 = vector.broadcast %broadcast_in_dim3A_275 : f32 to vector<16xf32>
    %broadcast_in_dim3A_277 = arith.constant 0.000000e+00 : f32
    %broadcast_in_dim3A_278 = vector.broadcast %broadcast_in_dim3A_277 : f32 to vector<16xf32>
    %broadcast_in_dim3A_279 = arith.constant 0.000000e+00 : f32
    %broadcast_in_dim3A_280 = vector.broadcast %broadcast_in_dim3A_279 : f32 to vector<16xf32>
    %broadcast_in_dim3A_281 = arith.constant 0.000000e+00 : f32
    %broadcast_in_dim3A_282 = vector.broadcast %broadcast_in_dim3A_281 : f32 to vector<16xf32>
    %broadcast_in_dim3A_283 = arith.constant 0.000000e+00 : f32
    %broadcast_in_dim3A_284 = vector.broadcast %broadcast_in_dim3A_283 : f32 to vector<16xf32>
    %scan3A = arith.constant 0 : i32
    %scan3A_285 = arith.constant 31 : i32
    %scan3A_286 = arith.addi %scan3A, %scan3A_285 : i32
    %scan3A_287 = arith.constant 1 : i32
    %scan3A_288:16 = scf.for %scan3A_437 = %scan3A to %scan3A_286 step %scan3A_287 iter_args(%scan3A_438 = %broadcast_in_dim3A_254, %scan3A_439 = %broadcast_in_dim3A_256, %scan3A_440 = %broadcast_in_dim3A_258, %scan3A_441 = %broadcast_in_dim3A_260, %scan3A_442 = %broadcast_in_dim3A_262, %scan3A_443 = %broadcast_in_dim3A_264, %scan3A_444 = %broadcast_in_dim3A_266, %scan3A_445 = %broadcast_in_dim3A_268, %scan3A_446 = %broadcast_in_dim3A_270, %scan3A_447 = %broadcast_in_dim3A_272, %scan3A_448 = %broadcast_in_dim3A_274, %scan3A_449 = %broadcast_in_dim3A_276, %scan3A_450 = %broadcast_in_dim3A_278, %scan3A_451 = %broadcast_in_dim3A_280, %scan3A_452 = %broadcast_in_dim3A_282, %scan3A_453 = %broadcast_in_dim3A_284) -> (vector<16xf32>, vector<16xf32>, vector<16xf32>, vector<16xf32>, vector<16xf32>, vector<16xf32>, vector<16xf32>, vector<16xf32>, vector<16xf32>, vector<16xf32>, vector<16xf32>, vector<16xf32>, vector<16xf32>, vector<16xf32>, vector<16xf32>, vector<16xf32>)  : i32 {
      %mul3A_454 = arith.constant 4 : i32
      %mul3A_455 = arith.muli %mul3A_454, %scan3A_437 : i32
      %add3A_456 = arith.constant 0 : i32
      %add3A_457 = arith.addi %mul3A_455, %add3A_456 : i32
      %dma_wait3A_458 = arith.constant 0 : i32
      %dma_wait3A_459 = arith.constant 0 : i32
      %dma_wait3A_460 = tpu.memref_slice %arg4[%dma_wait3A_458, %dma_wait3A_459] : memref<10000x128xf32, #tpu.memory_space<hbm>> -> memref<10000x128xf32, #tpu.memory_space<hbm>>
      tpu.wait_indirect_dma semaphore(%arg38 : memref<!tpu.dma_semaphore, #tpu.memory_space<semaphore_mem>>) src(%dma_wait3A_460 : memref<10000x128xf32, #tpu.memory_space<hbm>>) dst(%arg18 : memref<80x128xf32, #tpu.memory_space<vmem>>)
      %dma_wait3A_461 = arith.constant 0 : i32
      %dma_wait3A_462 = arith.constant 0 : i32
      %dma_wait3A_463 = tpu.memref_slice %arg5[%dma_wait3A_461, %dma_wait3A_462] : memref<10000x128xf32, #tpu.memory_space<hbm>> -> memref<10000x128xf32, #tpu.memory_space<hbm>>
      tpu.wait_indirect_dma semaphore(%arg38 : memref<!tpu.dma_semaphore, #tpu.memory_space<semaphore_mem>>) src(%dma_wait3A_463 : memref<10000x128xf32, #tpu.memory_space<hbm>>) dst(%arg22 : memref<80x128xf32, #tpu.memory_space<vmem>>)
      %dma_wait3A_464 = arith.constant 0 : i32
      %dma_wait3A_465 = tpu.memref_slice %arg2[%dma_wait3A_464] : memref<320000xi32, #tpu.memory_space<hbm>> -> memref<80xi32, #tpu.memory_space<hbm>>
      %dma_wait3A_466 = arith.constant 0 : i32
      %dma_wait3A_467 = tpu.memref_slice %arg2[%dma_wait3A_466] : memref<320000xi32, #tpu.memory_space<hbm>> -> memref<80xi32, #tpu.memory_space<hbm>>
      tpu.wait_dma2 semaphore(%arg36 : memref<!tpu.dma_semaphore, #tpu.memory_space<semaphore_mem>>) src(%dma_wait3A_467 : memref<80xi32, #tpu.memory_space<hbm>>) dst(%arg12 : memref<80xi32, #tpu.memory_space<vmem>>)
      %dma_wait3A_468 = arith.constant 0 : i32
      %dma_wait3A_469 = tpu.memref_slice %arg3[%dma_wait3A_468] : memref<320000xi32, #tpu.memory_space<hbm>> -> memref<80xi32, #tpu.memory_space<hbm>>
      %dma_wait3A_470 = arith.constant 0 : i32
      %dma_wait3A_471 = tpu.memref_slice %arg3[%dma_wait3A_470] : memref<320000xi32, #tpu.memory_space<hbm>> -> memref<80xi32, #tpu.memory_space<hbm>>
      tpu.wait_dma2 semaphore(%arg36 : memref<!tpu.dma_semaphore, #tpu.memory_space<semaphore_mem>>) src(%dma_wait3A_471 : memref<80xi32, #tpu.memory_space<hbm>>) dst(%arg16 : memref<80xi32, #tpu.memory_space<vmem>>)
      %dma_start3A_472 = arith.constant 0 : i32
      %dma_start3A_473 = arith.constant 0 : i32
      %dma_start3A_474 = tpu.memref_slice %arg4[%dma_start3A_472, %dma_start3A_473] : memref<10000x128xf32, #tpu.memory_space<hbm>> -> memref<10000x128xf32, #tpu.memory_space<hbm>>
      tpu.enqueue_indirect_dma source(%dma_start3A_474 : memref<10000x128xf32, #tpu.memory_space<hbm>>) target(%arg20 : memref<80x128xf32, #tpu.memory_space<vmem>>) offsets(%arg12 : memref<80xi32, #tpu.memory_space<vmem>>) semaphore(%arg40 : memref<!tpu.dma_semaphore, #tpu.memory_space<semaphore_mem>>)
      %dma_start3A_475 = arith.constant 0 : i32
      %dma_start3A_476 = arith.constant 0 : i32
      %dma_start3A_477 = tpu.memref_slice %arg5[%dma_start3A_475, %dma_start3A_476] : memref<10000x128xf32, #tpu.memory_space<hbm>> -> memref<10000x128xf32, #tpu.memory_space<hbm>>
      tpu.enqueue_indirect_dma source(%dma_start3A_477 : memref<10000x128xf32, #tpu.memory_space<hbm>>) target(%arg24 : memref<80x128xf32, #tpu.memory_space<vmem>>) offsets(%arg16 : memref<80xi32, #tpu.memory_space<vmem>>) semaphore(%arg40 : memref<!tpu.dma_semaphore, #tpu.memory_space<semaphore_mem>>)
      %ge3A = arith.constant 1 : i32
      %ge3A_478 = arith.cmpi sge, %scan3A_437, %ge3A : i32
      %convert_element_type3A = arith.extui %ge3A_478 : i1 to i32
      %cond3A = arith.constant 0 : i32
      %cond3A_479 = arith.cmpi ne, %convert_element_type3A, %cond3A : i32
      scf.if %cond3A_479 {
        %dma_wait3A_790 = arith.constant 0 : i32
        %dma_wait3A_791 = arith.constant 0 : i32
        %dma_wait3A_792 = tpu.memref_slice %arg6[%dma_wait3A_790, %dma_wait3A_791] : memref<320000x128xf32, #tpu.memory_space<hbm>> -> memref<80x128xf32, #tpu.memory_space<hbm>>
        %dma_wait3A_793 = arith.constant 0 : i32
        %dma_wait3A_794 = arith.constant 0 : i32
        %dma_wait3A_795 = tpu.memref_slice %arg6[%dma_wait3A_793, %dma_wait3A_794] : memref<320000x128xf32, #tpu.memory_space<hbm>> -> memref<80x128xf32, #tpu.memory_space<hbm>>
        tpu.wait_dma2 semaphore(%arg42 : memref<!tpu.dma_semaphore, #tpu.memory_space<semaphore_mem>>) src(%arg26 : memref<80x128xf32, #tpu.memory_space<vmem>>) dst(%dma_wait3A_795 : memref<80x128xf32, #tpu.memory_space<hbm>>)
        %dma_wait3A_796 = arith.constant 0 : i32
        %dma_wait3A_797 = tpu.memref_slice %arg31[%dma_wait3A_796] : memref<10240xf32, #tpu.memory_space<vmem_shared>> -> memref<10240xf32, #tpu.memory_space<vmem_shared>>
        tpu.wait_indirect_dma semaphore(%arg44 : memref<!tpu.dma_semaphore, #tpu.memory_space<semaphore_mem>>) src(%arg28 : memref<80xf32, #tpu.memory_space<vmem>>) dst(%dma_wait3A_797 : memref<10240xf32, #tpu.memory_space<vmem_shared>>)
      } else {
      }
      %scan3A_480 = arith.constant 0 : i32
      %scan3A_481 = arith.constant 80 : i32
      %scan3A_482 = arith.addi %scan3A_480, %scan3A_481 : i32
      %scan3A_483 = arith.constant 1 : i32
      %scan3A_484:16 = scf.for %scan3A_790 = %scan3A_480 to %scan3A_482 step %scan3A_483 iter_args(%scan3A_791 = %scan3A_438, %scan3A_792 = %scan3A_439, %scan3A_793 = %scan3A_440, %scan3A_794 = %scan3A_441, %scan3A_795 = %scan3A_442, %scan3A_796 = %scan3A_443, %scan3A_797 = %scan3A_444, %scan3A_798 = %scan3A_445, %scan3A_799 = %scan3A_446, %scan3A_800 = %scan3A_447, %scan3A_801 = %scan3A_448, %scan3A_802 = %scan3A_449, %scan3A_803 = %scan3A_450, %scan3A_804 = %scan3A_451, %scan3A_805 = %scan3A_452, %scan3A_806 = %scan3A_453) -> (vector<16xf32>, vector<16xf32>, vector<16xf32>, vector<16xf32>, vector<16xf32>, vector<16xf32>, vector<16xf32>, vector<16xf32>, vector<16xf32>, vector<16xf32>, vector<16xf32>, vector<16xf32>, vector<16xf32>, vector<16xf32>, vector<16xf32>, vector<16xf32>)  : i32 {
        %get3A_807 = arith.index_cast %scan3A_790 : i32 to index
        %get3A_808 = arith.constant 0 : index
        %get3A_809 = tpu.vector_load %arg18[%get3A_807, %get3A_808] {strides = array<i32>} : memref<80x128xf32, #tpu.memory_space<vmem>>, vector<1x16xf32>,
        %get3A_810 = vector.shape_cast %get3A_809 : vector<1x16xf32> to vector<16xf32>
        %get3A_811 = arith.index_cast %scan3A_790 : i32 to index
        %get3A_812 = arith.constant 0 : index
        %get3A_813 = tpu.vector_load %arg22[%get3A_811, %get3A_812] {strides = array<i32>} : memref<80x128xf32, #tpu.memory_space<vmem>>, vector<1x16xf32>,
        %get3A_814 = vector.shape_cast %get3A_813 : vector<1x16xf32> to vector<16xf32>
        %add3A_815 = arith.addf %get3A_810, %get3A_814 : vector<16xf32>
        %swap3A_816 = arith.index_cast %scan3A_790 : i32 to index
        %swap3A_817 = arith.constant 0 : index
        %swap3A_818 = tpu.vector_load %arg26[%swap3A_816, %swap3A_817] {strides = array<i32>} : memref<80x128xf32, #tpu.memory_space<vmem>>, vector<1x16xf32>,
        %swap3A_819 = vector.shape_cast %swap3A_818 : vector<1x16xf32> to vector<16xf32>
        %swap3A_820 = vector.shape_cast %add3A_815 : vector<16xf32> to vector<1x16xf32>
        tpu.vector_store %arg26[%swap3A_816, %swap3A_817], %swap3A_820 {strides = array<i32>} : memref<80x128xf32, #tpu.memory_space<vmem>>, vector<1x16xf32>,
        %add3A_821 = arith.addf %scan3A_791, %add3A_815 : vector<16xf32>
        %mul3A_822 = arith.mulf %add3A_815, %add3A_815 : vector<16xf32>
        %add3A_823 = arith.addf %scan3A_792, %mul3A_822 : vector<16xf32>
        %get3A_824 = arith.index_cast %scan3A_790 : i32 to index
        %get3A_825 = arith.constant 16 : index
        %get3A_826 = tpu.vector_load %arg18[%get3A_824, %get3A_825] {strides = array<i32>} : memref<80x128xf32, #tpu.memory_space<vmem>>, vector<1x16xf32>,
        %get3A_827 = vector.shape_cast %get3A_826 : vector<1x16xf32> to vector<16xf32>
        %get3A_828 = arith.index_cast %scan3A_790 : i32 to index
        %get3A_829 = arith.constant 16 : index
        %get3A_830 = tpu.vector_load %arg22[%get3A_828, %get3A_829] {strides = array<i32>} : memref<80x128xf32, #tpu.memory_space<vmem>>, vector<1x16xf32>,
        %get3A_831 = vector.shape_cast %get3A_830 : vector<1x16xf32> to vector<16xf32>
        %add3A_832 = arith.addf %get3A_827, %get3A_831 : vector<16xf32>
        %swap3A_833 = arith.index_cast %scan3A_790 : i32 to index
        %swap3A_834 = arith.constant 16 : index
        %swap3A_835 = tpu.vector_load %arg26[%swap3A_833, %swap3A_834] {strides = array<i32>} : memref<80x128xf32, #tpu.memory_space<vmem>>, vector<1x16xf32>,
        %swap3A_836 = vector.shape_cast %swap3A_835 : vector<1x16xf32> to vector<16xf32>
        %swap3A_837 = vector.shape_cast %add3A_832 : vector<16xf32> to vector<1x16xf32>
        tpu.vector_store %arg26[%swap3A_833, %swap3A_834], %swap3A_837 {strides = array<i32>} : memref<80x128xf32, #tpu.memory_space<vmem>>, vector<1x16xf32>,
        %add3A_838 = arith.addf %scan3A_793, %add3A_832 : vector<16xf32>
        %mul3A_839 = arith.mulf %add3A_832, %add3A_832 : vector<16xf32>
        %add3A_840 = arith.addf %scan3A_794, %mul3A_839 : vector<16xf32>
        %get3A_841 = arith.index_cast %scan3A_790 : i32 to index
        %get3A_842 = arith.constant 32 : index
        %get3A_843 = tpu.vector_load %arg18[%get3A_841, %get3A_842] {strides = array<i32>} : memref<80x128xf32, #tpu.memory_space<vmem>>, vector<1x16xf32>,
        %get3A_844 = vector.shape_cast %get3A_843 : vector<1x16xf32> to vector<16xf32>
        %get3A_845 = arith.index_cast %scan3A_790 : i32 to index
        %get3A_846 = arith.constant 32 : index
        %get3A_847 = tpu.vector_load %arg22[%get3A_845, %get3A_846] {strides = array<i32>} : memref<80x128xf32, #tpu.memory_space<vmem>>, vector<1x16xf32>,
        %get3A_848 = vector.shape_cast %get3A_847 : vector<1x16xf32> to vector<16xf32>
        %add3A_849 = arith.addf %get3A_844, %get3A_848 : vector<16xf32>
        %swap3A_850 = arith.index_cast %scan3A_790 : i32 to index
        %swap3A_851 = arith.constant 32 : index
        %swap3A_852 = tpu.vector_load %arg26[%swap3A_850, %swap3A_851] {strides = array<i32>} : memref<80x128xf32, #tpu.memory_space<vmem>>, vector<1x16xf32>,
        %swap3A_853 = vector.shape_cast %swap3A_852 : vector<1x16xf32> to vector<16xf32>
        %swap3A_854 = vector.shape_cast %add3A_849 : vector<16xf32> to vector<1x16xf32>
        tpu.vector_store %arg26[%swap3A_850, %swap3A_851], %swap3A_854 {strides = array<i32>} : memref<80x128xf32, #tpu.memory_space<vmem>>, vector<1x16xf32>,
        %add3A_855 = arith.addf %scan3A_795, %add3A_849 : vector<16xf32>
        %mul3A_856 = arith.mulf %add3A_849, %add3A_849 : vector<16xf32>
        %add3A_857 = arith.addf %scan3A_796, %mul3A_856 : vector<16xf32>
        %get3A_858 = arith.index_cast %scan3A_790 : i32 to index
        %get3A_859 = arith.constant 48 : index
        %get3A_860 = tpu.vector_load %arg18[%get3A_858, %get3A_859] {strides = array<i32>} : memref<80x128xf32, #tpu.memory_space<vmem>>, vector<1x16xf32>,
        %get3A_861 = vector.shape_cast %get3A_860 : vector<1x16xf32> to vector<16xf32>
        %get3A_862 = arith.index_cast %scan3A_790 : i32 to index
        %get3A_863 = arith.constant 48 : index
        %get3A_864 = tpu.vector_load %arg22[%get3A_862, %get3A_863] {strides = array<i32>} : memref<80x128xf32, #tpu.memory_space<vmem>>, vector<1x16xf32>,
        %get3A_865 = vector.shape_cast %get3A_864 : vector<1x16xf32> to vector<16xf32>
        %add3A_866 = arith.addf %get3A_861, %get3A_865 : vector<16xf32>
        %swap3A_867 = arith.index_cast %scan3A_790 : i32 to index
        %swap3A_868 = arith.constant 48 : index
        %swap3A_869 = tpu.vector_load %arg26[%swap3A_867, %swap3A_868] {strides = array<i32>} : memref<80x128xf32, #tpu.memory_space<vmem>>, vector<1x16xf32>,
        %swap3A_870 = vector.shape_cast %swap3A_869 : vector<1x16xf32> to vector<16xf32>
        %swap3A_871 = vector.shape_cast %add3A_866 : vector<16xf32> to vector<1x16xf32>
        tpu.vector_store %arg26[%swap3A_867, %swap3A_868], %swap3A_871 {strides = array<i32>} : memref<80x128xf32, #tpu.memory_space<vmem>>, vector<1x16xf32>,
        %add3A_872 = arith.addf %scan3A_797, %add3A_866 : vector<16xf32>
        %mul3A_873 = arith.mulf %add3A_866, %add3A_866 : vector<16xf32>
        %add3A_874 = arith.addf %scan3A_798, %mul3A_873 : vector<16xf32>
        %get3A_875 = arith.index_cast %scan3A_790 : i32 to index
        %get3A_876 = arith.constant 64 : index
        %get3A_877 = tpu.vector_load %arg18[%get3A_875, %get3A_876] {strides = array<i32>} : memref<80x128xf32, #tpu.memory_space<vmem>>, vector<1x16xf32>,
        %get3A_878 = vector.shape_cast %get3A_877 : vector<1x16xf32> to vector<16xf32>
        %get3A_879 = arith.index_cast %scan3A_790 : i32 to index
        %get3A_880 = arith.constant 64 : index
        %get3A_881 = tpu.vector_load %arg22[%get3A_879, %get3A_880] {strides = array<i32>} : memref<80x128xf32, #tpu.memory_space<vmem>>, vector<1x16xf32>,
        %get3A_882 = vector.shape_cast %get3A_881 : vector<1x16xf32> to vector<16xf32>
        %add3A_883 = arith.addf %get3A_878, %get3A_882 : vector<16xf32>
        %swap3A_884 = arith.index_cast %scan3A_790 : i32 to index
        %swap3A_885 = arith.constant 64 : index
        %swap3A_886 = tpu.vector_load %arg26[%swap3A_884, %swap3A_885] {strides = array<i32>} : memref<80x128xf32, #tpu.memory_space<vmem>>, vector<1x16xf32>,
        %swap3A_887 = vector.shape_cast %swap3A_886 : vector<1x16xf32> to vector<16xf32>
        %swap3A_888 = vector.shape_cast %add3A_883 : vector<16xf32> to vector<1x16xf32>
        tpu.vector_store %arg26[%swap3A_884, %swap3A_885], %swap3A_888 {strides = array<i32>} : memref<80x128xf32, #tpu.memory_space<vmem>>, vector<1x16xf32>,
        %add3A_889 = arith.addf %scan3A_799, %add3A_883 : vector<16xf32>
        %mul3A_890 = arith.mulf %add3A_883, %add3A_883 : vector<16xf32>
        %add3A_891 = arith.addf %scan3A_800, %mul3A_890 : vector<16xf32>
        %get3A_892 = arith.index_cast %scan3A_790 : i32 to index
        %get3A_893 = arith.constant 80 : index
        %get3A_894 = tpu.vector_load %arg18[%get3A_892, %get3A_893] {strides = array<i32>} : memref<80x128xf32, #tpu.memory_space<vmem>>, vector<1x16xf32>,
        %get3A_895 = vector.shape_cast %get3A_894 : vector<1x16xf32> to vector<16xf32>
        %get3A_896 = arith.index_cast %scan3A_790 : i32 to index
        %get3A_897 = arith.constant 80 : index
        %get3A_898 = tpu.vector_load %arg22[%get3A_896, %get3A_897] {strides = array<i32>} : memref<80x128xf32, #tpu.memory_space<vmem>>, vector<1x16xf32>,
        %get3A_899 = vector.shape_cast %get3A_898 : vector<1x16xf32> to vector<16xf32>
        %add3A_900 = arith.addf %get3A_895, %get3A_899 : vector<16xf32>
        %swap3A_901 = arith.index_cast %scan3A_790 : i32 to index
        %swap3A_902 = arith.constant 80 : index
        %swap3A_903 = tpu.vector_load %arg26[%swap3A_901, %swap3A_902] {strides = array<i32>} : memref<80x128xf32, #tpu.memory_space<vmem>>, vector<1x16xf32>,
        %swap3A_904 = vector.shape_cast %swap3A_903 : vector<1x16xf32> to vector<16xf32>
        %swap3A_905 = vector.shape_cast %add3A_900 : vector<16xf32> to vector<1x16xf32>
        tpu.vector_store %arg26[%swap3A_901, %swap3A_902], %swap3A_905 {strides = array<i32>} : memref<80x128xf32, #tpu.memory_space<vmem>>, vector<1x16xf32>,
        %add3A_906 = arith.addf %scan3A_801, %add3A_900 : vector<16xf32>
        %mul3A_907 = arith.mulf %add3A_900, %add3A_900 : vector<16xf32>
        %add3A_908 = arith.addf %scan3A_802, %mul3A_907 : vector<16xf32>
        %get3A_909 = arith.index_cast %scan3A_790 : i32 to index
        %get3A_910 = arith.constant 96 : index
        %get3A_911 = tpu.vector_load %arg18[%get3A_909, %get3A_910] {strides = array<i32>} : memref<80x128xf32, #tpu.memory_space<vmem>>, vector<1x16xf32>,
        %get3A_912 = vector.shape_cast %get3A_911 : vector<1x16xf32> to vector<16xf32>
        %get3A_913 = arith.index_cast %scan3A_790 : i32 to index
        %get3A_914 = arith.constant 96 : index
        %get3A_915 = tpu.vector_load %arg22[%get3A_913, %get3A_914] {strides = array<i32>} : memref<80x128xf32, #tpu.memory_space<vmem>>, vector<1x16xf32>,
        %get3A_916 = vector.shape_cast %get3A_915 : vector<1x16xf32> to vector<16xf32>
        %add3A_917 = arith.addf %get3A_912, %get3A_916 : vector<16xf32>
        %swap3A_918 = arith.index_cast %scan3A_790 : i32 to index
        %swap3A_919 = arith.constant 96 : index
        %swap3A_920 = tpu.vector_load %arg26[%swap3A_918, %swap3A_919] {strides = array<i32>} : memref<80x128xf32, #tpu.memory_space<vmem>>, vector<1x16xf32>,
        %swap3A_921 = vector.shape_cast %swap3A_920 : vector<1x16xf32> to vector<16xf32>
        %swap3A_922 = vector.shape_cast %add3A_917 : vector<16xf32> to vector<1x16xf32>
        tpu.vector_store %arg26[%swap3A_918, %swap3A_919], %swap3A_922 {strides = array<i32>} : memref<80x128xf32, #tpu.memory_space<vmem>>, vector<1x16xf32>,
        %add3A_923 = arith.addf %scan3A_803, %add3A_917 : vector<16xf32>
        %mul3A_924 = arith.mulf %add3A_917, %add3A_917 : vector<16xf32>
        %add3A_925 = arith.addf %scan3A_804, %mul3A_924 : vector<16xf32>
        %get3A_926 = arith.index_cast %scan3A_790 : i32 to index
        %get3A_927 = arith.constant 112 : index
        %get3A_928 = tpu.vector_load %arg18[%get3A_926, %get3A_927] {strides = array<i32>} : memref<80x128xf32, #tpu.memory_space<vmem>>, vector<1x16xf32>,
        %get3A_929 = vector.shape_cast %get3A_928 : vector<1x16xf32> to vector<16xf32>
        %get3A_930 = arith.index_cast %scan3A_790 : i32 to index
        %get3A_931 = arith.constant 112 : index
        %get3A_932 = tpu.vector_load %arg22[%get3A_930, %get3A_931] {strides = array<i32>} : memref<80x128xf32, #tpu.memory_space<vmem>>, vector<1x16xf32>,
        %get3A_933 = vector.shape_cast %get3A_932 : vector<1x16xf32> to vector<16xf32>
        %add3A_934 = arith.addf %get3A_929, %get3A_933 : vector<16xf32>
        %swap3A_935 = arith.index_cast %scan3A_790 : i32 to index
        %swap3A_936 = arith.constant 112 : index
        %swap3A_937 = tpu.vector_load %arg26[%swap3A_935, %swap3A_936] {strides = array<i32>} : memref<80x128xf32, #tpu.memory_space<vmem>>, vector<1x16xf32>,
        %swap3A_938 = vector.shape_cast %swap3A_937 : vector<1x16xf32> to vector<16xf32>
        %swap3A_939 = vector.shape_cast %add3A_934 : vector<16xf32> to vector<1x16xf32>
        tpu.vector_store %arg26[%swap3A_935, %swap3A_936], %swap3A_939 {strides = array<i32>} : memref<80x128xf32, #tpu.memory_space<vmem>>, vector<1x16xf32>,
        %add3A_940 = arith.addf %scan3A_805, %add3A_934 : vector<16xf32>
        %mul3A_941 = arith.mulf %add3A_934, %add3A_934 : vector<16xf32>
        %add3A_942 = arith.addf %scan3A_806, %mul3A_941 : vector<16xf32>
        scf.yield %add3A_821, %add3A_823, %add3A_838, %add3A_840, %add3A_855, %add3A_857, %add3A_872, %add3A_874, %add3A_889, %add3A_891, %add3A_906, %add3A_908, %add3A_923, %add3A_925, %add3A_940, %add3A_942 : vector<16xf32>, vector<16xf32>, vector<16xf32>, vector<16xf32>, vector<16xf32>, vector<16xf32>, vector<16xf32>, vector<16xf32>, vector<16xf32>, vector<16xf32>, vector<16xf32>, vector<16xf32>, vector<16xf32>, vector<16xf32>, vector<16xf32>, vector<16xf32>
      }
      %scan3A_485 = arith.constant 80 : i32
      %mul3A_486 = arith.constant 80 : i32
      %mul3A_487 = arith.muli %add3A_457, %mul3A_486 : i32
      %add3A_488 = arith.addi %mul3A_2, %mul3A_487 : i32
      %dma_start3A_489 = arith.constant 0 : i32
      %dma_start3A_490 = tpu.memref_slice %arg6[%add3A_488, %dma_start3A_489] : memref<320000x128xf32, #tpu.memory_space<hbm>> -> memref<80x128xf32, #tpu.memory_space<hbm>>
      %dma_start3A_491 = arith.constant 0 : i32
      %dma_start3A_492 = tpu.memref_slice %arg6[%add3A_488, %dma_start3A_491] : memref<320000x128xf32, #tpu.memory_space<hbm>> -> memref<80x128xf32, #tpu.memory_space<hbm>>
      tpu.enqueue_dma source(%arg26 : memref<80x128xf32, #tpu.memory_space<vmem>>) target(%dma_start3A_492 : memref<80x128xf32, #tpu.memory_space<hbm>>) target_semaphore(%arg42 : memref<!tpu.dma_semaphore, #tpu.memory_space<semaphore_mem>>)
      %get3A_493 = arith.constant 0 : index
      %get3A_494 = tpu.vector_load %arg10[%get3A_493] {strides = array<i32>} : memref<80xi32, #tpu.memory_space<vmem>>, vector<16xi32>,
      %get3A_495 = vector.shape_cast %get3A_494 : vector<16xi32> to vector<16xi32>
      %swap3A_496 = arith.constant 0 : index
      %swap3A_497 = tpu.vector_load %arg32[%swap3A_496] {strides = array<i32>} : memref<80xi32, #tpu.memory_space<vmem>>, vector<16xi32>,
      %swap3A_498 = vector.shape_cast %swap3A_497 : vector<16xi32> to vector<16xi32>
      %swap3A_499 = vector.shape_cast %get3A_495 : vector<16xi32> to vector<16xi32>
      tpu.vector_store %arg32[%swap3A_496], %swap3A_499 {strides = array<i32>} : memref<80xi32, #tpu.memory_space<vmem>>, vector<16xi32>,
      %get3A_500 = arith.constant 16 : index
      %get3A_501 = tpu.vector_load %arg10[%get3A_500] {strides = array<i32>} : memref<80xi32, #tpu.memory_space<vmem>>, vector<16xi32>,
      %get3A_502 = vector.shape_cast %get3A_501 : vector<16xi32> to vector<16xi32>
      %swap3A_503 = arith.constant 16 : index
      %swap3A_504 = tpu.vector_load %arg32[%swap3A_503] {strides = array<i32>} : memref<80xi32, #tpu.memory_space<vmem>>, vector<16xi32>,
      %swap3A_505 = vector.shape_cast %swap3A_504 : vector<16xi32> to vector<16xi32>
      %swap3A_506 = vector.shape_cast %get3A_502 : vector<16xi32> to vector<16xi32>
      tpu.vector_store %arg32[%swap3A_503], %swap3A_506 {strides = array<i32>} : memref<80xi32, #tpu.memory_space<vmem>>, vector<16xi32>,
      %get3A_507 = arith.constant 32 : index
      %get3A_508 = tpu.vector_load %arg10[%get3A_507] {strides = array<i32>} : memref<80xi32, #tpu.memory_space<vmem>>, vector<16xi32>,
      %get3A_509 = vector.shape_cast %get3A_508 : vector<16xi32> to vector<16xi32>
      %swap3A_510 = arith.constant 32 : index
      %swap3A_511 = tpu.vector_load %arg32[%swap3A_510] {strides = array<i32>} : memref<80xi32, #tpu.memory_space<vmem>>, vector<16xi32>,
      %swap3A_512 = vector.shape_cast %swap3A_511 : vector<16xi32> to vector<16xi32>
      %swap3A_513 = vector.shape_cast %get3A_509 : vector<16xi32> to vector<16xi32>
      tpu.vector_store %arg32[%swap3A_510], %swap3A_513 {strides = array<i32>} : memref<80xi32, #tpu.memory_space<vmem>>, vector<16xi32>,
      %get3A_514 = arith.constant 48 : index
      %get3A_515 = tpu.vector_load %arg10[%get3A_514] {strides = array<i32>} : memref<80xi32, #tpu.memory_space<vmem>>, vector<16xi32>,
      %get3A_516 = vector.shape_cast %get3A_515 : vector<16xi32> to vector<16xi32>
      %swap3A_517 = arith.constant 48 : index
      %swap3A_518 = tpu.vector_load %arg32[%swap3A_517] {strides = array<i32>} : memref<80xi32, #tpu.memory_space<vmem>>, vector<16xi32>,
      %swap3A_519 = vector.shape_cast %swap3A_518 : vector<16xi32> to vector<16xi32>
      %swap3A_520 = vector.shape_cast %get3A_516 : vector<16xi32> to vector<16xi32>
      tpu.vector_store %arg32[%swap3A_517], %swap3A_520 {strides = array<i32>} : memref<80xi32, #tpu.memory_space<vmem>>, vector<16xi32>,
      %get3A_521 = arith.constant 64 : index
      %get3A_522 = tpu.vector_load %arg10[%get3A_521] {strides = array<i32>} : memref<80xi32, #tpu.memory_space<vmem>>, vector<16xi32>,
      %get3A_523 = vector.shape_cast %get3A_522 : vector<16xi32> to vector<16xi32>
      %swap3A_524 = arith.constant 64 : index
      %swap3A_525 = tpu.vector_load %arg32[%swap3A_524] {strides = array<i32>} : memref<80xi32, #tpu.memory_space<vmem>>, vector<16xi32>,
      %swap3A_526 = vector.shape_cast %swap3A_525 : vector<16xi32> to vector<16xi32>
      %swap3A_527 = vector.shape_cast %get3A_523 : vector<16xi32> to vector<16xi32>
      tpu.vector_store %arg32[%swap3A_524], %swap3A_527 {strides = array<i32>} : memref<80xi32, #tpu.memory_space<vmem>>, vector<16xi32>,
      %dma_start3A_528 = arith.constant 0 : i32
      %dma_start3A_529 = tpu.memref_slice %arg31[%dma_start3A_528] : memref<10240xf32, #tpu.memory_space<vmem_shared>> -> memref<10240xf32, #tpu.memory_space<vmem_shared>>
      tpu.enqueue_indirect_dma source(%arg28 : memref<80xf32, #tpu.memory_space<vmem>>) target(%dma_start3A_529 : memref<10240xf32, #tpu.memory_space<vmem_shared>>) offsets(%arg32 : memref<80xi32, #tpu.memory_space<vmem>>) semaphore(%arg44 : memref<!tpu.dma_semaphore, #tpu.memory_space<semaphore_mem>>) {add = true}
      %add3A_530 = arith.constant 4 : i32
      %add3A_531 = arith.addi %add3A_457, %add3A_530 : i32
      %mul3A_532 = arith.constant 80 : i32
      %mul3A_533 = arith.muli %add3A_531, %mul3A_532 : i32
      %add3A_534 = arith.addi %mul3A_2, %mul3A_533 : i32
      %dma_start3A_535 = tpu.memref_slice %arg2[%add3A_534] : memref<320000xi32, #tpu.memory_space<hbm>> -> memref<80xi32, #tpu.memory_space<hbm>>
      %dma_start3A_536 = tpu.memref_slice %arg2[%add3A_534] : memref<320000xi32, #tpu.memory_space<hbm>> -> memref<80xi32, #tpu.memory_space<hbm>>
      tpu.enqueue_dma source(%dma_start3A_536 : memref<80xi32, #tpu.memory_space<hbm>>) target(%arg10 : memref<80xi32, #tpu.memory_space<vmem>>) target_semaphore(%arg34 : memref<!tpu.dma_semaphore, #tpu.memory_space<semaphore_mem>>)
      %mul3A_537 = arith.constant 80 : i32
      %mul3A_538 = arith.muli %add3A_531, %mul3A_537 : i32
      %add3A_539 = arith.addi %mul3A_2, %mul3A_538 : i32
      %dma_start3A_540 = tpu.memref_slice %arg3[%add3A_539] : memref<320000xi32, #tpu.memory_space<hbm>> -> memref<80xi32, #tpu.memory_space<hbm>>
      %dma_start3A_541 = tpu.memref_slice %arg3[%add3A_539] : memref<320000xi32, #tpu.memory_space<hbm>> -> memref<80xi32, #tpu.memory_space<hbm>>
      tpu.enqueue_dma source(%dma_start3A_541 : memref<80xi32, #tpu.memory_space<hbm>>) target(%arg14 : memref<80xi32, #tpu.memory_space<vmem>>) target_semaphore(%arg34 : memref<!tpu.dma_semaphore, #tpu.memory_space<semaphore_mem>>)
      %mul3A_542 = arith.constant 4 : i32
      %mul3A_543 = arith.muli %mul3A_542, %scan3A_437 : i32
      %add3A_544 = arith.constant 1 : i32
      %add3A_545 = arith.addi %mul3A_543, %add3A_544 : i32
      %dma_wait3A_546 = arith.constant 0 : i32
      %dma_wait3A_547 = arith.constant 0 : i32
      %dma_wait3A_548 = tpu.memref_slice %arg4[%dma_wait3A_546, %dma_wait3A_547] : memref<10000x128xf32, #tpu.memory_space<hbm>> -> memref<10000x128xf32, #tpu.memory_space<hbm>>
      tpu.wait_indirect_dma semaphore(%arg39 : memref<!tpu.dma_semaphore, #tpu.memory_space<semaphore_mem>>) src(%dma_wait3A_548 : memref<10000x128xf32, #tpu.memory_space<hbm>>) dst(%arg19 : memref<80x128xf32, #tpu.memory_space<vmem>>)
      %dma_wait3A_549 = arith.constant 0 : i32
      %dma_wait3A_550 = arith.constant 0 : i32
      %dma_wait3A_551 = tpu.memref_slice %arg5[%dma_wait3A_549, %dma_wait3A_550] : memref<10000x128xf32, #tpu.memory_space<hbm>> -> memref<10000x128xf32, #tpu.memory_space<hbm>>
      tpu.wait_indirect_dma semaphore(%arg39 : memref<!tpu.dma_semaphore, #tpu.memory_space<semaphore_mem>>) src(%dma_wait3A_551 : memref<10000x128xf32, #tpu.memory_space<hbm>>) dst(%arg23 : memref<80x128xf32, #tpu.memory_space<vmem>>)
      %dma_wait3A_552 = arith.constant 0 : i32
      %dma_wait3A_553 = tpu.memref_slice %arg2[%dma_wait3A_552] : memref<320000xi32, #tpu.memory_space<hbm>> -> memref<80xi32, #tpu.memory_space<hbm>>
      %dma_wait3A_554 = arith.constant 0 : i32
      %dma_wait3A_555 = tpu.memref_slice %arg2[%dma_wait3A_554] : memref<320000xi32, #tpu.memory_space<hbm>> -> memref<80xi32, #tpu.memory_space<hbm>>
      tpu.wait_dma2 semaphore(%arg37 : memref<!tpu.dma_semaphore, #tpu.memory_space<semaphore_mem>>) src(%dma_wait3A_555 : memref<80xi32, #tpu.memory_space<hbm>>) dst(%arg13 : memref<80xi32, #tpu.memory_space<vmem>>)
      %dma_wait3A_556 = arith.constant 0 : i32
      %dma_wait3A_557 = tpu.memref_slice %arg3[%dma_wait3A_556] : memref<320000xi32, #tpu.memory_space<hbm>> -> memref<80xi32, #tpu.memory_space<hbm>>
      %dma_wait3A_558 = arith.constant 0 : i32
      %dma_wait3A_559 = tpu.memref_slice %arg3[%dma_wait3A_558] : memref<320000xi32, #tpu.memory_space<hbm>> -> memref<80xi32, #tpu.memory_space<hbm>>
      tpu.wait_dma2 semaphore(%arg37 : memref<!tpu.dma_semaphore, #tpu.memory_space<semaphore_mem>>) src(%dma_wait3A_559 : memref<80xi32, #tpu.memory_space<hbm>>) dst(%arg17 : memref<80xi32, #tpu.memory_space<vmem>>)
      %dma_start3A_560 = arith.constant 0 : i32
      %dma_start3A_561 = arith.constant 0 : i32
      %dma_start3A_562 = tpu.memref_slice %arg4[%dma_start3A_560, %dma_start3A_561] : memref<10000x128xf32, #tpu.memory_space<hbm>> -> memref<10000x128xf32, #tpu.memory_space<hbm>>
      tpu.enqueue_indirect_dma source(%dma_start3A_562 : memref<10000x128xf32, #tpu.memory_space<hbm>>) target(%arg21 : memref<80x128xf32, #tpu.memory_space<vmem>>) offsets(%arg13 : memref<80xi32, #tpu.memory_space<vmem>>) semaphore(%arg41 : memref<!tpu.dma_semaphore, #tpu.memory_space<semaphore_mem>>)
      %dma_start3A_563 = arith.constant 0 : i32
      %dma_start3A_564 = arith.constant 0 : i32
      %dma_start3A_565 = tpu.memref_slice %arg5[%dma_start3A_563, %dma_start3A_564] : memref<10000x128xf32, #tpu.memory_space<hbm>> -> memref<10000x128xf32, #tpu.memory_space<hbm>>
      tpu.enqueue_indirect_dma source(%dma_start3A_565 : memref<10000x128xf32, #tpu.memory_space<hbm>>) target(%arg25 : memref<80x128xf32, #tpu.memory_space<vmem>>) offsets(%arg17 : memref<80xi32, #tpu.memory_space<vmem>>) semaphore(%arg41 : memref<!tpu.dma_semaphore, #tpu.memory_space<semaphore_mem>>)
      %ge3A_566 = arith.constant 1 : i32
      %ge3A_567 = arith.cmpi sge, %scan3A_437, %ge3A_566 : i32
      %convert_element_type3A_568 = arith.extui %ge3A_567 : i1 to i32
      %cond3A_569 = arith.constant 0 : i32
      %cond3A_570 = arith.cmpi ne, %convert_element_type3A_568, %cond3A_569 : i32
      scf.if %cond3A_570 {
        %dma_wait3A_790 = arith.constant 0 : i32
        %dma_wait3A_791 = arith.constant 0 : i32
        %dma_wait3A_792 = tpu.memref_slice %arg6[%dma_wait3A_790, %dma_wait3A_791] : memref<320000x128xf32, #tpu.memory_space<hbm>> -> memref<80x128xf32, #tpu.memory_space<hbm>>
        %dma_wait3A_793 = arith.constant 0 : i32
        %dma_wait3A_794 = arith.constant 0 : i32
        %dma_wait3A_795 = tpu.memref_slice %arg6[%dma_wait3A_793, %dma_wait3A_794] : memref<320000x128xf32, #tpu.memory_space<hbm>> -> memref<80x128xf32, #tpu.memory_space<hbm>>
        tpu.wait_dma2 semaphore(%arg43 : memref<!tpu.dma_semaphore, #tpu.memory_space<semaphore_mem>>) src(%arg27 : memref<80x128xf32, #tpu.memory_space<vmem>>) dst(%dma_wait3A_795 : memref<80x128xf32, #tpu.memory_space<hbm>>)
        %dma_wait3A_796 = arith.constant 0 : i32
        %dma_wait3A_797 = tpu.memref_slice %arg31[%dma_wait3A_796] : memref<10240xf32, #tpu.memory_space<vmem_shared>> -> memref<10240xf32, #tpu.memory_space<vmem_shared>>
        tpu.wait_indirect_dma semaphore(%arg45 : memref<!tpu.dma_semaphore, #tpu.memory_space<semaphore_mem>>) src(%arg28 : memref<80xf32, #tpu.memory_space<vmem>>) dst(%dma_wait3A_797 : memref<10240xf32, #tpu.memory_space<vmem_shared>>)
      } else {
      }
      %scan3A_571 = arith.constant 0 : i32
      %scan3A_572 = arith.constant 80 : i32
      %scan3A_573 = arith.addi %scan3A_571, %scan3A_572 : i32
      %scan3A_574 = arith.constant 1 : i32
      %scan3A_575:16 = scf.for %scan3A_790 = %scan3A_571 to %scan3A_573 step %scan3A_574 iter_args(%scan3A_791 = %scan3A_484#0, %scan3A_792 = %scan3A_484#1, %scan3A_793 = %scan3A_484#2, %scan3A_794 = %scan3A_484#3, %scan3A_795 = %scan3A_484#4, %scan3A_796 = %scan3A_484#5, %scan3A_797 = %scan3A_484#6, %scan3A_798 = %scan3A_484#7, %scan3A_799 = %scan3A_484#8, %scan3A_800 = %scan3A_484#9, %scan3A_801 = %scan3A_484#10, %scan3A_802 = %scan3A_484#11, %scan3A_803 = %scan3A_484#12, %scan3A_804 = %scan3A_484#13, %scan3A_805 = %scan3A_484#14, %scan3A_806 = %scan3A_484#15) -> (vector<16xf32>, vector<16xf32>, vector<16xf32>, vector<16xf32>, vector<16xf32>, vector<16xf32>, vector<16xf32>, vector<16xf32>, vector<16xf32>, vector<16xf32>, vector<16xf32>, vector<16xf32>, vector<16xf32>, vector<16xf32>, vector<16xf32>, vector<16xf32>)  : i32 {
        %get3A_807 = arith.index_cast %scan3A_790 : i32 to index
        %get3A_808 = arith.constant 0 : index
        %get3A_809 = tpu.vector_load %arg19[%get3A_807, %get3A_808] {strides = array<i32>} : memref<80x128xf32, #tpu.memory_space<vmem>>, vector<1x16xf32>,
        %get3A_810 = vector.shape_cast %get3A_809 : vector<1x16xf32> to vector<16xf32>
        %get3A_811 = arith.index_cast %scan3A_790 : i32 to index
        %get3A_812 = arith.constant 0 : index
        %get3A_813 = tpu.vector_load %arg23[%get3A_811, %get3A_812] {strides = array<i32>} : memref<80x128xf32, #tpu.memory_space<vmem>>, vector<1x16xf32>,
        %get3A_814 = vector.shape_cast %get3A_813 : vector<1x16xf32> to vector<16xf32>
        %add3A_815 = arith.addf %get3A_810, %get3A_814 : vector<16xf32>
        %swap3A_816 = arith.index_cast %scan3A_790 : i32 to index
        %swap3A_817 = arith.constant 0 : index
        %swap3A_818 = tpu.vector_load %arg27[%swap3A_816, %swap3A_817] {strides = array<i32>} : memref<80x128xf32, #tpu.memory_space<vmem>>, vector<1x16xf32>,
        %swap3A_819 = vector.shape_cast %swap3A_818 : vector<1x16xf32> to vector<16xf32>
        %swap3A_820 = vector.shape_cast %add3A_815 : vector<16xf32> to vector<1x16xf32>
        tpu.vector_store %arg27[%swap3A_816, %swap3A_817], %swap3A_820 {strides = array<i32>} : memref<80x128xf32, #tpu.memory_space<vmem>>, vector<1x16xf32>,
        %add3A_821 = arith.addf %scan3A_791, %add3A_815 : vector<16xf32>
        %mul3A_822 = arith.mulf %add3A_815, %add3A_815 : vector<16xf32>
        %add3A_823 = arith.addf %scan3A_792, %mul3A_822 : vector<16xf32>
        %get3A_824 = arith.index_cast %scan3A_790 : i32 to index
        %get3A_825 = arith.constant 16 : index
        %get3A_826 = tpu.vector_load %arg19[%get3A_824, %get3A_825] {strides = array<i32>} : memref<80x128xf32, #tpu.memory_space<vmem>>, vector<1x16xf32>,
        %get3A_827 = vector.shape_cast %get3A_826 : vector<1x16xf32> to vector<16xf32>
        %get3A_828 = arith.index_cast %scan3A_790 : i32 to index
        %get3A_829 = arith.constant 16 : index
        %get3A_830 = tpu.vector_load %arg23[%get3A_828, %get3A_829] {strides = array<i32>} : memref<80x128xf32, #tpu.memory_space<vmem>>, vector<1x16xf32>,
        %get3A_831 = vector.shape_cast %get3A_830 : vector<1x16xf32> to vector<16xf32>
        %add3A_832 = arith.addf %get3A_827, %get3A_831 : vector<16xf32>
        %swap3A_833 = arith.index_cast %scan3A_790 : i32 to index
        %swap3A_834 = arith.constant 16 : index
        %swap3A_835 = tpu.vector_load %arg27[%swap3A_833, %swap3A_834] {strides = array<i32>} : memref<80x128xf32, #tpu.memory_space<vmem>>, vector<1x16xf32>,
        %swap3A_836 = vector.shape_cast %swap3A_835 : vector<1x16xf32> to vector<16xf32>
        %swap3A_837 = vector.shape_cast %add3A_832 : vector<16xf32> to vector<1x16xf32>
        tpu.vector_store %arg27[%swap3A_833, %swap3A_834], %swap3A_837 {strides = array<i32>} : memref<80x128xf32, #tpu.memory_space<vmem>>, vector<1x16xf32>,
        %add3A_838 = arith.addf %scan3A_793, %add3A_832 : vector<16xf32>
        %mul3A_839 = arith.mulf %add3A_832, %add3A_832 : vector<16xf32>
        %add3A_840 = arith.addf %scan3A_794, %mul3A_839 : vector<16xf32>
        %get3A_841 = arith.index_cast %scan3A_790 : i32 to index
        %get3A_842 = arith.constant 32 : index
        %get3A_843 = tpu.vector_load %arg19[%get3A_841, %get3A_842] {strides = array<i32>} : memref<80x128xf32, #tpu.memory_space<vmem>>, vector<1x16xf32>,
        %get3A_844 = vector.shape_cast %get3A_843 : vector<1x16xf32> to vector<16xf32>
        %get3A_845 = arith.index_cast %scan3A_790 : i32 to index
        %get3A_846 = arith.constant 32 : index
        %get3A_847 = tpu.vector_load %arg23[%get3A_845, %get3A_846] {strides = array<i32>} : memref<80x128xf32, #tpu.memory_space<vmem>>, vector<1x16xf32>,
        %get3A_848 = vector.shape_cast %get3A_847 : vector<1x16xf32> to vector<16xf32>
        %add3A_849 = arith.addf %get3A_844, %get3A_848 : vector<16xf32>
        %swap3A_850 = arith.index_cast %scan3A_790 : i32 to index
        %swap3A_851 = arith.constant 32 : index
        %swap3A_852 = tpu.vector_load %arg27[%swap3A_850, %swap3A_851] {strides = array<i32>} : memref<80x128xf32, #tpu.memory_space<vmem>>, vector<1x16xf32>,
        %swap3A_853 = vector.shape_cast %swap3A_852 : vector<1x16xf32> to vector<16xf32>
        %swap3A_854 = vector.shape_cast %add3A_849 : vector<16xf32> to vector<1x16xf32>
        tpu.vector_store %arg27[%swap3A_850, %swap3A_851], %swap3A_854 {strides = array<i32>} : memref<80x128xf32, #tpu.memory_space<vmem>>, vector<1x16xf32>,
        %add3A_855 = arith.addf %scan3A_795, %add3A_849 : vector<16xf32>
        %mul3A_856 = arith.mulf %add3A_849, %add3A_849 : vector<16xf32>
        %add3A_857 = arith.addf %scan3A_796, %mul3A_856 : vector<16xf32>
        %get3A_858 = arith.index_cast %scan3A_790 : i32 to index
        %get3A_859 = arith.constant 48 : index
        %get3A_860 = tpu.vector_load %arg19[%get3A_858, %get3A_859] {strides = array<i32>} : memref<80x128xf32, #tpu.memory_space<vmem>>, vector<1x16xf32>,
        %get3A_861 = vector.shape_cast %get3A_860 : vector<1x16xf32> to vector<16xf32>
        %get3A_862 = arith.index_cast %scan3A_790 : i32 to index
        %get3A_863 = arith.constant 48 : index
        %get3A_864 = tpu.vector_load %arg23[%get3A_862, %get3A_863] {strides = array<i32>} : memref<80x128xf32, #tpu.memory_space<vmem>>, vector<1x16xf32>,
        %get3A_865 = vector.shape_cast %get3A_864 : vector<1x16xf32> to vector<16xf32>
        %add3A_866 = arith.addf %get3A_861, %get3A_865 : vector<16xf32>
        %swap3A_867 = arith.index_cast %scan3A_790 : i32 to index
        %swap3A_868 = arith.constant 48 : index
        %swap3A_869 = tpu.vector_load %arg27[%swap3A_867, %swap3A_868] {strides = array<i32>} : memref<80x128xf32, #tpu.memory_space<vmem>>, vector<1x16xf32>,
        %swap3A_870 = vector.shape_cast %swap3A_869 : vector<1x16xf32> to vector<16xf32>
        %swap3A_871 = vector.shape_cast %add3A_866 : vector<16xf32> to vector<1x16xf32>
        tpu.vector_store %arg27[%swap3A_867, %swap3A_868], %swap3A_871 {strides = array<i32>} : memref<80x128xf32, #tpu.memory_space<vmem>>, vector<1x16xf32>,
        %add3A_872 = arith.addf %scan3A_797, %add3A_866 : vector<16xf32>
        %mul3A_873 = arith.mulf %add3A_866, %add3A_866 : vector<16xf32>
        %add3A_874 = arith.addf %scan3A_798, %mul3A_873 : vector<16xf32>
        %get3A_875 = arith.index_cast %scan3A_790 : i32 to index
        %get3A_876 = arith.constant 64 : index
        %get3A_877 = tpu.vector_load %arg19[%get3A_875, %get3A_876] {strides = array<i32>} : memref<80x128xf32, #tpu.memory_space<vmem>>, vector<1x16xf32>,
        %get3A_878 = vector.shape_cast %get3A_877 : vector<1x16xf32> to vector<16xf32>
        %get3A_879 = arith.index_cast %scan3A_790 : i32 to index
        %get3A_880 = arith.constant 64 : index
        %get3A_881 = tpu.vector_load %arg23[%get3A_879, %get3A_880] {strides = array<i32>} : memref<80x128xf32, #tpu.memory_space<vmem>>, vector<1x16xf32>,
        %get3A_882 = vector.shape_cast %get3A_881 : vector<1x16xf32> to vector<16xf32>
        %add3A_883 = arith.addf %get3A_878, %get3A_882 : vector<16xf32>
        %swap3A_884 = arith.index_cast %scan3A_790 : i32 to index
        %swap3A_885 = arith.constant 64 : index
        %swap3A_886 = tpu.vector_load %arg27[%swap3A_884, %swap3A_885] {strides = array<i32>} : memref<80x128xf32, #tpu.memory_space<vmem>>, vector<1x16xf32>,
        %swap3A_887 = vector.shape_cast %swap3A_886 : vector<1x16xf32> to vector<16xf32>
        %swap3A_888 = vector.shape_cast %add3A_883 : vector<16xf32> to vector<1x16xf32>
        tpu.vector_store %arg27[%swap3A_884, %swap3A_885], %swap3A_888 {strides = array<i32>} : memref<80x128xf32, #tpu.memory_space<vmem>>, vector<1x16xf32>,
        %add3A_889 = arith.addf %scan3A_799, %add3A_883 : vector<16xf32>
        %mul3A_890 = arith.mulf %add3A_883, %add3A_883 : vector<16xf32>
        %add3A_891 = arith.addf %scan3A_800, %mul3A_890 : vector<16xf32>
        %get3A_892 = arith.index_cast %scan3A_790 : i32 to index
        %get3A_893 = arith.constant 80 : index
        %get3A_894 = tpu.vector_load %arg19[%get3A_892, %get3A_893] {strides = array<i32>} : memref<80x128xf32, #tpu.memory_space<vmem>>, vector<1x16xf32>,
        %get3A_895 = vector.shape_cast %get3A_894 : vector<1x16xf32> to vector<16xf32>
        %get3A_896 = arith.index_cast %scan3A_790 : i32 to index
        %get3A_897 = arith.constant 80 : index
        %get3A_898 = tpu.vector_load %arg23[%get3A_896, %get3A_897] {strides = array<i32>} : memref<80x128xf32, #tpu.memory_space<vmem>>, vector<1x16xf32>,
        %get3A_899 = vector.shape_cast %get3A_898 : vector<1x16xf32> to vector<16xf32>
        %add3A_900 = arith.addf %get3A_895, %get3A_899 : vector<16xf32>
        %swap3A_901 = arith.index_cast %scan3A_790 : i32 to index
        %swap3A_902 = arith.constant 80 : index
        %swap3A_903 = tpu.vector_load %arg27[%swap3A_901, %swap3A_902] {strides = array<i32>} : memref<80x128xf32, #tpu.memory_space<vmem>>, vector<1x16xf32>,
        %swap3A_904 = vector.shape_cast %swap3A_903 : vector<1x16xf32> to vector<16xf32>
        %swap3A_905 = vector.shape_cast %add3A_900 : vector<16xf32> to vector<1x16xf32>
        tpu.vector_store %arg27[%swap3A_901, %swap3A_902], %swap3A_905 {strides = array<i32>} : memref<80x128xf32, #tpu.memory_space<vmem>>, vector<1x16xf32>,
        %add3A_906 = arith.addf %scan3A_801, %add3A_900 : vector<16xf32>
        %mul3A_907 = arith.mulf %add3A_900, %add3A_900 : vector<16xf32>
        %add3A_908 = arith.addf %scan3A_802, %mul3A_907 : vector<16xf32>
        %get3A_909 = arith.index_cast %scan3A_790 : i32 to index
        %get3A_910 = arith.constant 96 : index
        %get3A_911 = tpu.vector_load %arg19[%get3A_909, %get3A_910] {strides = array<i32>} : memref<80x128xf32, #tpu.memory_space<vmem>>, vector<1x16xf32>,
        %get3A_912 = vector.shape_cast %get3A_911 : vector<1x16xf32> to vector<16xf32>
        %get3A_913 = arith.index_cast %scan3A_790 : i32 to index
        %get3A_914 = arith.constant 96 : index
        %get3A_915 = tpu.vector_load %arg23[%get3A_913, %get3A_914] {strides = array<i32>} : memref<80x128xf32, #tpu.memory_space<vmem>>, vector<1x16xf32>,
        %get3A_916 = vector.shape_cast %get3A_915 : vector<1x16xf32> to vector<16xf32>
        %add3A_917 = arith.addf %get3A_912, %get3A_916 : vector<16xf32>
        %swap3A_918 = arith.index_cast %scan3A_790 : i32 to index
        %swap3A_919 = arith.constant 96 : index
        %swap3A_920 = tpu.vector_load %arg27[%swap3A_918, %swap3A_919] {strides = array<i32>} : memref<80x128xf32, #tpu.memory_space<vmem>>, vector<1x16xf32>,
        %swap3A_921 = vector.shape_cast %swap3A_920 : vector<1x16xf32> to vector<16xf32>
        %swap3A_922 = vector.shape_cast %add3A_917 : vector<16xf32> to vector<1x16xf32>
        tpu.vector_store %arg27[%swap3A_918, %swap3A_919], %swap3A_922 {strides = array<i32>} : memref<80x128xf32, #tpu.memory_space<vmem>>, vector<1x16xf32>,
        %add3A_923 = arith.addf %scan3A_803, %add3A_917 : vector<16xf32>
        %mul3A_924 = arith.mulf %add3A_917, %add3A_917 : vector<16xf32>
        %add3A_925 = arith.addf %scan3A_804, %mul3A_924 : vector<16xf32>
        %get3A_926 = arith.index_cast %scan3A_790 : i32 to index
        %get3A_927 = arith.constant 112 : index
        %get3A_928 = tpu.vector_load %arg19[%get3A_926, %get3A_927] {strides = array<i32>} : memref<80x128xf32, #tpu.memory_space<vmem>>, vector<1x16xf32>,
        %get3A_929 = vector.shape_cast %get3A_928 : vector<1x16xf32> to vector<16xf32>
        %get3A_930 = arith.index_cast %scan3A_790 : i32 to index
        %get3A_931 = arith.constant 112 : index
        %get3A_932 = tpu.vector_load %arg23[%get3A_930, %get3A_931] {strides = array<i32>} : memref<80x128xf32, #tpu.memory_space<vmem>>, vector<1x16xf32>,
        %get3A_933 = vector.shape_cast %get3A_932 : vector<1x16xf32> to vector<16xf32>
        %add3A_934 = arith.addf %get3A_929, %get3A_933 : vector<16xf32>
        %swap3A_935 = arith.index_cast %scan3A_790 : i32 to index
        %swap3A_936 = arith.constant 112 : index
        %swap3A_937 = tpu.vector_load %arg27[%swap3A_935, %swap3A_936] {strides = array<i32>} : memref<80x128xf32, #tpu.memory_space<vmem>>, vector<1x16xf32>,
        %swap3A_938 = vector.shape_cast %swap3A_937 : vector<1x16xf32> to vector<16xf32>
        %swap3A_939 = vector.shape_cast %add3A_934 : vector<16xf32> to vector<1x16xf32>
        tpu.vector_store %arg27[%swap3A_935, %swap3A_936], %swap3A_939 {strides = array<i32>} : memref<80x128xf32, #tpu.memory_space<vmem>>, vector<1x16xf32>,
        %add3A_940 = arith.addf %scan3A_805, %add3A_934 : vector<16xf32>
        %mul3A_941 = arith.mulf %add3A_934, %add3A_934 : vector<16xf32>
        %add3A_942 = arith.addf %scan3A_806, %mul3A_941 : vector<16xf32>
        scf.yield %add3A_821, %add3A_823, %add3A_838, %add3A_840, %add3A_855, %add3A_857, %add3A_872, %add3A_874, %add3A_889, %add3A_891, %add3A_906, %add3A_908, %add3A_923, %add3A_925, %add3A_940, %add3A_942 : vector<16xf32>, vector<16xf32>, vector<16xf32>, vector<16xf32>, vector<16xf32>, vector<16xf32>, vector<16xf32>, vector<16xf32>, vector<16xf32>, vector<16xf32>, vector<16xf32>, vector<16xf32>, vector<16xf32>, vector<16xf32>, vector<16xf32>, vector<16xf32>
      }
      %scan3A_576 = arith.constant 80 : i32
      %mul3A_577 = arith.constant 80 : i32
      %mul3A_578 = arith.muli %add3A_545, %mul3A_577 : i32
      %add3A_579 = arith.addi %mul3A_2, %mul3A_578 : i32
      %dma_start3A_580 = arith.constant 0 : i32
      %dma_start3A_581 = tpu.memref_slice %arg6[%add3A_579, %dma_start3A_580] : memref<320000x128xf32, #tpu.memory_space<hbm>> -> memref<80x128xf32, #tpu.memory_space<hbm>>
      %dma_start3A_582 = arith.constant 0 : i32
      %dma_start3A_583 = tpu.memref_slice %arg6[%add3A_579, %dma_start3A_582] : memref<320000x128xf32, #tpu.memory_space<hbm>> -> memref<80x128xf32, #tpu.memory_space<hbm>>
      tpu.enqueue_dma source(%arg27 : memref<80x128xf32, #tpu.memory_space<vmem>>) target(%dma_start3A_583 : memref<80x128xf32, #tpu.memory_space<hbm>>) target_semaphore(%arg43 : memref<!tpu.dma_semaphore, #tpu.memory_space<semaphore_mem>>)
      %get3A_584 = arith.constant 0 : index
      %get3A_585 = tpu.vector_load %arg11[%get3A_584] {strides = array<i32>} : memref<80xi32, #tpu.memory_space<vmem>>, vector<16xi32>,
      %get3A_586 = vector.shape_cast %get3A_585 : vector<16xi32> to vector<16xi32>
      %swap3A_587 = arith.constant 0 : index
      %swap3A_588 = tpu.vector_load %arg33[%swap3A_587] {strides = array<i32>} : memref<80xi32, #tpu.memory_space<vmem>>, vector<16xi32>,
      %swap3A_589 = vector.shape_cast %swap3A_588 : vector<16xi32> to vector<16xi32>
      %swap3A_590 = vector.shape_cast %get3A_586 : vector<16xi32> to vector<16xi32>
      tpu.vector_store %arg33[%swap3A_587], %swap3A_590 {strides = array<i32>} : memref<80xi32, #tpu.memory_space<vmem>>, vector<16xi32>,
      %get3A_591 = arith.constant 16 : index
      %get3A_592 = tpu.vector_load %arg11[%get3A_591] {strides = array<i32>} : memref<80xi32, #tpu.memory_space<vmem>>, vector<16xi32>,
      %get3A_593 = vector.shape_cast %get3A_592 : vector<16xi32> to vector<16xi32>
      %swap3A_594 = arith.constant 16 : index
      %swap3A_595 = tpu.vector_load %arg33[%swap3A_594] {strides = array<i32>} : memref<80xi32, #tpu.memory_space<vmem>>, vector<16xi32>,
      %swap3A_596 = vector.shape_cast %swap3A_595 : vector<16xi32> to vector<16xi32>
      %swap3A_597 = vector.shape_cast %get3A_593 : vector<16xi32> to vector<16xi32>
      tpu.vector_store %arg33[%swap3A_594], %swap3A_597 {strides = array<i32>} : memref<80xi32, #tpu.memory_space<vmem>>, vector<16xi32>,
      %get3A_598 = arith.constant 32 : index
      %get3A_599 = tpu.vector_load %arg11[%get3A_598] {strides = array<i32>} : memref<80xi32, #tpu.memory_space<vmem>>, vector<16xi32>,
      %get3A_600 = vector.shape_cast %get3A_599 : vector<16xi32> to vector<16xi32>
      %swap3A_601 = arith.constant 32 : index
      %swap3A_602 = tpu.vector_load %arg33[%swap3A_601] {strides = array<i32>} : memref<80xi32, #tpu.memory_space<vmem>>, vector<16xi32>,
      %swap3A_603 = vector.shape_cast %swap3A_602 : vector<16xi32> to vector<16xi32>
      %swap3A_604 = vector.shape_cast %get3A_600 : vector<16xi32> to vector<16xi32>
      tpu.vector_store %arg33[%swap3A_601], %swap3A_604 {strides = array<i32>} : memref<80xi32, #tpu.memory_space<vmem>>, vector<16xi32>,
      %get3A_605 = arith.constant 48 : index
      %get3A_606 = tpu.vector_load %arg11[%get3A_605] {strides = array<i32>} : memref<80xi32, #tpu.memory_space<vmem>>, vector<16xi32>,
      %get3A_607 = vector.shape_cast %get3A_606 : vector<16xi32> to vector<16xi32>
      %swap3A_608 = arith.constant 48 : index
      %swap3A_609 = tpu.vector_load %arg33[%swap3A_608] {strides = array<i32>} : memref<80xi32, #tpu.memory_space<vmem>>, vector<16xi32>,
      %swap3A_610 = vector.shape_cast %swap3A_609 : vector<16xi32> to vector<16xi32>
      %swap3A_611 = vector.shape_cast %get3A_607 : vector<16xi32> to vector<16xi32>
      tpu.vector_store %arg33[%swap3A_608], %swap3A_611 {strides = array<i32>} : memref<80xi32, #tpu.memory_space<vmem>>, vector<16xi32>,
      %get3A_612 = arith.constant 64 : index
      %get3A_613 = tpu.vector_load %arg11[%get3A_612] {strides = array<i32>} : memref<80xi32, #tpu.memory_space<vmem>>, vector<16xi32>,
      %get3A_614 = vector.shape_cast %get3A_613 : vector<16xi32> to vector<16xi32>
      %swap3A_615 = arith.constant 64 : index
      %swap3A_616 = tpu.vector_load %arg33[%swap3A_615] {strides = array<i32>} : memref<80xi32, #tpu.memory_space<vmem>>, vector<16xi32>,
      %swap3A_617 = vector.shape_cast %swap3A_616 : vector<16xi32> to vector<16xi32>
      %swap3A_618 = vector.shape_cast %get3A_614 : vector<16xi32> to vector<16xi32>
      tpu.vector_store %arg33[%swap3A_615], %swap3A_618 {strides = array<i32>} : memref<80xi32, #tpu.memory_space<vmem>>, vector<16xi32>,
      %dma_start3A_619 = arith.constant 0 : i32
      %dma_start3A_620 = tpu.memref_slice %arg31[%dma_start3A_619] : memref<10240xf32, #tpu.memory_space<vmem_shared>> -> memref<10240xf32, #tpu.memory_space<vmem_shared>>
      tpu.enqueue_indirect_dma source(%arg28 : memref<80xf32, #tpu.memory_space<vmem>>) target(%dma_start3A_620 : memref<10240xf32, #tpu.memory_space<vmem_shared>>) offsets(%arg33 : memref<80xi32, #tpu.memory_space<vmem>>) semaphore(%arg45 : memref<!tpu.dma_semaphore, #tpu.memory_space<semaphore_mem>>) {add = true}
      %lt3A = arith.constant 30 : i32
      %lt3A_621 = arith.cmpi slt, %scan3A_437, %lt3A : i32
      %convert_element_type3A_622 = arith.extui %lt3A_621 : i1 to i32
      %cond3A_623 = arith.constant 0 : i32
      %cond3A_624 = arith.cmpi ne, %convert_element_type3A_622, %cond3A_623 : i32
      scf.if %cond3A_624 {
        %add3A_790 = arith.constant 4 : i32
        %add3A_791 = arith.addi %add3A_545, %add3A_790 : i32
        %mul3A_792 = arith.constant 80 : i32
        %mul3A_793 = arith.muli %add3A_791, %mul3A_792 : i32
        %add3A_794 = arith.addi %mul3A_2, %mul3A_793 : i32
        %dma_start3A_795 = tpu.memref_slice %arg2[%add3A_794] : memref<320000xi32, #tpu.memory_space<hbm>> -> memref<80xi32, #tpu.memory_space<hbm>>
        %dma_start3A_796 = tpu.memref_slice %arg2[%add3A_794] : memref<320000xi32, #tpu.memory_space<hbm>> -> memref<80xi32, #tpu.memory_space<hbm>>
        tpu.enqueue_dma source(%dma_start3A_796 : memref<80xi32, #tpu.memory_space<hbm>>) target(%arg11 : memref<80xi32, #tpu.memory_space<vmem>>) target_semaphore(%arg35 : memref<!tpu.dma_semaphore, #tpu.memory_space<semaphore_mem>>)
        %mul3A_797 = arith.constant 80 : i32
        %mul3A_798 = arith.muli %add3A_791, %mul3A_797 : i32
        %add3A_799 = arith.addi %mul3A_2, %mul3A_798 : i32
        %dma_start3A_800 = tpu.memref_slice %arg3[%add3A_799] : memref<320000xi32, #tpu.memory_space<hbm>> -> memref<80xi32, #tpu.memory_space<hbm>>
        %dma_start3A_801 = tpu.memref_slice %arg3[%add3A_799] : memref<320000xi32, #tpu.memory_space<hbm>> -> memref<80xi32, #tpu.memory_space<hbm>>
        tpu.enqueue_dma source(%dma_start3A_801 : memref<80xi32, #tpu.memory_space<hbm>>) target(%arg15 : memref<80xi32, #tpu.memory_space<vmem>>) target_semaphore(%arg35 : memref<!tpu.dma_semaphore, #tpu.memory_space<semaphore_mem>>)
      } else {
      }
      %mul3A_625 = arith.constant 4 : i32
      %mul3A_626 = arith.muli %mul3A_625, %scan3A_437 : i32
      %add3A_627 = arith.constant 2 : i32
      %add3A_628 = arith.addi %mul3A_626, %add3A_627 : i32
      %dma_wait3A_629 = arith.constant 0 : i32
      %dma_wait3A_630 = arith.constant 0 : i32
      %dma_wait3A_631 = tpu.memref_slice %arg4[%dma_wait3A_629, %dma_wait3A_630] : memref<10000x128xf32, #tpu.memory_space<hbm>> -> memref<10000x128xf32, #tpu.memory_space<hbm>>
      tpu.wait_indirect_dma semaphore(%arg40 : memref<!tpu.dma_semaphore, #tpu.memory_space<semaphore_mem>>) src(%dma_wait3A_631 : memref<10000x128xf32, #tpu.memory_space<hbm>>) dst(%arg20 : memref<80x128xf32, #tpu.memory_space<vmem>>)
      %dma_wait3A_632 = arith.constant 0 : i32
      %dma_wait3A_633 = arith.constant 0 : i32
      %dma_wait3A_634 = tpu.memref_slice %arg5[%dma_wait3A_632, %dma_wait3A_633] : memref<10000x128xf32, #tpu.memory_space<hbm>> -> memref<10000x128xf32, #tpu.memory_space<hbm>>
      tpu.wait_indirect_dma semaphore(%arg40 : memref<!tpu.dma_semaphore, #tpu.memory_space<semaphore_mem>>) src(%dma_wait3A_634 : memref<10000x128xf32, #tpu.memory_space<hbm>>) dst(%arg24 : memref<80x128xf32, #tpu.memory_space<vmem>>)
      %dma_wait3A_635 = arith.constant 0 : i32
      %dma_wait3A_636 = tpu.memref_slice %arg2[%dma_wait3A_635] : memref<320000xi32, #tpu.memory_space<hbm>> -> memref<80xi32, #tpu.memory_space<hbm>>
      %dma_wait3A_637 = arith.constant 0 : i32
      %dma_wait3A_638 = tpu.memref_slice %arg2[%dma_wait3A_637] : memref<320000xi32, #tpu.memory_space<hbm>> -> memref<80xi32, #tpu.memory_space<hbm>>
      tpu.wait_dma2 semaphore(%arg34 : memref<!tpu.dma_semaphore, #tpu.memory_space<semaphore_mem>>) src(%dma_wait3A_638 : memref<80xi32, #tpu.memory_space<hbm>>) dst(%arg10 : memref<80xi32, #tpu.memory_space<vmem>>)
      %dma_wait3A_639 = arith.constant 0 : i32
      %dma_wait3A_640 = tpu.memref_slice %arg3[%dma_wait3A_639] : memref<320000xi32, #tpu.memory_space<hbm>> -> memref<80xi32, #tpu.memory_space<hbm>>
      %dma_wait3A_641 = arith.constant 0 : i32
      %dma_wait3A_642 = tpu.memref_slice %arg3[%dma_wait3A_641] : memref<320000xi32, #tpu.memory_space<hbm>> -> memref<80xi32, #tpu.memory_space<hbm>>
      tpu.wait_dma2 semaphore(%arg34 : memref<!tpu.dma_semaphore, #tpu.memory_space<semaphore_mem>>) src(%dma_wait3A_642 : memref<80xi32, #tpu.memory_space<hbm>>) dst(%arg14 : memref<80xi32, #tpu.memory_space<vmem>>)
      %dma_start3A_643 = arith.constant 0 : i32
      %dma_start3A_644 = arith.constant 0 : i32
      %dma_start3A_645 = tpu.memref_slice %arg4[%dma_start3A_643, %dma_start3A_644] : memref<10000x128xf32, #tpu.memory_space<hbm>> -> memref<10000x128xf32, #tpu.memory_space<hbm>>
      tpu.enqueue_indirect_dma source(%dma_start3A_645 : memref<10000x128xf32, #tpu.memory_space<hbm>>) target(%arg18 : memref<80x128xf32, #tpu.memory_space<vmem>>) offsets(%arg10 : memref<80xi32, #tpu.memory_space<vmem>>) semaphore(%arg38 : memref<!tpu.dma_semaphore, #tpu.memory_space<semaphore_mem>>)
      %dma_start3A_646 = arith.constant 0 : i32
      %dma_start3A_647 = arith.constant 0 : i32
      %dma_start3A_648 = tpu.memref_slice %arg5[%dma_start3A_646, %dma_start3A_647] : memref<10000x128xf32, #tpu.memory_space<hbm>> -> memref<10000x128xf32, #tpu.memory_space<hbm>>
      tpu.enqueue_indirect_dma source(%dma_start3A_648 : memref<10000x128xf32, #tpu.memory_space<hbm>>) target(%arg22 : memref<80x128xf32, #tpu.memory_space<vmem>>) offsets(%arg14 : memref<80xi32, #tpu.memory_space<vmem>>) semaphore(%arg38 : memref<!tpu.dma_semaphore, #tpu.memory_space<semaphore_mem>>)
      %dma_wait3A_649 = arith.constant 0 : i32
      %dma_wait3A_650 = arith.constant 0 : i32
      %dma_wait3A_651 = tpu.memref_slice %arg6[%dma_wait3A_649, %dma_wait3A_650] : memref<320000x128xf32, #tpu.memory_space<hbm>> -> memref<80x128xf32, #tpu.memory_space<hbm>>
      %dma_wait3A_652 = arith.constant 0 : i32
      %dma_wait3A_653 = arith.constant 0 : i32
      %dma_wait3A_654 = tpu.memref_slice %arg6[%dma_wait3A_652, %dma_wait3A_653] : memref<320000x128xf32, #tpu.memory_space<hbm>> -> memref<80x128xf32, #tpu.memory_space<hbm>>
      tpu.wait_dma2 semaphore(%arg42 : memref<!tpu.dma_semaphore, #tpu.memory_space<semaphore_mem>>) src(%arg26 : memref<80x128xf32, #tpu.memory_space<vmem>>) dst(%dma_wait3A_654 : memref<80x128xf32, #tpu.memory_space<hbm>>)
      %dma_wait3A_655 = arith.constant 0 : i32
      %dma_wait3A_656 = tpu.memref_slice %arg31[%dma_wait3A_655] : memref<10240xf32, #tpu.memory_space<vmem_shared>> -> memref<10240xf32, #tpu.memory_space<vmem_shared>>
      tpu.wait_indirect_dma semaphore(%arg44 : memref<!tpu.dma_semaphore, #tpu.memory_space<semaphore_mem>>) src(%arg28 : memref<80xf32, #tpu.memory_space<vmem>>) dst(%dma_wait3A_656 : memref<10240xf32, #tpu.memory_space<vmem_shared>>)
      %scan3A_657 = arith.constant 0 : i32
      %scan3A_658 = arith.constant 80 : i32
      %scan3A_659 = arith.addi %scan3A_657, %scan3A_658 : i32
      %scan3A_660 = arith.constant 1 : i32
      %scan3A_661:16 = scf.for %scan3A_790 = %scan3A_657 to %scan3A_659 step %scan3A_660 iter_args(%scan3A_791 = %scan3A_575#0, %scan3A_792 = %scan3A_575#1, %scan3A_793 = %scan3A_575#2, %scan3A_794 = %scan3A_575#3, %scan3A_795 = %scan3A_575#4, %scan3A_796 = %scan3A_575#5, %scan3A_797 = %scan3A_575#6, %scan3A_798 = %scan3A_575#7, %scan3A_799 = %scan3A_575#8, %scan3A_800 = %scan3A_575#9, %scan3A_801 = %scan3A_575#10, %scan3A_802 = %scan3A_575#11, %scan3A_803 = %scan3A_575#12, %scan3A_804 = %scan3A_575#13, %scan3A_805 = %scan3A_575#14, %scan3A_806 = %scan3A_575#15) -> (vector<16xf32>, vector<16xf32>, vector<16xf32>, vector<16xf32>, vector<16xf32>, vector<16xf32>, vector<16xf32>, vector<16xf32>, vector<16xf32>, vector<16xf32>, vector<16xf32>, vector<16xf32>, vector<16xf32>, vector<16xf32>, vector<16xf32>, vector<16xf32>)  : i32 {
        %get3A_807 = arith.index_cast %scan3A_790 : i32 to index
        %get3A_808 = arith.constant 0 : index
        %get3A_809 = tpu.vector_load %arg20[%get3A_807, %get3A_808] {strides = array<i32>} : memref<80x128xf32, #tpu.memory_space<vmem>>, vector<1x16xf32>,
        %get3A_810 = vector.shape_cast %get3A_809 : vector<1x16xf32> to vector<16xf32>
        %get3A_811 = arith.index_cast %scan3A_790 : i32 to index
        %get3A_812 = arith.constant 0 : index
        %get3A_813 = tpu.vector_load %arg24[%get3A_811, %get3A_812] {strides = array<i32>} : memref<80x128xf32, #tpu.memory_space<vmem>>, vector<1x16xf32>,
        %get3A_814 = vector.shape_cast %get3A_813 : vector<1x16xf32> to vector<16xf32>
        %add3A_815 = arith.addf %get3A_810, %get3A_814 : vector<16xf32>
        %swap3A_816 = arith.index_cast %scan3A_790 : i32 to index
        %swap3A_817 = arith.constant 0 : index
        %swap3A_818 = tpu.vector_load %arg26[%swap3A_816, %swap3A_817] {strides = array<i32>} : memref<80x128xf32, #tpu.memory_space<vmem>>, vector<1x16xf32>,
        %swap3A_819 = vector.shape_cast %swap3A_818 : vector<1x16xf32> to vector<16xf32>
        %swap3A_820 = vector.shape_cast %add3A_815 : vector<16xf32> to vector<1x16xf32>
        tpu.vector_store %arg26[%swap3A_816, %swap3A_817], %swap3A_820 {strides = array<i32>} : memref<80x128xf32, #tpu.memory_space<vmem>>, vector<1x16xf32>,
        %add3A_821 = arith.addf %scan3A_791, %add3A_815 : vector<16xf32>
        %mul3A_822 = arith.mulf %add3A_815, %add3A_815 : vector<16xf32>
        %add3A_823 = arith.addf %scan3A_792, %mul3A_822 : vector<16xf32>
        %get3A_824 = arith.index_cast %scan3A_790 : i32 to index
        %get3A_825 = arith.constant 16 : index
        %get3A_826 = tpu.vector_load %arg20[%get3A_824, %get3A_825] {strides = array<i32>} : memref<80x128xf32, #tpu.memory_space<vmem>>, vector<1x16xf32>,
        %get3A_827 = vector.shape_cast %get3A_826 : vector<1x16xf32> to vector<16xf32>
        %get3A_828 = arith.index_cast %scan3A_790 : i32 to index
        %get3A_829 = arith.constant 16 : index
        %get3A_830 = tpu.vector_load %arg24[%get3A_828, %get3A_829] {strides = array<i32>} : memref<80x128xf32, #tpu.memory_space<vmem>>, vector<1x16xf32>,
        %get3A_831 = vector.shape_cast %get3A_830 : vector<1x16xf32> to vector<16xf32>
        %add3A_832 = arith.addf %get3A_827, %get3A_831 : vector<16xf32>
        %swap3A_833 = arith.index_cast %scan3A_790 : i32 to index
        %swap3A_834 = arith.constant 16 : index
        %swap3A_835 = tpu.vector_load %arg26[%swap3A_833, %swap3A_834] {strides = array<i32>} : memref<80x128xf32, #tpu.memory_space<vmem>>, vector<1x16xf32>,
        %swap3A_836 = vector.shape_cast %swap3A_835 : vector<1x16xf32> to vector<16xf32>
        %swap3A_837 = vector.shape_cast %add3A_832 : vector<16xf32> to vector<1x16xf32>
        tpu.vector_store %arg26[%swap3A_833, %swap3A_834], %swap3A_837 {strides = array<i32>} : memref<80x128xf32, #tpu.memory_space<vmem>>, vector<1x16xf32>,
        %add3A_838 = arith.addf %scan3A_793, %add3A_832 : vector<16xf32>
        %mul3A_839 = arith.mulf %add3A_832, %add3A_832 : vector<16xf32>
        %add3A_840 = arith.addf %scan3A_794, %mul3A_839 : vector<16xf32>
        %get3A_841 = arith.index_cast %scan3A_790 : i32 to index
        %get3A_842 = arith.constant 32 : index
        %get3A_843 = tpu.vector_load %arg20[%get3A_841, %get3A_842] {strides = array<i32>} : memref<80x128xf32, #tpu.memory_space<vmem>>, vector<1x16xf32>,
        %get3A_844 = vector.shape_cast %get3A_843 : vector<1x16xf32> to vector<16xf32>
        %get3A_845 = arith.index_cast %scan3A_790 : i32 to index
        %get3A_846 = arith.constant 32 : index
        %get3A_847 = tpu.vector_load %arg24[%get3A_845, %get3A_846] {strides = array<i32>} : memref<80x128xf32, #tpu.memory_space<vmem>>, vector<1x16xf32>,
        %get3A_848 = vector.shape_cast %get3A_847 : vector<1x16xf32> to vector<16xf32>
        %add3A_849 = arith.addf %get3A_844, %get3A_848 : vector<16xf32>
        %swap3A_850 = arith.index_cast %scan3A_790 : i32 to index
        %swap3A_851 = arith.constant 32 : index
        %swap3A_852 = tpu.vector_load %arg26[%swap3A_850, %swap3A_851] {strides = array<i32>} : memref<80x128xf32, #tpu.memory_space<vmem>>, vector<1x16xf32>,
        %swap3A_853 = vector.shape_cast %swap3A_852 : vector<1x16xf32> to vector<16xf32>
        %swap3A_854 = vector.shape_cast %add3A_849 : vector<16xf32> to vector<1x16xf32>
        tpu.vector_store %arg26[%swap3A_850, %swap3A_851], %swap3A_854 {strides = array<i32>} : memref<80x128xf32, #tpu.memory_space<vmem>>, vector<1x16xf32>,
        %add3A_855 = arith.addf %scan3A_795, %add3A_849 : vector<16xf32>
        %mul3A_856 = arith.mulf %add3A_849, %add3A_849 : vector<16xf32>
        %add3A_857 = arith.addf %scan3A_796, %mul3A_856 : vector<16xf32>
        %get3A_858 = arith.index_cast %scan3A_790 : i32 to index
        %get3A_859 = arith.constant 48 : index
        %get3A_860 = tpu.vector_load %arg20[%get3A_858, %get3A_859] {strides = array<i32>} : memref<80x128xf32, #tpu.memory_space<vmem>>, vector<1x16xf32>,
        %get3A_861 = vector.shape_cast %get3A_860 : vector<1x16xf32> to vector<16xf32>
        %get3A_862 = arith.index_cast %scan3A_790 : i32 to index
        %get3A_863 = arith.constant 48 : index
        %get3A_864 = tpu.vector_load %arg24[%get3A_862, %get3A_863] {strides = array<i32>} : memref<80x128xf32, #tpu.memory_space<vmem>>, vector<1x16xf32>,
        %get3A_865 = vector.shape_cast %get3A_864 : vector<1x16xf32> to vector<16xf32>
        %add3A_866 = arith.addf %get3A_861, %get3A_865 : vector<16xf32>
        %swap3A_867 = arith.index_cast %scan3A_790 : i32 to index
        %swap3A_868 = arith.constant 48 : index
        %swap3A_869 = tpu.vector_load %arg26[%swap3A_867, %swap3A_868] {strides = array<i32>} : memref<80x128xf32, #tpu.memory_space<vmem>>, vector<1x16xf32>,
        %swap3A_870 = vector.shape_cast %swap3A_869 : vector<1x16xf32> to vector<16xf32>
        %swap3A_871 = vector.shape_cast %add3A_866 : vector<16xf32> to vector<1x16xf32>
        tpu.vector_store %arg26[%swap3A_867, %swap3A_868], %swap3A_871 {strides = array<i32>} : memref<80x128xf32, #tpu.memory_space<vmem>>, vector<1x16xf32>,
        %add3A_872 = arith.addf %scan3A_797, %add3A_866 : vector<16xf32>
        %mul3A_873 = arith.mulf %add3A_866, %add3A_866 : vector<16xf32>
        %add3A_874 = arith.addf %scan3A_798, %mul3A_873 : vector<16xf32>
        %get3A_875 = arith.index_cast %scan3A_790 : i32 to index
        %get3A_876 = arith.constant 64 : index
        %get3A_877 = tpu.vector_load %arg20[%get3A_875, %get3A_876] {strides = array<i32>} : memref<80x128xf32, #tpu.memory_space<vmem>>, vector<1x16xf32>,
        %get3A_878 = vector.shape_cast %get3A_877 : vector<1x16xf32> to vector<16xf32>
        %get3A_879 = arith.index_cast %scan3A_790 : i32 to index
        %get3A_880 = arith.constant 64 : index
        %get3A_881 = tpu.vector_load %arg24[%get3A_879, %get3A_880] {strides = array<i32>} : memref<80x128xf32, #tpu.memory_space<vmem>>, vector<1x16xf32>,
        %get3A_882 = vector.shape_cast %get3A_881 : vector<1x16xf32> to vector<16xf32>
        %add3A_883 = arith.addf %get3A_878, %get3A_882 : vector<16xf32>
        %swap3A_884 = arith.index_cast %scan3A_790 : i32 to index
        %swap3A_885 = arith.constant 64 : index
        %swap3A_886 = tpu.vector_load %arg26[%swap3A_884, %swap3A_885] {strides = array<i32>} : memref<80x128xf32, #tpu.memory_space<vmem>>, vector<1x16xf32>,
        %swap3A_887 = vector.shape_cast %swap3A_886 : vector<1x16xf32> to vector<16xf32>
        %swap3A_888 = vector.shape_cast %add3A_883 : vector<16xf32> to vector<1x16xf32>
        tpu.vector_store %arg26[%swap3A_884, %swap3A_885], %swap3A_888 {strides = array<i32>} : memref<80x128xf32, #tpu.memory_space<vmem>>, vector<1x16xf32>,
        %add3A_889 = arith.addf %scan3A_799, %add3A_883 : vector<16xf32>
        %mul3A_890 = arith.mulf %add3A_883, %add3A_883 : vector<16xf32>
        %add3A_891 = arith.addf %scan3A_800, %mul3A_890 : vector<16xf32>
        %get3A_892 = arith.index_cast %scan3A_790 : i32 to index
        %get3A_893 = arith.constant 80 : index
        %get3A_894 = tpu.vector_load %arg20[%get3A_892, %get3A_893] {strides = array<i32>} : memref<80x128xf32, #tpu.memory_space<vmem>>, vector<1x16xf32>,
        %get3A_895 = vector.shape_cast %get3A_894 : vector<1x16xf32> to vector<16xf32>
        %get3A_896 = arith.index_cast %scan3A_790 : i32 to index
        %get3A_897 = arith.constant 80 : index
        %get3A_898 = tpu.vector_load %arg24[%get3A_896, %get3A_897] {strides = array<i32>} : memref<80x128xf32, #tpu.memory_space<vmem>>, vector<1x16xf32>,
        %get3A_899 = vector.shape_cast %get3A_898 : vector<1x16xf32> to vector<16xf32>
        %add3A_900 = arith.addf %get3A_895, %get3A_899 : vector<16xf32>
        %swap3A_901 = arith.index_cast %scan3A_790 : i32 to index
        %swap3A_902 = arith.constant 80 : index
        %swap3A_903 = tpu.vector_load %arg26[%swap3A_901, %swap3A_902] {strides = array<i32>} : memref<80x128xf32, #tpu.memory_space<vmem>>, vector<1x16xf32>,
        %swap3A_904 = vector.shape_cast %swap3A_903 : vector<1x16xf32> to vector<16xf32>
        %swap3A_905 = vector.shape_cast %add3A_900 : vector<16xf32> to vector<1x16xf32>
        tpu.vector_store %arg26[%swap3A_901, %swap3A_902], %swap3A_905 {strides = array<i32>} : memref<80x128xf32, #tpu.memory_space<vmem>>, vector<1x16xf32>,
        %add3A_906 = arith.addf %scan3A_801, %add3A_900 : vector<16xf32>
        %mul3A_907 = arith.mulf %add3A_900, %add3A_900 : vector<16xf32>
        %add3A_908 = arith.addf %scan3A_802, %mul3A_907 : vector<16xf32>
        %get3A_909 = arith.index_cast %scan3A_790 : i32 to index
        %get3A_910 = arith.constant 96 : index
        %get3A_911 = tpu.vector_load %arg20[%get3A_909, %get3A_910] {strides = array<i32>} : memref<80x128xf32, #tpu.memory_space<vmem>>, vector<1x16xf32>,
        %get3A_912 = vector.shape_cast %get3A_911 : vector<1x16xf32> to vector<16xf32>
        %get3A_913 = arith.index_cast %scan3A_790 : i32 to index
        %get3A_914 = arith.constant 96 : index
        %get3A_915 = tpu.vector_load %arg24[%get3A_913, %get3A_914] {strides = array<i32>} : memref<80x128xf32, #tpu.memory_space<vmem>>, vector<1x16xf32>,
        %get3A_916 = vector.shape_cast %get3A_915 : vector<1x16xf32> to vector<16xf32>
        %add3A_917 = arith.addf %get3A_912, %get3A_916 : vector<16xf32>
        %swap3A_918 = arith.index_cast %scan3A_790 : i32 to index
        %swap3A_919 = arith.constant 96 : index
        %swap3A_920 = tpu.vector_load %arg26[%swap3A_918, %swap3A_919] {strides = array<i32>} : memref<80x128xf32, #tpu.memory_space<vmem>>, vector<1x16xf32>,
        %swap3A_921 = vector.shape_cast %swap3A_920 : vector<1x16xf32> to vector<16xf32>
        %swap3A_922 = vector.shape_cast %add3A_917 : vector<16xf32> to vector<1x16xf32>
        tpu.vector_store %arg26[%swap3A_918, %swap3A_919], %swap3A_922 {strides = array<i32>} : memref<80x128xf32, #tpu.memory_space<vmem>>, vector<1x16xf32>,
        %add3A_923 = arith.addf %scan3A_803, %add3A_917 : vector<16xf32>
        %mul3A_924 = arith.mulf %add3A_917, %add3A_917 : vector<16xf32>
        %add3A_925 = arith.addf %scan3A_804, %mul3A_924 : vector<16xf32>
        %get3A_926 = arith.index_cast %scan3A_790 : i32 to index
        %get3A_927 = arith.constant 112 : index
        %get3A_928 = tpu.vector_load %arg20[%get3A_926, %get3A_927] {strides = array<i32>} : memref<80x128xf32, #tpu.memory_space<vmem>>, vector<1x16xf32>,
        %get3A_929 = vector.shape_cast %get3A_928 : vector<1x16xf32> to vector<16xf32>
        %get3A_930 = arith.index_cast %scan3A_790 : i32 to index
        %get3A_931 = arith.constant 112 : index
        %get3A_932 = tpu.vector_load %arg24[%get3A_930, %get3A_931] {strides = array<i32>} : memref<80x128xf32, #tpu.memory_space<vmem>>, vector<1x16xf32>,
        %get3A_933 = vector.shape_cast %get3A_932 : vector<1x16xf32> to vector<16xf32>
        %add3A_934 = arith.addf %get3A_929, %get3A_933 : vector<16xf32>
        %swap3A_935 = arith.index_cast %scan3A_790 : i32 to index
        %swap3A_936 = arith.constant 112 : index
        %swap3A_937 = tpu.vector_load %arg26[%swap3A_935, %swap3A_936] {strides = array<i32>} : memref<80x128xf32, #tpu.memory_space<vmem>>, vector<1x16xf32>,
        %swap3A_938 = vector.shape_cast %swap3A_937 : vector<1x16xf32> to vector<16xf32>
        %swap3A_939 = vector.shape_cast %add3A_934 : vector<16xf32> to vector<1x16xf32>
        tpu.vector_store %arg26[%swap3A_935, %swap3A_936], %swap3A_939 {strides = array<i32>} : memref<80x128xf32, #tpu.memory_space<vmem>>, vector<1x16xf32>,
        %add3A_940 = arith.addf %scan3A_805, %add3A_934 : vector<16xf32>
        %mul3A_941 = arith.mulf %add3A_934, %add3A_934 : vector<16xf32>
        %add3A_942 = arith.addf %scan3A_806, %mul3A_941 : vector<16xf32>
        scf.yield %add3A_821, %add3A_823, %add3A_838, %add3A_840, %add3A_855, %add3A_857, %add3A_872, %add3A_874, %add3A_889, %add3A_891, %add3A_906, %add3A_908, %add3A_923, %add3A_925, %add3A_940, %add3A_942 : vector<16xf32>, vector<16xf32>, vector<16xf32>, vector<16xf32>, vector<16xf32>, vector<16xf32>, vector<16xf32>, vector<16xf32>, vector<16xf32>, vector<16xf32>, vector<16xf32>, vector<16xf32>, vector<16xf32>, vector<16xf32>, vector<16xf32>, vector<16xf32>
      }
      %scan3A_662 = arith.constant 80 : i32
      %mul3A_663 = arith.constant 80 : i32
      %mul3A_664 = arith.muli %add3A_628, %mul3A_663 : i32
      %add3A_665 = arith.addi %mul3A_2, %mul3A_664 : i32
      %dma_start3A_666 = arith.constant 0 : i32
      %dma_start3A_667 = tpu.memref_slice %arg6[%add3A_665, %dma_start3A_666] : memref<320000x128xf32, #tpu.memory_space<hbm>> -> memref<80x128xf32, #tpu.memory_space<hbm>>
      %dma_start3A_668 = arith.constant 0 : i32
      %dma_start3A_669 = tpu.memref_slice %arg6[%add3A_665, %dma_start3A_668] : memref<320000x128xf32, #tpu.memory_space<hbm>> -> memref<80x128xf32, #tpu.memory_space<hbm>>
      tpu.enqueue_dma source(%arg26 : memref<80x128xf32, #tpu.memory_space<vmem>>) target(%dma_start3A_669 : memref<80x128xf32, #tpu.memory_space<hbm>>) target_semaphore(%arg42 : memref<!tpu.dma_semaphore, #tpu.memory_space<semaphore_mem>>)
      %get3A_670 = arith.constant 0 : index
      %get3A_671 = tpu.vector_load %arg12[%get3A_670] {strides = array<i32>} : memref<80xi32, #tpu.memory_space<vmem>>, vector<16xi32>,
      %get3A_672 = vector.shape_cast %get3A_671 : vector<16xi32> to vector<16xi32>
      %swap3A_673 = arith.constant 0 : index
      %swap3A_674 = tpu.vector_load %arg32[%swap3A_673] {strides = array<i32>} : memref<80xi32, #tpu.memory_space<vmem>>, vector<16xi32>,
      %swap3A_675 = vector.shape_cast %swap3A_674 : vector<16xi32> to vector<16xi32>
      %swap3A_676 = vector.shape_cast %get3A_672 : vector<16xi32> to vector<16xi32>
      tpu.vector_store %arg32[%swap3A_673], %swap3A_676 {strides = array<i32>} : memref<80xi32, #tpu.memory_space<vmem>>, vector<16xi32>,
      %get3A_677 = arith.constant 16 : index
      %get3A_678 = tpu.vector_load %arg12[%get3A_677] {strides = array<i32>} : memref<80xi32, #tpu.memory_space<vmem>>, vector<16xi32>,
      %get3A_679 = vector.shape_cast %get3A_678 : vector<16xi32> to vector<16xi32>
      %swap3A_680 = arith.constant 16 : index
      %swap3A_681 = tpu.vector_load %arg32[%swap3A_680] {strides = array<i32>} : memref<80xi32, #tpu.memory_space<vmem>>, vector<16xi32>,
      %swap3A_682 = vector.shape_cast %swap3A_681 : vector<16xi32> to vector<16xi32>
      %swap3A_683 = vector.shape_cast %get3A_679 : vector<16xi32> to vector<16xi32>
      tpu.vector_store %arg32[%swap3A_680], %swap3A_683 {strides = array<i32>} : memref<80xi32, #tpu.memory_space<vmem>>, vector<16xi32>,
      %get3A_684 = arith.constant 32 : index
      %get3A_685 = tpu.vector_load %arg12[%get3A_684] {strides = array<i32>} : memref<80xi32, #tpu.memory_space<vmem>>, vector<16xi32>,
      %get3A_686 = vector.shape_cast %get3A_685 : vector<16xi32> to vector<16xi32>
      %swap3A_687 = arith.constant 32 : index
      %swap3A_688 = tpu.vector_load %arg32[%swap3A_687] {strides = array<i32>} : memref<80xi32, #tpu.memory_space<vmem>>, vector<16xi32>,
      %swap3A_689 = vector.shape_cast %swap3A_688 : vector<16xi32> to vector<16xi32>
      %swap3A_690 = vector.shape_cast %get3A_686 : vector<16xi32> to vector<16xi32>
      tpu.vector_store %arg32[%swap3A_687], %swap3A_690 {strides = array<i32>} : memref<80xi32, #tpu.memory_space<vmem>>, vector<16xi32>,
      %get3A_691 = arith.constant 48 : index
      %get3A_692 = tpu.vector_load %arg12[%get3A_691] {strides = array<i32>} : memref<80xi32, #tpu.memory_space<vmem>>, vector<16xi32>,
      %get3A_693 = vector.shape_cast %get3A_692 : vector<16xi32> to vector<16xi32>
      %swap3A_694 = arith.constant 48 : index
      %swap3A_695 = tpu.vector_load %arg32[%swap3A_694] {strides = array<i32>} : memref<80xi32, #tpu.memory_space<vmem>>, vector<16xi32>,
      %swap3A_696 = vector.shape_cast %swap3A_695 : vector<16xi32> to vector<16xi32>
      %swap3A_697 = vector.shape_cast %get3A_693 : vector<16xi32> to vector<16xi32>
      tpu.vector_store %arg32[%swap3A_694], %swap3A_697 {strides = array<i32>} : memref<80xi32, #tpu.memory_space<vmem>>, vector<16xi32>,
      %get3A_698 = arith.constant 64 : index
      %get3A_699 = tpu.vector_load %arg12[%get3A_698] {strides = array<i32>} : memref<80xi32, #tpu.memory_space<vmem>>, vector<16xi32>,
      %get3A_700 = vector.shape_cast %get3A_699 : vector<16xi32> to vector<16xi32>
      %swap3A_701 = arith.constant 64 : index
      %swap3A_702 = tpu.vector_load %arg32[%swap3A_701] {strides = array<i32>} : memref<80xi32, #tpu.memory_space<vmem>>, vector<16xi32>,
      %swap3A_703 = vector.shape_cast %swap3A_702 : vector<16xi32> to vector<16xi32>
      %swap3A_704 = vector.shape_cast %get3A_700 : vector<16xi32> to vector<16xi32>
      tpu.vector_store %arg32[%swap3A_701], %swap3A_704 {strides = array<i32>} : memref<80xi32, #tpu.memory_space<vmem>>, vector<16xi32>,
      %dma_start3A_705 = arith.constant 0 : i32
      %dma_start3A_706 = tpu.memref_slice %arg31[%dma_start3A_705] : memref<10240xf32, #tpu.memory_space<vmem_shared>> -> memref<10240xf32, #tpu.memory_space<vmem_shared>>
      tpu.enqueue_indirect_dma source(%arg28 : memref<80xf32, #tpu.memory_space<vmem>>) target(%dma_start3A_706 : memref<10240xf32, #tpu.memory_space<vmem_shared>>) offsets(%arg32 : memref<80xi32, #tpu.memory_space<vmem>>) semaphore(%arg44 : memref<!tpu.dma_semaphore, #tpu.memory_space<semaphore_mem>>) {add = true}
      %lt3A_707 = arith.constant 30 : i32
      %lt3A_708 = arith.cmpi slt, %scan3A_437, %lt3A_707 : i32
      %convert_element_type3A_709 = arith.extui %lt3A_708 : i1 to i32
      %cond3A_710 = arith.constant 0 : i32
      %cond3A_711 = arith.cmpi ne, %convert_element_type3A_709, %cond3A_710 : i32
      scf.if %cond3A_711 {
        %add3A_790 = arith.constant 4 : i32
        %add3A_791 = arith.addi %add3A_628, %add3A_790 : i32
        %mul3A_792 = arith.constant 80 : i32
        %mul3A_793 = arith.muli %add3A_791, %mul3A_792 : i32
        %add3A_794 = arith.addi %mul3A_2, %mul3A_793 : i32
        %dma_start3A_795 = tpu.memref_slice %arg2[%add3A_794] : memref<320000xi32, #tpu.memory_space<hbm>> -> memref<80xi32, #tpu.memory_space<hbm>>
        %dma_start3A_796 = tpu.memref_slice %arg2[%add3A_794] : memref<320000xi32, #tpu.memory_space<hbm>> -> memref<80xi32, #tpu.memory_space<hbm>>
        tpu.enqueue_dma source(%dma_start3A_796 : memref<80xi32, #tpu.memory_space<hbm>>) target(%arg12 : memref<80xi32, #tpu.memory_space<vmem>>) target_semaphore(%arg36 : memref<!tpu.dma_semaphore, #tpu.memory_space<semaphore_mem>>)
        %mul3A_797 = arith.constant 80 : i32
        %mul3A_798 = arith.muli %add3A_791, %mul3A_797 : i32
        %add3A_799 = arith.addi %mul3A_2, %mul3A_798 : i32
        %dma_start3A_800 = tpu.memref_slice %arg3[%add3A_799] : memref<320000xi32, #tpu.memory_space<hbm>> -> memref<80xi32, #tpu.memory_space<hbm>>
        %dma_start3A_801 = tpu.memref_slice %arg3[%add3A_799] : memref<320000xi32, #tpu.memory_space<hbm>> -> memref<80xi32, #tpu.memory_space<hbm>>
        tpu.enqueue_dma source(%dma_start3A_801 : memref<80xi32, #tpu.memory_space<hbm>>) target(%arg16 : memref<80xi32, #tpu.memory_space<vmem>>) target_semaphore(%arg36 : memref<!tpu.dma_semaphore, #tpu.memory_space<semaphore_mem>>)
      } else {
      }
      %mul3A_712 = arith.constant 4 : i32
      %mul3A_713 = arith.muli %mul3A_712, %scan3A_437 : i32
      %add3A_714 = arith.constant 3 : i32
      %add3A_715 = arith.addi %mul3A_713, %add3A_714 : i32
      %dma_wait3A_716 = arith.constant 0 : i32
      %dma_wait3A_717 = arith.constant 0 : i32
      %dma_wait3A_718 = tpu.memref_slice %arg4[%dma_wait3A_716, %dma_wait3A_717] : memref<10000x128xf32, #tpu.memory_space<hbm>> -> memref<10000x128xf32, #tpu.memory_space<hbm>>
      tpu.wait_indirect_dma semaphore(%arg41 : memref<!tpu.dma_semaphore, #tpu.memory_space<semaphore_mem>>) src(%dma_wait3A_718 : memref<10000x128xf32, #tpu.memory_space<hbm>>) dst(%arg21 : memref<80x128xf32, #tpu.memory_space<vmem>>)
      %dma_wait3A_719 = arith.constant 0 : i32
      %dma_wait3A_720 = arith.constant 0 : i32
      %dma_wait3A_721 = tpu.memref_slice %arg5[%dma_wait3A_719, %dma_wait3A_720] : memref<10000x128xf32, #tpu.memory_space<hbm>> -> memref<10000x128xf32, #tpu.memory_space<hbm>>
      tpu.wait_indirect_dma semaphore(%arg41 : memref<!tpu.dma_semaphore, #tpu.memory_space<semaphore_mem>>) src(%dma_wait3A_721 : memref<10000x128xf32, #tpu.memory_space<hbm>>) dst(%arg25 : memref<80x128xf32, #tpu.memory_space<vmem>>)
      %lt3A_722 = arith.constant 30 : i32
      %lt3A_723 = arith.cmpi slt, %scan3A_437, %lt3A_722 : i32
      %convert_element_type3A_724 = arith.extui %lt3A_723 : i1 to i32
      %cond3A_725 = arith.constant 0 : i32
      %cond3A_726 = arith.cmpi ne, %convert_element_type3A_724, %cond3A_725 : i32
      scf.if %cond3A_726 {
        %dma_wait3A_790 = arith.constant 0 : i32
        %dma_wait3A_791 = tpu.memref_slice %arg2[%dma_wait3A_790] : memref<320000xi32, #tpu.memory_space<hbm>> -> memref<80xi32, #tpu.memory_space<hbm>>
        %dma_wait3A_792 = arith.constant 0 : i32
        %dma_wait3A_793 = tpu.memref_slice %arg2[%dma_wait3A_792] : memref<320000xi32, #tpu.memory_space<hbm>> -> memref<80xi32, #tpu.memory_space<hbm>>
        tpu.wait_dma2 semaphore(%arg35 : memref<!tpu.dma_semaphore, #tpu.memory_space<semaphore_mem>>) src(%dma_wait3A_793 : memref<80xi32, #tpu.memory_space<hbm>>) dst(%arg11 : memref<80xi32, #tpu.memory_space<vmem>>)
        %dma_wait3A_794 = arith.constant 0 : i32
        %dma_wait3A_795 = tpu.memref_slice %arg3[%dma_wait3A_794] : memref<320000xi32, #tpu.memory_space<hbm>> -> memref<80xi32, #tpu.memory_space<hbm>>
        %dma_wait3A_796 = arith.constant 0 : i32
        %dma_wait3A_797 = tpu.memref_slice %arg3[%dma_wait3A_796] : memref<320000xi32, #tpu.memory_space<hbm>> -> memref<80xi32, #tpu.memory_space<hbm>>
        tpu.wait_dma2 semaphore(%arg35 : memref<!tpu.dma_semaphore, #tpu.memory_space<semaphore_mem>>) src(%dma_wait3A_797 : memref<80xi32, #tpu.memory_space<hbm>>) dst(%arg15 : memref<80xi32, #tpu.memory_space<vmem>>)
        %dma_start3A_798 = arith.constant 0 : i32
        %dma_start3A_799 = arith.constant 0 : i32
        %dma_start3A_800 = tpu.memref_slice %arg4[%dma_start3A_798, %dma_start3A_799] : memref<10000x128xf32, #tpu.memory_space<hbm>> -> memref<10000x128xf32, #tpu.memory_space<hbm>>
        tpu.enqueue_indirect_dma source(%dma_start3A_800 : memref<10000x128xf32, #tpu.memory_space<hbm>>) target(%arg19 : memref<80x128xf32, #tpu.memory_space<vmem>>) offsets(%arg11 : memref<80xi32, #tpu.memory_space<vmem>>) semaphore(%arg39 : memref<!tpu.dma_semaphore, #tpu.memory_space<semaphore_mem>>)
        %dma_start3A_801 = arith.constant 0 : i32
        %dma_start3A_802 = arith.constant 0 : i32
        %dma_start3A_803 = tpu.memref_slice %arg5[%dma_start3A_801, %dma_start3A_802] : memref<10000x128xf32, #tpu.memory_space<hbm>> -> memref<10000x128xf32, #tpu.memory_space<hbm>>
        tpu.enqueue_indirect_dma source(%dma_start3A_803 : memref<10000x128xf32, #tpu.memory_space<hbm>>) target(%arg23 : memref<80x128xf32, #tpu.memory_space<vmem>>) offsets(%arg15 : memref<80xi32, #tpu.memory_space<vmem>>) semaphore(%arg39 : memref<!tpu.dma_semaphore, #tpu.memory_space<semaphore_mem>>)
      } else {
      }
      %dma_wait3A_727 = arith.constant 0 : i32
      %dma_wait3A_728 = arith.constant 0 : i32
      %dma_wait3A_729 = tpu.memref_slice %arg6[%dma_wait3A_727, %dma_wait3A_728] : memref<320000x128xf32, #tpu.memory_space<hbm>> -> memref<80x128xf32, #tpu.memory_space<hbm>>
      %dma_wait3A_730 = arith.constant 0 : i32
      %dma_wait3A_731 = arith.constant 0 : i32
      %dma_wait3A_732 = tpu.memref_slice %arg6[%dma_wait3A_730, %dma_wait3A_731] : memref<320000x128xf32, #tpu.memory_space<hbm>> -> memref<80x128xf32, #tpu.memory_space<hbm>>
      tpu.wait_dma2 semaphore(%arg43 : memref<!tpu.dma_semaphore, #tpu.memory_space<semaphore_mem>>) src(%arg27 : memref<80x128xf32, #tpu.memory_space<vmem>>) dst(%dma_wait3A_732 : memref<80x128xf32, #tpu.memory_space<hbm>>)
      %dma_wait3A_733 = arith.constant 0 : i32
      %dma_wait3A_734 = tpu.memref_slice %arg31[%dma_wait3A_733] : memref<10240xf32, #tpu.memory_space<vmem_shared>> -> memref<10240xf32, #tpu.memory_space<vmem_shared>>
      tpu.wait_indirect_dma semaphore(%arg45 : memref<!tpu.dma_semaphore, #tpu.memory_space<semaphore_mem>>) src(%arg28 : memref<80xf32, #tpu.memory_space<vmem>>) dst(%dma_wait3A_734 : memref<10240xf32, #tpu.memory_space<vmem_shared>>)
      %scan3A_735 = arith.constant 0 : i32
      %scan3A_736 = arith.constant 80 : i32
      %scan3A_737 = arith.addi %scan3A_735, %scan3A_736 : i32
      %scan3A_738 = arith.constant 1 : i32
      %scan3A_739:16 = scf.for %scan3A_790 = %scan3A_735 to %scan3A_737 step %scan3A_738 iter_args(%scan3A_791 = %scan3A_661#0, %scan3A_792 = %scan3A_661#1, %scan3A_793 = %scan3A_661#2, %scan3A_794 = %scan3A_661#3, %scan3A_795 = %scan3A_661#4, %scan3A_796 = %scan3A_661#5, %scan3A_797 = %scan3A_661#6, %scan3A_798 = %scan3A_661#7, %scan3A_799 = %scan3A_661#8, %scan3A_800 = %scan3A_661#9, %scan3A_801 = %scan3A_661#10, %scan3A_802 = %scan3A_661#11, %scan3A_803 = %scan3A_661#12, %scan3A_804 = %scan3A_661#13, %scan3A_805 = %scan3A_661#14, %scan3A_806 = %scan3A_661#15) -> (vector<16xf32>, vector<16xf32>, vector<16xf32>, vector<16xf32>, vector<16xf32>, vector<16xf32>, vector<16xf32>, vector<16xf32>, vector<16xf32>, vector<16xf32>, vector<16xf32>, vector<16xf32>, vector<16xf32>, vector<16xf32>, vector<16xf32>, vector<16xf32>)  : i32 {
        %get3A_807 = arith.index_cast %scan3A_790 : i32 to index
        %get3A_808 = arith.constant 0 : index
        %get3A_809 = tpu.vector_load %arg21[%get3A_807, %get3A_808] {strides = array<i32>} : memref<80x128xf32, #tpu.memory_space<vmem>>, vector<1x16xf32>,
        %get3A_810 = vector.shape_cast %get3A_809 : vector<1x16xf32> to vector<16xf32>
        %get3A_811 = arith.index_cast %scan3A_790 : i32 to index
        %get3A_812 = arith.constant 0 : index
        %get3A_813 = tpu.vector_load %arg25[%get3A_811, %get3A_812] {strides = array<i32>} : memref<80x128xf32, #tpu.memory_space<vmem>>, vector<1x16xf32>,
        %get3A_814 = vector.shape_cast %get3A_813 : vector<1x16xf32> to vector<16xf32>
        %add3A_815 = arith.addf %get3A_810, %get3A_814 : vector<16xf32>
        %swap3A_816 = arith.index_cast %scan3A_790 : i32 to index
        %swap3A_817 = arith.constant 0 : index
        %swap3A_818 = tpu.vector_load %arg27[%swap3A_816, %swap3A_817] {strides = array<i32>} : memref<80x128xf32, #tpu.memory_space<vmem>>, vector<1x16xf32>,
        %swap3A_819 = vector.shape_cast %swap3A_818 : vector<1x16xf32> to vector<16xf32>
        %swap3A_820 = vector.shape_cast %add3A_815 : vector<16xf32> to vector<1x16xf32>
        tpu.vector_store %arg27[%swap3A_816, %swap3A_817], %swap3A_820 {strides = array<i32>} : memref<80x128xf32, #tpu.memory_space<vmem>>, vector<1x16xf32>,
        %add3A_821 = arith.addf %scan3A_791, %add3A_815 : vector<16xf32>
        %mul3A_822 = arith.mulf %add3A_815, %add3A_815 : vector<16xf32>
        %add3A_823 = arith.addf %scan3A_792, %mul3A_822 : vector<16xf32>
        %get3A_824 = arith.index_cast %scan3A_790 : i32 to index
        %get3A_825 = arith.constant 16 : index
        %get3A_826 = tpu.vector_load %arg21[%get3A_824, %get3A_825] {strides = array<i32>} : memref<80x128xf32, #tpu.memory_space<vmem>>, vector<1x16xf32>,
        %get3A_827 = vector.shape_cast %get3A_826 : vector<1x16xf32> to vector<16xf32>
        %get3A_828 = arith.index_cast %scan3A_790 : i32 to index
        %get3A_829 = arith.constant 16 : index
        %get3A_830 = tpu.vector_load %arg25[%get3A_828, %get3A_829] {strides = array<i32>} : memref<80x128xf32, #tpu.memory_space<vmem>>, vector<1x16xf32>,
        %get3A_831 = vector.shape_cast %get3A_830 : vector<1x16xf32> to vector<16xf32>
        %add3A_832 = arith.addf %get3A_827, %get3A_831 : vector<16xf32>
        %swap3A_833 = arith.index_cast %scan3A_790 : i32 to index
        %swap3A_834 = arith.constant 16 : index
        %swap3A_835 = tpu.vector_load %arg27[%swap3A_833, %swap3A_834] {strides = array<i32>} : memref<80x128xf32, #tpu.memory_space<vmem>>, vector<1x16xf32>,
        %swap3A_836 = vector.shape_cast %swap3A_835 : vector<1x16xf32> to vector<16xf32>
        %swap3A_837 = vector.shape_cast %add3A_832 : vector<16xf32> to vector<1x16xf32>
        tpu.vector_store %arg27[%swap3A_833, %swap3A_834], %swap3A_837 {strides = array<i32>} : memref<80x128xf32, #tpu.memory_space<vmem>>, vector<1x16xf32>,
        %add3A_838 = arith.addf %scan3A_793, %add3A_832 : vector<16xf32>
        %mul3A_839 = arith.mulf %add3A_832, %add3A_832 : vector<16xf32>
        %add3A_840 = arith.addf %scan3A_794, %mul3A_839 : vector<16xf32>
        %get3A_841 = arith.index_cast %scan3A_790 : i32 to index
        %get3A_842 = arith.constant 32 : index
        %get3A_843 = tpu.vector_load %arg21[%get3A_841, %get3A_842] {strides = array<i32>} : memref<80x128xf32, #tpu.memory_space<vmem>>, vector<1x16xf32>,
        %get3A_844 = vector.shape_cast %get3A_843 : vector<1x16xf32> to vector<16xf32>
        %get3A_845 = arith.index_cast %scan3A_790 : i32 to index
        %get3A_846 = arith.constant 32 : index
        %get3A_847 = tpu.vector_load %arg25[%get3A_845, %get3A_846] {strides = array<i32>} : memref<80x128xf32, #tpu.memory_space<vmem>>, vector<1x16xf32>,
        %get3A_848 = vector.shape_cast %get3A_847 : vector<1x16xf32> to vector<16xf32>
        %add3A_849 = arith.addf %get3A_844, %get3A_848 : vector<16xf32>
        %swap3A_850 = arith.index_cast %scan3A_790 : i32 to index
        %swap3A_851 = arith.constant 32 : index
        %swap3A_852 = tpu.vector_load %arg27[%swap3A_850, %swap3A_851] {strides = array<i32>} : memref<80x128xf32, #tpu.memory_space<vmem>>, vector<1x16xf32>,
        %swap3A_853 = vector.shape_cast %swap3A_852 : vector<1x16xf32> to vector<16xf32>
        %swap3A_854 = vector.shape_cast %add3A_849 : vector<16xf32> to vector<1x16xf32>
        tpu.vector_store %arg27[%swap3A_850, %swap3A_851], %swap3A_854 {strides = array<i32>} : memref<80x128xf32, #tpu.memory_space<vmem>>, vector<1x16xf32>,
        %add3A_855 = arith.addf %scan3A_795, %add3A_849 : vector<16xf32>
        %mul3A_856 = arith.mulf %add3A_849, %add3A_849 : vector<16xf32>
        %add3A_857 = arith.addf %scan3A_796, %mul3A_856 : vector<16xf32>
        %get3A_858 = arith.index_cast %scan3A_790 : i32 to index
        %get3A_859 = arith.constant 48 : index
        %get3A_860 = tpu.vector_load %arg21[%get3A_858, %get3A_859] {strides = array<i32>} : memref<80x128xf32, #tpu.memory_space<vmem>>, vector<1x16xf32>,
        %get3A_861 = vector.shape_cast %get3A_860 : vector<1x16xf32> to vector<16xf32>
        %get3A_862 = arith.index_cast %scan3A_790 : i32 to index
        %get3A_863 = arith.constant 48 : index
        %get3A_864 = tpu.vector_load %arg25[%get3A_862, %get3A_863] {strides = array<i32>} : memref<80x128xf32, #tpu.memory_space<vmem>>, vector<1x16xf32>,
        %get3A_865 = vector.shape_cast %get3A_864 : vector<1x16xf32> to vector<16xf32>
        %add3A_866 = arith.addf %get3A_861, %get3A_865 : vector<16xf32>
        %swap3A_867 = arith.index_cast %scan3A_790 : i32 to index
        %swap3A_868 = arith.constant 48 : index
        %swap3A_869 = tpu.vector_load %arg27[%swap3A_867, %swap3A_868] {strides = array<i32>} : memref<80x128xf32, #tpu.memory_space<vmem>>, vector<1x16xf32>,
        %swap3A_870 = vector.shape_cast %swap3A_869 : vector<1x16xf32> to vector<16xf32>
        %swap3A_871 = vector.shape_cast %add3A_866 : vector<16xf32> to vector<1x16xf32>
        tpu.vector_store %arg27[%swap3A_867, %swap3A_868], %swap3A_871 {strides = array<i32>} : memref<80x128xf32, #tpu.memory_space<vmem>>, vector<1x16xf32>,
        %add3A_872 = arith.addf %scan3A_797, %add3A_866 : vector<16xf32>
        %mul3A_873 = arith.mulf %add3A_866, %add3A_866 : vector<16xf32>
        %add3A_874 = arith.addf %scan3A_798, %mul3A_873 : vector<16xf32>
        %get3A_875 = arith.index_cast %scan3A_790 : i32 to index
        %get3A_876 = arith.constant 64 : index
        %get3A_877 = tpu.vector_load %arg21[%get3A_875, %get3A_876] {strides = array<i32>} : memref<80x128xf32, #tpu.memory_space<vmem>>, vector<1x16xf32>,
        %get3A_878 = vector.shape_cast %get3A_877 : vector<1x16xf32> to vector<16xf32>
        %get3A_879 = arith.index_cast %scan3A_790 : i32 to index
        %get3A_880 = arith.constant 64 : index
        %get3A_881 = tpu.vector_load %arg25[%get3A_879, %get3A_880] {strides = array<i32>} : memref<80x128xf32, #tpu.memory_space<vmem>>, vector<1x16xf32>,
        %get3A_882 = vector.shape_cast %get3A_881 : vector<1x16xf32> to vector<16xf32>
        %add3A_883 = arith.addf %get3A_878, %get3A_882 : vector<16xf32>
        %swap3A_884 = arith.index_cast %scan3A_790 : i32 to index
        %swap3A_885 = arith.constant 64 : index
        %swap3A_886 = tpu.vector_load %arg27[%swap3A_884, %swap3A_885] {strides = array<i32>} : memref<80x128xf32, #tpu.memory_space<vmem>>, vector<1x16xf32>,
        %swap3A_887 = vector.shape_cast %swap3A_886 : vector<1x16xf32> to vector<16xf32>
        %swap3A_888 = vector.shape_cast %add3A_883 : vector<16xf32> to vector<1x16xf32>
        tpu.vector_store %arg27[%swap3A_884, %swap3A_885], %swap3A_888 {strides = array<i32>} : memref<80x128xf32, #tpu.memory_space<vmem>>, vector<1x16xf32>,
        %add3A_889 = arith.addf %scan3A_799, %add3A_883 : vector<16xf32>
        %mul3A_890 = arith.mulf %add3A_883, %add3A_883 : vector<16xf32>
        %add3A_891 = arith.addf %scan3A_800, %mul3A_890 : vector<16xf32>
        %get3A_892 = arith.index_cast %scan3A_790 : i32 to index
        %get3A_893 = arith.constant 80 : index
        %get3A_894 = tpu.vector_load %arg21[%get3A_892, %get3A_893] {strides = array<i32>} : memref<80x128xf32, #tpu.memory_space<vmem>>, vector<1x16xf32>,
        %get3A_895 = vector.shape_cast %get3A_894 : vector<1x16xf32> to vector<16xf32>
        %get3A_896 = arith.index_cast %scan3A_790 : i32 to index
        %get3A_897 = arith.constant 80 : index
        %get3A_898 = tpu.vector_load %arg25[%get3A_896, %get3A_897] {strides = array<i32>} : memref<80x128xf32, #tpu.memory_space<vmem>>, vector<1x16xf32>,
        %get3A_899 = vector.shape_cast %get3A_898 : vector<1x16xf32> to vector<16xf32>
        %add3A_900 = arith.addf %get3A_895, %get3A_899 : vector<16xf32>
        %swap3A_901 = arith.index_cast %scan3A_790 : i32 to index
        %swap3A_902 = arith.constant 80 : index
        %swap3A_903 = tpu.vector_load %arg27[%swap3A_901, %swap3A_902] {strides = array<i32>} : memref<80x128xf32, #tpu.memory_space<vmem>>, vector<1x16xf32>,
        %swap3A_904 = vector.shape_cast %swap3A_903 : vector<1x16xf32> to vector<16xf32>
        %swap3A_905 = vector.shape_cast %add3A_900 : vector<16xf32> to vector<1x16xf32>
        tpu.vector_store %arg27[%swap3A_901, %swap3A_902], %swap3A_905 {strides = array<i32>} : memref<80x128xf32, #tpu.memory_space<vmem>>, vector<1x16xf32>,
        %add3A_906 = arith.addf %scan3A_801, %add3A_900 : vector<16xf32>
        %mul3A_907 = arith.mulf %add3A_900, %add3A_900 : vector<16xf32>
        %add3A_908 = arith.addf %scan3A_802, %mul3A_907 : vector<16xf32>
        %get3A_909 = arith.index_cast %scan3A_790 : i32 to index
        %get3A_910 = arith.constant 96 : index
        %get3A_911 = tpu.vector_load %arg21[%get3A_909, %get3A_910] {strides = array<i32>} : memref<80x128xf32, #tpu.memory_space<vmem>>, vector<1x16xf32>,
        %get3A_912 = vector.shape_cast %get3A_911 : vector<1x16xf32> to vector<16xf32>
        %get3A_913 = arith.index_cast %scan3A_790 : i32 to index
        %get3A_914 = arith.constant 96 : index
        %get3A_915 = tpu.vector_load %arg25[%get3A_913, %get3A_914] {strides = array<i32>} : memref<80x128xf32, #tpu.memory_space<vmem>>, vector<1x16xf32>,
        %get3A_916 = vector.shape_cast %get3A_915 : vector<1x16xf32> to vector<16xf32>
        %add3A_917 = arith.addf %get3A_912, %get3A_916 : vector<16xf32>
        %swap3A_918 = arith.index_cast %scan3A_790 : i32 to index
        %swap3A_919 = arith.constant 96 : index
        %swap3A_920 = tpu.vector_load %arg27[%swap3A_918, %swap3A_919] {strides = array<i32>} : memref<80x128xf32, #tpu.memory_space<vmem>>, vector<1x16xf32>,
        %swap3A_921 = vector.shape_cast %swap3A_920 : vector<1x16xf32> to vector<16xf32>
        %swap3A_922 = vector.shape_cast %add3A_917 : vector<16xf32> to vector<1x16xf32>
        tpu.vector_store %arg27[%swap3A_918, %swap3A_919], %swap3A_922 {strides = array<i32>} : memref<80x128xf32, #tpu.memory_space<vmem>>, vector<1x16xf32>,
        %add3A_923 = arith.addf %scan3A_803, %add3A_917 : vector<16xf32>
        %mul3A_924 = arith.mulf %add3A_917, %add3A_917 : vector<16xf32>
        %add3A_925 = arith.addf %scan3A_804, %mul3A_924 : vector<16xf32>
        %get3A_926 = arith.index_cast %scan3A_790 : i32 to index
        %get3A_927 = arith.constant 112 : index
        %get3A_928 = tpu.vector_load %arg21[%get3A_926, %get3A_927] {strides = array<i32>} : memref<80x128xf32, #tpu.memory_space<vmem>>, vector<1x16xf32>,
        %get3A_929 = vector.shape_cast %get3A_928 : vector<1x16xf32> to vector<16xf32>
        %get3A_930 = arith.index_cast %scan3A_790 : i32 to index
        %get3A_931 = arith.constant 112 : index
        %get3A_932 = tpu.vector_load %arg25[%get3A_930, %get3A_931] {strides = array<i32>} : memref<80x128xf32, #tpu.memory_space<vmem>>, vector<1x16xf32>,
        %get3A_933 = vector.shape_cast %get3A_932 : vector<1x16xf32> to vector<16xf32>
        %add3A_934 = arith.addf %get3A_929, %get3A_933 : vector<16xf32>
        %swap3A_935 = arith.index_cast %scan3A_790 : i32 to index
        %swap3A_936 = arith.constant 112 : index
        %swap3A_937 = tpu.vector_load %arg27[%swap3A_935, %swap3A_936] {strides = array<i32>} : memref<80x128xf32, #tpu.memory_space<vmem>>, vector<1x16xf32>,
        %swap3A_938 = vector.shape_cast %swap3A_937 : vector<1x16xf32> to vector<16xf32>
        %swap3A_939 = vector.shape_cast %add3A_934 : vector<16xf32> to vector<1x16xf32>
        tpu.vector_store %arg27[%swap3A_935, %swap3A_936], %swap3A_939 {strides = array<i32>} : memref<80x128xf32, #tpu.memory_space<vmem>>, vector<1x16xf32>,
        %add3A_940 = arith.addf %scan3A_805, %add3A_934 : vector<16xf32>
        %mul3A_941 = arith.mulf %add3A_934, %add3A_934 : vector<16xf32>
        %add3A_942 = arith.addf %scan3A_806, %mul3A_941 : vector<16xf32>
        scf.yield %add3A_821, %add3A_823, %add3A_838, %add3A_840, %add3A_855, %add3A_857, %add3A_872, %add3A_874, %add3A_889, %add3A_891, %add3A_906, %add3A_908, %add3A_923, %add3A_925, %add3A_940, %add3A_942 : vector<16xf32>, vector<16xf32>, vector<16xf32>, vector<16xf32>, vector<16xf32>, vector<16xf32>, vector<16xf32>, vector<16xf32>, vector<16xf32>, vector<16xf32>, vector<16xf32>, vector<16xf32>, vector<16xf32>, vector<16xf32>, vector<16xf32>, vector<16xf32>
      }
      %scan3A_740 = arith.constant 80 : i32
      %mul3A_741 = arith.constant 80 : i32
      %mul3A_742 = arith.muli %add3A_715, %mul3A_741 : i32
      %add3A_743 = arith.addi %mul3A_2, %mul3A_742 : i32
      %dma_start3A_744 = arith.constant 0 : i32
      %dma_start3A_745 = tpu.memref_slice %arg6[%add3A_743, %dma_start3A_744] : memref<320000x128xf32, #tpu.memory_space<hbm>> -> memref<80x128xf32, #tpu.memory_space<hbm>>
      %dma_start3A_746 = arith.constant 0 : i32
      %dma_start3A_747 = tpu.memref_slice %arg6[%add3A_743, %dma_start3A_746] : memref<320000x128xf32, #tpu.memory_space<hbm>> -> memref<80x128xf32, #tpu.memory_space<hbm>>
      tpu.enqueue_dma source(%arg27 : memref<80x128xf32, #tpu.memory_space<vmem>>) target(%dma_start3A_747 : memref<80x128xf32, #tpu.memory_space<hbm>>) target_semaphore(%arg43 : memref<!tpu.dma_semaphore, #tpu.memory_space<semaphore_mem>>)
      %get3A_748 = arith.constant 0 : index
      %get3A_749 = tpu.vector_load %arg13[%get3A_748] {strides = array<i32>} : memref<80xi32, #tpu.memory_space<vmem>>, vector<16xi32>,
      %get3A_750 = vector.shape_cast %get3A_749 : vector<16xi32> to vector<16xi32>
      %swap3A_751 = arith.constant 0 : index
      %swap3A_752 = tpu.vector_load %arg33[%swap3A_751] {strides = array<i32>} : memref<80xi32, #tpu.memory_space<vmem>>, vector<16xi32>,
      %swap3A_753 = vector.shape_cast %swap3A_752 : vector<16xi32> to vector<16xi32>
      %swap3A_754 = vector.shape_cast %get3A_750 : vector<16xi32> to vector<16xi32>
      tpu.vector_store %arg33[%swap3A_751], %swap3A_754 {strides = array<i32>} : memref<80xi32, #tpu.memory_space<vmem>>, vector<16xi32>,
      %get3A_755 = arith.constant 16 : index
      %get3A_756 = tpu.vector_load %arg13[%get3A_755] {strides = array<i32>} : memref<80xi32, #tpu.memory_space<vmem>>, vector<16xi32>,
      %get3A_757 = vector.shape_cast %get3A_756 : vector<16xi32> to vector<16xi32>
      %swap3A_758 = arith.constant 16 : index
      %swap3A_759 = tpu.vector_load %arg33[%swap3A_758] {strides = array<i32>} : memref<80xi32, #tpu.memory_space<vmem>>, vector<16xi32>,
      %swap3A_760 = vector.shape_cast %swap3A_759 : vector<16xi32> to vector<16xi32>
      %swap3A_761 = vector.shape_cast %get3A_757 : vector<16xi32> to vector<16xi32>
      tpu.vector_store %arg33[%swap3A_758], %swap3A_761 {strides = array<i32>} : memref<80xi32, #tpu.memory_space<vmem>>, vector<16xi32>,
      %get3A_762 = arith.constant 32 : index
      %get3A_763 = tpu.vector_load %arg13[%get3A_762] {strides = array<i32>} : memref<80xi32, #tpu.memory_space<vmem>>, vector<16xi32>,
      %get3A_764 = vector.shape_cast %get3A_763 : vector<16xi32> to vector<16xi32>
      %swap3A_765 = arith.constant 32 : index
      %swap3A_766 = tpu.vector_load %arg33[%swap3A_765] {strides = array<i32>} : memref<80xi32, #tpu.memory_space<vmem>>, vector<16xi32>,
      %swap3A_767 = vector.shape_cast %swap3A_766 : vector<16xi32> to vector<16xi32>
      %swap3A_768 = vector.shape_cast %get3A_764 : vector<16xi32> to vector<16xi32>
      tpu.vector_store %arg33[%swap3A_765], %swap3A_768 {strides = array<i32>} : memref<80xi32, #tpu.memory_space<vmem>>, vector<16xi32>,
      %get3A_769 = arith.constant 48 : index
      %get3A_770 = tpu.vector_load %arg13[%get3A_769] {strides = array<i32>} : memref<80xi32, #tpu.memory_space<vmem>>, vector<16xi32>,
      %get3A_771 = vector.shape_cast %get3A_770 : vector<16xi32> to vector<16xi32>
      %swap3A_772 = arith.constant 48 : index
      %swap3A_773 = tpu.vector_load %arg33[%swap3A_772] {strides = array<i32>} : memref<80xi32, #tpu.memory_space<vmem>>, vector<16xi32>,
      %swap3A_774 = vector.shape_cast %swap3A_773 : vector<16xi32> to vector<16xi32>
      %swap3A_775 = vector.shape_cast %get3A_771 : vector<16xi32> to vector<16xi32>
      tpu.vector_store %arg33[%swap3A_772], %swap3A_775 {strides = array<i32>} : memref<80xi32, #tpu.memory_space<vmem>>, vector<16xi32>,
      %get3A_776 = arith.constant 64 : index
      %get3A_777 = tpu.vector_load %arg13[%get3A_776] {strides = array<i32>} : memref<80xi32, #tpu.memory_space<vmem>>, vector<16xi32>,
      %get3A_778 = vector.shape_cast %get3A_777 : vector<16xi32> to vector<16xi32>
      %swap3A_779 = arith.constant 64 : index
      %swap3A_780 = tpu.vector_load %arg33[%swap3A_779] {strides = array<i32>} : memref<80xi32, #tpu.memory_space<vmem>>, vector<16xi32>,
      %swap3A_781 = vector.shape_cast %swap3A_780 : vector<16xi32> to vector<16xi32>
      %swap3A_782 = vector.shape_cast %get3A_778 : vector<16xi32> to vector<16xi32>
      tpu.vector_store %arg33[%swap3A_779], %swap3A_782 {strides = array<i32>} : memref<80xi32, #tpu.memory_space<vmem>>, vector<16xi32>,
      %dma_start3A_783 = arith.constant 0 : i32
      %dma_start3A_784 = tpu.memref_slice %arg31[%dma_start3A_783] : memref<10240xf32, #tpu.memory_space<vmem_shared>> -> memref<10240xf32, #tpu.memory_space<vmem_shared>>
      tpu.enqueue_indirect_dma source(%arg28 : memref<80xf32, #tpu.memory_space<vmem>>) target(%dma_start3A_784 : memref<10240xf32, #tpu.memory_space<vmem_shared>>) offsets(%arg33 : memref<80xi32, #tpu.memory_space<vmem>>) semaphore(%arg45 : memref<!tpu.dma_semaphore, #tpu.memory_space<semaphore_mem>>) {add = true}
      %lt3A_785 = arith.constant 30 : i32
      %lt3A_786 = arith.cmpi slt, %scan3A_437, %lt3A_785 : i32
      %convert_element_type3A_787 = arith.extui %lt3A_786 : i1 to i32
      %cond3A_788 = arith.constant 0 : i32
      %cond3A_789 = arith.cmpi ne, %convert_element_type3A_787, %cond3A_788 : i32
      scf.if %cond3A_789 {
        %add3A_790 = arith.constant 4 : i32
        %add3A_791 = arith.addi %add3A_715, %add3A_790 : i32
        %mul3A_792 = arith.constant 80 : i32
        %mul3A_793 = arith.muli %add3A_791, %mul3A_792 : i32
        %add3A_794 = arith.addi %mul3A_2, %mul3A_793 : i32
        %dma_start3A_795 = tpu.memref_slice %arg2[%add3A_794] : memref<320000xi32, #tpu.memory_space<hbm>> -> memref<80xi32, #tpu.memory_space<hbm>>
        %dma_start3A_796 = tpu.memref_slice %arg2[%add3A_794] : memref<320000xi32, #tpu.memory_space<hbm>> -> memref<80xi32, #tpu.memory_space<hbm>>
        tpu.enqueue_dma source(%dma_start3A_796 : memref<80xi32, #tpu.memory_space<hbm>>) target(%arg13 : memref<80xi32, #tpu.memory_space<vmem>>) target_semaphore(%arg37 : memref<!tpu.dma_semaphore, #tpu.memory_space<semaphore_mem>>)
        %mul3A_797 = arith.constant 80 : i32
        %mul3A_798 = arith.muli %add3A_791, %mul3A_797 : i32
        %add3A_799 = arith.addi %mul3A_2, %mul3A_798 : i32
        %dma_start3A_800 = tpu.memref_slice %arg3[%add3A_799] : memref<320000xi32, #tpu.memory_space<hbm>> -> memref<80xi32, #tpu.memory_space<hbm>>
        %dma_start3A_801 = tpu.memref_slice %arg3[%add3A_799] : memref<320000xi32, #tpu.memory_space<hbm>> -> memref<80xi32, #tpu.memory_space<hbm>>
        tpu.enqueue_dma source(%dma_start3A_801 : memref<80xi32, #tpu.memory_space<hbm>>) target(%arg17 : memref<80xi32, #tpu.memory_space<vmem>>) target_semaphore(%arg37 : memref<!tpu.dma_semaphore, #tpu.memory_space<semaphore_mem>>)
      } else {
      }
      scf.yield %scan3A_739#0, %scan3A_739#1, %scan3A_739#2, %scan3A_739#3, %scan3A_739#4, %scan3A_739#5, %scan3A_739#6, %scan3A_739#7, %scan3A_739#8, %scan3A_739#9, %scan3A_739#10, %scan3A_739#11, %scan3A_739#12, %scan3A_739#13, %scan3A_739#14, %scan3A_739#15 : vector<16xf32>, vector<16xf32>, vector<16xf32>, vector<16xf32>, vector<16xf32>, vector<16xf32>, vector<16xf32>, vector<16xf32>, vector<16xf32>, vector<16xf32>, vector<16xf32>, vector<16xf32>, vector<16xf32>, vector<16xf32>, vector<16xf32>, vector<16xf32>
    }
    %scan3A_289 = arith.constant 31 : i32
    %dma_wait3A_290 = arith.constant 0 : i32
    %dma_wait3A_291 = arith.constant 0 : i32
    %dma_wait3A_292 = tpu.memref_slice %arg4[%dma_wait3A_290, %dma_wait3A_291] : memref<10000x128xf32, #tpu.memory_space<hbm>> -> memref<10000x128xf32, #tpu.memory_space<hbm>>
    tpu.wait_indirect_dma semaphore(%arg38 : memref<!tpu.dma_semaphore, #tpu.memory_space<semaphore_mem>>) src(%dma_wait3A_292 : memref<10000x128xf32, #tpu.memory_space<hbm>>) dst(%arg18 : memref<80x128xf32, #tpu.memory_space<vmem>>)
    %dma_wait3A_293 = arith.constant 0 : i32
    %dma_wait3A_294 = arith.constant 0 : i32
    %dma_wait3A_295 = tpu.memref_slice %arg5[%dma_wait3A_293, %dma_wait3A_294] : memref<10000x128xf32, #tpu.memory_space<hbm>> -> memref<10000x128xf32, #tpu.memory_space<hbm>>
    tpu.wait_indirect_dma semaphore(%arg38 : memref<!tpu.dma_semaphore, #tpu.memory_space<semaphore_mem>>) src(%dma_wait3A_295 : memref<10000x128xf32, #tpu.memory_space<hbm>>) dst(%arg22 : memref<80x128xf32, #tpu.memory_space<vmem>>)
    %dma_wait3A_296 = arith.constant 0 : i32
    %dma_wait3A_297 = arith.constant 0 : i32
    %dma_wait3A_298 = tpu.memref_slice %arg6[%dma_wait3A_296, %dma_wait3A_297] : memref<320000x128xf32, #tpu.memory_space<hbm>> -> memref<80x128xf32, #tpu.memory_space<hbm>>
    %dma_wait3A_299 = arith.constant 0 : i32
    %dma_wait3A_300 = arith.constant 0 : i32
    %dma_wait3A_301 = tpu.memref_slice %arg6[%dma_wait3A_299, %dma_wait3A_300] : memref<320000x128xf32, #tpu.memory_space<hbm>> -> memref<80x128xf32, #tpu.memory_space<hbm>>
    tpu.wait_dma2 semaphore(%arg42 : memref<!tpu.dma_semaphore, #tpu.memory_space<semaphore_mem>>) src(%arg26 : memref<80x128xf32, #tpu.memory_space<vmem>>) dst(%dma_wait3A_301 : memref<80x128xf32, #tpu.memory_space<hbm>>)
    %dma_wait3A_302 = arith.constant 0 : i32
    %dma_wait3A_303 = tpu.memref_slice %arg31[%dma_wait3A_302] : memref<10240xf32, #tpu.memory_space<vmem_shared>> -> memref<10240xf32, #tpu.memory_space<vmem_shared>>
    tpu.wait_indirect_dma semaphore(%arg44 : memref<!tpu.dma_semaphore, #tpu.memory_space<semaphore_mem>>) src(%arg28 : memref<80xf32, #tpu.memory_space<vmem>>) dst(%dma_wait3A_303 : memref<10240xf32, #tpu.memory_space<vmem_shared>>)
    %scan3A_304 = arith.constant 0 : i32
    %scan3A_305 = arith.constant 80 : i32
    %scan3A_306 = arith.addi %scan3A_304, %scan3A_305 : i32
    %scan3A_307 = arith.constant 1 : i32
    %scan3A_308:16 = scf.for %scan3A_437 = %scan3A_304 to %scan3A_306 step %scan3A_307 iter_args(%scan3A_438 = %scan3A_288#0, %scan3A_439 = %scan3A_288#1, %scan3A_440 = %scan3A_288#2, %scan3A_441 = %scan3A_288#3, %scan3A_442 = %scan3A_288#4, %scan3A_443 = %scan3A_288#5, %scan3A_444 = %scan3A_288#6, %scan3A_445 = %scan3A_288#7, %scan3A_446 = %scan3A_288#8, %scan3A_447 = %scan3A_288#9, %scan3A_448 = %scan3A_288#10, %scan3A_449 = %scan3A_288#11, %scan3A_450 = %scan3A_288#12, %scan3A_451 = %scan3A_288#13, %scan3A_452 = %scan3A_288#14, %scan3A_453 = %scan3A_288#15) -> (vector<16xf32>, vector<16xf32>, vector<16xf32>, vector<16xf32>, vector<16xf32>, vector<16xf32>, vector<16xf32>, vector<16xf32>, vector<16xf32>, vector<16xf32>, vector<16xf32>, vector<16xf32>, vector<16xf32>, vector<16xf32>, vector<16xf32>, vector<16xf32>)  : i32 {
      %get3A_454 = arith.index_cast %scan3A_437 : i32 to index
      %get3A_455 = arith.constant 0 : index
      %get3A_456 = tpu.vector_load %arg18[%get3A_454, %get3A_455] {strides = array<i32>} : memref<80x128xf32, #tpu.memory_space<vmem>>, vector<1x16xf32>,
      %get3A_457 = vector.shape_cast %get3A_456 : vector<1x16xf32> to vector<16xf32>
      %get3A_458 = arith.index_cast %scan3A_437 : i32 to index
      %get3A_459 = arith.constant 0 : index
      %get3A_460 = tpu.vector_load %arg22[%get3A_458, %get3A_459] {strides = array<i32>} : memref<80x128xf32, #tpu.memory_space<vmem>>, vector<1x16xf32>,
      %get3A_461 = vector.shape_cast %get3A_460 : vector<1x16xf32> to vector<16xf32>
      %add3A_462 = arith.addf %get3A_457, %get3A_461 : vector<16xf32>
      %swap3A_463 = arith.index_cast %scan3A_437 : i32 to index
      %swap3A_464 = arith.constant 0 : index
      %swap3A_465 = tpu.vector_load %arg26[%swap3A_463, %swap3A_464] {strides = array<i32>} : memref<80x128xf32, #tpu.memory_space<vmem>>, vector<1x16xf32>,
      %swap3A_466 = vector.shape_cast %swap3A_465 : vector<1x16xf32> to vector<16xf32>
      %swap3A_467 = vector.shape_cast %add3A_462 : vector<16xf32> to vector<1x16xf32>
      tpu.vector_store %arg26[%swap3A_463, %swap3A_464], %swap3A_467 {strides = array<i32>} : memref<80x128xf32, #tpu.memory_space<vmem>>, vector<1x16xf32>,
      %add3A_468 = arith.addf %scan3A_438, %add3A_462 : vector<16xf32>
      %mul3A_469 = arith.mulf %add3A_462, %add3A_462 : vector<16xf32>
      %add3A_470 = arith.addf %scan3A_439, %mul3A_469 : vector<16xf32>
      %get3A_471 = arith.index_cast %scan3A_437 : i32 to index
      %get3A_472 = arith.constant 16 : index
      %get3A_473 = tpu.vector_load %arg18[%get3A_471, %get3A_472] {strides = array<i32>} : memref<80x128xf32, #tpu.memory_space<vmem>>, vector<1x16xf32>,
      %get3A_474 = vector.shape_cast %get3A_473 : vector<1x16xf32> to vector<16xf32>
      %get3A_475 = arith.index_cast %scan3A_437 : i32 to index
      %get3A_476 = arith.constant 16 : index
      %get3A_477 = tpu.vector_load %arg22[%get3A_475, %get3A_476] {strides = array<i32>} : memref<80x128xf32, #tpu.memory_space<vmem>>, vector<1x16xf32>,
      %get3A_478 = vector.shape_cast %get3A_477 : vector<1x16xf32> to vector<16xf32>
      %add3A_479 = arith.addf %get3A_474, %get3A_478 : vector<16xf32>
      %swap3A_480 = arith.index_cast %scan3A_437 : i32 to index
      %swap3A_481 = arith.constant 16 : index
      %swap3A_482 = tpu.vector_load %arg26[%swap3A_480, %swap3A_481] {strides = array<i32>} : memref<80x128xf32, #tpu.memory_space<vmem>>, vector<1x16xf32>,
      %swap3A_483 = vector.shape_cast %swap3A_482 : vector<1x16xf32> to vector<16xf32>
      %swap3A_484 = vector.shape_cast %add3A_479 : vector<16xf32> to vector<1x16xf32>
      tpu.vector_store %arg26[%swap3A_480, %swap3A_481], %swap3A_484 {strides = array<i32>} : memref<80x128xf32, #tpu.memory_space<vmem>>, vector<1x16xf32>,
      %add3A_485 = arith.addf %scan3A_440, %add3A_479 : vector<16xf32>
      %mul3A_486 = arith.mulf %add3A_479, %add3A_479 : vector<16xf32>
      %add3A_487 = arith.addf %scan3A_441, %mul3A_486 : vector<16xf32>
      %get3A_488 = arith.index_cast %scan3A_437 : i32 to index
      %get3A_489 = arith.constant 32 : index
      %get3A_490 = tpu.vector_load %arg18[%get3A_488, %get3A_489] {strides = array<i32>} : memref<80x128xf32, #tpu.memory_space<vmem>>, vector<1x16xf32>,
      %get3A_491 = vector.shape_cast %get3A_490 : vector<1x16xf32> to vector<16xf32>
      %get3A_492 = arith.index_cast %scan3A_437 : i32 to index
      %get3A_493 = arith.constant 32 : index
      %get3A_494 = tpu.vector_load %arg22[%get3A_492, %get3A_493] {strides = array<i32>} : memref<80x128xf32, #tpu.memory_space<vmem>>, vector<1x16xf32>,
      %get3A_495 = vector.shape_cast %get3A_494 : vector<1x16xf32> to vector<16xf32>
      %add3A_496 = arith.addf %get3A_491, %get3A_495 : vector<16xf32>
      %swap3A_497 = arith.index_cast %scan3A_437 : i32 to index
      %swap3A_498 = arith.constant 32 : index
      %swap3A_499 = tpu.vector_load %arg26[%swap3A_497, %swap3A_498] {strides = array<i32>} : memref<80x128xf32, #tpu.memory_space<vmem>>, vector<1x16xf32>,
      %swap3A_500 = vector.shape_cast %swap3A_499 : vector<1x16xf32> to vector<16xf32>
      %swap3A_501 = vector.shape_cast %add3A_496 : vector<16xf32> to vector<1x16xf32>
      tpu.vector_store %arg26[%swap3A_497, %swap3A_498], %swap3A_501 {strides = array<i32>} : memref<80x128xf32, #tpu.memory_space<vmem>>, vector<1x16xf32>,
      %add3A_502 = arith.addf %scan3A_442, %add3A_496 : vector<16xf32>
      %mul3A_503 = arith.mulf %add3A_496, %add3A_496 : vector<16xf32>
      %add3A_504 = arith.addf %scan3A_443, %mul3A_503 : vector<16xf32>
      %get3A_505 = arith.index_cast %scan3A_437 : i32 to index
      %get3A_506 = arith.constant 48 : index
      %get3A_507 = tpu.vector_load %arg18[%get3A_505, %get3A_506] {strides = array<i32>} : memref<80x128xf32, #tpu.memory_space<vmem>>, vector<1x16xf32>,
      %get3A_508 = vector.shape_cast %get3A_507 : vector<1x16xf32> to vector<16xf32>
      %get3A_509 = arith.index_cast %scan3A_437 : i32 to index
      %get3A_510 = arith.constant 48 : index
      %get3A_511 = tpu.vector_load %arg22[%get3A_509, %get3A_510] {strides = array<i32>} : memref<80x128xf32, #tpu.memory_space<vmem>>, vector<1x16xf32>,
      %get3A_512 = vector.shape_cast %get3A_511 : vector<1x16xf32> to vector<16xf32>
      %add3A_513 = arith.addf %get3A_508, %get3A_512 : vector<16xf32>
      %swap3A_514 = arith.index_cast %scan3A_437 : i32 to index
      %swap3A_515 = arith.constant 48 : index
      %swap3A_516 = tpu.vector_load %arg26[%swap3A_514, %swap3A_515] {strides = array<i32>} : memref<80x128xf32, #tpu.memory_space<vmem>>, vector<1x16xf32>,
      %swap3A_517 = vector.shape_cast %swap3A_516 : vector<1x16xf32> to vector<16xf32>
      %swap3A_518 = vector.shape_cast %add3A_513 : vector<16xf32> to vector<1x16xf32>
      tpu.vector_store %arg26[%swap3A_514, %swap3A_515], %swap3A_518 {strides = array<i32>} : memref<80x128xf32, #tpu.memory_space<vmem>>, vector<1x16xf32>,
      %add3A_519 = arith.addf %scan3A_444, %add3A_513 : vector<16xf32>
      %mul3A_520 = arith.mulf %add3A_513, %add3A_513 : vector<16xf32>
      %add3A_521 = arith.addf %scan3A_445, %mul3A_520 : vector<16xf32>
      %get3A_522 = arith.index_cast %scan3A_437 : i32 to index
      %get3A_523 = arith.constant 64 : index
      %get3A_524 = tpu.vector_load %arg18[%get3A_522, %get3A_523] {strides = array<i32>} : memref<80x128xf32, #tpu.memory_space<vmem>>, vector<1x16xf32>,
      %get3A_525 = vector.shape_cast %get3A_524 : vector<1x16xf32> to vector<16xf32>
      %get3A_526 = arith.index_cast %scan3A_437 : i32 to index
      %get3A_527 = arith.constant 64 : index
      %get3A_528 = tpu.vector_load %arg22[%get3A_526, %get3A_527] {strides = array<i32>} : memref<80x128xf32, #tpu.memory_space<vmem>>, vector<1x16xf32>,
      %get3A_529 = vector.shape_cast %get3A_528 : vector<1x16xf32> to vector<16xf32>
      %add3A_530 = arith.addf %get3A_525, %get3A_529 : vector<16xf32>
      %swap3A_531 = arith.index_cast %scan3A_437 : i32 to index
      %swap3A_532 = arith.constant 64 : index
      %swap3A_533 = tpu.vector_load %arg26[%swap3A_531, %swap3A_532] {strides = array<i32>} : memref<80x128xf32, #tpu.memory_space<vmem>>, vector<1x16xf32>,
      %swap3A_534 = vector.shape_cast %swap3A_533 : vector<1x16xf32> to vector<16xf32>
      %swap3A_535 = vector.shape_cast %add3A_530 : vector<16xf32> to vector<1x16xf32>
      tpu.vector_store %arg26[%swap3A_531, %swap3A_532], %swap3A_535 {strides = array<i32>} : memref<80x128xf32, #tpu.memory_space<vmem>>, vector<1x16xf32>,
      %add3A_536 = arith.addf %scan3A_446, %add3A_530 : vector<16xf32>
      %mul3A_537 = arith.mulf %add3A_530, %add3A_530 : vector<16xf32>
      %add3A_538 = arith.addf %scan3A_447, %mul3A_537 : vector<16xf32>
      %get3A_539 = arith.index_cast %scan3A_437 : i32 to index
      %get3A_540 = arith.constant 80 : index
      %get3A_541 = tpu.vector_load %arg18[%get3A_539, %get3A_540] {strides = array<i32>} : memref<80x128xf32, #tpu.memory_space<vmem>>, vector<1x16xf32>,
      %get3A_542 = vector.shape_cast %get3A_541 : vector<1x16xf32> to vector<16xf32>
      %get3A_543 = arith.index_cast %scan3A_437 : i32 to index
      %get3A_544 = arith.constant 80 : index
      %get3A_545 = tpu.vector_load %arg22[%get3A_543, %get3A_544] {strides = array<i32>} : memref<80x128xf32, #tpu.memory_space<vmem>>, vector<1x16xf32>,
      %get3A_546 = vector.shape_cast %get3A_545 : vector<1x16xf32> to vector<16xf32>
      %add3A_547 = arith.addf %get3A_542, %get3A_546 : vector<16xf32>
      %swap3A_548 = arith.index_cast %scan3A_437 : i32 to index
      %swap3A_549 = arith.constant 80 : index
      %swap3A_550 = tpu.vector_load %arg26[%swap3A_548, %swap3A_549] {strides = array<i32>} : memref<80x128xf32, #tpu.memory_space<vmem>>, vector<1x16xf32>,
      %swap3A_551 = vector.shape_cast %swap3A_550 : vector<1x16xf32> to vector<16xf32>
      %swap3A_552 = vector.shape_cast %add3A_547 : vector<16xf32> to vector<1x16xf32>
      tpu.vector_store %arg26[%swap3A_548, %swap3A_549], %swap3A_552 {strides = array<i32>} : memref<80x128xf32, #tpu.memory_space<vmem>>, vector<1x16xf32>,
      %add3A_553 = arith.addf %scan3A_448, %add3A_547 : vector<16xf32>
      %mul3A_554 = arith.mulf %add3A_547, %add3A_547 : vector<16xf32>
      %add3A_555 = arith.addf %scan3A_449, %mul3A_554 : vector<16xf32>
      %get3A_556 = arith.index_cast %scan3A_437 : i32 to index
      %get3A_557 = arith.constant 96 : index
      %get3A_558 = tpu.vector_load %arg18[%get3A_556, %get3A_557] {strides = array<i32>} : memref<80x128xf32, #tpu.memory_space<vmem>>, vector<1x16xf32>,
      %get3A_559 = vector.shape_cast %get3A_558 : vector<1x16xf32> to vector<16xf32>
      %get3A_560 = arith.index_cast %scan3A_437 : i32 to index
      %get3A_561 = arith.constant 96 : index
      %get3A_562 = tpu.vector_load %arg22[%get3A_560, %get3A_561] {strides = array<i32>} : memref<80x128xf32, #tpu.memory_space<vmem>>, vector<1x16xf32>,
      %get3A_563 = vector.shape_cast %get3A_562 : vector<1x16xf32> to vector<16xf32>
      %add3A_564 = arith.addf %get3A_559, %get3A_563 : vector<16xf32>
      %swap3A_565 = arith.index_cast %scan3A_437 : i32 to index
      %swap3A_566 = arith.constant 96 : index
      %swap3A_567 = tpu.vector_load %arg26[%swap3A_565, %swap3A_566] {strides = array<i32>} : memref<80x128xf32, #tpu.memory_space<vmem>>, vector<1x16xf32>,
      %swap3A_568 = vector.shape_cast %swap3A_567 : vector<1x16xf32> to vector<16xf32>
      %swap3A_569 = vector.shape_cast %add3A_564 : vector<16xf32> to vector<1x16xf32>
      tpu.vector_store %arg26[%swap3A_565, %swap3A_566], %swap3A_569 {strides = array<i32>} : memref<80x128xf32, #tpu.memory_space<vmem>>, vector<1x16xf32>,
      %add3A_570 = arith.addf %scan3A_450, %add3A_564 : vector<16xf32>
      %mul3A_571 = arith.mulf %add3A_564, %add3A_564 : vector<16xf32>
      %add3A_572 = arith.addf %scan3A_451, %mul3A_571 : vector<16xf32>
      %get3A_573 = arith.index_cast %scan3A_437 : i32 to index
      %get3A_574 = arith.constant 112 : index
      %get3A_575 = tpu.vector_load %arg18[%get3A_573, %get3A_574] {strides = array<i32>} : memref<80x128xf32, #tpu.memory_space<vmem>>, vector<1x16xf32>,
      %get3A_576 = vector.shape_cast %get3A_575 : vector<1x16xf32> to vector<16xf32>
      %get3A_577 = arith.index_cast %scan3A_437 : i32 to index
      %get3A_578 = arith.constant 112 : index
      %get3A_579 = tpu.vector_load %arg22[%get3A_577, %get3A_578] {strides = array<i32>} : memref<80x128xf32, #tpu.memory_space<vmem>>, vector<1x16xf32>,
      %get3A_580 = vector.shape_cast %get3A_579 : vector<1x16xf32> to vector<16xf32>
      %add3A_581 = arith.addf %get3A_576, %get3A_580 : vector<16xf32>
      %swap3A_582 = arith.index_cast %scan3A_437 : i32 to index
      %swap3A_583 = arith.constant 112 : index
      %swap3A_584 = tpu.vector_load %arg26[%swap3A_582, %swap3A_583] {strides = array<i32>} : memref<80x128xf32, #tpu.memory_space<vmem>>, vector<1x16xf32>,
      %swap3A_585 = vector.shape_cast %swap3A_584 : vector<1x16xf32> to vector<16xf32>
      %swap3A_586 = vector.shape_cast %add3A_581 : vector<16xf32> to vector<1x16xf32>
      tpu.vector_store %arg26[%swap3A_582, %swap3A_583], %swap3A_586 {strides = array<i32>} : memref<80x128xf32, #tpu.memory_space<vmem>>, vector<1x16xf32>,
      %add3A_587 = arith.addf %scan3A_452, %add3A_581 : vector<16xf32>
      %mul3A_588 = arith.mulf %add3A_581, %add3A_581 : vector<16xf32>
      %add3A_589 = arith.addf %scan3A_453, %mul3A_588 : vector<16xf32>
      scf.yield %add3A_468, %add3A_470, %add3A_485, %add3A_487, %add3A_502, %add3A_504, %add3A_519, %add3A_521, %add3A_536, %add3A_538, %add3A_553, %add3A_555, %add3A_570, %add3A_572, %add3A_587, %add3A_589 : vector<16xf32>, vector<16xf32>, vector<16xf32>, vector<16xf32>, vector<16xf32>, vector<16xf32>, vector<16xf32>, vector<16xf32>, vector<16xf32>, vector<16xf32>, vector<16xf32>, vector<16xf32>, vector<16xf32>, vector<16xf32>, vector<16xf32>, vector<16xf32>
    }
    %scan3A_309 = arith.constant 80 : i32
    %add3A_310 = arith.constant 9920 : i32
    %add3A_311 = arith.addi %mul3A_2, %add3A_310 : i32
    %dma_start3A_312 = arith.constant 0 : i32
    %dma_start3A_313 = tpu.memref_slice %arg6[%add3A_311, %dma_start3A_312] : memref<320000x128xf32, #tpu.memory_space<hbm>> -> memref<80x128xf32, #tpu.memory_space<hbm>>
    %dma_start3A_314 = arith.constant 0 : i32
    %dma_start3A_315 = tpu.memref_slice %arg6[%add3A_311, %dma_start3A_314] : memref<320000x128xf32, #tpu.memory_space<hbm>> -> memref<80x128xf32, #tpu.memory_space<hbm>>
    tpu.enqueue_dma source(%arg26 : memref<80x128xf32, #tpu.memory_space<vmem>>) target(%dma_start3A_315 : memref<80x128xf32, #tpu.memory_space<hbm>>) target_semaphore(%arg42 : memref<!tpu.dma_semaphore, #tpu.memory_space<semaphore_mem>>)
    %get3A = arith.constant 0 : index
    %get3A_316 = tpu.vector_load %arg10[%get3A] {strides = array<i32>} : memref<80xi32, #tpu.memory_space<vmem>>, vector<16xi32>,
    %get3A_317 = vector.shape_cast %get3A_316 : vector<16xi32> to vector<16xi32>
    %swap3A_318 = arith.constant 0 : index
    %swap3A_319 = tpu.vector_load %arg32[%swap3A_318] {strides = array<i32>} : memref<80xi32, #tpu.memory_space<vmem>>, vector<16xi32>,
    %swap3A_320 = vector.shape_cast %swap3A_319 : vector<16xi32> to vector<16xi32>
    %swap3A_321 = vector.shape_cast %get3A_317 : vector<16xi32> to vector<16xi32>
    tpu.vector_store %arg32[%swap3A_318], %swap3A_321 {strides = array<i32>} : memref<80xi32, #tpu.memory_space<vmem>>, vector<16xi32>,
    %get3A_322 = arith.constant 16 : index
    %get3A_323 = tpu.vector_load %arg10[%get3A_322] {strides = array<i32>} : memref<80xi32, #tpu.memory_space<vmem>>, vector<16xi32>,
    %get3A_324 = vector.shape_cast %get3A_323 : vector<16xi32> to vector<16xi32>
    %swap3A_325 = arith.constant 16 : index
    %swap3A_326 = tpu.vector_load %arg32[%swap3A_325] {strides = array<i32>} : memref<80xi32, #tpu.memory_space<vmem>>, vector<16xi32>,
    %swap3A_327 = vector.shape_cast %swap3A_326 : vector<16xi32> to vector<16xi32>
    %swap3A_328 = vector.shape_cast %get3A_324 : vector<16xi32> to vector<16xi32>
    tpu.vector_store %arg32[%swap3A_325], %swap3A_328 {strides = array<i32>} : memref<80xi32, #tpu.memory_space<vmem>>, vector<16xi32>,
    %get3A_329 = arith.constant 32 : index
    %get3A_330 = tpu.vector_load %arg10[%get3A_329] {strides = array<i32>} : memref<80xi32, #tpu.memory_space<vmem>>, vector<16xi32>,
    %get3A_331 = vector.shape_cast %get3A_330 : vector<16xi32> to vector<16xi32>
    %swap3A_332 = arith.constant 32 : index
    %swap3A_333 = tpu.vector_load %arg32[%swap3A_332] {strides = array<i32>} : memref<80xi32, #tpu.memory_space<vmem>>, vector<16xi32>,
    %swap3A_334 = vector.shape_cast %swap3A_333 : vector<16xi32> to vector<16xi32>
    %swap3A_335 = vector.shape_cast %get3A_331 : vector<16xi32> to vector<16xi32>
    tpu.vector_store %arg32[%swap3A_332], %swap3A_335 {strides = array<i32>} : memref<80xi32, #tpu.memory_space<vmem>>, vector<16xi32>,
    %get3A_336 = arith.constant 48 : index
    %get3A_337 = tpu.vector_load %arg10[%get3A_336] {strides = array<i32>} : memref<80xi32, #tpu.memory_space<vmem>>, vector<16xi32>,
    %get3A_338 = vector.shape_cast %get3A_337 : vector<16xi32> to vector<16xi32>
    %swap3A_339 = arith.constant 48 : index
    %swap3A_340 = tpu.vector_load %arg32[%swap3A_339] {strides = array<i32>} : memref<80xi32, #tpu.memory_space<vmem>>, vector<16xi32>,
    %swap3A_341 = vector.shape_cast %swap3A_340 : vector<16xi32> to vector<16xi32>
    %swap3A_342 = vector.shape_cast %get3A_338 : vector<16xi32> to vector<16xi32>
    tpu.vector_store %arg32[%swap3A_339], %swap3A_342 {strides = array<i32>} : memref<80xi32, #tpu.memory_space<vmem>>, vector<16xi32>,
    %get3A_343 = arith.constant 64 : index
    %get3A_344 = tpu.vector_load %arg10[%get3A_343] {strides = array<i32>} : memref<80xi32, #tpu.memory_space<vmem>>, vector<16xi32>,
    %get3A_345 = vector.shape_cast %get3A_344 : vector<16xi32> to vector<16xi32>
    %swap3A_346 = arith.constant 64 : index
    %swap3A_347 = tpu.vector_load %arg32[%swap3A_346] {strides = array<i32>} : memref<80xi32, #tpu.memory_space<vmem>>, vector<16xi32>,
    %swap3A_348 = vector.shape_cast %swap3A_347 : vector<16xi32> to vector<16xi32>
    %swap3A_349 = vector.shape_cast %get3A_345 : vector<16xi32> to vector<16xi32>
    tpu.vector_store %arg32[%swap3A_346], %swap3A_349 {strides = array<i32>} : memref<80xi32, #tpu.memory_space<vmem>>, vector<16xi32>,
    %dma_start3A_350 = arith.constant 0 : i32
    %dma_start3A_351 = tpu.memref_slice %arg31[%dma_start3A_350] : memref<10240xf32, #tpu.memory_space<vmem_shared>> -> memref<10240xf32, #tpu.memory_space<vmem_shared>>
    tpu.enqueue_indirect_dma source(%arg28 : memref<80xf32, #tpu.memory_space<vmem>>) target(%dma_start3A_351 : memref<10240xf32, #tpu.memory_space<vmem_shared>>) offsets(%arg32 : memref<80xi32, #tpu.memory_space<vmem>>) semaphore(%arg44 : memref<!tpu.dma_semaphore, #tpu.memory_space<semaphore_mem>>) {add = true}
    %dma_wait3A_352 = arith.constant 0 : i32
    %dma_wait3A_353 = arith.constant 0 : i32
    %dma_wait3A_354 = tpu.memref_slice %arg6[%dma_wait3A_352, %dma_wait3A_353] : memref<320000x128xf32, #tpu.memory_space<hbm>> -> memref<80x128xf32, #tpu.memory_space<hbm>>
    %dma_wait3A_355 = arith.constant 0 : i32
    %dma_wait3A_356 = arith.constant 0 : i32
    %dma_wait3A_357 = tpu.memref_slice %arg6[%dma_wait3A_355, %dma_wait3A_356] : memref<320000x128xf32, #tpu.memory_space<hbm>> -> memref<80x128xf32, #tpu.memory_space<hbm>>
    tpu.wait_dma2 semaphore(%arg43 : memref<!tpu.dma_semaphore, #tpu.memory_space<semaphore_mem>>) src(%arg27 : memref<80x128xf32, #tpu.memory_space<vmem>>) dst(%dma_wait3A_357 : memref<80x128xf32, #tpu.memory_space<hbm>>)
    %dma_wait3A_358 = arith.constant 0 : i32
    %dma_wait3A_359 = arith.constant 0 : i32
    %dma_wait3A_360 = tpu.memref_slice %arg6[%dma_wait3A_358, %dma_wait3A_359] : memref<320000x128xf32, #tpu.memory_space<hbm>> -> memref<80x128xf32, #tpu.memory_space<hbm>>
    %dma_wait3A_361 = arith.constant 0 : i32
    %dma_wait3A_362 = arith.constant 0 : i32
    %dma_wait3A_363 = tpu.memref_slice %arg6[%dma_wait3A_361, %dma_wait3A_362] : memref<320000x128xf32, #tpu.memory_space<hbm>> -> memref<80x128xf32, #tpu.memory_space<hbm>>
    tpu.wait_dma2 semaphore(%arg42 : memref<!tpu.dma_semaphore, #tpu.memory_space<semaphore_mem>>) src(%arg26 : memref<80x128xf32, #tpu.memory_space<vmem>>) dst(%dma_wait3A_363 : memref<80x128xf32, #tpu.memory_space<hbm>>)
    %dma_wait3A_364 = arith.constant 0 : i32
    %dma_wait3A_365 = tpu.memref_slice %arg31[%dma_wait3A_364] : memref<10240xf32, #tpu.memory_space<vmem_shared>> -> memref<10240xf32, #tpu.memory_space<vmem_shared>>
    tpu.wait_indirect_dma semaphore(%arg45 : memref<!tpu.dma_semaphore, #tpu.memory_space<semaphore_mem>>) src(%arg28 : memref<80xf32, #tpu.memory_space<vmem>>) dst(%dma_wait3A_365 : memref<10240xf32, #tpu.memory_space<vmem_shared>>)
    %dma_wait3A_366 = arith.constant 0 : i32
    %dma_wait3A_367 = tpu.memref_slice %arg31[%dma_wait3A_366] : memref<10240xf32, #tpu.memory_space<vmem_shared>> -> memref<10240xf32, #tpu.memory_space<vmem_shared>>
    tpu.wait_indirect_dma semaphore(%arg44 : memref<!tpu.dma_semaphore, #tpu.memory_space<semaphore_mem>>) src(%arg28 : memref<80xf32, #tpu.memory_space<vmem>>) dst(%dma_wait3A_367 : memref<10240xf32, #tpu.memory_space<vmem_shared>>)
    %swap3A_368 = arith.constant 0 : index
    %swap3A_369 = tpu.vector_load %arg29[%swap3A_368] {strides = array<i32>} : memref<128xf32, #tpu.memory_space<vmem>>, vector<16xf32>,
    %swap3A_370 = vector.shape_cast %swap3A_369 : vector<16xf32> to vector<16xf32>
    %swap3A_371 = vector.shape_cast %scan3A_308#0 : vector<16xf32> to vector<16xf32>
    tpu.vector_store %arg29[%swap3A_368], %swap3A_371 {strides = array<i32>} : memref<128xf32, #tpu.memory_space<vmem>>, vector<16xf32>,
    %swap3A_372 = arith.constant 16 : index
    %swap3A_373 = tpu.vector_load %arg29[%swap3A_372] {strides = array<i32>} : memref<128xf32, #tpu.memory_space<vmem>>, vector<16xf32>,
    %swap3A_374 = vector.shape_cast %swap3A_373 : vector<16xf32> to vector<16xf32>
    %swap3A_375 = vector.shape_cast %scan3A_308#2 : vector<16xf32> to vector<16xf32>
    tpu.vector_store %arg29[%swap3A_372], %swap3A_375 {strides = array<i32>} : memref<128xf32, #tpu.memory_space<vmem>>, vector<16xf32>,
    %swap3A_376 = arith.constant 32 : index
    %swap3A_377 = tpu.vector_load %arg29[%swap3A_376] {strides = array<i32>} : memref<128xf32, #tpu.memory_space<vmem>>, vector<16xf32>,
    %swap3A_378 = vector.shape_cast %swap3A_377 : vector<16xf32> to vector<16xf32>
    %swap3A_379 = vector.shape_cast %scan3A_308#4 : vector<16xf32> to vector<16xf32>
    tpu.vector_store %arg29[%swap3A_376], %swap3A_379 {strides = array<i32>} : memref<128xf32, #tpu.memory_space<vmem>>, vector<16xf32>,
    %swap3A_380 = arith.constant 48 : index
    %swap3A_381 = tpu.vector_load %arg29[%swap3A_380] {strides = array<i32>} : memref<128xf32, #tpu.memory_space<vmem>>, vector<16xf32>,
    %swap3A_382 = vector.shape_cast %swap3A_381 : vector<16xf32> to vector<16xf32>
    %swap3A_383 = vector.shape_cast %scan3A_308#6 : vector<16xf32> to vector<16xf32>
    tpu.vector_store %arg29[%swap3A_380], %swap3A_383 {strides = array<i32>} : memref<128xf32, #tpu.memory_space<vmem>>, vector<16xf32>,
    %swap3A_384 = arith.constant 64 : index
    %swap3A_385 = tpu.vector_load %arg29[%swap3A_384] {strides = array<i32>} : memref<128xf32, #tpu.memory_space<vmem>>, vector<16xf32>,
    %swap3A_386 = vector.shape_cast %swap3A_385 : vector<16xf32> to vector<16xf32>
    %swap3A_387 = vector.shape_cast %scan3A_308#8 : vector<16xf32> to vector<16xf32>
    tpu.vector_store %arg29[%swap3A_384], %swap3A_387 {strides = array<i32>} : memref<128xf32, #tpu.memory_space<vmem>>, vector<16xf32>,
    %swap3A_388 = arith.constant 80 : index
    %swap3A_389 = tpu.vector_load %arg29[%swap3A_388] {strides = array<i32>} : memref<128xf32, #tpu.memory_space<vmem>>, vector<16xf32>,
    %swap3A_390 = vector.shape_cast %swap3A_389 : vector<16xf32> to vector<16xf32>
    %swap3A_391 = vector.shape_cast %scan3A_308#10 : vector<16xf32> to vector<16xf32>
    tpu.vector_store %arg29[%swap3A_388], %swap3A_391 {strides = array<i32>} : memref<128xf32, #tpu.memory_space<vmem>>, vector<16xf32>,
    %swap3A_392 = arith.constant 96 : index
    %swap3A_393 = tpu.vector_load %arg29[%swap3A_392] {strides = array<i32>} : memref<128xf32, #tpu.memory_space<vmem>>, vector<16xf32>,
    %swap3A_394 = vector.shape_cast %swap3A_393 : vector<16xf32> to vector<16xf32>
    %swap3A_395 = vector.shape_cast %scan3A_308#12 : vector<16xf32> to vector<16xf32>
    tpu.vector_store %arg29[%swap3A_392], %swap3A_395 {strides = array<i32>} : memref<128xf32, #tpu.memory_space<vmem>>, vector<16xf32>,
    %swap3A_396 = arith.constant 112 : index
    %swap3A_397 = tpu.vector_load %arg29[%swap3A_396] {strides = array<i32>} : memref<128xf32, #tpu.memory_space<vmem>>, vector<16xf32>,
    %swap3A_398 = vector.shape_cast %swap3A_397 : vector<16xf32> to vector<16xf32>
    %swap3A_399 = vector.shape_cast %scan3A_308#14 : vector<16xf32> to vector<16xf32>
    tpu.vector_store %arg29[%swap3A_396], %swap3A_399 {strides = array<i32>} : memref<128xf32, #tpu.memory_space<vmem>>, vector<16xf32>,
    "tpu.region"() ({
      %run_scoped3A = tpu.sem_alloc : memref<!tpu.dma_semaphore, #tpu.memory_space<semaphore_mem>>
      %dma_start3A_437 = arith.constant 0 : i32
      %dma_start3A_438 = tpu.memref_slice %arg7[%add3A, %dma_start3A_437] : memref<32x128xf32, #tpu.memory_space<hbm>> -> memref<1x128xf32, #tpu.memory_space<hbm>>
      %dma_start3A_439 = tpu.memref_squeeze %dma_start3A_438 : memref<1x128xf32, #tpu.memory_space<hbm>> -> memref<128xf32, #tpu.memory_space<hbm>>
      %dma_start3A_440 = arith.constant 0 : i32
      %dma_start3A_441 = tpu.memref_slice %arg7[%add3A, %dma_start3A_440] : memref<32x128xf32, #tpu.memory_space<hbm>> -> memref<1x128xf32, #tpu.memory_space<hbm>>
      %dma_start3A_442 = tpu.memref_squeeze %dma_start3A_441 : memref<1x128xf32, #tpu.memory_space<hbm>> -> memref<128xf32, #tpu.memory_space<hbm>>
      tpu.enqueue_dma source(%arg29 : memref<128xf32, #tpu.memory_space<vmem>>) target(%dma_start3A_442 : memref<128xf32, #tpu.memory_space<hbm>>) target_semaphore(%run_scoped3A : memref<!tpu.dma_semaphore, #tpu.memory_space<semaphore_mem>>)
      %dma_wait3A_443 = arith.constant 0 : i32
      %dma_wait3A_444 = tpu.memref_slice %arg7[%add3A, %dma_wait3A_443] : memref<32x128xf32, #tpu.memory_space<hbm>> -> memref<1x128xf32, #tpu.memory_space<hbm>>
      %dma_wait3A_445 = tpu.memref_squeeze %dma_wait3A_444 : memref<1x128xf32, #tpu.memory_space<hbm>> -> memref<128xf32, #tpu.memory_space<hbm>>
      %dma_wait3A_446 = arith.constant 0 : i32
      %dma_wait3A_447 = tpu.memref_slice %arg7[%add3A, %dma_wait3A_446] : memref<32x128xf32, #tpu.memory_space<hbm>> -> memref<1x128xf32, #tpu.memory_space<hbm>>
      %dma_wait3A_448 = tpu.memref_squeeze %dma_wait3A_447 : memref<1x128xf32, #tpu.memory_space<hbm>> -> memref<128xf32, #tpu.memory_space<hbm>>
      tpu.wait_dma2 semaphore(%run_scoped3A : memref<!tpu.dma_semaphore, #tpu.memory_space<semaphore_mem>>) src(%arg29 : memref<128xf32, #tpu.memory_space<vmem>>) dst(%dma_wait3A_448 : memref<128xf32, #tpu.memory_space<hbm>>)
      tpu.yield
    }) : () -> ()
    %swap3A_400 = arith.constant 0 : index
    %swap3A_401 = tpu.vector_load %arg29[%swap3A_400] {strides = array<i32>} : memref<128xf32, #tpu.memory_space<vmem>>, vector<16xf32>,
    %swap3A_402 = vector.shape_cast %swap3A_401 : vector<16xf32> to vector<16xf32>
    %swap3A_403 = vector.shape_cast %scan3A_308#1 : vector<16xf32> to vector<16xf32>
    tpu.vector_store %arg29[%swap3A_400], %swap3A_403 {strides = array<i32>} : memref<128xf32, #tpu.memory_space<vmem>>, vector<16xf32>,
    %swap3A_404 = arith.constant 16 : index
    %swap3A_405 = tpu.vector_load %arg29[%swap3A_404] {strides = array<i32>} : memref<128xf32, #tpu.memory_space<vmem>>, vector<16xf32>,
    %swap3A_406 = vector.shape_cast %swap3A_405 : vector<16xf32> to vector<16xf32>
    %swap3A_407 = vector.shape_cast %scan3A_308#3 : vector<16xf32> to vector<16xf32>
    tpu.vector_store %arg29[%swap3A_404], %swap3A_407 {strides = array<i32>} : memref<128xf32, #tpu.memory_space<vmem>>, vector<16xf32>,
    %swap3A_408 = arith.constant 32 : index
    %swap3A_409 = tpu.vector_load %arg29[%swap3A_408] {strides = array<i32>} : memref<128xf32, #tpu.memory_space<vmem>>, vector<16xf32>,
    %swap3A_410 = vector.shape_cast %swap3A_409 : vector<16xf32> to vector<16xf32>
    %swap3A_411 = vector.shape_cast %scan3A_308#5 : vector<16xf32> to vector<16xf32>
    tpu.vector_store %arg29[%swap3A_408], %swap3A_411 {strides = array<i32>} : memref<128xf32, #tpu.memory_space<vmem>>, vector<16xf32>,
    %swap3A_412 = arith.constant 48 : index
    %swap3A_413 = tpu.vector_load %arg29[%swap3A_412] {strides = array<i32>} : memref<128xf32, #tpu.memory_space<vmem>>, vector<16xf32>,
    %swap3A_414 = vector.shape_cast %swap3A_413 : vector<16xf32> to vector<16xf32>
    %swap3A_415 = vector.shape_cast %scan3A_308#7 : vector<16xf32> to vector<16xf32>
    tpu.vector_store %arg29[%swap3A_412], %swap3A_415 {strides = array<i32>} : memref<128xf32, #tpu.memory_space<vmem>>, vector<16xf32>,
    %swap3A_416 = arith.constant 64 : index
    %swap3A_417 = tpu.vector_load %arg29[%swap3A_416] {strides = array<i32>} : memref<128xf32, #tpu.memory_space<vmem>>, vector<16xf32>,
    %swap3A_418 = vector.shape_cast %swap3A_417 : vector<16xf32> to vector<16xf32>
    %swap3A_419 = vector.shape_cast %scan3A_308#9 : vector<16xf32> to vector<16xf32>
    tpu.vector_store %arg29[%swap3A_416], %swap3A_419 {strides = array<i32>} : memref<128xf32, #tpu.memory_space<vmem>>, vector<16xf32>,
    %swap3A_420 = arith.constant 80 : index
    %swap3A_421 = tpu.vector_load %arg29[%swap3A_420] {strides = array<i32>} : memref<128xf32, #tpu.memory_space<vmem>>, vector<16xf32>,
    %swap3A_422 = vector.shape_cast %swap3A_421 : vector<16xf32> to vector<16xf32>
    %swap3A_423 = vector.shape_cast %scan3A_308#11 : vector<16xf32> to vector<16xf32>
    tpu.vector_store %arg29[%swap3A_420], %swap3A_423 {strides = array<i32>} : memref<128xf32, #tpu.memory_space<vmem>>, vector<16xf32>,
    %swap3A_424 = arith.constant 96 : index
    %swap3A_425 = tpu.vector_load %arg29[%swap3A_424] {strides = array<i32>} : memref<128xf32, #tpu.memory_space<vmem>>, vector<16xf32>,
    %swap3A_426 = vector.shape_cast %swap3A_425 : vector<16xf32> to vector<16xf32>
    %swap3A_427 = vector.shape_cast %scan3A_308#13 : vector<16xf32> to vector<16xf32>
    tpu.vector_store %arg29[%swap3A_424], %swap3A_427 {strides = array<i32>} : memref<128xf32, #tpu.memory_space<vmem>>, vector<16xf32>,
    %swap3A_428 = arith.constant 112 : index
    %swap3A_429 = tpu.vector_load %arg29[%swap3A_428] {strides = array<i32>} : memref<128xf32, #tpu.memory_space<vmem>>, vector<16xf32>,
    %swap3A_430 = vector.shape_cast %swap3A_429 : vector<16xf32> to vector<16xf32>
    %swap3A_431 = vector.shape_cast %scan3A_308#15 : vector<16xf32> to vector<16xf32>
    tpu.vector_store %arg29[%swap3A_428], %swap3A_431 {strides = array<i32>} : memref<128xf32, #tpu.memory_space<vmem>>, vector<16xf32>,
    "tpu.region"() ({
      %run_scoped3A = tpu.sem_alloc : memref<!tpu.dma_semaphore, #tpu.memory_space<semaphore_mem>>
      %dma_start3A_437 = arith.constant 0 : i32
      %dma_start3A_438 = tpu.memref_slice %arg8[%add3A, %dma_start3A_437] : memref<32x128xf32, #tpu.memory_space<hbm>> -> memref<1x128xf32, #tpu.memory_space<hbm>>
      %dma_start3A_439 = tpu.memref_squeeze %dma_start3A_438 : memref<1x128xf32, #tpu.memory_space<hbm>> -> memref<128xf32, #tpu.memory_space<hbm>>
      %dma_start3A_440 = arith.constant 0 : i32
      %dma_start3A_441 = tpu.memref_slice %arg8[%add3A, %dma_start3A_440] : memref<32x128xf32, #tpu.memory_space<hbm>> -> memref<1x128xf32, #tpu.memory_space<hbm>>
      %dma_start3A_442 = tpu.memref_squeeze %dma_start3A_441 : memref<1x128xf32, #tpu.memory_space<hbm>> -> memref<128xf32, #tpu.memory_space<hbm>>
      tpu.enqueue_dma source(%arg29 : memref<128xf32, #tpu.memory_space<vmem>>) target(%dma_start3A_442 : memref<128xf32, #tpu.memory_space<hbm>>) target_semaphore(%run_scoped3A : memref<!tpu.dma_semaphore, #tpu.memory_space<semaphore_mem>>)
      %dma_wait3A_443 = arith.constant 0 : i32
      %dma_wait3A_444 = tpu.memref_slice %arg8[%add3A, %dma_wait3A_443] : memref<32x128xf32, #tpu.memory_space<hbm>> -> memref<1x128xf32, #tpu.memory_space<hbm>>
      %dma_wait3A_445 = tpu.memref_squeeze %dma_wait3A_444 : memref<1x128xf32, #tpu.memory_space<hbm>> -> memref<128xf32, #tpu.memory_space<hbm>>
      %dma_wait3A_446 = arith.constant 0 : i32
      %dma_wait3A_447 = tpu.memref_slice %arg8[%add3A, %dma_wait3A_446] : memref<32x128xf32, #tpu.memory_space<hbm>> -> memref<1x128xf32, #tpu.memory_space<hbm>>
      %dma_wait3A_448 = tpu.memref_squeeze %dma_wait3A_447 : memref<1x128xf32, #tpu.memory_space<hbm>> -> memref<128xf32, #tpu.memory_space<hbm>>
      tpu.wait_dma2 semaphore(%run_scoped3A : memref<!tpu.dma_semaphore, #tpu.memory_space<semaphore_mem>>) src(%arg29 : memref<128xf32, #tpu.memory_space<vmem>>) dst(%dma_wait3A_448 : memref<128xf32, #tpu.memory_space<hbm>>)
      tpu.yield
    }) : () -> ()
    %barrier3A_432 = arith.constant 0 : index
    tpu.barrier barrier_id(%barrier3A_432)
    %mul3A_433 = arith.constant 640 : i32
    %mul3A_434 = arith.muli %arg1, %mul3A_433 : i32
    %mul3A_435 = arith.constant 640 : i32
    %mul3A_436 = arith.muli %arg1, %mul3A_435 : i32
    "tpu.region"() ({
      %run_scoped3A = tpu.sem_alloc : memref<!tpu.dma_semaphore, #tpu.memory_space<semaphore_mem>>
      %dma_start3A_437 = tpu.memref_slice %arg9[%arg0, %mul3A_436] : memref<2x10240xf32, #tpu.memory_space<hbm>> -> memref<1x640xf32, #tpu.memory_space<hbm>>
      %dma_start3A_438 = tpu.memref_squeeze %dma_start3A_437 : memref<1x640xf32, #tpu.memory_space<hbm>> -> memref<640xf32, #tpu.memory_space<hbm>>
      %dma_start3A_439 = tpu.memref_slice %arg31[%mul3A_434] : memref<10240xf32, #tpu.memory_space<vmem_shared>> -> memref<640xf32, #tpu.memory_space<vmem_shared>>
      tpu.enqueue_dma source(%dma_start3A_439 : memref<640xf32, #tpu.memory_space<vmem_shared>>) target(%dma_start3A_438 : memref<640xf32, #tpu.memory_space<hbm>>) target_semaphore(%run_scoped3A : memref<!tpu.dma_semaphore, #tpu.memory_space<semaphore_mem>>)
      %dma_wait3A_440 = tpu.memref_slice %arg9[%arg0, %mul3A_436] : memref<2x10240xf32, #tpu.memory_space<hbm>> -> memref<1x640xf32, #tpu.memory_space<hbm>>
      %dma_wait3A_441 = tpu.memref_squeeze %dma_wait3A_440 : memref<1x640xf32, #tpu.memory_space<hbm>> -> memref<640xf32, #tpu.memory_space<hbm>>
      %dma_wait3A_442 = tpu.memref_slice %arg31[%mul3A_434] : memref<10240xf32, #tpu.memory_space<vmem_shared>> -> memref<640xf32, #tpu.memory_space<vmem_shared>>
      tpu.wait_dma2 semaphore(%run_scoped3A : memref<!tpu.dma_semaphore, #tpu.memory_space<semaphore_mem>>) src(%dma_wait3A_442 : memref<640xf32, #tpu.memory_space<vmem_shared>>) dst(%dma_wait3A_441 : memref<640xf32, #tpu.memory_space<hbm>>)
      tpu.yield
    }) : () -> ()
    return
  }
}

#map = affine_map<(d0, d1) -> (0)>
#map1 = affine_map<(d0, d1) -> (0, 0)>
#map2 = affine_map<(d0, d1) -> (0, 0, 0)>
module attributes {stable_mosaic.version = 14 : i64} {
  func.func @_sc_pass2(%arg0: i32, %arg1: i32, %arg2: memref<320000xi32, #tpu.memory_space<hbm>>, %arg3: memref<320000x128xf32, #tpu.memory_space<hbm>>, %arg4: memref<128xf32, #tpu.memory_space<hbm>>, %arg5: memref<128xf32, #tpu.memory_space<hbm>>, %arg6: memref<320000x128xf32, #tpu.memory_space<hbm>>, %arg7: memref<2x10240x128xf32, #tpu.memory_space<hbm>>, %arg8: memref<80xi32, #tpu.memory_space<vmem>>, %arg9: memref<80xi32, #tpu.memory_space<vmem>>, %arg10: memref<80xi32, #tpu.memory_space<vmem>>, %arg11: memref<80xi32, #tpu.memory_space<vmem>>, %arg12: memref<80x128xf32, #tpu.memory_space<vmem>>, %arg13: memref<80x128xf32, #tpu.memory_space<vmem>>, %arg14: memref<80x128xf32, #tpu.memory_space<vmem>>, %arg15: memref<80x128xf32, #tpu.memory_space<vmem>>, %arg16: memref<128xf32, #tpu.memory_space<vmem>>, %arg17: memref<128xf32, #tpu.memory_space<vmem>>, %arg18: memref<10240x128xf32, #tpu.memory_space<vmem_shared>>, %arg19: memref<!tpu.dma_semaphore, #tpu.memory_space<semaphore_mem>>, %arg20: memref<!tpu.dma_semaphore, #tpu.memory_space<semaphore_mem>>, %arg21: memref<!tpu.dma_semaphore, #tpu.memory_space<semaphore_mem>>, %arg22: memref<!tpu.dma_semaphore, #tpu.memory_space<semaphore_mem>>, %arg23: memref<!tpu.dma_semaphore, #tpu.memory_space<semaphore_mem>>, %arg24: memref<!tpu.dma_semaphore, #tpu.memory_space<semaphore_mem>>, %arg25: memref<!tpu.dma_semaphore, #tpu.memory_space<semaphore_mem>>, %arg26: memref<!tpu.dma_semaphore, #tpu.memory_space<semaphore_mem>>, %arg27: memref<!tpu.dma_semaphore, #tpu.memory_space<semaphore_mem>>, %arg28: memref<!tpu.dma_semaphore, #tpu.memory_space<semaphore_mem>>) attributes {dimension_semantics = [#tpu.dimension_semantics<core_parallel>, #tpu.dimension_semantics<subcore_parallel>], iteration_bounds = array<i64: 2, 16>, scalar_prefetch = 0 : i64, scratch_operands = 21 : i64, tpu.core_type = #tpu.core_type<sc_vector_subcore>, window_params = [{transform_indices = #map}, {transform_indices = #map1}, {transform_indices = #map}, {transform_indices = #map}, {transform_indices = #map1}, {transform_indices = #map2}]} {
    %mul3A = arith.constant 2 : i32
    %mul3A_0 = arith.muli %arg1, %mul3A : i32
    %add3A = arith.addi %mul3A_0, %arg0 : i32
    %mul3A_1 = arith.constant 10000 : i32
    %mul3A_2 = arith.muli %add3A, %mul3A_1 : i32
    "tpu.region"() ({
      %run_scoped3A = tpu.sem_alloc : memref<!tpu.dma_semaphore, #tpu.memory_space<semaphore_mem>>
      tpu.enqueue_dma source(%arg4 : memref<128xf32, #tpu.memory_space<hbm>>) target(%arg16 : memref<128xf32, #tpu.memory_space<vmem>>) target_semaphore(%run_scoped3A : memref<!tpu.dma_semaphore, #tpu.memory_space<semaphore_mem>>)
      tpu.wait_dma2 semaphore(%run_scoped3A : memref<!tpu.dma_semaphore, #tpu.memory_space<semaphore_mem>>) src(%arg4 : memref<128xf32, #tpu.memory_space<hbm>>) dst(%arg16 : memref<128xf32, #tpu.memory_space<vmem>>)
      tpu.yield
    }) : () -> ()
    "tpu.region"() ({
      %run_scoped3A = tpu.sem_alloc : memref<!tpu.dma_semaphore, #tpu.memory_space<semaphore_mem>>
      tpu.enqueue_dma source(%arg5 : memref<128xf32, #tpu.memory_space<hbm>>) target(%arg17 : memref<128xf32, #tpu.memory_space<vmem>>) target_semaphore(%run_scoped3A : memref<!tpu.dma_semaphore, #tpu.memory_space<semaphore_mem>>)
      tpu.wait_dma2 semaphore(%run_scoped3A : memref<!tpu.dma_semaphore, #tpu.memory_space<semaphore_mem>>) src(%arg5 : memref<128xf32, #tpu.memory_space<hbm>>) dst(%arg17 : memref<128xf32, #tpu.memory_space<vmem>>)
      tpu.yield
    }) : () -> ()
    %get3A = arith.constant 0 : index
    %get3A_3 = tpu.vector_load %arg16[%get3A] {strides = array<i32>} : memref<128xf32, #tpu.memory_space<vmem>>, vector<16xf32>,
    %get3A_4 = vector.shape_cast %get3A_3 : vector<16xf32> to vector<16xf32>
    %get3A_5 = arith.constant 16 : index
    %get3A_6 = tpu.vector_load %arg16[%get3A_5] {strides = array<i32>} : memref<128xf32, #tpu.memory_space<vmem>>, vector<16xf32>,
    %get3A_7 = vector.shape_cast %get3A_6 : vector<16xf32> to vector<16xf32>
    %get3A_8 = arith.constant 32 : index
    %get3A_9 = tpu.vector_load %arg16[%get3A_8] {strides = array<i32>} : memref<128xf32, #tpu.memory_space<vmem>>, vector<16xf32>,
    %get3A_10 = vector.shape_cast %get3A_9 : vector<16xf32> to vector<16xf32>
    %get3A_11 = arith.constant 48 : index
    %get3A_12 = tpu.vector_load %arg16[%get3A_11] {strides = array<i32>} : memref<128xf32, #tpu.memory_space<vmem>>, vector<16xf32>,
    %get3A_13 = vector.shape_cast %get3A_12 : vector<16xf32> to vector<16xf32>
    %get3A_14 = arith.constant 64 : index
    %get3A_15 = tpu.vector_load %arg16[%get3A_14] {strides = array<i32>} : memref<128xf32, #tpu.memory_space<vmem>>, vector<16xf32>,
    %get3A_16 = vector.shape_cast %get3A_15 : vector<16xf32> to vector<16xf32>
    %get3A_17 = arith.constant 80 : index
    %get3A_18 = tpu.vector_load %arg16[%get3A_17] {strides = array<i32>} : memref<128xf32, #tpu.memory_space<vmem>>, vector<16xf32>,
    %get3A_19 = vector.shape_cast %get3A_18 : vector<16xf32> to vector<16xf32>
    %get3A_20 = arith.constant 96 : index
    %get3A_21 = tpu.vector_load %arg16[%get3A_20] {strides = array<i32>} : memref<128xf32, #tpu.memory_space<vmem>>, vector<16xf32>,
    %get3A_22 = vector.shape_cast %get3A_21 : vector<16xf32> to vector<16xf32>
    %get3A_23 = arith.constant 112 : index
    %get3A_24 = tpu.vector_load %arg16[%get3A_23] {strides = array<i32>} : memref<128xf32, #tpu.memory_space<vmem>>, vector<16xf32>,
    %get3A_25 = vector.shape_cast %get3A_24 : vector<16xf32> to vector<16xf32>
    %get3A_26 = arith.constant 0 : index
    %get3A_27 = tpu.vector_load %arg17[%get3A_26] {strides = array<i32>} : memref<128xf32, #tpu.memory_space<vmem>>, vector<16xf32>,
    %get3A_28 = vector.shape_cast %get3A_27 : vector<16xf32> to vector<16xf32>
    %get3A_29 = arith.constant 16 : index
    %get3A_30 = tpu.vector_load %arg17[%get3A_29] {strides = array<i32>} : memref<128xf32, #tpu.memory_space<vmem>>, vector<16xf32>,
    %get3A_31 = vector.shape_cast %get3A_30 : vector<16xf32> to vector<16xf32>
    %get3A_32 = arith.constant 32 : index
    %get3A_33 = tpu.vector_load %arg17[%get3A_32] {strides = array<i32>} : memref<128xf32, #tpu.memory_space<vmem>>, vector<16xf32>,
    %get3A_34 = vector.shape_cast %get3A_33 : vector<16xf32> to vector<16xf32>
    %get3A_35 = arith.constant 48 : index
    %get3A_36 = tpu.vector_load %arg17[%get3A_35] {strides = array<i32>} : memref<128xf32, #tpu.memory_space<vmem>>, vector<16xf32>,
    %get3A_37 = vector.shape_cast %get3A_36 : vector<16xf32> to vector<16xf32>
    %get3A_38 = arith.constant 64 : index
    %get3A_39 = tpu.vector_load %arg17[%get3A_38] {strides = array<i32>} : memref<128xf32, #tpu.memory_space<vmem>>, vector<16xf32>,
    %get3A_40 = vector.shape_cast %get3A_39 : vector<16xf32> to vector<16xf32>
    %get3A_41 = arith.constant 80 : index
    %get3A_42 = tpu.vector_load %arg17[%get3A_41] {strides = array<i32>} : memref<128xf32, #tpu.memory_space<vmem>>, vector<16xf32>,
    %get3A_43 = vector.shape_cast %get3A_42 : vector<16xf32> to vector<16xf32>
    %get3A_44 = arith.constant 96 : index
    %get3A_45 = tpu.vector_load %arg17[%get3A_44] {strides = array<i32>} : memref<128xf32, #tpu.memory_space<vmem>>, vector<16xf32>,
    %get3A_46 = vector.shape_cast %get3A_45 : vector<16xf32> to vector<16xf32>
    %get3A_47 = arith.constant 112 : index
    %get3A_48 = tpu.vector_load %arg17[%get3A_47] {strides = array<i32>} : memref<128xf32, #tpu.memory_space<vmem>>, vector<16xf32>,
    %get3A_49 = vector.shape_cast %get3A_48 : vector<16xf32> to vector<16xf32>
    %broadcast_in_dim3A = arith.constant 0.000000e+00 : f32
    %broadcast_in_dim3A_50 = vector.broadcast %broadcast_in_dim3A : f32 to vector<16xf32>
    %scan3A = arith.constant 0 : i32
    %scan3A_51 = arith.constant 0 : i32
    %scan3A_52 = arith.constant 80 : i32
    %scan3A_53 = arith.addi %scan3A_51, %scan3A_52 : i32
    %scan3A_54 = arith.constant 1 : i32
    scf.for %scan3A_169 = %scan3A_51 to %scan3A_53 step %scan3A_54  : i32 {
      %swap3A = arith.index_cast %scan3A_169 : i32 to index
      %swap3A_170 = arith.constant 0 : index
      %swap3A_171 = tpu.vector_load %arg14[%swap3A, %swap3A_170] {strides = array<i32>} : memref<80x128xf32, #tpu.memory_space<vmem>>, vector<1x16xf32>,
      %swap3A_172 = vector.shape_cast %swap3A_171 : vector<1x16xf32> to vector<16xf32>
      %swap3A_173 = vector.shape_cast %broadcast_in_dim3A_50 : vector<16xf32> to vector<1x16xf32>
      tpu.vector_store %arg14[%swap3A, %swap3A_170], %swap3A_173 {strides = array<i32>} : memref<80x128xf32, #tpu.memory_space<vmem>>, vector<1x16xf32>,
      %swap3A_174 = arith.index_cast %scan3A_169 : i32 to index
      %swap3A_175 = arith.constant 16 : index
      %swap3A_176 = tpu.vector_load %arg14[%swap3A_174, %swap3A_175] {strides = array<i32>} : memref<80x128xf32, #tpu.memory_space<vmem>>, vector<1x16xf32>,
      %swap3A_177 = vector.shape_cast %swap3A_176 : vector<1x16xf32> to vector<16xf32>
      %swap3A_178 = vector.shape_cast %broadcast_in_dim3A_50 : vector<16xf32> to vector<1x16xf32>
      tpu.vector_store %arg14[%swap3A_174, %swap3A_175], %swap3A_178 {strides = array<i32>} : memref<80x128xf32, #tpu.memory_space<vmem>>, vector<1x16xf32>,
      %swap3A_179 = arith.index_cast %scan3A_169 : i32 to index
      %swap3A_180 = arith.constant 32 : index
      %swap3A_181 = tpu.vector_load %arg14[%swap3A_179, %swap3A_180] {strides = array<i32>} : memref<80x128xf32, #tpu.memory_space<vmem>>, vector<1x16xf32>,
      %swap3A_182 = vector.shape_cast %swap3A_181 : vector<1x16xf32> to vector<16xf32>
      %swap3A_183 = vector.shape_cast %broadcast_in_dim3A_50 : vector<16xf32> to vector<1x16xf32>
      tpu.vector_store %arg14[%swap3A_179, %swap3A_180], %swap3A_183 {strides = array<i32>} : memref<80x128xf32, #tpu.memory_space<vmem>>, vector<1x16xf32>,
      %swap3A_184 = arith.index_cast %scan3A_169 : i32 to index
      %swap3A_185 = arith.constant 48 : index
      %swap3A_186 = tpu.vector_load %arg14[%swap3A_184, %swap3A_185] {strides = array<i32>} : memref<80x128xf32, #tpu.memory_space<vmem>>, vector<1x16xf32>,
      %swap3A_187 = vector.shape_cast %swap3A_186 : vector<1x16xf32> to vector<16xf32>
      %swap3A_188 = vector.shape_cast %broadcast_in_dim3A_50 : vector<16xf32> to vector<1x16xf32>
      tpu.vector_store %arg14[%swap3A_184, %swap3A_185], %swap3A_188 {strides = array<i32>} : memref<80x128xf32, #tpu.memory_space<vmem>>, vector<1x16xf32>,
      %swap3A_189 = arith.index_cast %scan3A_169 : i32 to index
      %swap3A_190 = arith.constant 64 : index
      %swap3A_191 = tpu.vector_load %arg14[%swap3A_189, %swap3A_190] {strides = array<i32>} : memref<80x128xf32, #tpu.memory_space<vmem>>, vector<1x16xf32>,
      %swap3A_192 = vector.shape_cast %swap3A_191 : vector<1x16xf32> to vector<16xf32>
      %swap3A_193 = vector.shape_cast %broadcast_in_dim3A_50 : vector<16xf32> to vector<1x16xf32>
      tpu.vector_store %arg14[%swap3A_189, %swap3A_190], %swap3A_193 {strides = array<i32>} : memref<80x128xf32, #tpu.memory_space<vmem>>, vector<1x16xf32>,
      %swap3A_194 = arith.index_cast %scan3A_169 : i32 to index
      %swap3A_195 = arith.constant 80 : index
      %swap3A_196 = tpu.vector_load %arg14[%swap3A_194, %swap3A_195] {strides = array<i32>} : memref<80x128xf32, #tpu.memory_space<vmem>>, vector<1x16xf32>,
      %swap3A_197 = vector.shape_cast %swap3A_196 : vector<1x16xf32> to vector<16xf32>
      %swap3A_198 = vector.shape_cast %broadcast_in_dim3A_50 : vector<16xf32> to vector<1x16xf32>
      tpu.vector_store %arg14[%swap3A_194, %swap3A_195], %swap3A_198 {strides = array<i32>} : memref<80x128xf32, #tpu.memory_space<vmem>>, vector<1x16xf32>,
      %swap3A_199 = arith.index_cast %scan3A_169 : i32 to index
      %swap3A_200 = arith.constant 96 : index
      %swap3A_201 = tpu.vector_load %arg14[%swap3A_199, %swap3A_200] {strides = array<i32>} : memref<80x128xf32, #tpu.memory_space<vmem>>, vector<1x16xf32>,
      %swap3A_202 = vector.shape_cast %swap3A_201 : vector<1x16xf32> to vector<16xf32>
      %swap3A_203 = vector.shape_cast %broadcast_in_dim3A_50 : vector<16xf32> to vector<1x16xf32>
      tpu.vector_store %arg14[%swap3A_199, %swap3A_200], %swap3A_203 {strides = array<i32>} : memref<80x128xf32, #tpu.memory_space<vmem>>, vector<1x16xf32>,
      %swap3A_204 = arith.index_cast %scan3A_169 : i32 to index
      %swap3A_205 = arith.constant 112 : index
      %swap3A_206 = tpu.vector_load %arg14[%swap3A_204, %swap3A_205] {strides = array<i32>} : memref<80x128xf32, #tpu.memory_space<vmem>>, vector<1x16xf32>,
      %swap3A_207 = vector.shape_cast %swap3A_206 : vector<1x16xf32> to vector<16xf32>
      %swap3A_208 = vector.shape_cast %broadcast_in_dim3A_50 : vector<16xf32> to vector<1x16xf32>
      tpu.vector_store %arg14[%swap3A_204, %swap3A_205], %swap3A_208 {strides = array<i32>} : memref<80x128xf32, #tpu.memory_space<vmem>>, vector<1x16xf32>,
    }
    %scan3A_55 = arith.constant 80 : i32
    %mul3A_56 = arith.constant 640 : i32
    %mul3A_57 = arith.muli %arg1, %mul3A_56 : i32
    %add3A_58 = arith.constant 0 : i32
    %add3A_59 = arith.addi %mul3A_57, %add3A_58 : i32
    "tpu.region"() ({
      %run_scoped3A = tpu.sem_alloc : memref<!tpu.dma_semaphore, #tpu.memory_space<semaphore_mem>>
      %dma_start3A_169 = arith.constant 0 : i32
      %dma_start3A_170 = tpu.memref_slice %arg18[%add3A_59, %dma_start3A_169] : memref<10240x128xf32, #tpu.memory_space<vmem_shared>> -> memref<80x128xf32, #tpu.memory_space<vmem_shared>>
      %dma_start3A_171 = arith.constant 0 : i32
      %dma_start3A_172 = tpu.memref_slice %arg18[%add3A_59, %dma_start3A_171] : memref<10240x128xf32, #tpu.memory_space<vmem_shared>> -> memref<80x128xf32, #tpu.memory_space<vmem_shared>>
      tpu.enqueue_dma source(%arg14 : memref<80x128xf32, #tpu.memory_space<vmem>>) target(%dma_start3A_172 : memref<80x128xf32, #tpu.memory_space<vmem_shared>>) target_semaphore(%run_scoped3A : memref<!tpu.dma_semaphore, #tpu.memory_space<semaphore_mem>>)
      %dma_wait3A_173 = arith.constant 0 : i32
      %dma_wait3A_174 = tpu.memref_slice %arg18[%add3A_59, %dma_wait3A_173] : memref<10240x128xf32, #tpu.memory_space<vmem_shared>> -> memref<80x128xf32, #tpu.memory_space<vmem_shared>>
      %dma_wait3A_175 = arith.constant 0 : i32
      %dma_wait3A_176 = tpu.memref_slice %arg18[%add3A_59, %dma_wait3A_175] : memref<10240x128xf32, #tpu.memory_space<vmem_shared>> -> memref<80x128xf32, #tpu.memory_space<vmem_shared>>
      tpu.wait_dma2 semaphore(%run_scoped3A : memref<!tpu.dma_semaphore, #tpu.memory_space<semaphore_mem>>) src(%arg14 : memref<80x128xf32, #tpu.memory_space<vmem>>) dst(%dma_wait3A_176 : memref<80x128xf32, #tpu.memory_space<vmem_shared>>)
      tpu.yield
    }) : () -> ()
    %mul3A_60 = arith.constant 640 : i32
    %mul3A_61 = arith.muli %arg1, %mul3A_60 : i32
    %add3A_62 = arith.constant 80 : i32
    %add3A_63 = arith.addi %mul3A_61, %add3A_62 : i32
    "tpu.region"() ({
      %run_scoped3A = tpu.sem_alloc : memref<!tpu.dma_semaphore, #tpu.memory_space<semaphore_mem>>
      %dma_start3A_169 = arith.constant 0 : i32
      %dma_start3A_170 = tpu.memref_slice %arg18[%add3A_63, %dma_start3A_169] : memref<10240x128xf32, #tpu.memory_space<vmem_shared>> -> memref<80x128xf32, #tpu.memory_space<vmem_shared>>
      %dma_start3A_171 = arith.constant 0 : i32
      %dma_start3A_172 = tpu.memref_slice %arg18[%add3A_63, %dma_start3A_171] : memref<10240x128xf32, #tpu.memory_space<vmem_shared>> -> memref<80x128xf32, #tpu.memory_space<vmem_shared>>
      tpu.enqueue_dma source(%arg14 : memref<80x128xf32, #tpu.memory_space<vmem>>) target(%dma_start3A_172 : memref<80x128xf32, #tpu.memory_space<vmem_shared>>) target_semaphore(%run_scoped3A : memref<!tpu.dma_semaphore, #tpu.memory_space<semaphore_mem>>)
      %dma_wait3A_173 = arith.constant 0 : i32
      %dma_wait3A_174 = tpu.memref_slice %arg18[%add3A_63, %dma_wait3A_173] : memref<10240x128xf32, #tpu.memory_space<vmem_shared>> -> memref<80x128xf32, #tpu.memory_space<vmem_shared>>
      %dma_wait3A_175 = arith.constant 0 : i32
      %dma_wait3A_176 = tpu.memref_slice %arg18[%add3A_63, %dma_wait3A_175] : memref<10240x128xf32, #tpu.memory_space<vmem_shared>> -> memref<80x128xf32, #tpu.memory_space<vmem_shared>>
      tpu.wait_dma2 semaphore(%run_scoped3A : memref<!tpu.dma_semaphore, #tpu.memory_space<semaphore_mem>>) src(%arg14 : memref<80x128xf32, #tpu.memory_space<vmem>>) dst(%dma_wait3A_176 : memref<80x128xf32, #tpu.memory_space<vmem_shared>>)
      tpu.yield
    }) : () -> ()
    %mul3A_64 = arith.constant 640 : i32
    %mul3A_65 = arith.muli %arg1, %mul3A_64 : i32
    %add3A_66 = arith.constant 160 : i32
    %add3A_67 = arith.addi %mul3A_65, %add3A_66 : i32
    "tpu.region"() ({
      %run_scoped3A = tpu.sem_alloc : memref<!tpu.dma_semaphore, #tpu.memory_space<semaphore_mem>>
      %dma_start3A_169 = arith.constant 0 : i32
      %dma_start3A_170 = tpu.memref_slice %arg18[%add3A_67, %dma_start3A_169] : memref<10240x128xf32, #tpu.memory_space<vmem_shared>> -> memref<80x128xf32, #tpu.memory_space<vmem_shared>>
      %dma_start3A_171 = arith.constant 0 : i32
      %dma_start3A_172 = tpu.memref_slice %arg18[%add3A_67, %dma_start3A_171] : memref<10240x128xf32, #tpu.memory_space<vmem_shared>> -> memref<80x128xf32, #tpu.memory_space<vmem_shared>>
      tpu.enqueue_dma source(%arg14 : memref<80x128xf32, #tpu.memory_space<vmem>>) target(%dma_start3A_172 : memref<80x128xf32, #tpu.memory_space<vmem_shared>>) target_semaphore(%run_scoped3A : memref<!tpu.dma_semaphore, #tpu.memory_space<semaphore_mem>>)
      %dma_wait3A_173 = arith.constant 0 : i32
      %dma_wait3A_174 = tpu.memref_slice %arg18[%add3A_67, %dma_wait3A_173] : memref<10240x128xf32, #tpu.memory_space<vmem_shared>> -> memref<80x128xf32, #tpu.memory_space<vmem_shared>>
      %dma_wait3A_175 = arith.constant 0 : i32
      %dma_wait3A_176 = tpu.memref_slice %arg18[%add3A_67, %dma_wait3A_175] : memref<10240x128xf32, #tpu.memory_space<vmem_shared>> -> memref<80x128xf32, #tpu.memory_space<vmem_shared>>
      tpu.wait_dma2 semaphore(%run_scoped3A : memref<!tpu.dma_semaphore, #tpu.memory_space<semaphore_mem>>) src(%arg14 : memref<80x128xf32, #tpu.memory_space<vmem>>) dst(%dma_wait3A_176 : memref<80x128xf32, #tpu.memory_space<vmem_shared>>)
      tpu.yield
    }) : () -> ()
    %mul3A_68 = arith.constant 640 : i32
    %mul3A_69 = arith.muli %arg1, %mul3A_68 : i32
    %add3A_70 = arith.constant 240 : i32
    %add3A_71 = arith.addi %mul3A_69, %add3A_70 : i32
    "tpu.region"() ({
      %run_scoped3A = tpu.sem_alloc : memref<!tpu.dma_semaphore, #tpu.memory_space<semaphore_mem>>
      %dma_start3A_169 = arith.constant 0 : i32
      %dma_start3A_170 = tpu.memref_slice %arg18[%add3A_71, %dma_start3A_169] : memref<10240x128xf32, #tpu.memory_space<vmem_shared>> -> memref<80x128xf32, #tpu.memory_space<vmem_shared>>
      %dma_start3A_171 = arith.constant 0 : i32
      %dma_start3A_172 = tpu.memref_slice %arg18[%add3A_71, %dma_start3A_171] : memref<10240x128xf32, #tpu.memory_space<vmem_shared>> -> memref<80x128xf32, #tpu.memory_space<vmem_shared>>
      tpu.enqueue_dma source(%arg14 : memref<80x128xf32, #tpu.memory_space<vmem>>) target(%dma_start3A_172 : memref<80x128xf32, #tpu.memory_space<vmem_shared>>) target_semaphore(%run_scoped3A : memref<!tpu.dma_semaphore, #tpu.memory_space<semaphore_mem>>)
      %dma_wait3A_173 = arith.constant 0 : i32
      %dma_wait3A_174 = tpu.memref_slice %arg18[%add3A_71, %dma_wait3A_173] : memref<10240x128xf32, #tpu.memory_space<vmem_shared>> -> memref<80x128xf32, #tpu.memory_space<vmem_shared>>
      %dma_wait3A_175 = arith.constant 0 : i32
      %dma_wait3A_176 = tpu.memref_slice %arg18[%add3A_71, %dma_wait3A_175] : memref<10240x128xf32, #tpu.memory_space<vmem_shared>> -> memref<80x128xf32, #tpu.memory_space<vmem_shared>>
      tpu.wait_dma2 semaphore(%run_scoped3A : memref<!tpu.dma_semaphore, #tpu.memory_space<semaphore_mem>>) src(%arg14 : memref<80x128xf32, #tpu.memory_space<vmem>>) dst(%dma_wait3A_176 : memref<80x128xf32, #tpu.memory_space<vmem_shared>>)
      tpu.yield
    }) : () -> ()
    %mul3A_72 = arith.constant 640 : i32
    %mul3A_73 = arith.muli %arg1, %mul3A_72 : i32
    %add3A_74 = arith.constant 320 : i32
    %add3A_75 = arith.addi %mul3A_73, %add3A_74 : i32
    "tpu.region"() ({
      %run_scoped3A = tpu.sem_alloc : memref<!tpu.dma_semaphore, #tpu.memory_space<semaphore_mem>>
      %dma_start3A_169 = arith.constant 0 : i32
      %dma_start3A_170 = tpu.memref_slice %arg18[%add3A_75, %dma_start3A_169] : memref<10240x128xf32, #tpu.memory_space<vmem_shared>> -> memref<80x128xf32, #tpu.memory_space<vmem_shared>>
      %dma_start3A_171 = arith.constant 0 : i32
      %dma_start3A_172 = tpu.memref_slice %arg18[%add3A_75, %dma_start3A_171] : memref<10240x128xf32, #tpu.memory_space<vmem_shared>> -> memref<80x128xf32, #tpu.memory_space<vmem_shared>>
      tpu.enqueue_dma source(%arg14 : memref<80x128xf32, #tpu.memory_space<vmem>>) target(%dma_start3A_172 : memref<80x128xf32, #tpu.memory_space<vmem_shared>>) target_semaphore(%run_scoped3A : memref<!tpu.dma_semaphore, #tpu.memory_space<semaphore_mem>>)
      %dma_wait3A_173 = arith.constant 0 : i32
      %dma_wait3A_174 = tpu.memref_slice %arg18[%add3A_75, %dma_wait3A_173] : memref<10240x128xf32, #tpu.memory_space<vmem_shared>> -> memref<80x128xf32, #tpu.memory_space<vmem_shared>>
      %dma_wait3A_175 = arith.constant 0 : i32
      %dma_wait3A_176 = tpu.memref_slice %arg18[%add3A_75, %dma_wait3A_175] : memref<10240x128xf32, #tpu.memory_space<vmem_shared>> -> memref<80x128xf32, #tpu.memory_space<vmem_shared>>
      tpu.wait_dma2 semaphore(%run_scoped3A : memref<!tpu.dma_semaphore, #tpu.memory_space<semaphore_mem>>) src(%arg14 : memref<80x128xf32, #tpu.memory_space<vmem>>) dst(%dma_wait3A_176 : memref<80x128xf32, #tpu.memory_space<vmem_shared>>)
      tpu.yield
    }) : () -> ()
    %mul3A_76 = arith.constant 640 : i32
    %mul3A_77 = arith.muli %arg1, %mul3A_76 : i32
    %add3A_78 = arith.constant 400 : i32
    %add3A_79 = arith.addi %mul3A_77, %add3A_78 : i32
    "tpu.region"() ({
      %run_scoped3A = tpu.sem_alloc : memref<!tpu.dma_semaphore, #tpu.memory_space<semaphore_mem>>
      %dma_start3A_169 = arith.constant 0 : i32
      %dma_start3A_170 = tpu.memref_slice %arg18[%add3A_79, %dma_start3A_169] : memref<10240x128xf32, #tpu.memory_space<vmem_shared>> -> memref<80x128xf32, #tpu.memory_space<vmem_shared>>
      %dma_start3A_171 = arith.constant 0 : i32
      %dma_start3A_172 = tpu.memref_slice %arg18[%add3A_79, %dma_start3A_171] : memref<10240x128xf32, #tpu.memory_space<vmem_shared>> -> memref<80x128xf32, #tpu.memory_space<vmem_shared>>
      tpu.enqueue_dma source(%arg14 : memref<80x128xf32, #tpu.memory_space<vmem>>) target(%dma_start3A_172 : memref<80x128xf32, #tpu.memory_space<vmem_shared>>) target_semaphore(%run_scoped3A : memref<!tpu.dma_semaphore, #tpu.memory_space<semaphore_mem>>)
      %dma_wait3A_173 = arith.constant 0 : i32
      %dma_wait3A_174 = tpu.memref_slice %arg18[%add3A_79, %dma_wait3A_173] : memref<10240x128xf32, #tpu.memory_space<vmem_shared>> -> memref<80x128xf32, #tpu.memory_space<vmem_shared>>
      %dma_wait3A_175 = arith.constant 0 : i32
      %dma_wait3A_176 = tpu.memref_slice %arg18[%add3A_79, %dma_wait3A_175] : memref<10240x128xf32, #tpu.memory_space<vmem_shared>> -> memref<80x128xf32, #tpu.memory_space<vmem_shared>>
      tpu.wait_dma2 semaphore(%run_scoped3A : memref<!tpu.dma_semaphore, #tpu.memory_space<semaphore_mem>>) src(%arg14 : memref<80x128xf32, #tpu.memory_space<vmem>>) dst(%dma_wait3A_176 : memref<80x128xf32, #tpu.memory_space<vmem_shared>>)
      tpu.yield
    }) : () -> ()
    %mul3A_80 = arith.constant 640 : i32
    %mul3A_81 = arith.muli %arg1, %mul3A_80 : i32
    %add3A_82 = arith.constant 480 : i32
    %add3A_83 = arith.addi %mul3A_81, %add3A_82 : i32
    "tpu.region"() ({
      %run_scoped3A = tpu.sem_alloc : memref<!tpu.dma_semaphore, #tpu.memory_space<semaphore_mem>>
      %dma_start3A_169 = arith.constant 0 : i32
      %dma_start3A_170 = tpu.memref_slice %arg18[%add3A_83, %dma_start3A_169] : memref<10240x128xf32, #tpu.memory_space<vmem_shared>> -> memref<80x128xf32, #tpu.memory_space<vmem_shared>>
      %dma_start3A_171 = arith.constant 0 : i32
      %dma_start3A_172 = tpu.memref_slice %arg18[%add3A_83, %dma_start3A_171] : memref<10240x128xf32, #tpu.memory_space<vmem_shared>> -> memref<80x128xf32, #tpu.memory_space<vmem_shared>>
      tpu.enqueue_dma source(%arg14 : memref<80x128xf32, #tpu.memory_space<vmem>>) target(%dma_start3A_172 : memref<80x128xf32, #tpu.memory_space<vmem_shared>>) target_semaphore(%run_scoped3A : memref<!tpu.dma_semaphore, #tpu.memory_space<semaphore_mem>>)
      %dma_wait3A_173 = arith.constant 0 : i32
      %dma_wait3A_174 = tpu.memref_slice %arg18[%add3A_83, %dma_wait3A_173] : memref<10240x128xf32, #tpu.memory_space<vmem_shared>> -> memref<80x128xf32, #tpu.memory_space<vmem_shared>>
      %dma_wait3A_175 = arith.constant 0 : i32
      %dma_wait3A_176 = tpu.memref_slice %arg18[%add3A_83, %dma_wait3A_175] : memref<10240x128xf32, #tpu.memory_space<vmem_shared>> -> memref<80x128xf32, #tpu.memory_space<vmem_shared>>
      tpu.wait_dma2 semaphore(%run_scoped3A : memref<!tpu.dma_semaphore, #tpu.memory_space<semaphore_mem>>) src(%arg14 : memref<80x128xf32, #tpu.memory_space<vmem>>) dst(%dma_wait3A_176 : memref<80x128xf32, #tpu.memory_space<vmem_shared>>)
      tpu.yield
    }) : () -> ()
    %mul3A_84 = arith.constant 640 : i32
    %mul3A_85 = arith.muli %arg1, %mul3A_84 : i32
    %add3A_86 = arith.constant 560 : i32
    %add3A_87 = arith.addi %mul3A_85, %add3A_86 : i32
    "tpu.region"() ({
      %run_scoped3A = tpu.sem_alloc : memref<!tpu.dma_semaphore, #tpu.memory_space<semaphore_mem>>
      %dma_start3A_169 = arith.constant 0 : i32
      %dma_start3A_170 = tpu.memref_slice %arg18[%add3A_87, %dma_start3A_169] : memref<10240x128xf32, #tpu.memory_space<vmem_shared>> -> memref<80x128xf32, #tpu.memory_space<vmem_shared>>
      %dma_start3A_171 = arith.constant 0 : i32
      %dma_start3A_172 = tpu.memref_slice %arg18[%add3A_87, %dma_start3A_171] : memref<10240x128xf32, #tpu.memory_space<vmem_shared>> -> memref<80x128xf32, #tpu.memory_space<vmem_shared>>
      tpu.enqueue_dma source(%arg14 : memref<80x128xf32, #tpu.memory_space<vmem>>) target(%dma_start3A_172 : memref<80x128xf32, #tpu.memory_space<vmem_shared>>) target_semaphore(%run_scoped3A : memref<!tpu.dma_semaphore, #tpu.memory_space<semaphore_mem>>)
      %dma_wait3A_173 = arith.constant 0 : i32
      %dma_wait3A_174 = tpu.memref_slice %arg18[%add3A_87, %dma_wait3A_173] : memref<10240x128xf32, #tpu.memory_space<vmem_shared>> -> memref<80x128xf32, #tpu.memory_space<vmem_shared>>
      %dma_wait3A_175 = arith.constant 0 : i32
      %dma_wait3A_176 = tpu.memref_slice %arg18[%add3A_87, %dma_wait3A_175] : memref<10240x128xf32, #tpu.memory_space<vmem_shared>> -> memref<80x128xf32, #tpu.memory_space<vmem_shared>>
      tpu.wait_dma2 semaphore(%run_scoped3A : memref<!tpu.dma_semaphore, #tpu.memory_space<semaphore_mem>>) src(%arg14 : memref<80x128xf32, #tpu.memory_space<vmem>>) dst(%dma_wait3A_176 : memref<80x128xf32, #tpu.memory_space<vmem_shared>>)
      tpu.yield
    }) : () -> ()
    %barrier3A = arith.constant 0 : index
    tpu.barrier barrier_id(%barrier3A)
    %add3A_88 = arith.constant 0 : i32
    %add3A_89 = arith.addi %mul3A_2, %add3A_88 : i32
    %dma_start3A = tpu.memref_slice %arg2[%add3A_89] : memref<320000xi32, #tpu.memory_space<hbm>> -> memref<80xi32, #tpu.memory_space<hbm>>
    %dma_start3A_90 = tpu.memref_slice %arg2[%add3A_89] : memref<320000xi32, #tpu.memory_space<hbm>> -> memref<80xi32, #tpu.memory_space<hbm>>
    tpu.enqueue_dma source(%dma_start3A_90 : memref<80xi32, #tpu.memory_space<hbm>>) target(%arg8 : memref<80xi32, #tpu.memory_space<vmem>>) target_semaphore(%arg19 : memref<!tpu.dma_semaphore, #tpu.memory_space<semaphore_mem>>)
    %add3A_91 = arith.constant 0 : i32
    %add3A_92 = arith.addi %mul3A_2, %add3A_91 : i32
    %dma_start3A_93 = arith.constant 0 : i32
    %dma_start3A_94 = tpu.memref_slice %arg3[%add3A_92, %dma_start3A_93] : memref<320000x128xf32, #tpu.memory_space<hbm>> -> memref<80x128xf32, #tpu.memory_space<hbm>>
    %dma_start3A_95 = arith.constant 0 : i32
    %dma_start3A_96 = tpu.memref_slice %arg3[%add3A_92, %dma_start3A_95] : memref<320000x128xf32, #tpu.memory_space<hbm>> -> memref<80x128xf32, #tpu.memory_space<hbm>>
    tpu.enqueue_dma source(%dma_start3A_96 : memref<80x128xf32, #tpu.memory_space<hbm>>) target(%arg12 : memref<80x128xf32, #tpu.memory_space<vmem>>) target_semaphore(%arg23 : memref<!tpu.dma_semaphore, #tpu.memory_space<semaphore_mem>>)
    %add3A_97 = arith.constant 80 : i32
    %add3A_98 = arith.addi %mul3A_2, %add3A_97 : i32
    %dma_start3A_99 = tpu.memref_slice %arg2[%add3A_98] : memref<320000xi32, #tpu.memory_space<hbm>> -> memref<80xi32, #tpu.memory_space<hbm>>
    %dma_start3A_100 = tpu.memref_slice %arg2[%add3A_98] : memref<320000xi32, #tpu.memory_space<hbm>> -> memref<80xi32, #tpu.memory_space<hbm>>
    tpu.enqueue_dma source(%dma_start3A_100 : memref<80xi32, #tpu.memory_space<hbm>>) target(%arg9 : memref<80xi32, #tpu.memory_space<vmem>>) target_semaphore(%arg20 : memref<!tpu.dma_semaphore, #tpu.memory_space<semaphore_mem>>)
    %add3A_101 = arith.constant 80 : i32
    %add3A_102 = arith.addi %mul3A_2, %add3A_101 : i32
    %dma_start3A_103 = arith.constant 0 : i32
    %dma_start3A_104 = tpu.memref_slice %arg3[%add3A_102, %dma_start3A_103] : memref<320000x128xf32, #tpu.memory_space<hbm>> -> memref<80x128xf32, #tpu.memory_space<hbm>>
    %dma_start3A_105 = arith.constant 0 : i32
    %dma_start3A_106 = tpu.memref_slice %arg3[%add3A_102, %dma_start3A_105] : memref<320000x128xf32, #tpu.memory_space<hbm>> -> memref<80x128xf32, #tpu.memory_space<hbm>>
    tpu.enqueue_dma source(%dma_start3A_106 : memref<80x128xf32, #tpu.memory_space<hbm>>) target(%arg13 : memref<80x128xf32, #tpu.memory_space<vmem>>) target_semaphore(%arg24 : memref<!tpu.dma_semaphore, #tpu.memory_space<semaphore_mem>>)
    %scan3A_107 = arith.constant 0 : i32
    %scan3A_108 = arith.constant 0 : i32
    %scan3A_109 = arith.constant 31 : i32
    %scan3A_110 = arith.addi %scan3A_108, %scan3A_109 : i32
    %scan3A_111 = arith.constant 1 : i32
    scf.for %scan3A_169 = %scan3A_108 to %scan3A_110 step %scan3A_111  : i32 {
      %mul3A_170 = arith.constant 4 : i32
      %mul3A_171 = arith.muli %mul3A_170, %scan3A_169 : i32
      %add3A_172 = arith.constant 0 : i32
      %add3A_173 = arith.addi %mul3A_171, %add3A_172 : i32
      %dma_wait3A_174 = arith.constant 0 : i32
      %dma_wait3A_175 = arith.constant 0 : i32
      %dma_wait3A_176 = tpu.memref_slice %arg3[%dma_wait3A_174, %dma_wait3A_175] : memref<320000x128xf32, #tpu.memory_space<hbm>> -> memref<80x128xf32, #tpu.memory_space<hbm>>
      %dma_wait3A_177 = arith.constant 0 : i32
      %dma_wait3A_178 = arith.constant 0 : i32
      %dma_wait3A_179 = tpu.memref_slice %arg3[%dma_wait3A_177, %dma_wait3A_178] : memref<320000x128xf32, #tpu.memory_space<hbm>> -> memref<80x128xf32, #tpu.memory_space<hbm>>
      tpu.wait_dma2 semaphore(%arg23 : memref<!tpu.dma_semaphore, #tpu.memory_space<semaphore_mem>>) src(%dma_wait3A_179 : memref<80x128xf32, #tpu.memory_space<hbm>>) dst(%arg12 : memref<80x128xf32, #tpu.memory_space<vmem>>)
      %ge3A = arith.constant 1 : i32
      %ge3A_180 = arith.cmpi sge, %scan3A_169, %ge3A : i32
      %convert_element_type3A = arith.extui %ge3A_180 : i1 to i32
      %cond3A = arith.constant 0 : i32
      %cond3A_181 = arith.cmpi ne, %convert_element_type3A, %cond3A : i32
      scf.if %cond3A_181 {
        %dma_wait3A_367 = arith.constant 0 : i32
        %dma_wait3A_368 = arith.constant 0 : i32
        %dma_wait3A_369 = tpu.memref_slice %arg6[%dma_wait3A_367, %dma_wait3A_368] : memref<320000x128xf32, #tpu.memory_space<hbm>> -> memref<80x128xf32, #tpu.memory_space<hbm>>
        %dma_wait3A_370 = arith.constant 0 : i32
        %dma_wait3A_371 = arith.constant 0 : i32
        %dma_wait3A_372 = tpu.memref_slice %arg6[%dma_wait3A_370, %dma_wait3A_371] : memref<320000x128xf32, #tpu.memory_space<hbm>> -> memref<80x128xf32, #tpu.memory_space<hbm>>
        tpu.wait_dma2 semaphore(%arg25 : memref<!tpu.dma_semaphore, #tpu.memory_space<semaphore_mem>>) src(%arg14 : memref<80x128xf32, #tpu.memory_space<vmem>>) dst(%dma_wait3A_372 : memref<80x128xf32, #tpu.memory_space<hbm>>)
        %dma_wait3A_373 = arith.constant 0 : i32
        %dma_wait3A_374 = arith.constant 0 : i32
        %dma_wait3A_375 = tpu.memref_slice %arg18[%dma_wait3A_373, %dma_wait3A_374] : memref<10240x128xf32, #tpu.memory_space<vmem_shared>> -> memref<10240x128xf32, #tpu.memory_space<vmem_shared>>
        tpu.wait_indirect_dma semaphore(%arg27 : memref<!tpu.dma_semaphore, #tpu.memory_space<semaphore_mem>>) src(%arg14 : memref<80x128xf32, #tpu.memory_space<vmem>>) dst(%dma_wait3A_375 : memref<10240x128xf32, #tpu.memory_space<vmem_shared>>)
      } else {
      }
      %scan3A_182 = arith.constant 0 : i32
      %scan3A_183 = arith.constant 0 : i32
      %scan3A_184 = arith.constant 80 : i32
      %scan3A_185 = arith.addi %scan3A_183, %scan3A_184 : i32
      %scan3A_186 = arith.constant 1 : i32
      scf.for %scan3A_367 = %scan3A_183 to %scan3A_185 step %scan3A_186  : i32 {
        %get3A_368 = arith.index_cast %scan3A_367 : i32 to index
        %get3A_369 = arith.constant 0 : index
        %get3A_370 = tpu.vector_load %arg12[%get3A_368, %get3A_369] {strides = array<i32>} : memref<80x128xf32, #tpu.memory_space<vmem>>, vector<1x16xf32>,
        %get3A_371 = vector.shape_cast %get3A_370 : vector<1x16xf32> to vector<16xf32>
        %mul3A_372 = arith.mulf %get3A_371, %get3A_4 : vector<16xf32>
        %add3A_373 = arith.addf %mul3A_372, %get3A_28 : vector<16xf32>
        %max3A = arith.constant 0.000000e+00 : f32
        %max3A_374 = vector.broadcast %max3A : f32 to vector<16xf32>
        %max3A_375 = arith.maximumf %add3A_373, %max3A_374 : vector<16xf32>
        %swap3A = arith.index_cast %scan3A_367 : i32 to index
        %swap3A_376 = arith.constant 0 : index
        %swap3A_377 = tpu.vector_load %arg14[%swap3A, %swap3A_376] {strides = array<i32>} : memref<80x128xf32, #tpu.memory_space<vmem>>, vector<1x16xf32>,
        %swap3A_378 = vector.shape_cast %swap3A_377 : vector<1x16xf32> to vector<16xf32>
        %swap3A_379 = vector.shape_cast %max3A_375 : vector<16xf32> to vector<1x16xf32>
        tpu.vector_store %arg14[%swap3A, %swap3A_376], %swap3A_379 {strides = array<i32>} : memref<80x128xf32, #tpu.memory_space<vmem>>, vector<1x16xf32>,
        %get3A_380 = arith.index_cast %scan3A_367 : i32 to index
        %get3A_381 = arith.constant 16 : index
        %get3A_382 = tpu.vector_load %arg12[%get3A_380, %get3A_381] {strides = array<i32>} : memref<80x128xf32, #tpu.memory_space<vmem>>, vector<1x16xf32>,
        %get3A_383 = vector.shape_cast %get3A_382 : vector<1x16xf32> to vector<16xf32>
        %mul3A_384 = arith.mulf %get3A_383, %get3A_7 : vector<16xf32>
        %add3A_385 = arith.addf %mul3A_384, %get3A_31 : vector<16xf32>
        %max3A_386 = arith.constant 0.000000e+00 : f32
        %max3A_387 = vector.broadcast %max3A_386 : f32 to vector<16xf32>
        %max3A_388 = arith.maximumf %add3A_385, %max3A_387 : vector<16xf32>
        %swap3A_389 = arith.index_cast %scan3A_367 : i32 to index
        %swap3A_390 = arith.constant 16 : index
        %swap3A_391 = tpu.vector_load %arg14[%swap3A_389, %swap3A_390] {strides = array<i32>} : memref<80x128xf32, #tpu.memory_space<vmem>>, vector<1x16xf32>,
        %swap3A_392 = vector.shape_cast %swap3A_391 : vector<1x16xf32> to vector<16xf32>
        %swap3A_393 = vector.shape_cast %max3A_388 : vector<16xf32> to vector<1x16xf32>
        tpu.vector_store %arg14[%swap3A_389, %swap3A_390], %swap3A_393 {strides = array<i32>} : memref<80x128xf32, #tpu.memory_space<vmem>>, vector<1x16xf32>,
        %get3A_394 = arith.index_cast %scan3A_367 : i32 to index
        %get3A_395 = arith.constant 32 : index
        %get3A_396 = tpu.vector_load %arg12[%get3A_394, %get3A_395] {strides = array<i32>} : memref<80x128xf32, #tpu.memory_space<vmem>>, vector<1x16xf32>,
        %get3A_397 = vector.shape_cast %get3A_396 : vector<1x16xf32> to vector<16xf32>
        %mul3A_398 = arith.mulf %get3A_397, %get3A_10 : vector<16xf32>
        %add3A_399 = arith.addf %mul3A_398, %get3A_34 : vector<16xf32>
        %max3A_400 = arith.constant 0.000000e+00 : f32
        %max3A_401 = vector.broadcast %max3A_400 : f32 to vector<16xf32>
        %max3A_402 = arith.maximumf %add3A_399, %max3A_401 : vector<16xf32>
        %swap3A_403 = arith.index_cast %scan3A_367 : i32 to index
        %swap3A_404 = arith.constant 32 : index
        %swap3A_405 = tpu.vector_load %arg14[%swap3A_403, %swap3A_404] {strides = array<i32>} : memref<80x128xf32, #tpu.memory_space<vmem>>, vector<1x16xf32>,
        %swap3A_406 = vector.shape_cast %swap3A_405 : vector<1x16xf32> to vector<16xf32>
        %swap3A_407 = vector.shape_cast %max3A_402 : vector<16xf32> to vector<1x16xf32>
        tpu.vector_store %arg14[%swap3A_403, %swap3A_404], %swap3A_407 {strides = array<i32>} : memref<80x128xf32, #tpu.memory_space<vmem>>, vector<1x16xf32>,
        %get3A_408 = arith.index_cast %scan3A_367 : i32 to index
        %get3A_409 = arith.constant 48 : index
        %get3A_410 = tpu.vector_load %arg12[%get3A_408, %get3A_409] {strides = array<i32>} : memref<80x128xf32, #tpu.memory_space<vmem>>, vector<1x16xf32>,
        %get3A_411 = vector.shape_cast %get3A_410 : vector<1x16xf32> to vector<16xf32>
        %mul3A_412 = arith.mulf %get3A_411, %get3A_13 : vector<16xf32>
        %add3A_413 = arith.addf %mul3A_412, %get3A_37 : vector<16xf32>
        %max3A_414 = arith.constant 0.000000e+00 : f32
        %max3A_415 = vector.broadcast %max3A_414 : f32 to vector<16xf32>
        %max3A_416 = arith.maximumf %add3A_413, %max3A_415 : vector<16xf32>
        %swap3A_417 = arith.index_cast %scan3A_367 : i32 to index
        %swap3A_418 = arith.constant 48 : index
        %swap3A_419 = tpu.vector_load %arg14[%swap3A_417, %swap3A_418] {strides = array<i32>} : memref<80x128xf32, #tpu.memory_space<vmem>>, vector<1x16xf32>,
        %swap3A_420 = vector.shape_cast %swap3A_419 : vector<1x16xf32> to vector<16xf32>
        %swap3A_421 = vector.shape_cast %max3A_416 : vector<16xf32> to vector<1x16xf32>
        tpu.vector_store %arg14[%swap3A_417, %swap3A_418], %swap3A_421 {strides = array<i32>} : memref<80x128xf32, #tpu.memory_space<vmem>>, vector<1x16xf32>,
        %get3A_422 = arith.index_cast %scan3A_367 : i32 to index
        %get3A_423 = arith.constant 64 : index
        %get3A_424 = tpu.vector_load %arg12[%get3A_422, %get3A_423] {strides = array<i32>} : memref<80x128xf32, #tpu.memory_space<vmem>>, vector<1x16xf32>,
        %get3A_425 = vector.shape_cast %get3A_424 : vector<1x16xf32> to vector<16xf32>
        %mul3A_426 = arith.mulf %get3A_425, %get3A_16 : vector<16xf32>
        %add3A_427 = arith.addf %mul3A_426, %get3A_40 : vector<16xf32>
        %max3A_428 = arith.constant 0.000000e+00 : f32
        %max3A_429 = vector.broadcast %max3A_428 : f32 to vector<16xf32>
        %max3A_430 = arith.maximumf %add3A_427, %max3A_429 : vector<16xf32>
        %swap3A_431 = arith.index_cast %scan3A_367 : i32 to index
        %swap3A_432 = arith.constant 64 : index
        %swap3A_433 = tpu.vector_load %arg14[%swap3A_431, %swap3A_432] {strides = array<i32>} : memref<80x128xf32, #tpu.memory_space<vmem>>, vector<1x16xf32>,
        %swap3A_434 = vector.shape_cast %swap3A_433 : vector<1x16xf32> to vector<16xf32>
        %swap3A_435 = vector.shape_cast %max3A_430 : vector<16xf32> to vector<1x16xf32>
        tpu.vector_store %arg14[%swap3A_431, %swap3A_432], %swap3A_435 {strides = array<i32>} : memref<80x128xf32, #tpu.memory_space<vmem>>, vector<1x16xf32>,
        %get3A_436 = arith.index_cast %scan3A_367 : i32 to index
        %get3A_437 = arith.constant 80 : index
        %get3A_438 = tpu.vector_load %arg12[%get3A_436, %get3A_437] {strides = array<i32>} : memref<80x128xf32, #tpu.memory_space<vmem>>, vector<1x16xf32>,
        %get3A_439 = vector.shape_cast %get3A_438 : vector<1x16xf32> to vector<16xf32>
        %mul3A_440 = arith.mulf %get3A_439, %get3A_19 : vector<16xf32>
        %add3A_441 = arith.addf %mul3A_440, %get3A_43 : vector<16xf32>
        %max3A_442 = arith.constant 0.000000e+00 : f32
        %max3A_443 = vector.broadcast %max3A_442 : f32 to vector<16xf32>
        %max3A_444 = arith.maximumf %add3A_441, %max3A_443 : vector<16xf32>
        %swap3A_445 = arith.index_cast %scan3A_367 : i32 to index
        %swap3A_446 = arith.constant 80 : index
        %swap3A_447 = tpu.vector_load %arg14[%swap3A_445, %swap3A_446] {strides = array<i32>} : memref<80x128xf32, #tpu.memory_space<vmem>>, vector<1x16xf32>,
        %swap3A_448 = vector.shape_cast %swap3A_447 : vector<1x16xf32> to vector<16xf32>
        %swap3A_449 = vector.shape_cast %max3A_444 : vector<16xf32> to vector<1x16xf32>
        tpu.vector_store %arg14[%swap3A_445, %swap3A_446], %swap3A_449 {strides = array<i32>} : memref<80x128xf32, #tpu.memory_space<vmem>>, vector<1x16xf32>,
        %get3A_450 = arith.index_cast %scan3A_367 : i32 to index
        %get3A_451 = arith.constant 96 : index
        %get3A_452 = tpu.vector_load %arg12[%get3A_450, %get3A_451] {strides = array<i32>} : memref<80x128xf32, #tpu.memory_space<vmem>>, vector<1x16xf32>,
        %get3A_453 = vector.shape_cast %get3A_452 : vector<1x16xf32> to vector<16xf32>
        %mul3A_454 = arith.mulf %get3A_453, %get3A_22 : vector<16xf32>
        %add3A_455 = arith.addf %mul3A_454, %get3A_46 : vector<16xf32>
        %max3A_456 = arith.constant 0.000000e+00 : f32
        %max3A_457 = vector.broadcast %max3A_456 : f32 to vector<16xf32>
        %max3A_458 = arith.maximumf %add3A_455, %max3A_457 : vector<16xf32>
        %swap3A_459 = arith.index_cast %scan3A_367 : i32 to index
        %swap3A_460 = arith.constant 96 : index
        %swap3A_461 = tpu.vector_load %arg14[%swap3A_459, %swap3A_460] {strides = array<i32>} : memref<80x128xf32, #tpu.memory_space<vmem>>, vector<1x16xf32>,
        %swap3A_462 = vector.shape_cast %swap3A_461 : vector<1x16xf32> to vector<16xf32>
        %swap3A_463 = vector.shape_cast %max3A_458 : vector<16xf32> to vector<1x16xf32>
        tpu.vector_store %arg14[%swap3A_459, %swap3A_460], %swap3A_463 {strides = array<i32>} : memref<80x128xf32, #tpu.memory_space<vmem>>, vector<1x16xf32>,
        %get3A_464 = arith.index_cast %scan3A_367 : i32 to index
        %get3A_465 = arith.constant 112 : index
        %get3A_466 = tpu.vector_load %arg12[%get3A_464, %get3A_465] {strides = array<i32>} : memref<80x128xf32, #tpu.memory_space<vmem>>, vector<1x16xf32>,
        %get3A_467 = vector.shape_cast %get3A_466 : vector<1x16xf32> to vector<16xf32>
        %mul3A_468 = arith.mulf %get3A_467, %get3A_25 : vector<16xf32>
        %add3A_469 = arith.addf %mul3A_468, %get3A_49 : vector<16xf32>
        %max3A_470 = arith.constant 0.000000e+00 : f32
        %max3A_471 = vector.broadcast %max3A_470 : f32 to vector<16xf32>
        %max3A_472 = arith.maximumf %add3A_469, %max3A_471 : vector<16xf32>
        %swap3A_473 = arith.index_cast %scan3A_367 : i32 to index
        %swap3A_474 = arith.constant 112 : index
        %swap3A_475 = tpu.vector_load %arg14[%swap3A_473, %swap3A_474] {strides = array<i32>} : memref<80x128xf32, #tpu.memory_space<vmem>>, vector<1x16xf32>,
        %swap3A_476 = vector.shape_cast %swap3A_475 : vector<1x16xf32> to vector<16xf32>
        %swap3A_477 = vector.shape_cast %max3A_472 : vector<16xf32> to vector<1x16xf32>
        tpu.vector_store %arg14[%swap3A_473, %swap3A_474], %swap3A_477 {strides = array<i32>} : memref<80x128xf32, #tpu.memory_space<vmem>>, vector<1x16xf32>,
      }
      %scan3A_187 = arith.constant 80 : i32
      %dma_wait3A_188 = arith.constant 0 : i32
      %dma_wait3A_189 = tpu.memref_slice %arg2[%dma_wait3A_188] : memref<320000xi32, #tpu.memory_space<hbm>> -> memref<80xi32, #tpu.memory_space<hbm>>
      %dma_wait3A_190 = arith.constant 0 : i32
      %dma_wait3A_191 = tpu.memref_slice %arg2[%dma_wait3A_190] : memref<320000xi32, #tpu.memory_space<hbm>> -> memref<80xi32, #tpu.memory_space<hbm>>
      tpu.wait_dma2 semaphore(%arg19 : memref<!tpu.dma_semaphore, #tpu.memory_space<semaphore_mem>>) src(%dma_wait3A_191 : memref<80xi32, #tpu.memory_space<hbm>>) dst(%arg8 : memref<80xi32, #tpu.memory_space<vmem>>)
      %mul3A_192 = arith.constant 80 : i32
      %mul3A_193 = arith.muli %add3A_173, %mul3A_192 : i32
      %add3A_194 = arith.addi %mul3A_2, %mul3A_193 : i32
      %dma_start3A_195 = arith.constant 0 : i32
      %dma_start3A_196 = tpu.memref_slice %arg6[%add3A_194, %dma_start3A_195] : memref<320000x128xf32, #tpu.memory_space<hbm>> -> memref<80x128xf32, #tpu.memory_space<hbm>>
      %dma_start3A_197 = arith.constant 0 : i32
      %dma_start3A_198 = tpu.memref_slice %arg6[%add3A_194, %dma_start3A_197] : memref<320000x128xf32, #tpu.memory_space<hbm>> -> memref<80x128xf32, #tpu.memory_space<hbm>>
      tpu.enqueue_dma source(%arg14 : memref<80x128xf32, #tpu.memory_space<vmem>>) target(%dma_start3A_198 : memref<80x128xf32, #tpu.memory_space<hbm>>) target_semaphore(%arg25 : memref<!tpu.dma_semaphore, #tpu.memory_space<semaphore_mem>>)
      %dma_start3A_199 = arith.constant 0 : i32
      %dma_start3A_200 = arith.constant 0 : i32
      %dma_start3A_201 = tpu.memref_slice %arg18[%dma_start3A_199, %dma_start3A_200] : memref<10240x128xf32, #tpu.memory_space<vmem_shared>> -> memref<10240x128xf32, #tpu.memory_space<vmem_shared>>
      tpu.enqueue_indirect_dma source(%arg14 : memref<80x128xf32, #tpu.memory_space<vmem>>) target(%dma_start3A_201 : memref<10240x128xf32, #tpu.memory_space<vmem_shared>>) offsets(%arg8 : memref<80xi32, #tpu.memory_space<vmem>>) semaphore(%arg27 : memref<!tpu.dma_semaphore, #tpu.memory_space<semaphore_mem>>) {add = true}
      %add3A_202 = arith.constant 2 : i32
      %add3A_203 = arith.addi %add3A_173, %add3A_202 : i32
      %mul3A_204 = arith.constant 80 : i32
      %mul3A_205 = arith.muli %add3A_203, %mul3A_204 : i32
      %add3A_206 = arith.addi %mul3A_2, %mul3A_205 : i32
      %dma_start3A_207 = arith.constant 0 : i32
      %dma_start3A_208 = tpu.memref_slice %arg3[%add3A_206, %dma_start3A_207] : memref<320000x128xf32, #tpu.memory_space<hbm>> -> memref<80x128xf32, #tpu.memory_space<hbm>>
      %dma_start3A_209 = arith.constant 0 : i32
      %dma_start3A_210 = tpu.memref_slice %arg3[%add3A_206, %dma_start3A_209] : memref<320000x128xf32, #tpu.memory_space<hbm>> -> memref<80x128xf32, #tpu.memory_space<hbm>>
      tpu.enqueue_dma source(%dma_start3A_210 : memref<80x128xf32, #tpu.memory_space<hbm>>) target(%arg12 : memref<80x128xf32, #tpu.memory_space<vmem>>) target_semaphore(%arg23 : memref<!tpu.dma_semaphore, #tpu.memory_space<semaphore_mem>>)
      %add3A_211 = arith.constant 2 : i32
      %add3A_212 = arith.addi %add3A_173, %add3A_211 : i32
      %mul3A_213 = arith.constant 80 : i32
      %mul3A_214 = arith.muli %add3A_212, %mul3A_213 : i32
      %add3A_215 = arith.addi %mul3A_2, %mul3A_214 : i32
      %dma_start3A_216 = tpu.memref_slice %arg2[%add3A_215] : memref<320000xi32, #tpu.memory_space<hbm>> -> memref<80xi32, #tpu.memory_space<hbm>>
      %dma_start3A_217 = tpu.memref_slice %arg2[%add3A_215] : memref<320000xi32, #tpu.memory_space<hbm>> -> memref<80xi32, #tpu.memory_space<hbm>>
      tpu.enqueue_dma source(%dma_start3A_217 : memref<80xi32, #tpu.memory_space<hbm>>) target(%arg10 : memref<80xi32, #tpu.memory_space<vmem>>) target_semaphore(%arg21 : memref<!tpu.dma_semaphore, #tpu.memory_space<semaphore_mem>>)
      %mul3A_218 = arith.constant 4 : i32
      %mul3A_219 = arith.muli %mul3A_218, %scan3A_169 : i32
      %add3A_220 = arith.constant 1 : i32
      %add3A_221 = arith.addi %mul3A_219, %add3A_220 : i32
      %dma_wait3A_222 = arith.constant 0 : i32
      %dma_wait3A_223 = arith.constant 0 : i32
      %dma_wait3A_224 = tpu.memref_slice %arg3[%dma_wait3A_222, %dma_wait3A_223] : memref<320000x128xf32, #tpu.memory_space<hbm>> -> memref<80x128xf32, #tpu.memory_space<hbm>>
      %dma_wait3A_225 = arith.constant 0 : i32
      %dma_wait3A_226 = arith.constant 0 : i32
      %dma_wait3A_227 = tpu.memref_slice %arg3[%dma_wait3A_225, %dma_wait3A_226] : memref<320000x128xf32, #tpu.memory_space<hbm>> -> memref<80x128xf32, #tpu.memory_space<hbm>>
      tpu.wait_dma2 semaphore(%arg24 : memref<!tpu.dma_semaphore, #tpu.memory_space<semaphore_mem>>) src(%dma_wait3A_227 : memref<80x128xf32, #tpu.memory_space<hbm>>) dst(%arg13 : memref<80x128xf32, #tpu.memory_space<vmem>>)
      %ge3A_228 = arith.constant 1 : i32
      %ge3A_229 = arith.cmpi sge, %scan3A_169, %ge3A_228 : i32
      %convert_element_type3A_230 = arith.extui %ge3A_229 : i1 to i32
      %cond3A_231 = arith.constant 0 : i32
      %cond3A_232 = arith.cmpi ne, %convert_element_type3A_230, %cond3A_231 : i32
      scf.if %cond3A_232 {
        %dma_wait3A_367 = arith.constant 0 : i32
        %dma_wait3A_368 = arith.constant 0 : i32
        %dma_wait3A_369 = tpu.memref_slice %arg6[%dma_wait3A_367, %dma_wait3A_368] : memref<320000x128xf32, #tpu.memory_space<hbm>> -> memref<80x128xf32, #tpu.memory_space<hbm>>
        %dma_wait3A_370 = arith.constant 0 : i32
        %dma_wait3A_371 = arith.constant 0 : i32
        %dma_wait3A_372 = tpu.memref_slice %arg6[%dma_wait3A_370, %dma_wait3A_371] : memref<320000x128xf32, #tpu.memory_space<hbm>> -> memref<80x128xf32, #tpu.memory_space<hbm>>
        tpu.wait_dma2 semaphore(%arg26 : memref<!tpu.dma_semaphore, #tpu.memory_space<semaphore_mem>>) src(%arg15 : memref<80x128xf32, #tpu.memory_space<vmem>>) dst(%dma_wait3A_372 : memref<80x128xf32, #tpu.memory_space<hbm>>)
        %dma_wait3A_373 = arith.constant 0 : i32
        %dma_wait3A_374 = arith.constant 0 : i32
        %dma_wait3A_375 = tpu.memref_slice %arg18[%dma_wait3A_373, %dma_wait3A_374] : memref<10240x128xf32, #tpu.memory_space<vmem_shared>> -> memref<10240x128xf32, #tpu.memory_space<vmem_shared>>
        tpu.wait_indirect_dma semaphore(%arg28 : memref<!tpu.dma_semaphore, #tpu.memory_space<semaphore_mem>>) src(%arg15 : memref<80x128xf32, #tpu.memory_space<vmem>>) dst(%dma_wait3A_375 : memref<10240x128xf32, #tpu.memory_space<vmem_shared>>)
      } else {
      }
      %scan3A_233 = arith.constant 0 : i32
      %scan3A_234 = arith.constant 0 : i32
      %scan3A_235 = arith.constant 80 : i32
      %scan3A_236 = arith.addi %scan3A_234, %scan3A_235 : i32
      %scan3A_237 = arith.constant 1 : i32
      scf.for %scan3A_367 = %scan3A_234 to %scan3A_236 step %scan3A_237  : i32 {
        %get3A_368 = arith.index_cast %scan3A_367 : i32 to index
        %get3A_369 = arith.constant 0 : index
        %get3A_370 = tpu.vector_load %arg13[%get3A_368, %get3A_369] {strides = array<i32>} : memref<80x128xf32, #tpu.memory_space<vmem>>, vector<1x16xf32>,
        %get3A_371 = vector.shape_cast %get3A_370 : vector<1x16xf32> to vector<16xf32>
        %mul3A_372 = arith.mulf %get3A_371, %get3A_4 : vector<16xf32>
        %add3A_373 = arith.addf %mul3A_372, %get3A_28 : vector<16xf32>
        %max3A = arith.constant 0.000000e+00 : f32
        %max3A_374 = vector.broadcast %max3A : f32 to vector<16xf32>
        %max3A_375 = arith.maximumf %add3A_373, %max3A_374 : vector<16xf32>
        %swap3A = arith.index_cast %scan3A_367 : i32 to index
        %swap3A_376 = arith.constant 0 : index
        %swap3A_377 = tpu.vector_load %arg15[%swap3A, %swap3A_376] {strides = array<i32>} : memref<80x128xf32, #tpu.memory_space<vmem>>, vector<1x16xf32>,
        %swap3A_378 = vector.shape_cast %swap3A_377 : vector<1x16xf32> to vector<16xf32>
        %swap3A_379 = vector.shape_cast %max3A_375 : vector<16xf32> to vector<1x16xf32>
        tpu.vector_store %arg15[%swap3A, %swap3A_376], %swap3A_379 {strides = array<i32>} : memref<80x128xf32, #tpu.memory_space<vmem>>, vector<1x16xf32>,
        %get3A_380 = arith.index_cast %scan3A_367 : i32 to index
        %get3A_381 = arith.constant 16 : index
        %get3A_382 = tpu.vector_load %arg13[%get3A_380, %get3A_381] {strides = array<i32>} : memref<80x128xf32, #tpu.memory_space<vmem>>, vector<1x16xf32>,
        %get3A_383 = vector.shape_cast %get3A_382 : vector<1x16xf32> to vector<16xf32>
        %mul3A_384 = arith.mulf %get3A_383, %get3A_7 : vector<16xf32>
        %add3A_385 = arith.addf %mul3A_384, %get3A_31 : vector<16xf32>
        %max3A_386 = arith.constant 0.000000e+00 : f32
        %max3A_387 = vector.broadcast %max3A_386 : f32 to vector<16xf32>
        %max3A_388 = arith.maximumf %add3A_385, %max3A_387 : vector<16xf32>
        %swap3A_389 = arith.index_cast %scan3A_367 : i32 to index
        %swap3A_390 = arith.constant 16 : index
        %swap3A_391 = tpu.vector_load %arg15[%swap3A_389, %swap3A_390] {strides = array<i32>} : memref<80x128xf32, #tpu.memory_space<vmem>>, vector<1x16xf32>,
        %swap3A_392 = vector.shape_cast %swap3A_391 : vector<1x16xf32> to vector<16xf32>
        %swap3A_393 = vector.shape_cast %max3A_388 : vector<16xf32> to vector<1x16xf32>
        tpu.vector_store %arg15[%swap3A_389, %swap3A_390], %swap3A_393 {strides = array<i32>} : memref<80x128xf32, #tpu.memory_space<vmem>>, vector<1x16xf32>,
        %get3A_394 = arith.index_cast %scan3A_367 : i32 to index
        %get3A_395 = arith.constant 32 : index
        %get3A_396 = tpu.vector_load %arg13[%get3A_394, %get3A_395] {strides = array<i32>} : memref<80x128xf32, #tpu.memory_space<vmem>>, vector<1x16xf32>,
        %get3A_397 = vector.shape_cast %get3A_396 : vector<1x16xf32> to vector<16xf32>
        %mul3A_398 = arith.mulf %get3A_397, %get3A_10 : vector<16xf32>
        %add3A_399 = arith.addf %mul3A_398, %get3A_34 : vector<16xf32>
        %max3A_400 = arith.constant 0.000000e+00 : f32
        %max3A_401 = vector.broadcast %max3A_400 : f32 to vector<16xf32>
        %max3A_402 = arith.maximumf %add3A_399, %max3A_401 : vector<16xf32>
        %swap3A_403 = arith.index_cast %scan3A_367 : i32 to index
        %swap3A_404 = arith.constant 32 : index
        %swap3A_405 = tpu.vector_load %arg15[%swap3A_403, %swap3A_404] {strides = array<i32>} : memref<80x128xf32, #tpu.memory_space<vmem>>, vector<1x16xf32>,
        %swap3A_406 = vector.shape_cast %swap3A_405 : vector<1x16xf32> to vector<16xf32>
        %swap3A_407 = vector.shape_cast %max3A_402 : vector<16xf32> to vector<1x16xf32>
        tpu.vector_store %arg15[%swap3A_403, %swap3A_404], %swap3A_407 {strides = array<i32>} : memref<80x128xf32, #tpu.memory_space<vmem>>, vector<1x16xf32>,
        %get3A_408 = arith.index_cast %scan3A_367 : i32 to index
        %get3A_409 = arith.constant 48 : index
        %get3A_410 = tpu.vector_load %arg13[%get3A_408, %get3A_409] {strides = array<i32>} : memref<80x128xf32, #tpu.memory_space<vmem>>, vector<1x16xf32>,
        %get3A_411 = vector.shape_cast %get3A_410 : vector<1x16xf32> to vector<16xf32>
        %mul3A_412 = arith.mulf %get3A_411, %get3A_13 : vector<16xf32>
        %add3A_413 = arith.addf %mul3A_412, %get3A_37 : vector<16xf32>
        %max3A_414 = arith.constant 0.000000e+00 : f32
        %max3A_415 = vector.broadcast %max3A_414 : f32 to vector<16xf32>
        %max3A_416 = arith.maximumf %add3A_413, %max3A_415 : vector<16xf32>
        %swap3A_417 = arith.index_cast %scan3A_367 : i32 to index
        %swap3A_418 = arith.constant 48 : index
        %swap3A_419 = tpu.vector_load %arg15[%swap3A_417, %swap3A_418] {strides = array<i32>} : memref<80x128xf32, #tpu.memory_space<vmem>>, vector<1x16xf32>,
        %swap3A_420 = vector.shape_cast %swap3A_419 : vector<1x16xf32> to vector<16xf32>
        %swap3A_421 = vector.shape_cast %max3A_416 : vector<16xf32> to vector<1x16xf32>
        tpu.vector_store %arg15[%swap3A_417, %swap3A_418], %swap3A_421 {strides = array<i32>} : memref<80x128xf32, #tpu.memory_space<vmem>>, vector<1x16xf32>,
        %get3A_422 = arith.index_cast %scan3A_367 : i32 to index
        %get3A_423 = arith.constant 64 : index
        %get3A_424 = tpu.vector_load %arg13[%get3A_422, %get3A_423] {strides = array<i32>} : memref<80x128xf32, #tpu.memory_space<vmem>>, vector<1x16xf32>,
        %get3A_425 = vector.shape_cast %get3A_424 : vector<1x16xf32> to vector<16xf32>
        %mul3A_426 = arith.mulf %get3A_425, %get3A_16 : vector<16xf32>
        %add3A_427 = arith.addf %mul3A_426, %get3A_40 : vector<16xf32>
        %max3A_428 = arith.constant 0.000000e+00 : f32
        %max3A_429 = vector.broadcast %max3A_428 : f32 to vector<16xf32>
        %max3A_430 = arith.maximumf %add3A_427, %max3A_429 : vector<16xf32>
        %swap3A_431 = arith.index_cast %scan3A_367 : i32 to index
        %swap3A_432 = arith.constant 64 : index
        %swap3A_433 = tpu.vector_load %arg15[%swap3A_431, %swap3A_432] {strides = array<i32>} : memref<80x128xf32, #tpu.memory_space<vmem>>, vector<1x16xf32>,
        %swap3A_434 = vector.shape_cast %swap3A_433 : vector<1x16xf32> to vector<16xf32>
        %swap3A_435 = vector.shape_cast %max3A_430 : vector<16xf32> to vector<1x16xf32>
        tpu.vector_store %arg15[%swap3A_431, %swap3A_432], %swap3A_435 {strides = array<i32>} : memref<80x128xf32, #tpu.memory_space<vmem>>, vector<1x16xf32>,
        %get3A_436 = arith.index_cast %scan3A_367 : i32 to index
        %get3A_437 = arith.constant 80 : index
        %get3A_438 = tpu.vector_load %arg13[%get3A_436, %get3A_437] {strides = array<i32>} : memref<80x128xf32, #tpu.memory_space<vmem>>, vector<1x16xf32>,
        %get3A_439 = vector.shape_cast %get3A_438 : vector<1x16xf32> to vector<16xf32>
        %mul3A_440 = arith.mulf %get3A_439, %get3A_19 : vector<16xf32>
        %add3A_441 = arith.addf %mul3A_440, %get3A_43 : vector<16xf32>
        %max3A_442 = arith.constant 0.000000e+00 : f32
        %max3A_443 = vector.broadcast %max3A_442 : f32 to vector<16xf32>
        %max3A_444 = arith.maximumf %add3A_441, %max3A_443 : vector<16xf32>
        %swap3A_445 = arith.index_cast %scan3A_367 : i32 to index
        %swap3A_446 = arith.constant 80 : index
        %swap3A_447 = tpu.vector_load %arg15[%swap3A_445, %swap3A_446] {strides = array<i32>} : memref<80x128xf32, #tpu.memory_space<vmem>>, vector<1x16xf32>,
        %swap3A_448 = vector.shape_cast %swap3A_447 : vector<1x16xf32> to vector<16xf32>
        %swap3A_449 = vector.shape_cast %max3A_444 : vector<16xf32> to vector<1x16xf32>
        tpu.vector_store %arg15[%swap3A_445, %swap3A_446], %swap3A_449 {strides = array<i32>} : memref<80x128xf32, #tpu.memory_space<vmem>>, vector<1x16xf32>,
        %get3A_450 = arith.index_cast %scan3A_367 : i32 to index
        %get3A_451 = arith.constant 96 : index
        %get3A_452 = tpu.vector_load %arg13[%get3A_450, %get3A_451] {strides = array<i32>} : memref<80x128xf32, #tpu.memory_space<vmem>>, vector<1x16xf32>,
        %get3A_453 = vector.shape_cast %get3A_452 : vector<1x16xf32> to vector<16xf32>
        %mul3A_454 = arith.mulf %get3A_453, %get3A_22 : vector<16xf32>
        %add3A_455 = arith.addf %mul3A_454, %get3A_46 : vector<16xf32>
        %max3A_456 = arith.constant 0.000000e+00 : f32
        %max3A_457 = vector.broadcast %max3A_456 : f32 to vector<16xf32>
        %max3A_458 = arith.maximumf %add3A_455, %max3A_457 : vector<16xf32>
        %swap3A_459 = arith.index_cast %scan3A_367 : i32 to index
        %swap3A_460 = arith.constant 96 : index
        %swap3A_461 = tpu.vector_load %arg15[%swap3A_459, %swap3A_460] {strides = array<i32>} : memref<80x128xf32, #tpu.memory_space<vmem>>, vector<1x16xf32>,
        %swap3A_462 = vector.shape_cast %swap3A_461 : vector<1x16xf32> to vector<16xf32>
        %swap3A_463 = vector.shape_cast %max3A_458 : vector<16xf32> to vector<1x16xf32>
        tpu.vector_store %arg15[%swap3A_459, %swap3A_460], %swap3A_463 {strides = array<i32>} : memref<80x128xf32, #tpu.memory_space<vmem>>, vector<1x16xf32>,
        %get3A_464 = arith.index_cast %scan3A_367 : i32 to index
        %get3A_465 = arith.constant 112 : index
        %get3A_466 = tpu.vector_load %arg13[%get3A_464, %get3A_465] {strides = array<i32>} : memref<80x128xf32, #tpu.memory_space<vmem>>, vector<1x16xf32>,
        %get3A_467 = vector.shape_cast %get3A_466 : vector<1x16xf32> to vector<16xf32>
        %mul3A_468 = arith.mulf %get3A_467, %get3A_25 : vector<16xf32>
        %add3A_469 = arith.addf %mul3A_468, %get3A_49 : vector<16xf32>
        %max3A_470 = arith.constant 0.000000e+00 : f32
        %max3A_471 = vector.broadcast %max3A_470 : f32 to vector<16xf32>
        %max3A_472 = arith.maximumf %add3A_469, %max3A_471 : vector<16xf32>
        %swap3A_473 = arith.index_cast %scan3A_367 : i32 to index
        %swap3A_474 = arith.constant 112 : index
        %swap3A_475 = tpu.vector_load %arg15[%swap3A_473, %swap3A_474] {strides = array<i32>} : memref<80x128xf32, #tpu.memory_space<vmem>>, vector<1x16xf32>,
        %swap3A_476 = vector.shape_cast %swap3A_475 : vector<1x16xf32> to vector<16xf32>
        %swap3A_477 = vector.shape_cast %max3A_472 : vector<16xf32> to vector<1x16xf32>
        tpu.vector_store %arg15[%swap3A_473, %swap3A_474], %swap3A_477 {strides = array<i32>} : memref<80x128xf32, #tpu.memory_space<vmem>>, vector<1x16xf32>,
      }
      %scan3A_238 = arith.constant 80 : i32
      %dma_wait3A_239 = arith.constant 0 : i32
      %dma_wait3A_240 = tpu.memref_slice %arg2[%dma_wait3A_239] : memref<320000xi32, #tpu.memory_space<hbm>> -> memref<80xi32, #tpu.memory_space<hbm>>
      %dma_wait3A_241 = arith.constant 0 : i32
      %dma_wait3A_242 = tpu.memref_slice %arg2[%dma_wait3A_241] : memref<320000xi32, #tpu.memory_space<hbm>> -> memref<80xi32, #tpu.memory_space<hbm>>
      tpu.wait_dma2 semaphore(%arg20 : memref<!tpu.dma_semaphore, #tpu.memory_space<semaphore_mem>>) src(%dma_wait3A_242 : memref<80xi32, #tpu.memory_space<hbm>>) dst(%arg9 : memref<80xi32, #tpu.memory_space<vmem>>)
      %mul3A_243 = arith.constant 80 : i32
      %mul3A_244 = arith.muli %add3A_221, %mul3A_243 : i32
      %add3A_245 = arith.addi %mul3A_2, %mul3A_244 : i32
      %dma_start3A_246 = arith.constant 0 : i32
      %dma_start3A_247 = tpu.memref_slice %arg6[%add3A_245, %dma_start3A_246] : memref<320000x128xf32, #tpu.memory_space<hbm>> -> memref<80x128xf32, #tpu.memory_space<hbm>>
      %dma_start3A_248 = arith.constant 0 : i32
      %dma_start3A_249 = tpu.memref_slice %arg6[%add3A_245, %dma_start3A_248] : memref<320000x128xf32, #tpu.memory_space<hbm>> -> memref<80x128xf32, #tpu.memory_space<hbm>>
      tpu.enqueue_dma source(%arg15 : memref<80x128xf32, #tpu.memory_space<vmem>>) target(%dma_start3A_249 : memref<80x128xf32, #tpu.memory_space<hbm>>) target_semaphore(%arg26 : memref<!tpu.dma_semaphore, #tpu.memory_space<semaphore_mem>>)
      %dma_start3A_250 = arith.constant 0 : i32
      %dma_start3A_251 = arith.constant 0 : i32
      %dma_start3A_252 = tpu.memref_slice %arg18[%dma_start3A_250, %dma_start3A_251] : memref<10240x128xf32, #tpu.memory_space<vmem_shared>> -> memref<10240x128xf32, #tpu.memory_space<vmem_shared>>
      tpu.enqueue_indirect_dma source(%arg15 : memref<80x128xf32, #tpu.memory_space<vmem>>) target(%dma_start3A_252 : memref<10240x128xf32, #tpu.memory_space<vmem_shared>>) offsets(%arg9 : memref<80xi32, #tpu.memory_space<vmem>>) semaphore(%arg28 : memref<!tpu.dma_semaphore, #tpu.memory_space<semaphore_mem>>) {add = true}
      %add3A_253 = arith.constant 2 : i32
      %add3A_254 = arith.addi %add3A_221, %add3A_253 : i32
      %mul3A_255 = arith.constant 80 : i32
      %mul3A_256 = arith.muli %add3A_254, %mul3A_255 : i32
      %add3A_257 = arith.addi %mul3A_2, %mul3A_256 : i32
      %dma_start3A_258 = arith.constant 0 : i32
      %dma_start3A_259 = tpu.memref_slice %arg3[%add3A_257, %dma_start3A_258] : memref<320000x128xf32, #tpu.memory_space<hbm>> -> memref<80x128xf32, #tpu.memory_space<hbm>>
      %dma_start3A_260 = arith.constant 0 : i32
      %dma_start3A_261 = tpu.memref_slice %arg3[%add3A_257, %dma_start3A_260] : memref<320000x128xf32, #tpu.memory_space<hbm>> -> memref<80x128xf32, #tpu.memory_space<hbm>>
      tpu.enqueue_dma source(%dma_start3A_261 : memref<80x128xf32, #tpu.memory_space<hbm>>) target(%arg13 : memref<80x128xf32, #tpu.memory_space<vmem>>) target_semaphore(%arg24 : memref<!tpu.dma_semaphore, #tpu.memory_space<semaphore_mem>>)
      %add3A_262 = arith.constant 2 : i32
      %add3A_263 = arith.addi %add3A_221, %add3A_262 : i32
      %mul3A_264 = arith.constant 80 : i32
      %mul3A_265 = arith.muli %add3A_263, %mul3A_264 : i32
      %add3A_266 = arith.addi %mul3A_2, %mul3A_265 : i32
      %dma_start3A_267 = tpu.memref_slice %arg2[%add3A_266] : memref<320000xi32, #tpu.memory_space<hbm>> -> memref<80xi32, #tpu.memory_space<hbm>>
      %dma_start3A_268 = tpu.memref_slice %arg2[%add3A_266] : memref<320000xi32, #tpu.memory_space<hbm>> -> memref<80xi32, #tpu.memory_space<hbm>>
      tpu.enqueue_dma source(%dma_start3A_268 : memref<80xi32, #tpu.memory_space<hbm>>) target(%arg11 : memref<80xi32, #tpu.memory_space<vmem>>) target_semaphore(%arg22 : memref<!tpu.dma_semaphore, #tpu.memory_space<semaphore_mem>>)
      %mul3A_269 = arith.constant 4 : i32
      %mul3A_270 = arith.muli %mul3A_269, %scan3A_169 : i32
      %add3A_271 = arith.constant 2 : i32
      %add3A_272 = arith.addi %mul3A_270, %add3A_271 : i32
      %dma_wait3A_273 = arith.constant 0 : i32
      %dma_wait3A_274 = arith.constant 0 : i32
      %dma_wait3A_275 = tpu.memref_slice %arg3[%dma_wait3A_273, %dma_wait3A_274] : memref<320000x128xf32, #tpu.memory_space<hbm>> -> memref<80x128xf32, #tpu.memory_space<hbm>>
      %dma_wait3A_276 = arith.constant 0 : i32
      %dma_wait3A_277 = arith.constant 0 : i32
      %dma_wait3A_278 = tpu.memref_slice %arg3[%dma_wait3A_276, %dma_wait3A_277] : memref<320000x128xf32, #tpu.memory_space<hbm>> -> memref<80x128xf32, #tpu.memory_space<hbm>>
      tpu.wait_dma2 semaphore(%arg23 : memref<!tpu.dma_semaphore, #tpu.memory_space<semaphore_mem>>) src(%dma_wait3A_278 : memref<80x128xf32, #tpu.memory_space<hbm>>) dst(%arg12 : memref<80x128xf32, #tpu.memory_space<vmem>>)
      %dma_wait3A_279 = arith.constant 0 : i32
      %dma_wait3A_280 = arith.constant 0 : i32
      %dma_wait3A_281 = tpu.memref_slice %arg6[%dma_wait3A_279, %dma_wait3A_280] : memref<320000x128xf32, #tpu.memory_space<hbm>> -> memref<80x128xf32, #tpu.memory_space<hbm>>
      %dma_wait3A_282 = arith.constant 0 : i32
      %dma_wait3A_283 = arith.constant 0 : i32
      %dma_wait3A_284 = tpu.memref_slice %arg6[%dma_wait3A_282, %dma_wait3A_283] : memref<320000x128xf32, #tpu.memory_space<hbm>> -> memref<80x128xf32, #tpu.memory_space<hbm>>
      tpu.wait_dma2 semaphore(%arg25 : memref<!tpu.dma_semaphore, #tpu.memory_space<semaphore_mem>>) src(%arg14 : memref<80x128xf32, #tpu.memory_space<vmem>>) dst(%dma_wait3A_284 : memref<80x128xf32, #tpu.memory_space<hbm>>)
      %dma_wait3A_285 = arith.constant 0 : i32
      %dma_wait3A_286 = arith.constant 0 : i32
      %dma_wait3A_287 = tpu.memref_slice %arg18[%dma_wait3A_285, %dma_wait3A_286] : memref<10240x128xf32, #tpu.memory_space<vmem_shared>> -> memref<10240x128xf32, #tpu.memory_space<vmem_shared>>
      tpu.wait_indirect_dma semaphore(%arg27 : memref<!tpu.dma_semaphore, #tpu.memory_space<semaphore_mem>>) src(%arg14 : memref<80x128xf32, #tpu.memory_space<vmem>>) dst(%dma_wait3A_287 : memref<10240x128xf32, #tpu.memory_space<vmem_shared>>)
      %scan3A_288 = arith.constant 0 : i32
      %scan3A_289 = arith.constant 0 : i32
      %scan3A_290 = arith.constant 80 : i32
      %scan3A_291 = arith.addi %scan3A_289, %scan3A_290 : i32
      %scan3A_292 = arith.constant 1 : i32
      scf.for %scan3A_367 = %scan3A_289 to %scan3A_291 step %scan3A_292  : i32 {
        %get3A_368 = arith.index_cast %scan3A_367 : i32 to index
        %get3A_369 = arith.constant 0 : index
        %get3A_370 = tpu.vector_load %arg12[%get3A_368, %get3A_369] {strides = array<i32>} : memref<80x128xf32, #tpu.memory_space<vmem>>, vector<1x16xf32>,
        %get3A_371 = vector.shape_cast %get3A_370 : vector<1x16xf32> to vector<16xf32>
        %mul3A_372 = arith.mulf %get3A_371, %get3A_4 : vector<16xf32>
        %add3A_373 = arith.addf %mul3A_372, %get3A_28 : vector<16xf32>
        %max3A = arith.constant 0.000000e+00 : f32
        %max3A_374 = vector.broadcast %max3A : f32 to vector<16xf32>
        %max3A_375 = arith.maximumf %add3A_373, %max3A_374 : vector<16xf32>
        %swap3A = arith.index_cast %scan3A_367 : i32 to index
        %swap3A_376 = arith.constant 0 : index
        %swap3A_377 = tpu.vector_load %arg14[%swap3A, %swap3A_376] {strides = array<i32>} : memref<80x128xf32, #tpu.memory_space<vmem>>, vector<1x16xf32>,
        %swap3A_378 = vector.shape_cast %swap3A_377 : vector<1x16xf32> to vector<16xf32>
        %swap3A_379 = vector.shape_cast %max3A_375 : vector<16xf32> to vector<1x16xf32>
        tpu.vector_store %arg14[%swap3A, %swap3A_376], %swap3A_379 {strides = array<i32>} : memref<80x128xf32, #tpu.memory_space<vmem>>, vector<1x16xf32>,
        %get3A_380 = arith.index_cast %scan3A_367 : i32 to index
        %get3A_381 = arith.constant 16 : index
        %get3A_382 = tpu.vector_load %arg12[%get3A_380, %get3A_381] {strides = array<i32>} : memref<80x128xf32, #tpu.memory_space<vmem>>, vector<1x16xf32>,
        %get3A_383 = vector.shape_cast %get3A_382 : vector<1x16xf32> to vector<16xf32>
        %mul3A_384 = arith.mulf %get3A_383, %get3A_7 : vector<16xf32>
        %add3A_385 = arith.addf %mul3A_384, %get3A_31 : vector<16xf32>
        %max3A_386 = arith.constant 0.000000e+00 : f32
        %max3A_387 = vector.broadcast %max3A_386 : f32 to vector<16xf32>
        %max3A_388 = arith.maximumf %add3A_385, %max3A_387 : vector<16xf32>
        %swap3A_389 = arith.index_cast %scan3A_367 : i32 to index
        %swap3A_390 = arith.constant 16 : index
        %swap3A_391 = tpu.vector_load %arg14[%swap3A_389, %swap3A_390] {strides = array<i32>} : memref<80x128xf32, #tpu.memory_space<vmem>>, vector<1x16xf32>,
        %swap3A_392 = vector.shape_cast %swap3A_391 : vector<1x16xf32> to vector<16xf32>
        %swap3A_393 = vector.shape_cast %max3A_388 : vector<16xf32> to vector<1x16xf32>
        tpu.vector_store %arg14[%swap3A_389, %swap3A_390], %swap3A_393 {strides = array<i32>} : memref<80x128xf32, #tpu.memory_space<vmem>>, vector<1x16xf32>,
        %get3A_394 = arith.index_cast %scan3A_367 : i32 to index
        %get3A_395 = arith.constant 32 : index
        %get3A_396 = tpu.vector_load %arg12[%get3A_394, %get3A_395] {strides = array<i32>} : memref<80x128xf32, #tpu.memory_space<vmem>>, vector<1x16xf32>,
        %get3A_397 = vector.shape_cast %get3A_396 : vector<1x16xf32> to vector<16xf32>
        %mul3A_398 = arith.mulf %get3A_397, %get3A_10 : vector<16xf32>
        %add3A_399 = arith.addf %mul3A_398, %get3A_34 : vector<16xf32>
        %max3A_400 = arith.constant 0.000000e+00 : f32
        %max3A_401 = vector.broadcast %max3A_400 : f32 to vector<16xf32>
        %max3A_402 = arith.maximumf %add3A_399, %max3A_401 : vector<16xf32>
        %swap3A_403 = arith.index_cast %scan3A_367 : i32 to index
        %swap3A_404 = arith.constant 32 : index
        %swap3A_405 = tpu.vector_load %arg14[%swap3A_403, %swap3A_404] {strides = array<i32>} : memref<80x128xf32, #tpu.memory_space<vmem>>, vector<1x16xf32>,
        %swap3A_406 = vector.shape_cast %swap3A_405 : vector<1x16xf32> to vector<16xf32>
        %swap3A_407 = vector.shape_cast %max3A_402 : vector<16xf32> to vector<1x16xf32>
        tpu.vector_store %arg14[%swap3A_403, %swap3A_404], %swap3A_407 {strides = array<i32>} : memref<80x128xf32, #tpu.memory_space<vmem>>, vector<1x16xf32>,
        %get3A_408 = arith.index_cast %scan3A_367 : i32 to index
        %get3A_409 = arith.constant 48 : index
        %get3A_410 = tpu.vector_load %arg12[%get3A_408, %get3A_409] {strides = array<i32>} : memref<80x128xf32, #tpu.memory_space<vmem>>, vector<1x16xf32>,
        %get3A_411 = vector.shape_cast %get3A_410 : vector<1x16xf32> to vector<16xf32>
        %mul3A_412 = arith.mulf %get3A_411, %get3A_13 : vector<16xf32>
        %add3A_413 = arith.addf %mul3A_412, %get3A_37 : vector<16xf32>
        %max3A_414 = arith.constant 0.000000e+00 : f32
        %max3A_415 = vector.broadcast %max3A_414 : f32 to vector<16xf32>
        %max3A_416 = arith.maximumf %add3A_413, %max3A_415 : vector<16xf32>
        %swap3A_417 = arith.index_cast %scan3A_367 : i32 to index
        %swap3A_418 = arith.constant 48 : index
        %swap3A_419 = tpu.vector_load %arg14[%swap3A_417, %swap3A_418] {strides = array<i32>} : memref<80x128xf32, #tpu.memory_space<vmem>>, vector<1x16xf32>,
        %swap3A_420 = vector.shape_cast %swap3A_419 : vector<1x16xf32> to vector<16xf32>
        %swap3A_421 = vector.shape_cast %max3A_416 : vector<16xf32> to vector<1x16xf32>
        tpu.vector_store %arg14[%swap3A_417, %swap3A_418], %swap3A_421 {strides = array<i32>} : memref<80x128xf32, #tpu.memory_space<vmem>>, vector<1x16xf32>,
        %get3A_422 = arith.index_cast %scan3A_367 : i32 to index
        %get3A_423 = arith.constant 64 : index
        %get3A_424 = tpu.vector_load %arg12[%get3A_422, %get3A_423] {strides = array<i32>} : memref<80x128xf32, #tpu.memory_space<vmem>>, vector<1x16xf32>,
        %get3A_425 = vector.shape_cast %get3A_424 : vector<1x16xf32> to vector<16xf32>
        %mul3A_426 = arith.mulf %get3A_425, %get3A_16 : vector<16xf32>
        %add3A_427 = arith.addf %mul3A_426, %get3A_40 : vector<16xf32>
        %max3A_428 = arith.constant 0.000000e+00 : f32
        %max3A_429 = vector.broadcast %max3A_428 : f32 to vector<16xf32>
        %max3A_430 = arith.maximumf %add3A_427, %max3A_429 : vector<16xf32>
        %swap3A_431 = arith.index_cast %scan3A_367 : i32 to index
        %swap3A_432 = arith.constant 64 : index
        %swap3A_433 = tpu.vector_load %arg14[%swap3A_431, %swap3A_432] {strides = array<i32>} : memref<80x128xf32, #tpu.memory_space<vmem>>, vector<1x16xf32>,
        %swap3A_434 = vector.shape_cast %swap3A_433 : vector<1x16xf32> to vector<16xf32>
        %swap3A_435 = vector.shape_cast %max3A_430 : vector<16xf32> to vector<1x16xf32>
        tpu.vector_store %arg14[%swap3A_431, %swap3A_432], %swap3A_435 {strides = array<i32>} : memref<80x128xf32, #tpu.memory_space<vmem>>, vector<1x16xf32>,
        %get3A_436 = arith.index_cast %scan3A_367 : i32 to index
        %get3A_437 = arith.constant 80 : index
        %get3A_438 = tpu.vector_load %arg12[%get3A_436, %get3A_437] {strides = array<i32>} : memref<80x128xf32, #tpu.memory_space<vmem>>, vector<1x16xf32>,
        %get3A_439 = vector.shape_cast %get3A_438 : vector<1x16xf32> to vector<16xf32>
        %mul3A_440 = arith.mulf %get3A_439, %get3A_19 : vector<16xf32>
        %add3A_441 = arith.addf %mul3A_440, %get3A_43 : vector<16xf32>
        %max3A_442 = arith.constant 0.000000e+00 : f32
        %max3A_443 = vector.broadcast %max3A_442 : f32 to vector<16xf32>
        %max3A_444 = arith.maximumf %add3A_441, %max3A_443 : vector<16xf32>
        %swap3A_445 = arith.index_cast %scan3A_367 : i32 to index
        %swap3A_446 = arith.constant 80 : index
        %swap3A_447 = tpu.vector_load %arg14[%swap3A_445, %swap3A_446] {strides = array<i32>} : memref<80x128xf32, #tpu.memory_space<vmem>>, vector<1x16xf32>,
        %swap3A_448 = vector.shape_cast %swap3A_447 : vector<1x16xf32> to vector<16xf32>
        %swap3A_449 = vector.shape_cast %max3A_444 : vector<16xf32> to vector<1x16xf32>
        tpu.vector_store %arg14[%swap3A_445, %swap3A_446], %swap3A_449 {strides = array<i32>} : memref<80x128xf32, #tpu.memory_space<vmem>>, vector<1x16xf32>,
        %get3A_450 = arith.index_cast %scan3A_367 : i32 to index
        %get3A_451 = arith.constant 96 : index
        %get3A_452 = tpu.vector_load %arg12[%get3A_450, %get3A_451] {strides = array<i32>} : memref<80x128xf32, #tpu.memory_space<vmem>>, vector<1x16xf32>,
        %get3A_453 = vector.shape_cast %get3A_452 : vector<1x16xf32> to vector<16xf32>
        %mul3A_454 = arith.mulf %get3A_453, %get3A_22 : vector<16xf32>
        %add3A_455 = arith.addf %mul3A_454, %get3A_46 : vector<16xf32>
        %max3A_456 = arith.constant 0.000000e+00 : f32
        %max3A_457 = vector.broadcast %max3A_456 : f32 to vector<16xf32>
        %max3A_458 = arith.maximumf %add3A_455, %max3A_457 : vector<16xf32>
        %swap3A_459 = arith.index_cast %scan3A_367 : i32 to index
        %swap3A_460 = arith.constant 96 : index
        %swap3A_461 = tpu.vector_load %arg14[%swap3A_459, %swap3A_460] {strides = array<i32>} : memref<80x128xf32, #tpu.memory_space<vmem>>, vector<1x16xf32>,
        %swap3A_462 = vector.shape_cast %swap3A_461 : vector<1x16xf32> to vector<16xf32>
        %swap3A_463 = vector.shape_cast %max3A_458 : vector<16xf32> to vector<1x16xf32>
        tpu.vector_store %arg14[%swap3A_459, %swap3A_460], %swap3A_463 {strides = array<i32>} : memref<80x128xf32, #tpu.memory_space<vmem>>, vector<1x16xf32>,
        %get3A_464 = arith.index_cast %scan3A_367 : i32 to index
        %get3A_465 = arith.constant 112 : index
        %get3A_466 = tpu.vector_load %arg12[%get3A_464, %get3A_465] {strides = array<i32>} : memref<80x128xf32, #tpu.memory_space<vmem>>, vector<1x16xf32>,
        %get3A_467 = vector.shape_cast %get3A_466 : vector<1x16xf32> to vector<16xf32>
        %mul3A_468 = arith.mulf %get3A_467, %get3A_25 : vector<16xf32>
        %add3A_469 = arith.addf %mul3A_468, %get3A_49 : vector<16xf32>
        %max3A_470 = arith.constant 0.000000e+00 : f32
        %max3A_471 = vector.broadcast %max3A_470 : f32 to vector<16xf32>
        %max3A_472 = arith.maximumf %add3A_469, %max3A_471 : vector<16xf32>
        %swap3A_473 = arith.index_cast %scan3A_367 : i32 to index
        %swap3A_474 = arith.constant 112 : index
        %swap3A_475 = tpu.vector_load %arg14[%swap3A_473, %swap3A_474] {strides = array<i32>} : memref<80x128xf32, #tpu.memory_space<vmem>>, vector<1x16xf32>,
        %swap3A_476 = vector.shape_cast %swap3A_475 : vector<1x16xf32> to vector<16xf32>
        %swap3A_477 = vector.shape_cast %max3A_472 : vector<16xf32> to vector<1x16xf32>
        tpu.vector_store %arg14[%swap3A_473, %swap3A_474], %swap3A_477 {strides = array<i32>} : memref<80x128xf32, #tpu.memory_space<vmem>>, vector<1x16xf32>,
      }
      %scan3A_293 = arith.constant 80 : i32
      %dma_wait3A_294 = arith.constant 0 : i32
      %dma_wait3A_295 = tpu.memref_slice %arg2[%dma_wait3A_294] : memref<320000xi32, #tpu.memory_space<hbm>> -> memref<80xi32, #tpu.memory_space<hbm>>
      %dma_wait3A_296 = arith.constant 0 : i32
      %dma_wait3A_297 = tpu.memref_slice %arg2[%dma_wait3A_296] : memref<320000xi32, #tpu.memory_space<hbm>> -> memref<80xi32, #tpu.memory_space<hbm>>
      tpu.wait_dma2 semaphore(%arg21 : memref<!tpu.dma_semaphore, #tpu.memory_space<semaphore_mem>>) src(%dma_wait3A_297 : memref<80xi32, #tpu.memory_space<hbm>>) dst(%arg10 : memref<80xi32, #tpu.memory_space<vmem>>)
      %mul3A_298 = arith.constant 80 : i32
      %mul3A_299 = arith.muli %add3A_272, %mul3A_298 : i32
      %add3A_300 = arith.addi %mul3A_2, %mul3A_299 : i32
      %dma_start3A_301 = arith.constant 0 : i32
      %dma_start3A_302 = tpu.memref_slice %arg6[%add3A_300, %dma_start3A_301] : memref<320000x128xf32, #tpu.memory_space<hbm>> -> memref<80x128xf32, #tpu.memory_space<hbm>>
      %dma_start3A_303 = arith.constant 0 : i32
      %dma_start3A_304 = tpu.memref_slice %arg6[%add3A_300, %dma_start3A_303] : memref<320000x128xf32, #tpu.memory_space<hbm>> -> memref<80x128xf32, #tpu.memory_space<hbm>>
      tpu.enqueue_dma source(%arg14 : memref<80x128xf32, #tpu.memory_space<vmem>>) target(%dma_start3A_304 : memref<80x128xf32, #tpu.memory_space<hbm>>) target_semaphore(%arg25 : memref<!tpu.dma_semaphore, #tpu.memory_space<semaphore_mem>>)
      %dma_start3A_305 = arith.constant 0 : i32
      %dma_start3A_306 = arith.constant 0 : i32
      %dma_start3A_307 = tpu.memref_slice %arg18[%dma_start3A_305, %dma_start3A_306] : memref<10240x128xf32, #tpu.memory_space<vmem_shared>> -> memref<10240x128xf32, #tpu.memory_space<vmem_shared>>
      tpu.enqueue_indirect_dma source(%arg14 : memref<80x128xf32, #tpu.memory_space<vmem>>) target(%dma_start3A_307 : memref<10240x128xf32, #tpu.memory_space<vmem_shared>>) offsets(%arg10 : memref<80xi32, #tpu.memory_space<vmem>>) semaphore(%arg27 : memref<!tpu.dma_semaphore, #tpu.memory_space<semaphore_mem>>) {add = true}
      %add3A_308 = arith.constant 2 : i32
      %add3A_309 = arith.addi %add3A_272, %add3A_308 : i32
      %mul3A_310 = arith.constant 80 : i32
      %mul3A_311 = arith.muli %add3A_309, %mul3A_310 : i32
      %add3A_312 = arith.addi %mul3A_2, %mul3A_311 : i32
      %dma_start3A_313 = arith.constant 0 : i32
      %dma_start3A_314 = tpu.memref_slice %arg3[%add3A_312, %dma_start3A_313] : memref<320000x128xf32, #tpu.memory_space<hbm>> -> memref<80x128xf32, #tpu.memory_space<hbm>>
      %dma_start3A_315 = arith.constant 0 : i32
      %dma_start3A_316 = tpu.memref_slice %arg3[%add3A_312, %dma_start3A_315] : memref<320000x128xf32, #tpu.memory_space<hbm>> -> memref<80x128xf32, #tpu.memory_space<hbm>>
      tpu.enqueue_dma source(%dma_start3A_316 : memref<80x128xf32, #tpu.memory_space<hbm>>) target(%arg12 : memref<80x128xf32, #tpu.memory_space<vmem>>) target_semaphore(%arg23 : memref<!tpu.dma_semaphore, #tpu.memory_space<semaphore_mem>>)
      %add3A_317 = arith.constant 2 : i32
      %add3A_318 = arith.addi %add3A_272, %add3A_317 : i32
      %mul3A_319 = arith.constant 80 : i32
      %mul3A_320 = arith.muli %add3A_318, %mul3A_319 : i32
      %add3A_321 = arith.addi %mul3A_2, %mul3A_320 : i32
      %dma_start3A_322 = tpu.memref_slice %arg2[%add3A_321] : memref<320000xi32, #tpu.memory_space<hbm>> -> memref<80xi32, #tpu.memory_space<hbm>>
      %dma_start3A_323 = tpu.memref_slice %arg2[%add3A_321] : memref<320000xi32, #tpu.memory_space<hbm>> -> memref<80xi32, #tpu.memory_space<hbm>>
      tpu.enqueue_dma source(%dma_start3A_323 : memref<80xi32, #tpu.memory_space<hbm>>) target(%arg8 : memref<80xi32, #tpu.memory_space<vmem>>) target_semaphore(%arg19 : memref<!tpu.dma_semaphore, #tpu.memory_space<semaphore_mem>>)
      %mul3A_324 = arith.constant 4 : i32
      %mul3A_325 = arith.muli %mul3A_324, %scan3A_169 : i32
      %add3A_326 = arith.constant 3 : i32
      %add3A_327 = arith.addi %mul3A_325, %add3A_326 : i32
      %dma_wait3A_328 = arith.constant 0 : i32
      %dma_wait3A_329 = arith.constant 0 : i32
      %dma_wait3A_330 = tpu.memref_slice %arg3[%dma_wait3A_328, %dma_wait3A_329] : memref<320000x128xf32, #tpu.memory_space<hbm>> -> memref<80x128xf32, #tpu.memory_space<hbm>>
      %dma_wait3A_331 = arith.constant 0 : i32
      %dma_wait3A_332 = arith.constant 0 : i32
      %dma_wait3A_333 = tpu.memref_slice %arg3[%dma_wait3A_331, %dma_wait3A_332] : memref<320000x128xf32, #tpu.memory_space<hbm>> -> memref<80x128xf32, #tpu.memory_space<hbm>>
      tpu.wait_dma2 semaphore(%arg24 : memref<!tpu.dma_semaphore, #tpu.memory_space<semaphore_mem>>) src(%dma_wait3A_333 : memref<80x128xf32, #tpu.memory_space<hbm>>) dst(%arg13 : memref<80x128xf32, #tpu.memory_space<vmem>>)
      %dma_wait3A_334 = arith.constant 0 : i32
      %dma_wait3A_335 = arith.constant 0 : i32
      %dma_wait3A_336 = tpu.memref_slice %arg6[%dma_wait3A_334, %dma_wait3A_335] : memref<320000x128xf32, #tpu.memory_space<hbm>> -> memref<80x128xf32, #tpu.memory_space<hbm>>
      %dma_wait3A_337 = arith.constant 0 : i32
      %dma_wait3A_338 = arith.constant 0 : i32
      %dma_wait3A_339 = tpu.memref_slice %arg6[%dma_wait3A_337, %dma_wait3A_338] : memref<320000x128xf32, #tpu.memory_space<hbm>> -> memref<80x128xf32, #tpu.memory_space<hbm>>
      tpu.wait_dma2 semaphore(%arg26 : memref<!tpu.dma_semaphore, #tpu.memory_space<semaphore_mem>>) src(%arg15 : memref<80x128xf32, #tpu.memory_space<vmem>>) dst(%dma_wait3A_339 : memref<80x128xf32, #tpu.memory_space<hbm>>)
      %dma_wait3A_340 = arith.constant 0 : i32
      %dma_wait3A_341 = arith.constant 0 : i32
      %dma_wait3A_342 = tpu.memref_slice %arg18[%dma_wait3A_340, %dma_wait3A_341] : memref<10240x128xf32, #tpu.memory_space<vmem_shared>> -> memref<10240x128xf32, #tpu.memory_space<vmem_shared>>
      tpu.wait_indirect_dma semaphore(%arg28 : memref<!tpu.dma_semaphore, #tpu.memory_space<semaphore_mem>>) src(%arg15 : memref<80x128xf32, #tpu.memory_space<vmem>>) dst(%dma_wait3A_342 : memref<10240x128xf32, #tpu.memory_space<vmem_shared>>)
      %scan3A_343 = arith.constant 0 : i32
      %scan3A_344 = arith.constant 0 : i32
      %scan3A_345 = arith.constant 80 : i32
      %scan3A_346 = arith.addi %scan3A_344, %scan3A_345 : i32
      %scan3A_347 = arith.constant 1 : i32
      scf.for %scan3A_367 = %scan3A_344 to %scan3A_346 step %scan3A_347  : i32 {
        %get3A_368 = arith.index_cast %scan3A_367 : i32 to index
        %get3A_369 = arith.constant 0 : index
        %get3A_370 = tpu.vector_load %arg13[%get3A_368, %get3A_369] {strides = array<i32>} : memref<80x128xf32, #tpu.memory_space<vmem>>, vector<1x16xf32>,
        %get3A_371 = vector.shape_cast %get3A_370 : vector<1x16xf32> to vector<16xf32>
        %mul3A_372 = arith.mulf %get3A_371, %get3A_4 : vector<16xf32>
        %add3A_373 = arith.addf %mul3A_372, %get3A_28 : vector<16xf32>
        %max3A = arith.constant 0.000000e+00 : f32
        %max3A_374 = vector.broadcast %max3A : f32 to vector<16xf32>
        %max3A_375 = arith.maximumf %add3A_373, %max3A_374 : vector<16xf32>
        %swap3A = arith.index_cast %scan3A_367 : i32 to index
        %swap3A_376 = arith.constant 0 : index
        %swap3A_377 = tpu.vector_load %arg15[%swap3A, %swap3A_376] {strides = array<i32>} : memref<80x128xf32, #tpu.memory_space<vmem>>, vector<1x16xf32>,
        %swap3A_378 = vector.shape_cast %swap3A_377 : vector<1x16xf32> to vector<16xf32>
        %swap3A_379 = vector.shape_cast %max3A_375 : vector<16xf32> to vector<1x16xf32>
        tpu.vector_store %arg15[%swap3A, %swap3A_376], %swap3A_379 {strides = array<i32>} : memref<80x128xf32, #tpu.memory_space<vmem>>, vector<1x16xf32>,
        %get3A_380 = arith.index_cast %scan3A_367 : i32 to index
        %get3A_381 = arith.constant 16 : index
        %get3A_382 = tpu.vector_load %arg13[%get3A_380, %get3A_381] {strides = array<i32>} : memref<80x128xf32, #tpu.memory_space<vmem>>, vector<1x16xf32>,
        %get3A_383 = vector.shape_cast %get3A_382 : vector<1x16xf32> to vector<16xf32>
        %mul3A_384 = arith.mulf %get3A_383, %get3A_7 : vector<16xf32>
        %add3A_385 = arith.addf %mul3A_384, %get3A_31 : vector<16xf32>
        %max3A_386 = arith.constant 0.000000e+00 : f32
        %max3A_387 = vector.broadcast %max3A_386 : f32 to vector<16xf32>
        %max3A_388 = arith.maximumf %add3A_385, %max3A_387 : vector<16xf32>
        %swap3A_389 = arith.index_cast %scan3A_367 : i32 to index
        %swap3A_390 = arith.constant 16 : index
        %swap3A_391 = tpu.vector_load %arg15[%swap3A_389, %swap3A_390] {strides = array<i32>} : memref<80x128xf32, #tpu.memory_space<vmem>>, vector<1x16xf32>,
        %swap3A_392 = vector.shape_cast %swap3A_391 : vector<1x16xf32> to vector<16xf32>
        %swap3A_393 = vector.shape_cast %max3A_388 : vector<16xf32> to vector<1x16xf32>
        tpu.vector_store %arg15[%swap3A_389, %swap3A_390], %swap3A_393 {strides = array<i32>} : memref<80x128xf32, #tpu.memory_space<vmem>>, vector<1x16xf32>,
        %get3A_394 = arith.index_cast %scan3A_367 : i32 to index
        %get3A_395 = arith.constant 32 : index
        %get3A_396 = tpu.vector_load %arg13[%get3A_394, %get3A_395] {strides = array<i32>} : memref<80x128xf32, #tpu.memory_space<vmem>>, vector<1x16xf32>,
        %get3A_397 = vector.shape_cast %get3A_396 : vector<1x16xf32> to vector<16xf32>
        %mul3A_398 = arith.mulf %get3A_397, %get3A_10 : vector<16xf32>
        %add3A_399 = arith.addf %mul3A_398, %get3A_34 : vector<16xf32>
        %max3A_400 = arith.constant 0.000000e+00 : f32
        %max3A_401 = vector.broadcast %max3A_400 : f32 to vector<16xf32>
        %max3A_402 = arith.maximumf %add3A_399, %max3A_401 : vector<16xf32>
        %swap3A_403 = arith.index_cast %scan3A_367 : i32 to index
        %swap3A_404 = arith.constant 32 : index
        %swap3A_405 = tpu.vector_load %arg15[%swap3A_403, %swap3A_404] {strides = array<i32>} : memref<80x128xf32, #tpu.memory_space<vmem>>, vector<1x16xf32>,
        %swap3A_406 = vector.shape_cast %swap3A_405 : vector<1x16xf32> to vector<16xf32>
        %swap3A_407 = vector.shape_cast %max3A_402 : vector<16xf32> to vector<1x16xf32>
        tpu.vector_store %arg15[%swap3A_403, %swap3A_404], %swap3A_407 {strides = array<i32>} : memref<80x128xf32, #tpu.memory_space<vmem>>, vector<1x16xf32>,
        %get3A_408 = arith.index_cast %scan3A_367 : i32 to index
        %get3A_409 = arith.constant 48 : index
        %get3A_410 = tpu.vector_load %arg13[%get3A_408, %get3A_409] {strides = array<i32>} : memref<80x128xf32, #tpu.memory_space<vmem>>, vector<1x16xf32>,
        %get3A_411 = vector.shape_cast %get3A_410 : vector<1x16xf32> to vector<16xf32>
        %mul3A_412 = arith.mulf %get3A_411, %get3A_13 : vector<16xf32>
        %add3A_413 = arith.addf %mul3A_412, %get3A_37 : vector<16xf32>
        %max3A_414 = arith.constant 0.000000e+00 : f32
        %max3A_415 = vector.broadcast %max3A_414 : f32 to vector<16xf32>
        %max3A_416 = arith.maximumf %add3A_413, %max3A_415 : vector<16xf32>
        %swap3A_417 = arith.index_cast %scan3A_367 : i32 to index
        %swap3A_418 = arith.constant 48 : index
        %swap3A_419 = tpu.vector_load %arg15[%swap3A_417, %swap3A_418] {strides = array<i32>} : memref<80x128xf32, #tpu.memory_space<vmem>>, vector<1x16xf32>,
        %swap3A_420 = vector.shape_cast %swap3A_419 : vector<1x16xf32> to vector<16xf32>
        %swap3A_421 = vector.shape_cast %max3A_416 : vector<16xf32> to vector<1x16xf32>
        tpu.vector_store %arg15[%swap3A_417, %swap3A_418], %swap3A_421 {strides = array<i32>} : memref<80x128xf32, #tpu.memory_space<vmem>>, vector<1x16xf32>,
        %get3A_422 = arith.index_cast %scan3A_367 : i32 to index
        %get3A_423 = arith.constant 64 : index
        %get3A_424 = tpu.vector_load %arg13[%get3A_422, %get3A_423] {strides = array<i32>} : memref<80x128xf32, #tpu.memory_space<vmem>>, vector<1x16xf32>,
        %get3A_425 = vector.shape_cast %get3A_424 : vector<1x16xf32> to vector<16xf32>
        %mul3A_426 = arith.mulf %get3A_425, %get3A_16 : vector<16xf32>
        %add3A_427 = arith.addf %mul3A_426, %get3A_40 : vector<16xf32>
        %max3A_428 = arith.constant 0.000000e+00 : f32
        %max3A_429 = vector.broadcast %max3A_428 : f32 to vector<16xf32>
        %max3A_430 = arith.maximumf %add3A_427, %max3A_429 : vector<16xf32>
        %swap3A_431 = arith.index_cast %scan3A_367 : i32 to index
        %swap3A_432 = arith.constant 64 : index
        %swap3A_433 = tpu.vector_load %arg15[%swap3A_431, %swap3A_432] {strides = array<i32>} : memref<80x128xf32, #tpu.memory_space<vmem>>, vector<1x16xf32>,
        %swap3A_434 = vector.shape_cast %swap3A_433 : vector<1x16xf32> to vector<16xf32>
        %swap3A_435 = vector.shape_cast %max3A_430 : vector<16xf32> to vector<1x16xf32>
        tpu.vector_store %arg15[%swap3A_431, %swap3A_432], %swap3A_435 {strides = array<i32>} : memref<80x128xf32, #tpu.memory_space<vmem>>, vector<1x16xf32>,
        %get3A_436 = arith.index_cast %scan3A_367 : i32 to index
        %get3A_437 = arith.constant 80 : index
        %get3A_438 = tpu.vector_load %arg13[%get3A_436, %get3A_437] {strides = array<i32>} : memref<80x128xf32, #tpu.memory_space<vmem>>, vector<1x16xf32>,
        %get3A_439 = vector.shape_cast %get3A_438 : vector<1x16xf32> to vector<16xf32>
        %mul3A_440 = arith.mulf %get3A_439, %get3A_19 : vector<16xf32>
        %add3A_441 = arith.addf %mul3A_440, %get3A_43 : vector<16xf32>
        %max3A_442 = arith.constant 0.000000e+00 : f32
        %max3A_443 = vector.broadcast %max3A_442 : f32 to vector<16xf32>
        %max3A_444 = arith.maximumf %add3A_441, %max3A_443 : vector<16xf32>
        %swap3A_445 = arith.index_cast %scan3A_367 : i32 to index
        %swap3A_446 = arith.constant 80 : index
        %swap3A_447 = tpu.vector_load %arg15[%swap3A_445, %swap3A_446] {strides = array<i32>} : memref<80x128xf32, #tpu.memory_space<vmem>>, vector<1x16xf32>,
        %swap3A_448 = vector.shape_cast %swap3A_447 : vector<1x16xf32> to vector<16xf32>
        %swap3A_449 = vector.shape_cast %max3A_444 : vector<16xf32> to vector<1x16xf32>
        tpu.vector_store %arg15[%swap3A_445, %swap3A_446], %swap3A_449 {strides = array<i32>} : memref<80x128xf32, #tpu.memory_space<vmem>>, vector<1x16xf32>,
        %get3A_450 = arith.index_cast %scan3A_367 : i32 to index
        %get3A_451 = arith.constant 96 : index
        %get3A_452 = tpu.vector_load %arg13[%get3A_450, %get3A_451] {strides = array<i32>} : memref<80x128xf32, #tpu.memory_space<vmem>>, vector<1x16xf32>,
        %get3A_453 = vector.shape_cast %get3A_452 : vector<1x16xf32> to vector<16xf32>
        %mul3A_454 = arith.mulf %get3A_453, %get3A_22 : vector<16xf32>
        %add3A_455 = arith.addf %mul3A_454, %get3A_46 : vector<16xf32>
        %max3A_456 = arith.constant 0.000000e+00 : f32
        %max3A_457 = vector.broadcast %max3A_456 : f32 to vector<16xf32>
        %max3A_458 = arith.maximumf %add3A_455, %max3A_457 : vector<16xf32>
        %swap3A_459 = arith.index_cast %scan3A_367 : i32 to index
        %swap3A_460 = arith.constant 96 : index
        %swap3A_461 = tpu.vector_load %arg15[%swap3A_459, %swap3A_460] {strides = array<i32>} : memref<80x128xf32, #tpu.memory_space<vmem>>, vector<1x16xf32>,
        %swap3A_462 = vector.shape_cast %swap3A_461 : vector<1x16xf32> to vector<16xf32>
        %swap3A_463 = vector.shape_cast %max3A_458 : vector<16xf32> to vector<1x16xf32>
        tpu.vector_store %arg15[%swap3A_459, %swap3A_460], %swap3A_463 {strides = array<i32>} : memref<80x128xf32, #tpu.memory_space<vmem>>, vector<1x16xf32>,
        %get3A_464 = arith.index_cast %scan3A_367 : i32 to index
        %get3A_465 = arith.constant 112 : index
        %get3A_466 = tpu.vector_load %arg13[%get3A_464, %get3A_465] {strides = array<i32>} : memref<80x128xf32, #tpu.memory_space<vmem>>, vector<1x16xf32>,
        %get3A_467 = vector.shape_cast %get3A_466 : vector<1x16xf32> to vector<16xf32>
        %mul3A_468 = arith.mulf %get3A_467, %get3A_25 : vector<16xf32>
        %add3A_469 = arith.addf %mul3A_468, %get3A_49 : vector<16xf32>
        %max3A_470 = arith.constant 0.000000e+00 : f32
        %max3A_471 = vector.broadcast %max3A_470 : f32 to vector<16xf32>
        %max3A_472 = arith.maximumf %add3A_469, %max3A_471 : vector<16xf32>
        %swap3A_473 = arith.index_cast %scan3A_367 : i32 to index
        %swap3A_474 = arith.constant 112 : index
        %swap3A_475 = tpu.vector_load %arg15[%swap3A_473, %swap3A_474] {strides = array<i32>} : memref<80x128xf32, #tpu.memory_space<vmem>>, vector<1x16xf32>,
        %swap3A_476 = vector.shape_cast %swap3A_475 : vector<1x16xf32> to vector<16xf32>
        %swap3A_477 = vector.shape_cast %max3A_472 : vector<16xf32> to vector<1x16xf32>
        tpu.vector_store %arg15[%swap3A_473, %swap3A_474], %swap3A_477 {strides = array<i32>} : memref<80x128xf32, #tpu.memory_space<vmem>>, vector<1x16xf32>,
      }
      %scan3A_348 = arith.constant 80 : i32
      %dma_wait3A_349 = arith.constant 0 : i32
      %dma_wait3A_350 = tpu.memref_slice %arg2[%dma_wait3A_349] : memref<320000xi32, #tpu.memory_space<hbm>> -> memref<80xi32, #tpu.memory_space<hbm>>
      %dma_wait3A_351 = arith.constant 0 : i32
      %dma_wait3A_352 = tpu.memref_slice %arg2[%dma_wait3A_351] : memref<320000xi32, #tpu.memory_space<hbm>> -> memref<80xi32, #tpu.memory_space<hbm>>
      tpu.wait_dma2 semaphore(%arg22 : memref<!tpu.dma_semaphore, #tpu.memory_space<semaphore_mem>>) src(%dma_wait3A_352 : memref<80xi32, #tpu.memory_space<hbm>>) dst(%arg11 : memref<80xi32, #tpu.memory_space<vmem>>)
      %mul3A_353 = arith.constant 80 : i32
      %mul3A_354 = arith.muli %add3A_327, %mul3A_353 : i32
      %add3A_355 = arith.addi %mul3A_2, %mul3A_354 : i32
      %dma_start3A_356 = arith.constant 0 : i32
      %dma_start3A_357 = tpu.memref_slice %arg6[%add3A_355, %dma_start3A_356] : memref<320000x128xf32, #tpu.memory_space<hbm>> -> memref<80x128xf32, #tpu.memory_space<hbm>>
      %dma_start3A_358 = arith.constant 0 : i32
      %dma_start3A_359 = tpu.memref_slice %arg6[%add3A_355, %dma_start3A_358] : memref<320000x128xf32, #tpu.memory_space<hbm>> -> memref<80x128xf32, #tpu.memory_space<hbm>>
      tpu.enqueue_dma source(%arg15 : memref<80x128xf32, #tpu.memory_space<vmem>>) target(%dma_start3A_359 : memref<80x128xf32, #tpu.memory_space<hbm>>) target_semaphore(%arg26 : memref<!tpu.dma_semaphore, #tpu.memory_space<semaphore_mem>>)
      %dma_start3A_360 = arith.constant 0 : i32
      %dma_start3A_361 = arith.constant 0 : i32
      %dma_start3A_362 = tpu.memref_slice %arg18[%dma_start3A_360, %dma_start3A_361] : memref<10240x128xf32, #tpu.memory_space<vmem_shared>> -> memref<10240x128xf32, #tpu.memory_space<vmem_shared>>
      tpu.enqueue_indirect_dma source(%arg15 : memref<80x128xf32, #tpu.memory_space<vmem>>) target(%dma_start3A_362 : memref<10240x128xf32, #tpu.memory_space<vmem_shared>>) offsets(%arg11 : memref<80xi32, #tpu.memory_space<vmem>>) semaphore(%arg28 : memref<!tpu.dma_semaphore, #tpu.memory_space<semaphore_mem>>) {add = true}
      %lt3A = arith.constant 30 : i32
      %lt3A_363 = arith.cmpi slt, %scan3A_169, %lt3A : i32
      %convert_element_type3A_364 = arith.extui %lt3A_363 : i1 to i32
      %cond3A_365 = arith.constant 0 : i32
      %cond3A_366 = arith.cmpi ne, %convert_element_type3A_364, %cond3A_365 : i32
      scf.if %cond3A_366 {
        %add3A_367 = arith.constant 2 : i32
        %add3A_368 = arith.addi %add3A_327, %add3A_367 : i32
        %mul3A_369 = arith.constant 80 : i32
        %mul3A_370 = arith.muli %add3A_368, %mul3A_369 : i32
        %add3A_371 = arith.addi %mul3A_2, %mul3A_370 : i32
        %dma_start3A_372 = arith.constant 0 : i32
        %dma_start3A_373 = tpu.memref_slice %arg3[%add3A_371, %dma_start3A_372] : memref<320000x128xf32, #tpu.memory_space<hbm>> -> memref<80x128xf32, #tpu.memory_space<hbm>>
        %dma_start3A_374 = arith.constant 0 : i32
        %dma_start3A_375 = tpu.memref_slice %arg3[%add3A_371, %dma_start3A_374] : memref<320000x128xf32, #tpu.memory_space<hbm>> -> memref<80x128xf32, #tpu.memory_space<hbm>>
        tpu.enqueue_dma source(%dma_start3A_375 : memref<80x128xf32, #tpu.memory_space<hbm>>) target(%arg13 : memref<80x128xf32, #tpu.memory_space<vmem>>) target_semaphore(%arg24 : memref<!tpu.dma_semaphore, #tpu.memory_space<semaphore_mem>>)
        %add3A_376 = arith.constant 2 : i32
        %add3A_377 = arith.addi %add3A_327, %add3A_376 : i32
        %mul3A_378 = arith.constant 80 : i32
        %mul3A_379 = arith.muli %add3A_377, %mul3A_378 : i32
        %add3A_380 = arith.addi %mul3A_2, %mul3A_379 : i32
        %dma_start3A_381 = tpu.memref_slice %arg2[%add3A_380] : memref<320000xi32, #tpu.memory_space<hbm>> -> memref<80xi32, #tpu.memory_space<hbm>>
        %dma_start3A_382 = tpu.memref_slice %arg2[%add3A_380] : memref<320000xi32, #tpu.memory_space<hbm>> -> memref<80xi32, #tpu.memory_space<hbm>>
        tpu.enqueue_dma source(%dma_start3A_382 : memref<80xi32, #tpu.memory_space<hbm>>) target(%arg9 : memref<80xi32, #tpu.memory_space<vmem>>) target_semaphore(%arg20 : memref<!tpu.dma_semaphore, #tpu.memory_space<semaphore_mem>>)
      } else {
      }
    }
    %scan3A_112 = arith.constant 31 : i32
    %dma_wait3A = arith.constant 0 : i32
    %dma_wait3A_113 = arith.constant 0 : i32
    %dma_wait3A_114 = tpu.memref_slice %arg3[%dma_wait3A, %dma_wait3A_113] : memref<320000x128xf32, #tpu.memory_space<hbm>> -> memref<80x128xf32, #tpu.memory_space<hbm>>
    %dma_wait3A_115 = arith.constant 0 : i32
    %dma_wait3A_116 = arith.constant 0 : i32
    %dma_wait3A_117 = tpu.memref_slice %arg3[%dma_wait3A_115, %dma_wait3A_116] : memref<320000x128xf32, #tpu.memory_space<hbm>> -> memref<80x128xf32, #tpu.memory_space<hbm>>
    tpu.wait_dma2 semaphore(%arg23 : memref<!tpu.dma_semaphore, #tpu.memory_space<semaphore_mem>>) src(%dma_wait3A_117 : memref<80x128xf32, #tpu.memory_space<hbm>>) dst(%arg12 : memref<80x128xf32, #tpu.memory_space<vmem>>)
    %dma_wait3A_118 = arith.constant 0 : i32
    %dma_wait3A_119 = arith.constant 0 : i32
    %dma_wait3A_120 = tpu.memref_slice %arg6[%dma_wait3A_118, %dma_wait3A_119] : memref<320000x128xf32, #tpu.memory_space<hbm>> -> memref<80x128xf32, #tpu.memory_space<hbm>>
    %dma_wait3A_121 = arith.constant 0 : i32
    %dma_wait3A_122 = arith.constant 0 : i32
    %dma_wait3A_123 = tpu.memref_slice %arg6[%dma_wait3A_121, %dma_wait3A_122] : memref<320000x128xf32, #tpu.memory_space<hbm>> -> memref<80x128xf32, #tpu.memory_space<hbm>>
    tpu.wait_dma2 semaphore(%arg25 : memref<!tpu.dma_semaphore, #tpu.memory_space<semaphore_mem>>) src(%arg14 : memref<80x128xf32, #tpu.memory_space<vmem>>) dst(%dma_wait3A_123 : memref<80x128xf32, #tpu.memory_space<hbm>>)
    %dma_wait3A_124 = arith.constant 0 : i32
    %dma_wait3A_125 = arith.constant 0 : i32
    %dma_wait3A_126 = tpu.memref_slice %arg18[%dma_wait3A_124, %dma_wait3A_125] : memref<10240x128xf32, #tpu.memory_space<vmem_shared>> -> memref<10240x128xf32, #tpu.memory_space<vmem_shared>>
    tpu.wait_indirect_dma semaphore(%arg27 : memref<!tpu.dma_semaphore, #tpu.memory_space<semaphore_mem>>) src(%arg14 : memref<80x128xf32, #tpu.memory_space<vmem>>) dst(%dma_wait3A_126 : memref<10240x128xf32, #tpu.memory_space<vmem_shared>>)
    %scan3A_127 = arith.constant 0 : i32
    %scan3A_128 = arith.constant 0 : i32
    %scan3A_129 = arith.constant 80 : i32
    %scan3A_130 = arith.addi %scan3A_128, %scan3A_129 : i32
    %scan3A_131 = arith.constant 1 : i32
    scf.for %scan3A_169 = %scan3A_128 to %scan3A_130 step %scan3A_131  : i32 {
      %get3A_170 = arith.index_cast %scan3A_169 : i32 to index
      %get3A_171 = arith.constant 0 : index
      %get3A_172 = tpu.vector_load %arg12[%get3A_170, %get3A_171] {strides = array<i32>} : memref<80x128xf32, #tpu.memory_space<vmem>>, vector<1x16xf32>,
      %get3A_173 = vector.shape_cast %get3A_172 : vector<1x16xf32> to vector<16xf32>
      %mul3A_174 = arith.mulf %get3A_173, %get3A_4 : vector<16xf32>
      %add3A_175 = arith.addf %mul3A_174, %get3A_28 : vector<16xf32>
      %max3A = arith.constant 0.000000e+00 : f32
      %max3A_176 = vector.broadcast %max3A : f32 to vector<16xf32>
      %max3A_177 = arith.maximumf %add3A_175, %max3A_176 : vector<16xf32>
      %swap3A = arith.index_cast %scan3A_169 : i32 to index
      %swap3A_178 = arith.constant 0 : index
      %swap3A_179 = tpu.vector_load %arg14[%swap3A, %swap3A_178] {strides = array<i32>} : memref<80x128xf32, #tpu.memory_space<vmem>>, vector<1x16xf32>,
      %swap3A_180 = vector.shape_cast %swap3A_179 : vector<1x16xf32> to vector<16xf32>
      %swap3A_181 = vector.shape_cast %max3A_177 : vector<16xf32> to vector<1x16xf32>
      tpu.vector_store %arg14[%swap3A, %swap3A_178], %swap3A_181 {strides = array<i32>} : memref<80x128xf32, #tpu.memory_space<vmem>>, vector<1x16xf32>,
      %get3A_182 = arith.index_cast %scan3A_169 : i32 to index
      %get3A_183 = arith.constant 16 : index
      %get3A_184 = tpu.vector_load %arg12[%get3A_182, %get3A_183] {strides = array<i32>} : memref<80x128xf32, #tpu.memory_space<vmem>>, vector<1x16xf32>,
      %get3A_185 = vector.shape_cast %get3A_184 : vector<1x16xf32> to vector<16xf32>
      %mul3A_186 = arith.mulf %get3A_185, %get3A_7 : vector<16xf32>
      %add3A_187 = arith.addf %mul3A_186, %get3A_31 : vector<16xf32>
      %max3A_188 = arith.constant 0.000000e+00 : f32
      %max3A_189 = vector.broadcast %max3A_188 : f32 to vector<16xf32>
      %max3A_190 = arith.maximumf %add3A_187, %max3A_189 : vector<16xf32>
      %swap3A_191 = arith.index_cast %scan3A_169 : i32 to index
      %swap3A_192 = arith.constant 16 : index
      %swap3A_193 = tpu.vector_load %arg14[%swap3A_191, %swap3A_192] {strides = array<i32>} : memref<80x128xf32, #tpu.memory_space<vmem>>, vector<1x16xf32>,
      %swap3A_194 = vector.shape_cast %swap3A_193 : vector<1x16xf32> to vector<16xf32>
      %swap3A_195 = vector.shape_cast %max3A_190 : vector<16xf32> to vector<1x16xf32>
      tpu.vector_store %arg14[%swap3A_191, %swap3A_192], %swap3A_195 {strides = array<i32>} : memref<80x128xf32, #tpu.memory_space<vmem>>, vector<1x16xf32>,
      %get3A_196 = arith.index_cast %scan3A_169 : i32 to index
      %get3A_197 = arith.constant 32 : index
      %get3A_198 = tpu.vector_load %arg12[%get3A_196, %get3A_197] {strides = array<i32>} : memref<80x128xf32, #tpu.memory_space<vmem>>, vector<1x16xf32>,
      %get3A_199 = vector.shape_cast %get3A_198 : vector<1x16xf32> to vector<16xf32>
      %mul3A_200 = arith.mulf %get3A_199, %get3A_10 : vector<16xf32>
      %add3A_201 = arith.addf %mul3A_200, %get3A_34 : vector<16xf32>
      %max3A_202 = arith.constant 0.000000e+00 : f32
      %max3A_203 = vector.broadcast %max3A_202 : f32 to vector<16xf32>
      %max3A_204 = arith.maximumf %add3A_201, %max3A_203 : vector<16xf32>
      %swap3A_205 = arith.index_cast %scan3A_169 : i32 to index
      %swap3A_206 = arith.constant 32 : index
      %swap3A_207 = tpu.vector_load %arg14[%swap3A_205, %swap3A_206] {strides = array<i32>} : memref<80x128xf32, #tpu.memory_space<vmem>>, vector<1x16xf32>,
      %swap3A_208 = vector.shape_cast %swap3A_207 : vector<1x16xf32> to vector<16xf32>
      %swap3A_209 = vector.shape_cast %max3A_204 : vector<16xf32> to vector<1x16xf32>
      tpu.vector_store %arg14[%swap3A_205, %swap3A_206], %swap3A_209 {strides = array<i32>} : memref<80x128xf32, #tpu.memory_space<vmem>>, vector<1x16xf32>,
      %get3A_210 = arith.index_cast %scan3A_169 : i32 to index
      %get3A_211 = arith.constant 48 : index
      %get3A_212 = tpu.vector_load %arg12[%get3A_210, %get3A_211] {strides = array<i32>} : memref<80x128xf32, #tpu.memory_space<vmem>>, vector<1x16xf32>,
      %get3A_213 = vector.shape_cast %get3A_212 : vector<1x16xf32> to vector<16xf32>
      %mul3A_214 = arith.mulf %get3A_213, %get3A_13 : vector<16xf32>
      %add3A_215 = arith.addf %mul3A_214, %get3A_37 : vector<16xf32>
      %max3A_216 = arith.constant 0.000000e+00 : f32
      %max3A_217 = vector.broadcast %max3A_216 : f32 to vector<16xf32>
      %max3A_218 = arith.maximumf %add3A_215, %max3A_217 : vector<16xf32>
      %swap3A_219 = arith.index_cast %scan3A_169 : i32 to index
      %swap3A_220 = arith.constant 48 : index
      %swap3A_221 = tpu.vector_load %arg14[%swap3A_219, %swap3A_220] {strides = array<i32>} : memref<80x128xf32, #tpu.memory_space<vmem>>, vector<1x16xf32>,
      %swap3A_222 = vector.shape_cast %swap3A_221 : vector<1x16xf32> to vector<16xf32>
      %swap3A_223 = vector.shape_cast %max3A_218 : vector<16xf32> to vector<1x16xf32>
      tpu.vector_store %arg14[%swap3A_219, %swap3A_220], %swap3A_223 {strides = array<i32>} : memref<80x128xf32, #tpu.memory_space<vmem>>, vector<1x16xf32>,
      %get3A_224 = arith.index_cast %scan3A_169 : i32 to index
      %get3A_225 = arith.constant 64 : index
      %get3A_226 = tpu.vector_load %arg12[%get3A_224, %get3A_225] {strides = array<i32>} : memref<80x128xf32, #tpu.memory_space<vmem>>, vector<1x16xf32>,
      %get3A_227 = vector.shape_cast %get3A_226 : vector<1x16xf32> to vector<16xf32>
      %mul3A_228 = arith.mulf %get3A_227, %get3A_16 : vector<16xf32>
      %add3A_229 = arith.addf %mul3A_228, %get3A_40 : vector<16xf32>
      %max3A_230 = arith.constant 0.000000e+00 : f32
      %max3A_231 = vector.broadcast %max3A_230 : f32 to vector<16xf32>
      %max3A_232 = arith.maximumf %add3A_229, %max3A_231 : vector<16xf32>
      %swap3A_233 = arith.index_cast %scan3A_169 : i32 to index
      %swap3A_234 = arith.constant 64 : index
      %swap3A_235 = tpu.vector_load %arg14[%swap3A_233, %swap3A_234] {strides = array<i32>} : memref<80x128xf32, #tpu.memory_space<vmem>>, vector<1x16xf32>,
      %swap3A_236 = vector.shape_cast %swap3A_235 : vector<1x16xf32> to vector<16xf32>
      %swap3A_237 = vector.shape_cast %max3A_232 : vector<16xf32> to vector<1x16xf32>
      tpu.vector_store %arg14[%swap3A_233, %swap3A_234], %swap3A_237 {strides = array<i32>} : memref<80x128xf32, #tpu.memory_space<vmem>>, vector<1x16xf32>,
      %get3A_238 = arith.index_cast %scan3A_169 : i32 to index
      %get3A_239 = arith.constant 80 : index
      %get3A_240 = tpu.vector_load %arg12[%get3A_238, %get3A_239] {strides = array<i32>} : memref<80x128xf32, #tpu.memory_space<vmem>>, vector<1x16xf32>,
      %get3A_241 = vector.shape_cast %get3A_240 : vector<1x16xf32> to vector<16xf32>
      %mul3A_242 = arith.mulf %get3A_241, %get3A_19 : vector<16xf32>
      %add3A_243 = arith.addf %mul3A_242, %get3A_43 : vector<16xf32>
      %max3A_244 = arith.constant 0.000000e+00 : f32
      %max3A_245 = vector.broadcast %max3A_244 : f32 to vector<16xf32>
      %max3A_246 = arith.maximumf %add3A_243, %max3A_245 : vector<16xf32>
      %swap3A_247 = arith.index_cast %scan3A_169 : i32 to index
      %swap3A_248 = arith.constant 80 : index
      %swap3A_249 = tpu.vector_load %arg14[%swap3A_247, %swap3A_248] {strides = array<i32>} : memref<80x128xf32, #tpu.memory_space<vmem>>, vector<1x16xf32>,
      %swap3A_250 = vector.shape_cast %swap3A_249 : vector<1x16xf32> to vector<16xf32>
      %swap3A_251 = vector.shape_cast %max3A_246 : vector<16xf32> to vector<1x16xf32>
      tpu.vector_store %arg14[%swap3A_247, %swap3A_248], %swap3A_251 {strides = array<i32>} : memref<80x128xf32, #tpu.memory_space<vmem>>, vector<1x16xf32>,
      %get3A_252 = arith.index_cast %scan3A_169 : i32 to index
      %get3A_253 = arith.constant 96 : index
      %get3A_254 = tpu.vector_load %arg12[%get3A_252, %get3A_253] {strides = array<i32>} : memref<80x128xf32, #tpu.memory_space<vmem>>, vector<1x16xf32>,
      %get3A_255 = vector.shape_cast %get3A_254 : vector<1x16xf32> to vector<16xf32>
      %mul3A_256 = arith.mulf %get3A_255, %get3A_22 : vector<16xf32>
      %add3A_257 = arith.addf %mul3A_256, %get3A_46 : vector<16xf32>
      %max3A_258 = arith.constant 0.000000e+00 : f32
      %max3A_259 = vector.broadcast %max3A_258 : f32 to vector<16xf32>
      %max3A_260 = arith.maximumf %add3A_257, %max3A_259 : vector<16xf32>
      %swap3A_261 = arith.index_cast %scan3A_169 : i32 to index
      %swap3A_262 = arith.constant 96 : index
      %swap3A_263 = tpu.vector_load %arg14[%swap3A_261, %swap3A_262] {strides = array<i32>} : memref<80x128xf32, #tpu.memory_space<vmem>>, vector<1x16xf32>,
      %swap3A_264 = vector.shape_cast %swap3A_263 : vector<1x16xf32> to vector<16xf32>
      %swap3A_265 = vector.shape_cast %max3A_260 : vector<16xf32> to vector<1x16xf32>
      tpu.vector_store %arg14[%swap3A_261, %swap3A_262], %swap3A_265 {strides = array<i32>} : memref<80x128xf32, #tpu.memory_space<vmem>>, vector<1x16xf32>,
      %get3A_266 = arith.index_cast %scan3A_169 : i32 to index
      %get3A_267 = arith.constant 112 : index
      %get3A_268 = tpu.vector_load %arg12[%get3A_266, %get3A_267] {strides = array<i32>} : memref<80x128xf32, #tpu.memory_space<vmem>>, vector<1x16xf32>,
      %get3A_269 = vector.shape_cast %get3A_268 : vector<1x16xf32> to vector<16xf32>
      %mul3A_270 = arith.mulf %get3A_269, %get3A_25 : vector<16xf32>
      %add3A_271 = arith.addf %mul3A_270, %get3A_49 : vector<16xf32>
      %max3A_272 = arith.constant 0.000000e+00 : f32
      %max3A_273 = vector.broadcast %max3A_272 : f32 to vector<16xf32>
      %max3A_274 = arith.maximumf %add3A_271, %max3A_273 : vector<16xf32>
      %swap3A_275 = arith.index_cast %scan3A_169 : i32 to index
      %swap3A_276 = arith.constant 112 : index
      %swap3A_277 = tpu.vector_load %arg14[%swap3A_275, %swap3A_276] {strides = array<i32>} : memref<80x128xf32, #tpu.memory_space<vmem>>, vector<1x16xf32>,
      %swap3A_278 = vector.shape_cast %swap3A_277 : vector<1x16xf32> to vector<16xf32>
      %swap3A_279 = vector.shape_cast %max3A_274 : vector<16xf32> to vector<1x16xf32>
      tpu.vector_store %arg14[%swap3A_275, %swap3A_276], %swap3A_279 {strides = array<i32>} : memref<80x128xf32, #tpu.memory_space<vmem>>, vector<1x16xf32>,
    }
    %scan3A_132 = arith.constant 80 : i32
    %dma_wait3A_133 = arith.constant 0 : i32
    %dma_wait3A_134 = tpu.memref_slice %arg2[%dma_wait3A_133] : memref<320000xi32, #tpu.memory_space<hbm>> -> memref<80xi32, #tpu.memory_space<hbm>>
    %dma_wait3A_135 = arith.constant 0 : i32
    %dma_wait3A_136 = tpu.memref_slice %arg2[%dma_wait3A_135] : memref<320000xi32, #tpu.memory_space<hbm>> -> memref<80xi32, #tpu.memory_space<hbm>>
    tpu.wait_dma2 semaphore(%arg19 : memref<!tpu.dma_semaphore, #tpu.memory_space<semaphore_mem>>) src(%dma_wait3A_136 : memref<80xi32, #tpu.memory_space<hbm>>) dst(%arg8 : memref<80xi32, #tpu.memory_space<vmem>>)
    %add3A_137 = arith.constant 9920 : i32
    %add3A_138 = arith.addi %mul3A_2, %add3A_137 : i32
    %dma_start3A_139 = arith.constant 0 : i32
    %dma_start3A_140 = tpu.memref_slice %arg6[%add3A_138, %dma_start3A_139] : memref<320000x128xf32, #tpu.memory_space<hbm>> -> memref<80x128xf32, #tpu.memory_space<hbm>>
    %dma_start3A_141 = arith.constant 0 : i32
    %dma_start3A_142 = tpu.memref_slice %arg6[%add3A_138, %dma_start3A_141] : memref<320000x128xf32, #tpu.memory_space<hbm>> -> memref<80x128xf32, #tpu.memory_space<hbm>>
    tpu.enqueue_dma source(%arg14 : memref<80x128xf32, #tpu.memory_space<vmem>>) target(%dma_start3A_142 : memref<80x128xf32, #tpu.memory_space<hbm>>) target_semaphore(%arg25 : memref<!tpu.dma_semaphore, #tpu.memory_space<semaphore_mem>>)
    %dma_start3A_143 = arith.constant 0 : i32
    %dma_start3A_144 = arith.constant 0 : i32
    %dma_start3A_145 = tpu.memref_slice %arg18[%dma_start3A_143, %dma_start3A_144] : memref<10240x128xf32, #tpu.memory_space<vmem_shared>> -> memref<10240x128xf32, #tpu.memory_space<vmem_shared>>
    tpu.enqueue_indirect_dma source(%arg14 : memref<80x128xf32, #tpu.memory_space<vmem>>) target(%dma_start3A_145 : memref<10240x128xf32, #tpu.memory_space<vmem_shared>>) offsets(%arg8 : memref<80xi32, #tpu.memory_space<vmem>>) semaphore(%arg27 : memref<!tpu.dma_semaphore, #tpu.memory_space<semaphore_mem>>) {add = true}
    %dma_wait3A_146 = arith.constant 0 : i32
    %dma_wait3A_147 = arith.constant 0 : i32
    %dma_wait3A_148 = tpu.memref_slice %arg6[%dma_wait3A_146, %dma_wait3A_147] : memref<320000x128xf32, #tpu.memory_space<hbm>> -> memref<80x128xf32, #tpu.memory_space<hbm>>
    %dma_wait3A_149 = arith.constant 0 : i32
    %dma_wait3A_150 = arith.constant 0 : i32
    %dma_wait3A_151 = tpu.memref_slice %arg6[%dma_wait3A_149, %dma_wait3A_150] : memref<320000x128xf32, #tpu.memory_space<hbm>> -> memref<80x128xf32, #tpu.memory_space<hbm>>
    tpu.wait_dma2 semaphore(%arg26 : memref<!tpu.dma_semaphore, #tpu.memory_space<semaphore_mem>>) src(%arg15 : memref<80x128xf32, #tpu.memory_space<vmem>>) dst(%dma_wait3A_151 : memref<80x128xf32, #tpu.memory_space<hbm>>)
    %dma_wait3A_152 = arith.constant 0 : i32
    %dma_wait3A_153 = arith.constant 0 : i32
    %dma_wait3A_154 = tpu.memref_slice %arg6[%dma_wait3A_152, %dma_wait3A_153] : memref<320000x128xf32, #tpu.memory_space<hbm>> -> memref<80x128xf32, #tpu.memory_space<hbm>>
    %dma_wait3A_155 = arith.constant 0 : i32
    %dma_wait3A_156 = arith.constant 0 : i32
    %dma_wait3A_157 = tpu.memref_slice %arg6[%dma_wait3A_155, %dma_wait3A_156] : memref<320000x128xf32, #tpu.memory_space<hbm>> -> memref<80x128xf32, #tpu.memory_space<hbm>>
    tpu.wait_dma2 semaphore(%arg25 : memref<!tpu.dma_semaphore, #tpu.memory_space<semaphore_mem>>) src(%arg14 : memref<80x128xf32, #tpu.memory_space<vmem>>) dst(%dma_wait3A_157 : memref<80x128xf32, #tpu.memory_space<hbm>>)
    %dma_wait3A_158 = arith.constant 0 : i32
    %dma_wait3A_159 = arith.constant 0 : i32
    %dma_wait3A_160 = tpu.memref_slice %arg18[%dma_wait3A_158, %dma_wait3A_159] : memref<10240x128xf32, #tpu.memory_space<vmem_shared>> -> memref<10240x128xf32, #tpu.memory_space<vmem_shared>>
    tpu.wait_indirect_dma semaphore(%arg28 : memref<!tpu.dma_semaphore, #tpu.memory_space<semaphore_mem>>) src(%arg15 : memref<80x128xf32, #tpu.memory_space<vmem>>) dst(%dma_wait3A_160 : memref<10240x128xf32, #tpu.memory_space<vmem_shared>>)
    %dma_wait3A_161 = arith.constant 0 : i32
    %dma_wait3A_162 = arith.constant 0 : i32
    %dma_wait3A_163 = tpu.memref_slice %arg18[%dma_wait3A_161, %dma_wait3A_162] : memref<10240x128xf32, #tpu.memory_space<vmem_shared>> -> memref<10240x128xf32, #tpu.memory_space<vmem_shared>>
    tpu.wait_indirect_dma semaphore(%arg27 : memref<!tpu.dma_semaphore, #tpu.memory_space<semaphore_mem>>) src(%arg14 : memref<80x128xf32, #tpu.memory_space<vmem>>) dst(%dma_wait3A_163 : memref<10240x128xf32, #tpu.memory_space<vmem_shared>>)
    %barrier3A_164 = arith.constant 0 : index
    tpu.barrier barrier_id(%barrier3A_164)
    %mul3A_165 = arith.constant 640 : i32
    %mul3A_166 = arith.muli %arg1, %mul3A_165 : i32
    %mul3A_167 = arith.constant 640 : i32
    %mul3A_168 = arith.muli %arg1, %mul3A_167 : i32
    "tpu.region"() ({
      %run_scoped3A = tpu.sem_alloc : memref<!tpu.dma_semaphore, #tpu.memory_space<semaphore_mem>>
      %dma_start3A_169 = arith.constant 0 : i32
      %dma_start3A_170 = tpu.memref_slice %arg7[%arg0, %mul3A_168, %dma_start3A_169] : memref<2x10240x128xf32, #tpu.memory_space<hbm>> -> memref<1x640x128xf32, #tpu.memory_space<hbm>>
      %dma_start3A_171 = tpu.memref_squeeze %dma_start3A_170 : memref<1x640x128xf32, #tpu.memory_space<hbm>> -> memref<640x128xf32, #tpu.memory_space<hbm>>
      %dma_start3A_172 = arith.constant 0 : i32
      %dma_start3A_173 = tpu.memref_slice %arg18[%mul3A_166, %dma_start3A_172] : memref<10240x128xf32, #tpu.memory_space<vmem_shared>> -> memref<640x128xf32, #tpu.memory_space<vmem_shared>>
      tpu.enqueue_dma source(%dma_start3A_173 : memref<640x128xf32, #tpu.memory_space<vmem_shared>>) target(%dma_start3A_171 : memref<640x128xf32, #tpu.memory_space<hbm>>) target_semaphore(%run_scoped3A : memref<!tpu.dma_semaphore, #tpu.memory_space<semaphore_mem>>)
      %dma_wait3A_174 = arith.constant 0 : i32
      %dma_wait3A_175 = tpu.memref_slice %arg7[%arg0, %mul3A_168, %dma_wait3A_174] : memref<2x10240x128xf32, #tpu.memory_space<hbm>> -> memref<1x640x128xf32, #tpu.memory_space<hbm>>
      %dma_wait3A_176 = tpu.memref_squeeze %dma_wait3A_175 : memref<1x640x128xf32, #tpu.memory_space<hbm>> -> memref<640x128xf32, #tpu.memory_space<hbm>>
      %dma_wait3A_177 = arith.constant 0 : i32
      %dma_wait3A_178 = tpu.memref_slice %arg18[%mul3A_166, %dma_wait3A_177] : memref<10240x128xf32, #tpu.memory_space<vmem_shared>> -> memref<640x128xf32, #tpu.memory_space<vmem_shared>>
      tpu.wait_dma2 semaphore(%run_scoped3A : memref<!tpu.dma_semaphore, #tpu.memory_space<semaphore_mem>>) src(%dma_wait3A_178 : memref<640x128xf32, #tpu.memory_space<vmem_shared>>) dst(%dma_wait3A_176 : memref<640x128xf32, #tpu.memory_space<hbm>>)
      tpu.yield
    }) : () -> ()
    return
  }
}

module attributes {stable_mosaic.version = 14 : i64} {
  func.func @_proj_body(%arg0: i32, %arg1: memref<1000x128xf32, #tpu.memory_space<vmem>>, %arg2: memref<128x128xf32, #tpu.memory_space<vmem>>, %arg3: memref<128x128xf32, #tpu.memory_space<vmem>>, %arg4: memref<1000x128xf32, #tpu.memory_space<vmem>>, %arg5: memref<1000x128xf32, #tpu.memory_space<vmem>>) attributes {dimension_semantics = [#tpu.dimension_semantics<arbitrary>], iteration_bounds = array<i64: 10>, scalar_prefetch = 0 : i64, scratch_operands = 0 : i64, tpu.core_type = #tpu.core_type<tc>, window_params = [{transform_indices = @transform_0, window_bounds = array<i64: 1000, 128>}, {pipeline_mode = #tpu.pipeline_mode<synchronous>, transform_indices = @transform_1, window_bounds = array<i64: 128, 128>}, {pipeline_mode = #tpu.pipeline_mode<synchronous>, transform_indices = @transform_2, window_bounds = array<i64: 128, 128>}, {transform_indices = @transform_3, window_bounds = array<i64: 1000, 128>}, {transform_indices = @transform_4, window_bounds = array<i64: 1000, 128>}]} {
    %get3A = arith.constant 0 : index
    %get3A_0 = arith.constant 0 : index
    %get3A_1 = vector.load %arg1[%get3A, %get3A_0] : memref<1000x128xf32, #tpu.memory_space<vmem>>, vector<1000x128xf32>
    %get3A_2 = arith.constant 0 : index
    %get3A_3 = arith.constant 0 : index
    %get3A_4 = vector.load %arg2[%get3A_2, %get3A_3] : memref<128x128xf32, #tpu.memory_space<vmem>>, vector<128x128xf32>
    %dot_general3A = arith.constant dense<0.000000e+00> : vector<1000x128xf32>
    %dot_general3A_5 = tpu.matmul %get3A_1, %get3A_4, %dot_general3A {dimension_numbers = #tpu.dot_dimension_numbers<[1], [0], [0], [1], [0, 0, 1, 1], [], []>, transpose_lhs_hint = false} : vector<1000x128xf32>, vector<128x128xf32>, vector<1000x128xf32> -> vector<1000x128xf32>
    %swap3A = arith.constant 0 : index
    %swap3A_6 = arith.constant 0 : index
    %swap3A_7 = vector.load %arg4[%swap3A, %swap3A_6] : memref<1000x128xf32, #tpu.memory_space<vmem>>, vector<1000x128xf32>
    tpu.vector_store %arg4[%swap3A, %swap3A_6], %dot_general3A_5 {strides = array<i32>} : memref<1000x128xf32, #tpu.memory_space<vmem>>, vector<1000x128xf32>,
    %get3A_8 = arith.constant 0 : index
    %get3A_9 = arith.constant 0 : index
    %get3A_10 = vector.load %arg3[%get3A_8, %get3A_9] : memref<128x128xf32, #tpu.memory_space<vmem>>, vector<128x128xf32>
    %dot_general3A_11 = arith.constant dense<0.000000e+00> : vector<1000x128xf32>
    %dot_general3A_12 = tpu.matmul %get3A_1, %get3A_10, %dot_general3A_11 {dimension_numbers = #tpu.dot_dimension_numbers<[1], [0], [0], [1], [0, 0, 1, 1], [], []>, transpose_lhs_hint = false} : vector<1000x128xf32>, vector<128x128xf32>, vector<1000x128xf32> -> vector<1000x128xf32>
    %swap3A_13 = arith.constant 0 : index
    %swap3A_14 = arith.constant 0 : index
    %swap3A_15 = vector.load %arg5[%swap3A_13, %swap3A_14] : memref<1000x128xf32, #tpu.memory_space<vmem>>, vector<1000x128xf32>
    tpu.vector_store %arg5[%swap3A_13, %swap3A_14], %dot_general3A_12 {strides = array<i32>} : memref<1000x128xf32, #tpu.memory_space<vmem>>, vector<1000x128xf32>,
    return
  }
  func.func @transform_0(%arg0: i32) -> (i32, i32) {
    %c0_i32 = arith.constant 0 : i32
    %c0_i32_0 = arith.constant 0 : i32
    return %arg0, %c0_i32 : i32, i32
  }
  func.func @transform_1(%arg0: i32) -> (i32, i32) {
    %c0_i32 = arith.constant 0 : i32
    %c0_i32_0 = arith.constant 0 : i32
    %c0_i32_1 = arith.constant 0 : i32
    return %c0_i32, %c0_i32_0 : i32, i32
  }
  func.func @transform_2(%arg0: i32) -> (i32, i32) {
    %c0_i32 = arith.constant 0 : i32
    %c0_i32_0 = arith.constant 0 : i32
    %c0_i32_1 = arith.constant 0 : i32
    return %c0_i32, %c0_i32_0 : i32, i32
  }
  func.func @transform_3(%arg0: i32) -> (i32, i32) {
    %c0_i32 = arith.constant 0 : i32
    %c0_i32_0 = arith.constant 0 : i32
    return %arg0, %c0_i32 : i32, i32
  }
  func.func @transform_4(%arg0: i32) -> (i32, i32) {
    %c0_i32 = arith.constant 0 : i32
    %c0_i32_0 = arith.constant 0 : i32
    return %arg0, %c0_i32 : i32, i32
  }
}

module attributes {stable_mosaic.version = 14 : i64} {
  func.func @_mean_body(%arg0: i32, %arg1: memref<1x1000x128xf32, #tpu.memory_space<vmem>>, %arg2: memref<1x1000x128xf32, #tpu.memory_space<vmem>>, %arg3: memref<1x1000x1xf32, #tpu.memory_space<vmem>>, %arg4: memref<1x1000x1xf32, #tpu.memory_space<vmem>>, %arg5: memref<1000x128xf32, #tpu.memory_space<vmem>>) attributes {dimension_semantics = [#tpu.dimension_semantics<arbitrary>], iteration_bounds = array<i64: 10>, scalar_prefetch = 0 : i64, scratch_operands = 0 : i64, tpu.core_type = #tpu.core_type<tc>, window_params = [{transform_indices = @transform_0, window_bounds = array<i64: 1, 1000, 128>}, {transform_indices = @transform_1, window_bounds = array<i64: 1, 1000, 128>}, {transform_indices = @transform_2, window_bounds = array<i64: 1, 1000, 1>}, {transform_indices = @transform_3, window_bounds = array<i64: 1, 1000, 1>}, {transform_indices = @transform_4, window_bounds = array<i64: 1000, 128>}]} {
    %get3A = arith.constant 0 : index
    %get3A_0 = arith.constant 0 : index
    %get3A_1 = arith.constant 0 : index
    %get3A_2 = vector.load %arg3[%get3A, %get3A_0, %get3A_1] : memref<1x1000x1xf32, #tpu.memory_space<vmem>>, vector<1x1000x1xf32>
    %get3A_3 = vector.shape_cast %get3A_2 : vector<1x1000x1xf32> to vector<1000x1xf32>
    %get3A_4 = arith.constant 0 : index
    %get3A_5 = arith.constant 0 : index
    %get3A_6 = arith.constant 0 : index
    %get3A_7 = vector.load %arg4[%get3A_4, %get3A_5, %get3A_6] : memref<1x1000x1xf32, #tpu.memory_space<vmem>>, vector<1x1000x1xf32>
    %get3A_8 = vector.shape_cast %get3A_7 : vector<1x1000x1xf32> to vector<1000x1xf32>
    %add3A = arith.addf %get3A_3, %get3A_8 : vector<1000x1xf32>
    %max3A = arith.constant 1.000000e+00 : f32
    %max3A_9 = vector.broadcast %max3A : f32 to vector<1000x1xf32>
    %max3A_10 = arith.maximumf %add3A, %max3A_9 : vector<1000x1xf32>
    %get3A_11 = arith.constant 0 : index
    %get3A_12 = arith.constant 0 : index
    %get3A_13 = arith.constant 0 : index
    %get3A_14 = vector.load %arg1[%get3A_11, %get3A_12, %get3A_13] : memref<1x1000x128xf32, #tpu.memory_space<vmem>>, vector<1x1000x128xf32>
    %get3A_15 = vector.shape_cast %get3A_14 : vector<1x1000x128xf32> to vector<1000x128xf32>
    %get3A_16 = arith.constant 0 : index
    %get3A_17 = arith.constant 0 : index
    %get3A_18 = arith.constant 0 : index
    %get3A_19 = vector.load %arg2[%get3A_16, %get3A_17, %get3A_18] : memref<1x1000x128xf32, #tpu.memory_space<vmem>>, vector<1x1000x128xf32>
    %get3A_20 = vector.shape_cast %get3A_19 : vector<1x1000x128xf32> to vector<1000x128xf32>
    %add3A_21 = arith.addf %get3A_15, %get3A_20 : vector<1000x128xf32>
    %div3A = vector.broadcast %max3A_10 : vector<1000x1xf32> to vector<1000x128xf32>
    %div3A_22 = arith.divf %add3A_21, %div3A : vector<1000x128xf32>
    %swap3A = arith.constant 0 : index
    %swap3A_23 = arith.constant 0 : index
    %swap3A_24 = vector.load %arg5[%swap3A, %swap3A_23] : memref<1000x128xf32, #tpu.memory_space<vmem>>, vector<1000x128xf32>
    tpu.vector_store %arg5[%swap3A, %swap3A_23], %div3A_22 {strides = array<i32>} : memref<1000x128xf32, #tpu.memory_space<vmem>>, vector<1000x128xf32>,
    return
  }
  func.func @transform_0(%arg0: i32) -> (i32, i32, i32) {
    %c0_i32 = arith.constant 0 : i32
    %c0_i32_0 = arith.constant 0 : i32
    %c0_i32_1 = arith.constant 0 : i32
    return %c0_i32, %arg0, %c0_i32_0 : i32, i32, i32
  }
  func.func @transform_1(%arg0: i32) -> (i32, i32, i32) {
    %c1_i32 = arith.constant 1 : i32
    %c0_i32 = arith.constant 0 : i32
    %c0_i32_0 = arith.constant 0 : i32
    return %c1_i32, %arg0, %c0_i32 : i32, i32, i32
  }
  func.func @transform_2(%arg0: i32) -> (i32, i32, i32) {
    %c0_i32 = arith.constant 0 : i32
    %c0_i32_0 = arith.constant 0 : i32
    %c0_i32_1 = arith.constant 0 : i32
    return %c0_i32, %arg0, %c0_i32_0 : i32, i32, i32
  }
  func.func @transform_3(%arg0: i32) -> (i32, i32, i32) {
    %c1_i32 = arith.constant 1 : i32
    %c0_i32 = arith.constant 0 : i32
    %c0_i32_0 = arith.constant 0 : i32
    return %c1_i32, %arg0, %c0_i32 : i32, i32, i32
  }
  func.func @transform_4(%arg0: i32) -> (i32, i32) {
    %c0_i32 = arith.constant 0 : i32
    %c0_i32_0 = arith.constant 0 : i32
    return %arg0, %c0_i32 : i32, i32
  }
}

</mosaic_0001>

<sc_bundles>
// kernel: kernel.6.cloned.1.call-start
scs
__scs_entry_jumppad:
0x0: {  	(pc) =	sbr.rel $0x88, $3  }
0x1: {  	(tag) =	ssettag $0x0;
	lr =	simm.s32 $0x1  }
0x2: {  	[smem:$0x3F9C] =	sst lr;
	_ =	strace $0xD0000000  }
0x3: {  	_ = 	snop  }
0x4: {  	_ = 	snop  }
0x5: {  	_ = 	snop  }
0x6: {  	_ = 	snop  }
0x7: {  	_ = 	snop  }
__scs_overlays_trampoline_lowered:
0x8: {  	[smem:$0x3FAB] =	sst s0  }
0x9: {  	[smem:$0x3FAC] =	sst s1  }
0xa: {  	[smem:$0x3FAD] =	sst s2  }
0xb: {  	[smem:$0x3FAE] =	sst s3  }
0xc: {  	[smem:$0x3FAF] =	sst s4  }
0xd: {  	[smem:$0x3FB0] =	sst s5  }
0xe: {  	[smem:$0x3FB1] =	sst s6  }
0xf: {  	[smem:$0x3FB2] =	sst s7  }
0x10: {  	[smem:$0x3FB3] =	sst s8  }
0x11: {  	[smem:$0x3FB4] =	sst s9;
	s0 =	simm.s32 @!p0 $0x0  }
0x12: {  	s1 =	sld [smem:$0x3F9A];
	s0 =	simm.s32 @p0 $0x1  }
0x13: {  	[smem:$0x3FB5] =	sst s0;
	s0 =	simm.s32 @!p1 $0x0  }
0x14: {  	s2 =	sld [smem:$0x3F99];
	s0 =	simm.s32 @p1 $0x1  }
0x15: {  	[smem:$0x3FB6] =	sst s0;
	s0 =	simm.s32 @!p2 $0x0  }
0x16: {  	s3 =	sld [smem:$0x3FDB];
	s0 =	simm.s32 @p2 $0x1  }
0x17: {  	s4 =	simm.s32 $0x1BF5;
	[smem:$0x3FB8] =	sst s0  }
0x18: {  	s0 =	sld [smem:$0x3F9B];
	_ =	swait.ge [sflag:s4], $0x0  }
0x19: {  	s7 =	sld [smem:$0x3F9C]  }
0x1a: {  	s8 =	sadd.s32 $0xFFFFE003, lr  }
0x1b: {  	s9 =	sadd.s32 $0xFFFFFEF7, lr;
	s5 =	simm.s32 $0xFFFFFFFF;
	p2 =	slt.u32 s8, $0xFFFFF086  }
0x1c: {  	p1 =	slt.u32 s9, $0xF7A;
	s5 =	simm.s32 @!p2 $0x0  }
0x1d: {  	s5 =	simm.s32 @p1 $0x1;
	p0 =	seq.s32 s7, s2  }
0x1e: {  	s7 =	smul.u32 @!p0 $0xF7A, s2;
	p2 =	seq.s32 @!p0 s5, $0x0  }
0x1f: {  	s9 =	smul.u32 $0xF7A, s1;
	s8 =	simm.s32 @!p0 $0x1BF5;
	p2 =	por !p2, p0  }
0x20: {  	[sflag:s8] =	ssyncset.s32 @!p0 $0xFFFFF086;
	s6 =	sadd.s32 @!p0 s3, s7;
	s7 =	simm.s32 @!p0 $0x108  }
0x21: {  	s3 =	sadd.s32 s3, s9;
	s6 =	sadd.s32 @!p0 $0x88, s6;
	s7 =	simm.s32 @p2 $0x1082  }
0x22: {  	[simem:s7], [sflag:s8] =	dma.local @!p0 [hbm:s6], $0xF7A  }
0x23: {  	s9 =	sor.u32 $0xD0000000, s2;
	s6 =	simm.s32 $0x108;
	_ =	swait.ge @!p0 [sflag:s8], $0x0  }
0x24: {  	s3 =	sadd.s32 $0x88, s3;
	s6 =	simm.s32 @!p1 $0x1082;
	[sflag:s4] =	ssyncset.s32 $0xFFFFF086  }
0x25: {  	[simem:s6], [sflag:s4] =	dma.local [hbm:s3], $0xF7A  }
0x26: {  	[smem:$0x3F9C] =	sst s1;
	(tag) =	ssettag s2;
	_ =	strace s9  }
0x27: {  	s1 =	sld [smem:$0x3FAC]  }
0x28: {  	s2 =	sld [smem:$0x3FAD]  }
0x29: {  	s4 =	sld [smem:$0x3FAF]  }
0x2a: {  	p0 =	seq.s32 s5, $0x0;
	s5 =	sld [smem:$0x3FB0]  }
0x2b: {  	s6 =	sld [smem:$0x3FB1]  }
0x2c: {  	s7 =	sld [smem:$0x3FB2]  }
0x2d: {  	s3 =	simm.s32 $0x108;
	s8 =	sld [smem:$0x3FB3]  }
0x2e: {  	s3 =	simm.s32 @!p0 $0x1082;
	s9 =	sld [smem:$0x3FB4]  }
0x2f: {  	lr =	sadd.s32 s0, s3;
	s0 =	sld [smem:$0x3FAB]  }
0x30: {  	s3 =	sld [smem:$0x3FAE]  }
0x31: {  	[smem:$0x3FB7] =	sst s10  }
0x32: {  	s10 =	sld [smem:$0x3FB5];
	_ =	sdelay $0x3  }
0x33: {  	p0 =	seq.s32 s10, $0x1;
	s10 =	sld [smem:$0x3FB7];
	_ =	sdelay $0x3  }
0x34: {  	[smem:$0x3FB7] =	sst s10  }
0x35: {  	s10 =	sld [smem:$0x3FB6];
	_ =	sdelay $0x3  }
0x36: {  	p1 =	seq.s32 s10, $0x1;
	s10 =	sld [smem:$0x3FB7];
	_ =	sdelay $0x3  }
0x37: {  	[smem:$0x3FB7] =	sst s10  }
0x38: {  	s10 =	sld [smem:$0x3FB8]  }
0x39: {  	_ = 	snop;
	(pc) =	sbr.ind lr, $3  }
0x3a: {  	_ = 	snop  }
0x3b: {  	_ = 	snop  }
0x3c: {  	p2 =	seq.s32 s10, $0x1;
	s10 =	sld [smem:$0x3FB7]  }
0x3d: {  	_ =	shalt  }
0x3e: {  	_ =	shalt  }
0x3f: {  	_ =	shalt  }
0x40: {  	_ =	shalt  }
0x41: {  	_ =	shalt  }
0x42: {  	_ =	shalt  }
0x43: {  	_ =	shalt  }
0x44: {  	_ =	shalt  }
0x45: {  	_ =	shalt  }
0x46: {  	_ =	shalt  }
0x47: {  	_ =	shalt  }
0x48: {  	_ =	shalt  }
0x49: {  	_ =	shalt  }
0x4a: {  	_ =	shalt  }
0x4b: {  	_ =	shalt  }
0x4c: {  	_ =	shalt  }
0x4d: {  	_ =	shalt  }
0x4e: {  	_ =	shalt  }
0x4f: {  	_ =	shalt  }
0x50: {  	_ =	shalt  }
0x51: {  	_ =	shalt  }
0x52: {  	_ =	shalt  }
0x53: {  	_ =	shalt  }
0x54: {  	_ =	shalt  }
0x55: {  	_ =	shalt  }
0x56: {  	_ =	shalt  }
0x57: {  	_ =	shalt  }
0x58: {  	_ =	shalt  }
0x59: {  	_ =	shalt  }
0x5a: {  	_ =	shalt  }
0x5b: {  	_ =	shalt  }
0x5c: {  	_ =	shalt  }
0x5d: {  	_ =	shalt  }
0x5e: {  	_ =	shalt  }
0x5f: {  	_ =	shalt  }
0x60: {  	_ =	shalt  }
0x61: {  	_ =	shalt  }
0x62: {  	_ =	shalt  }
0x63: {  	_ =	shalt  }
0x64: {  	_ =	shalt  }
0x65: {  	_ =	shalt  }
0x66: {  	_ =	shalt  }
0x67: {  	_ =	shalt  }
0x68: {  	_ =	shalt  }
0x69: {  	_ =	shalt  }
0x6a: {  	_ =	shalt  }
0x6b: {  	_ =	shalt  }
0x6c: {  	_ =	shalt  }
0x6d: {  	_ =	shalt  }
0x6e: {  	_ =	shalt  }
0x6f: {  	_ =	shalt  }
0x70: {  	_ =	shalt  }
0x71: {  	_ =	shalt  }
0x72: {  	_ =	shalt  }
0x73: {  	_ =	shalt  }
0x74: {  	_ =	shalt  }
0x75: {  	_ =	shalt  }
0x76: {  	_ =	shalt  }
0x77: {  	_ =	shalt  }
0x78: {  	_ =	shalt  }
0x79: {  	_ =	shalt  }
0x7a: {  	_ =	shalt  }
0x7b: {  	_ =	shalt  }
0x7c: {  	_ =	shalt  }
0x7d: {  	_ =	shalt  }
0x7e: {  	_ =	shalt  }
0x7f: {  	_ =	shalt  }
0x80: {  	_ =	shalt  }
0x81: {  	_ =	shalt  }
0x82: {  	_ =	shalt  }
0x83: {  	_ =	shalt  }
0x84: {  	_ =	shalt  }
0x85: {  	_ =	shalt  }
0x86: {  	_ =	shalt  }
0x87: {  	_ =	shalt  }
.Lfunc_end0:
.L_simem_size_0:
called_computation_lowered:
.L_overlay_start_0:
0x88: {  	s2 =	sld [smem:$0x3FD9]  }
0x89: {  	s3 =	sld [smem:$0x3FFE];
	_ =	sdelay $0x1  }
0x8a: {  	s1 =	srdreg.scid  }
0x8b: {  	s0 =	sand.u32 $0x1, s1  }
0x8c: {  	s14 =	sshll.u32 s0, $0xA;
	s2 =	sadd.s32 s3, s2  }
0x8d: {  	s2 =	sadd.s32 s2, s14  }
0x8e: {  	[smem:$0x3FC3] =	sst s2  }
0x8f: {  	_ = 	snop  }
0x90: {  	s2 =	sld [smem:$0x3FD0];
	_ =	sdelay $0x2  }
0x91: {  	s15 =	simm.s32 $0xA;
	s4 =	simm.s32 $0x10  }
0x92: {  	[smem:s4], [sflag:s15] =	dma.local [hbm:s2], $0x1  }
0x93: {  	_ =	swait.eq [sflag:s15], $0x1  }
0x94: {  	[sflag:s15] =	ssyncset.done $0x0  }
0x95: {  	s16 =	sld [smem:$0x10];
	[sflag:s15] =	ssyncadd.s32 $0xFFFFFFFF  }
0x96: {  	s17 =	sld [smem:$0x11];
	(tm) =	ssettm $0x1  }
0x97: {  	s18 =	sld [smem:$0x3FFB];
	_ =	sdelay $0x3  }
0x98: {  	_ =	strace s18  }
0x99: {  	s4 =	sld [smem:$0x3FFC];
	_ =	sdelay $0x3  }
0x9a: {  	_ =	strace s4  }
0x9b: {  	s4 =	sld [smem:$0x3FFD];
	_ =	sdelay $0x3  }
0x9c: {  	_ =	strace s4  }
0x9d: {  	_ =	strace $0x8FFFFFFF  }
0x9e: {  	s19 =	sld [smem:$0x3FDB];
	_ =	sdelay $0x1  }
0x9f: {  	s5 =	simm.s32 $_scs_section_size  }
0xa0: {  	s6 =	simm.s32 $_size__tile_overlayer_lowered;
	s7 =	simm.s32 $_tile_overlayer_lowered  }
0xa1: {  	s22 =	simm.s32 $0x1BFF;
	s21 =	sshll.u32 s7, $0x1;
	s4 =	sadd.s32 s5, s19  }
0xa2: {  	s8 =	simm.s32 $0x0;
	s20 =	sshll.u32 s6, $0x1;
	s6 =	sadd.s32 s21, s4  }
0xa3: {  	[timem:s8], [sflag:s22] =	dma.local [hbm:s6], s20  }
0xa4: {  	_ =	swait.ge [sflag:s22], s20  }
0xa5: {  	s5 =	ssub.s32 $0x0, s20;
	[sflag:s22] =	ssyncset.done $0x0  }
0xa6: {  	[sflag:s22] =	ssyncadd.s32 s5;
	_ =	sdelay $0x1  }
0xa7: {  	s23 =	simm.s32 $0x1B8B  }
0xa8: {  	_ =	swait.ge [sflag:s23], $0x1  }
0xa9: {  	[sflag:s23] =	ssyncset.done $0x0  }
0xaa: {  	s25 =	simm.s32 $0x1B8E;
	s24 =	sld [smem:$0x3FFE];
	[sflag:s23] =	ssyncadd.s32 $0xFFFFFFFF  }
0xab: {  	s26 =	simm.s32 $execute0_lowered;
	[smem:$0x3FD2] =	sst s25  }
0xac: {  	s6 =	sshll.u32 s26, $0x1;
	_ =	strace $0x80000046;
	[dreg:$0x1] =	wrdreg $0xFFFFFFFF  }
0xad: {  	s28 =	simm.s32 $_size_execute0_lowered;
	s4 =	sadd.s32 s4, s6;
	[dreg:$0x0] =	wrdreg $0x0  }
0xae: {  	s6 =	sshll.u32 s28, $0x1;
	[dreg:$0x2] =	wrdreg s4  }
0xaf: {  	[dreg:$0x3] =	wrdreg s6  }
0xb0: {  	[dreg:$0x4] =	wrdreg $0xC0  }
0xb1: {  	_ =	task [dreg:s8], $0x5FFFF  }
0xb2: {  	[dreg:$0x1] =	wrdreg $0xFFFFFFFF  }
0xb3: {  	[dreg:$0x0] =	wrdreg $0x60  }
0xb4: {  	[dreg:$0x2] =	wrdreg s24  }
0xb5: {  	[dreg:$0x3] =	wrdreg s16  }
0xb6: {  	[dreg:$0x4] =	wrdreg s17  }
0xb7: {  	[dreg:$0x5] =	wrdreg $0x197800  }
0xb8: {  	[dreg:$0x6] =	wrdreg $0x9  }
0xb9: {  	_ =	task.clear_ibuf [dreg:s8], $0x7FFFF;
	_ =	strace $0x90000046  }
0xba: {  	s29 =	simm.s32 $0x9;
	_ =	strace $0x80000048  }
0xbb: {  	_ =	swait.ge [sflag:s29], $0x1  }
0xbc: {  	[sflag:s29] =	ssyncadd.s32 $0xFFFFFFFF  }
0xbd: {  	_ =	strace $0x90000048  }
0xbe: {  	_ =	sfence  }
0xbf: {  	s30 =	sld [smem:$0x0];
	_ =	sdelay $0x2  }
0xc0: {  	s31 =	sshll.u32 s1, $0xD;
	s1 =	sshrl.u32 s1, $0x2  }
0xc1: {  	s3 =	sand.u32 $0x4000, s31;
	s1 =	sadd.s32 s1, s30  }
0xc2: {  	s0 =	sor.u32 s3, s0;
	s1 =	sshll.u32 s1, $0x11  }
0xc3: {  	s0 =	sor.u32 s1, s0  }
0xc4: {  	s0 =	sadd.s32 $0x8F2B, s0  }
0xc5: {  	[sflag:s0] =	ssyncadd.remote.s32 $0x1  }
0xc6: {  	_ =	sfence.sel $0xFFFF  }
0xc7: {  	[dreg:$0x0] =	wrdreg $0xFFFFFFFF;
	(pc) =	sbr.abs _section_cstart, $3  }
0xc8: {  	[dreg:$0x1] =	wrdreg $0xFFFFFFFF  }
0xc9: {  	_ =	task.clear_ibuf [dreg:s8], $0x2FFFF;
	_ =	strace $0x9FFFFFFF  }
0xca: {  	(tm) =	ssettm $0x7FFFFFFF  }
0xcb: {  	_ =	shalt  }
tec
execute0_lowered:
.L_overlay_start_1:
0x0: {  	(tag) =	ssettag $0x1  }
0x1: {  	s0 =	rddreg [dreg:$0x0]  }
0x2: {  	s1 =	rddreg [dreg:$0x1]  }
0x3: {  	s2 =	rddreg [dreg:$0x2]  }
0x4: {  	s4 =	rddreg [dreg:$0x3];
	s5 =	simm.s32 $0x0  }
0x5: {  	s3 =	srdreg.scid;
	s13 =	stileid.u32;
	s29 =	simm.s32 $0xD  }
0x6: {  	s30 =	simm.s32 $0x180;
	s31 =	simm.s32 $0xB;
	[smem:$0x7FF] =	sst s5  }
0x7: {  	s3 =	sand.u32 $0x1, s3;
	s7 =	sshll.u32 s13, $0x1;
	s11 =	smul.u32 $0x500, s13  }
0x8: {  	s6 =	sadd.s32 $0xAE00, s0;
	s8 =	sadd.s32 $0x15A00, s0;
	s21 =	smul.u32 $0xA00, s13  }
0x9: {  	_ =	strace $0x80000047;
	s9 =	sor.u32 s3, s7;
	s7 =	sadd.s32 $0x1000, s0  }
0xa: {  	s12 =	sshll.u32 s3, $0x7;
	s3 =	ssub.s32 $0x2, s3;
	s10 =	sshll.u32 s9, $0x4  }
0xb: {  	s11 =	sor.u32 s12, s11;
	s22 =	sshrl.u32 s3, $0x1;
	s14 =	smul.u32 $0x2710, s9  }
0xc: {  	s23 =	sshrl.u32 s21, $0x2;
	s9 =	smul.u32 $0x138800, s9;
	s10 =	sadd.s32 s10, s0  }
0xd: {  	s11 =	sshrl.u32 s11, $0x3;
	s17 =	sadd.s32 s23, s4;
	[dreg:$0x1a] =	wrdreg s14  }
0xe: {  	s3 =	ssub.s32 s3, s22;
	s25 =	sadd.s32 $0x50, s14;
	[dreg:$0x5] =	wrdreg s17  }
0xf: {  	s0 =	sadd.s32 s11, s0;
	s13 =	sadd.s32 $0xA0, s14;
	[dreg:$0x6] =	wrdreg s25  }
0x10: {  	s24 =	sshrl.u32 s14, $0x3;
	s16 =	sadd.s32 $0xF0, s14;
	[dreg:$0xa] =	wrdreg s13  }
0x11: {  	s9 =	sshrl.u32 s9, $0x3;
	s21 =	sadd.s32 $0x14C00, s10;
	[dreg:$0xc] =	wrdreg s16  }
0x12: {  	s22 =	sadd.s32 $0x14E00, s10;
	s23 =	smax.u32 s3, $0x1;
	[dreg:$0x12] =	wrdreg s21  }
0x13: {  	s3 =	simm.s32 $0x200;
	s10 =	simm.s32 $0x14400;
	[dreg:$0x13] =	wrdreg s22  }
0x14: {  	s26 =	sadd.s32 s6, s24;
	s11 =	sadd.s32 s7, s24;
	[dreg:$0x15] =	wrdreg s23  }
0x15: {  	s28 =	sshrl.u32 s25, $0x3;
	s15 =	sshrl.u32 s13, $0x3;
	[dreg:$0x7] =	wrdreg s26  }
0x16: {  	s9 =	sadd.s32 s8, s9;
	s0 =	sadd.s32 $0x15000, s0;
	[dreg:$0x8] =	wrdreg s11  }
0x17: {  	s24 =	sadd.s32 $0x140, s14;
	s25 =	sadd.s32 $0x190, s14;
	[dreg:$0x14] =	wrdreg s0  }
0x18: {  	s23 =	simm.s32 $0x5;
	s22 =	simm.s32 $0x19A00;
	[dreg:$0x16] =	wrdreg s24  }
0x19: {  	s13 =	simm.s32 $0x16C00;
	s12 =	sadd.s32 s6, s28;
	[dreg:$0x17] =	wrdreg s25  }
0x1a: {  	s21 =	simm.s32 $0x9;
	s11 =	sadd.s32 s7, s28;
	[dreg:$0x9] =	wrdreg s12  }
0x1b: {  	s18 =	sadd.s32 s6, s15;
	s9 =	sadd.s32 $0x26C00, s9;
	[dreg:$0xb] =	wrdreg s11  }
0x1c: {  	s26 =	sadd.s32 $0x1E0, s14;
	s28 =	sadd.s32 $0x230, s14;
	[dreg:$0xd] =	wrdreg s18  }
0x1d: {  	s24 =	simm.s32 $0x3;
	s0 =	simm.s32 $0x19400;
	[dreg:$0x11] =	wrdreg s9  }
0x1e: {  	s25 =	simm.s32 $0x6;
	s14 =	simm.s32 $0x0;
	[dreg:$0x18] =	wrdreg s26  }
0x1f: {  	s12 =	sshrl.u32 s16, $0x3;
	s11 =	sadd.s32 s7, s15;
	[dreg:$0x19] =	wrdreg s28  }
0x20: {  	s18 =	simm.s32 $0x1;
	s26 =	simm.s32 $0x4;
	s16 =	simm.s32 $0x19A80  }
0x21: {  	s9 =	simm.s32 $0xC;
	[dreg:$0xe] =	wrdreg s11;
	s19 =	sadd.s32 s6, s12  }
0x22: {  	s20 =	sadd.s32 s7, s12;
	s11 =	simm.s32 $0xA;
	[dreg:$0xf] =	wrdreg s19  }
0x23: {  	v0 =	vimm.f32 $1.000000000e+00;
	[dreg:$0x10] =	wrdreg s20;
	s19 =	simm.s32 $0x50;
	s20 =	simm.s32 $0x7  }
.LBB2_1:
0x24: {  	[tilespmem:$0x19400] =	vst v0  }
0x25: {  	[tilespmem:$0x19410] =	vst v0  }
0x26: {  	[tilespmem:$0x19420] =	vst v0  }
0x27: {  	[tilespmem:$0x19430] =	vst v0  }
0x28: {  	v1 =	vimm.f32 $0.0e+00;
	[tilespmem:$0x19440] =	vst v0  }
0x29: {  	[tilespmem:$0x19500] =	vst v1  }
0x2a: {  	[tilespmem:$0x19510] =	vst v1  }
0x2b: {  	[tilespmem:$0x19520] =	vst v1  }
0x2c: {  	[tilespmem:$0x19530] =	vst v1  }
0x2d: {  	[tilespmem:$0x19540] =	vst v1  }
0x2e: {  	[tilespmem:$0x19550] =	vst v1  }
0x2f: {  	[tilespmem:$0x19560] =	vst v1  }
0x30: {  	[tilespmem:$0x19570] =	vst v1  }
0x31: {  	[tilespmem:$0x19580] =	vst v1  }
0x32: {  	[tilespmem:$0x19590] =	vst v1  }
0x33: {  	[tilespmem:$0x195A0] =	vst v1  }
0x34: {  	[tilespmem:$0x195B0] =	vst v1  }
0x35: {  	[tilespmem:$0x195C0] =	vst v1  }
0x36: {  	[tilespmem:$0x195D0] =	vst v1  }
0x37: {  	[tilespmem:$0x195E0] =	vst v1  }
0x38: {  	[tilespmem:$0x195F0] =	vst v1  }
0x39: {  	[tilespmem:$0x19600] =	vst v1  }
0x3a: {  	[tilespmem:$0x19610] =	vst v1  }
0x3b: {  	[tilespmem:$0x19620] =	vst v1  }
0x3c: {  	[tilespmem:$0x19630] =	vst v1  }
0x3d: {  	[tilespmem:$0x19640] =	vst v1  }
0x3e: {  	[tilespmem:$0x19650] =	vst v1  }
0x3f: {  	[tilespmem:$0x19660] =	vst v1  }
0x40: {  	[tilespmem:$0x19670] =	vst v1  }
0x41: {  	[tilespmem:$0x19680] =	vst v1  }
0x42: {  	[tilespmem:$0x19690] =	vst v1  }
0x43: {  	[tilespmem:$0x196A0] =	vst v1  }
0x44: {  	[tilespmem:$0x196B0] =	vst v1  }
0x45: {  	[tilespmem:$0x196C0] =	vst v1  }
0x46: {  	[tilespmem:$0x196D0] =	vst v1  }
0x47: {  	[tilespmem:$0x196E0] =	vst v1  }
0x48: {  	[tilespmem:$0x196F0] =	vst v1  }
0x49: {  	[tilespmem:$0x19700] =	vst v1  }
0x4a: {  	[tilespmem:$0x19710] =	vst v1  }
0x4b: {  	[tilespmem:$0x19720] =	vst v1  }
0x4c: {  	[tilespmem:$0x19730] =	vst v1  }
0x4d: {  	[tilespmem:$0x19740] =	vst v1  }
0x4e: {  	[tilespmem:$0x19750] =	vst v1  }
0x4f: {  	[tilespmem:$0x19760] =	vst v1  }
0x50: {  	s12 =	simm.s32 $0x19500;
	[tilespmem:$0x19770] =	vst v1  }
0x51: {  	[spmem:s17] =	stream.linear.scatter [tilespmem:s12], [sflag:$0xD], $0x280, $0x38;
	[tilespmem:$0x19B00] =	vst v63  }
0x52: {  	_ =	swait.ge [sflag:s29], $0x280  }
0x53: {  	[sflag:s29] =	ssyncset.done $0x0  }
0x54: {  	[sflag:s29] =	ssyncadd.s32 $0xFFFFFD80  }
0x55: {  	[bflag:$0x0] =	sbarrier.arrive $0xFFFF  }
0x56: {  	s29 =	rddreg [dreg:$0x7]  }
0x57: {  	[tilespmem:s5], [sflag:$0x1] =	stream.linear.gather [hbm4b:s29+s5], $0x50, $0x38;
	[tilespmem:$0x19B00] =	vst v63  }
0x58: {  	s15 =	rddreg [dreg:$0x8]  }
0x59: {  	[tilespmem:s3], [sflag:$0x1] =	stream.linear.gather [hbm4b:s15+s5], $0x50, $0x38;
	[tilespmem:$0x19B00] =	vst v63  }
0x5a: {  	s17 =	rddreg [dreg:$0x9];
	s15 =	simm.s32 $0x80  }
0x5b: {  	[tilespmem:s15], [sflag:$0x2] =	stream.linear.gather [hbm4b:s17+s5], $0x50, $0x38;
	[tilespmem:$0x19B00] =	vst v63  }
0x5c: {  	s28 =	rddreg [dreg:$0xb];
	s17 =	simm.s32 $0x280  }
0x5d: {  	[tilespmem:s17], [sflag:$0x2] =	stream.linear.gather [hbm4b:s28+s5], $0x50, $0x38;
	[tilespmem:$0x19B00] =	vst v63  }
0x5e: {  	s29 =	rddreg [dreg:$0xd];
	s28 =	simm.s32 $0x100  }
0x5f: {  	[tilespmem:s28], [sflag:$0x3] =	stream.linear.gather [hbm4b:s29+s5], $0x50, $0x38;
	[tilespmem:$0x19B00] =	vst v63  }
0x60: {  	s12 =	rddreg [dreg:$0xe];
	s29 =	simm.s32 $0x300  }
0x61: {  	[tilespmem:s29], [sflag:$0x3] =	stream.linear.gather [hbm4b:s12+s5], $0x50, $0x38;
	[tilespmem:$0x19B00] =	vst v63  }
0x62: {  	s28 =	rddreg [dreg:$0xf]  }
0x63: {  	[tilespmem:s30], [sflag:$0x4] =	stream.linear.gather [hbm4b:s28+s5], $0x50, $0x38;
	[tilespmem:$0x19B00] =	vst v63  }
0x64: {  	s12 =	rddreg [dreg:$0x10];
	s29 =	simm.s32 $0x380  }
0x65: {  	[tilespmem:s29], [sflag:$0x4] =	stream.linear.gather [hbm4b:s12+s5], $0x50, $0x38;
	[tilespmem:$0x19B00] =	vst v63  }
0x66: {  	_ =	swait.ge [sflag:s18], $0x50  }
0x67: {  	[sflag:s18] =	ssyncset.done $0x0  }
0x68: {  	[sflag:s18] =	ssyncadd.s32 $0xFFFFFFB0  }
0x69: {  	_ =	swait.ge [sflag:s18], $0x50  }
0x6a: {  	[sflag:s18] =	ssyncset.done $0x0  }
0x6b: {  	s29 =	simm.s32 $0x400;
	[sflag:s18] =	ssyncadd.s32 $0xFFFFFFB0  }
0x6c: {  	[tilespmem:s29], [sflag:$0x5] =	stream.indirect.gather [hbm4b:s1+s19], $0x80, s5, s19, $0xb8;
	[tilespmem:$0x19B00] =	vst v63  }
0x6d: {  	s28 =	simm.s32 $0xA400;
	s29 =	simm.s32 $0x2  }
0x6e: {  	[tilespmem:s28], [sflag:$0x5] =	stream.indirect.gather [hbm4b:s2+s19], $0x80, s3, s19, $0xb8;
	[tilespmem:$0x19B00] =	vst v63  }
0x6f: {  	_ =	swait.ge [sflag:s29], $0x50  }
0x70: {  	[sflag:s29] =	ssyncset.done $0x0  }
0x71: {  	[sflag:s29] =	ssyncadd.s32 $0xFFFFFFB0  }
0x72: {  	_ =	swait.ge [sflag:s29], $0x50  }
0x73: {  	v10 =	vimm.f32 $0.0e+00;
	v11 =	vimm.f32 $0.0e+00;
	v5 =	vimm.f32 $0.0e+00;
	[sflag:s29] =	ssyncset.done $0x0  }
0x74: {  	v2 =	vimm.f32 $0.0e+00;
	v6 =	vimm.f32 $0.0e+00;
	v3 =	vimm.f32 $0.0e+00;
	s28 =	simm.s32 $0x2C00;
	[sflag:s29] =	ssyncadd.s32 $0xFFFFFFB0  }
0x75: {  	v7 =	vimm.f32 $0.0e+00;
	v4 =	vimm.f32 $0.0e+00;
	v8 =	vimm.f32 $0.0e+00;
	[tilespmem:s28], [sflag:$0x6] =	stream.indirect.gather [hbm4b:s1+s19], $0x80, s15, s19, $0xb8;
	[tilespmem:$0x19B00] =	vst v63  }
0x76: {  	v17 =	vimm.f32 $0.0e+00;
	v18 =	vimm.f32 $0.0e+00;
	v19 =	vimm.f32 $0.0e+00;
	s29 =	simm.s32 $0xCC00;
	s15 =	simm.s32 $0x0  }
0x77: {  	v20 =	vimm.f32 $0.0e+00;
	v21 =	vimm.f32 $0.0e+00;
	v12 =	vimm.f32 $0.0e+00;
	[tilespmem:s29], [sflag:$0x6] =	stream.indirect.gather [hbm4b:s2+s19], $0x80, s17, s19, $0xb8;
	[tilespmem:$0x19B00] =	vst v63  }
.LBB2_2:
0x78: {  	_ =	swait.ge [sflag:s23], $0x2800  }
0x79: {  	[sflag:s23] =	ssyncset.done $0x0  }
0x7a: {  	[sflag:s23] =	ssyncadd.s32 $0xFFFFD800  }
0x7b: {  	_ =	swait.ge [sflag:s23], $0x2800  }
0x7c: {  	[sflag:s23] =	ssyncset.done $0x0  }
0x7d: {  	[sflag:s23] =	ssyncadd.s32 $0xFFFFD800  }
0x7e: {  	_ =	swait.ge [sflag:s24], $0x50  }
0x7f: {  	[sflag:s24] =	ssyncset.done $0x0  }
0x80: {  	[sflag:s24] =	ssyncadd.s32 $0xFFFFFFB0  }
0x81: {  	_ =	swait.ge [sflag:s24], $0x50  }
0x82: {  	[sflag:s24] =	ssyncset.done $0x0  }
0x83: {  	s12 =	simm.s32 $0x100;
	s17 =	simm.s32 $0x5400;
	[sflag:s24] =	ssyncadd.s32 $0xFFFFFFB0  }
0x84: {  	[tilespmem:s17], [sflag:$0x7] =	stream.indirect.gather [hbm4b:s1+s19], $0x80, s12, s19, $0xb8;
	[tilespmem:$0x19B00] =	vst v63  }
0x85: {  	p0 =	seq.s32 s15, $0x0;
	s12 =	simm.s32 $0x300;
	s17 =	simm.s32 $0xF400  }
0x86: {  	[tilespmem:s17], [sflag:$0x7] =	stream.indirect.gather [hbm4b:s2+s19], $0x80, s12, s19, $0xb8;
	[tilespmem:$0x19B00] =	vst v63  }
0x87: {  	s17 =	simm.s32 @!p0 $0x9  }
0x88: {  	_ =	swait.ge @!p0 [sflag:s17], $0x2800  }
0x89: {  	[sflag:s17] =	ssyncset.done @!p0 $0x0  }
0x8a: {  	[sflag:s17] =	ssyncadd.s32 @!p0 $0xFFFFD800;
	s17 =	simm.s32 @!p0 $0xB  }
0x8b: {  	_ =	swait.ge @!p0 [sflag:s17], $0x50  }
0x8c: {  	[sflag:s17] =	ssyncset.done @!p0 $0x0  }
0x8d: {  	[sflag:s17] =	ssyncadd.s32 @!p0 $0xFFFFFFB0;
	s17 =	simm.s32 $0x0  }
0x8e: {  	v9 =	vld [tilespmem:s17+$0x470]  }
0x8f: {  	v13 =	vld [tilespmem:s17+$0xA470]  }
0x90: {  	v14 =	vld [tilespmem:s17+$0x400]  }
0x91: {  	v15 =	vld [tilespmem:s17+$0xA400]  }
0x92: {  	v16 =	vld [tilespmem:s17+$0x410]  }
0x93: {  	v22 =	vld [tilespmem:s17+$0xA410]  }
0x94: {  	v23 =	vld [tilespmem:s17+$0x420]  }
0x95: {  	v24 =	vld [tilespmem:s17+$0x430]  }
0x96: {  	v9 =	vadd.f32 v13, v9;
	v13 =	vld [tilespmem:s17+$0xA420]  }
0x97: {  	v25 =	vld [tilespmem:s17+$0xA430];
	_ =	sdelay $0x1  }
0x98: {  	v26 =	vld [tilespmem:s17+$0x440];
	v14 =	vadd.f32 v15, v14  }
0x99: {  	v27 =	vld [tilespmem:s17+$0xA440];
	v16 =	vadd.f32 v22, v16;
	v28 =	vmul.f32 v9, v9;
	v15 =	vadd.f32 v9, v11  }
0x9a: {  	v22 =	vld [tilespmem:s17+$0x450];
	[tilespmem:s17+$0x14470] =	vst v9;
	v29 =	vmul.f32 v14, v14;
	v12 =	vadd.f32 v14, v12;
	v13 =	vadd.f32 v13, v23  }
0x9b: {  	[tilespmem:s17+$0x14400] =	vst v14;
	v14 =	vmul.f32 v16, v16;
	v9 =	vadd.f32 v16, v20;
	v20 =	vadd.f32 v25, v24;
	v23 =	vld [tilespmem:s17+$0xA450]  }
0x9c: {  	[tilespmem:s17+$0x14410] =	vst v16;
	v24 =	vld [tilespmem:s17+$0xA460];
	v11 =	vadd.f32 v28, v10;
	v10 =	vadd.f32 v29, v21;
	v16 =	vmul.f32 v13, v13  }
0x9d: {  	s28 =	simm.s32 $0x80;
	v21 =	vld [tilespmem:s17+$0x460];
	v14 =	vadd.f32 v14, v19;
	[tilespmem:s17+$0x14420] =	vst v13;
	v13 =	vadd.f32 v13, v18  }
0x9e: {  	s29 =	simm.s32 $0x400;
	v18 =	vmul.f32 v20, v20;
	v19 =	vld [tilespmem:s28+$0x470];
	[tilespmem:s17+$0x14430] =	vst v20;
	v16 =	vadd.f32 v16, v17;
	v17 =	vadd.f32 v27, v26  }
.LBB2_3:
0x9f: {  	p1 =	sne.s32 s29, $0x9E00;
	v25 =	vld [tilespmem:s28+$0xA470];
	v8 =	vadd.f32 v20, v8  }
0xa0: {  	v20 =	vld [tilespmem:s28+$0x400];
	v4 =	vadd.f32 v18, v4;
	[tilespmem:s17+$0x14440] =	vst v17;
	v18 =	vmul.f32 v17, v17;
	v22 =	vadd.f32 v23, v22  }
0xa1: {  	v7 =	vadd.f32 v17, v7;
	v23 =	vld [tilespmem:s28+$0xA400]  }
0xa2: {  	v17 =	vld [tilespmem:s28+$0x410];
	v3 =	vadd.f32 v18, v3;
	[tilespmem:s17+$0x14450] =	vst v22;
	v18 =	vmul.f32 v22, v22;
	v21 =	vadd.f32 v24, v21  }
0xa3: {  	v6 =	vadd.f32 v22, v6;
	v24 =	vld [tilespmem:s28+$0xA410]  }
0xa4: {  	v22 =	vld [tilespmem:s28+$0x420];
	v19 =	vadd.f32 v25, v19;
	v2 =	vadd.f32 v18, v2;
	[tilespmem:s17+$0x14460] =	vst v21;
	v18 =	vmul.f32 v21, v21;
	s17 =	smov.u32 s28  }
0xa5: {  	v5 =	vadd.f32 v21, v5;
	v25 =	vld [tilespmem:s17+$0xA420]  }
0xa6: {  	v20 =	vadd.f32 v23, v20;
	v21 =	vld [tilespmem:s17+$0x430];
	[tilespmem:s17+$0x14470] =	vst v19;
	v23 =	vmul.f32 v19, v19;
	v1 =	vadd.f32 v18, v1  }
0xa7: {  	v15 =	vadd.f32 v19, v15;
	v18 =	vld [tilespmem:s17+$0xA430]  }
0xa8: {  	[tilespmem:s17+$0x14400] =	vst v20;
	v19 =	vmul.f32 v20, v20;
	v17 =	vadd.f32 v24, v17;
	v26 =	vld [tilespmem:s17+$0x440];
	v11 =	vadd.f32 v23, v11  }
0xa9: {  	v12 =	vadd.f32 v20, v12;
	v27 =	vld [tilespmem:s17+$0xA440]  }
.Ltmp0:
0xaa: {  	v10 =	vadd.f32 v19, v10;
	[tilespmem:s17+$0x14410] =	vst v17;
	v19 =	vmul.f32 v17, v17;
	v24 =	vadd.f32 v25, v22;
	v22 =	vld [tilespmem:s17+$0x450];
	(pc) =	sbr.rel @p1 .LBB2_3-.Ltmp0, $4  }
0xab: {  	v9 =	vadd.f32 v17, v9;
	v23 =	vld [tilespmem:s17+$0xA450]  }
0xac: {  	v14 =	vadd.f32 v19, v14;
	[tilespmem:s17+$0x14420] =	vst v24;
	v17 =	vmul.f32 v24, v24;
	v20 =	vadd.f32 v18, v21;
	v21 =	vld [tilespmem:s17+$0x460]  }
0xad: {  	s28 =	sshra.s32 s29, $0x2;
	v13 =	vadd.f32 v24, v13;
	v24 =	vld [tilespmem:s17+$0xA460]  }
0xae: {  	s29 =	sadd.s32 $0x200, s29;
	v19 =	vld [tilespmem:s28+$0x470];
	v16 =	vadd.f32 v17, v16;
	[tilespmem:s17+$0x14430] =	vst v20;
	v18 =	vmul.f32 v20, v20;
	v17 =	vadd.f32 v27, v26  }
0xaf: {  	v25 =	vld [tilespmem:s28+$0xA470]  }
0xb0: {  	v26 =	vld [tilespmem:s28+$0x400];
	[tilespmem:s17+$0x14440] =	vst v17;
	v22 =	vadd.f32 v23, v22  }
0xb1: {  	v23 =	vld [tilespmem:s28+$0xA400]  }
0xb2: {  	v27 =	vld [tilespmem:s28+$0x410];
	[tilespmem:s17+$0x14450] =	vst v22;
	v21 =	vadd.f32 v24, v21  }
0xb3: {  	v24 =	vld [tilespmem:s28+$0xA410]  }
0xb4: {  	v28 =	vld [tilespmem:s28+$0x420];
	[tilespmem:s17+$0x14460] =	vst v21  }
0xb5: {  	v19 =	vadd.f32 v25, v19;
	v25 =	vld [tilespmem:s28+$0xA420]  }
0xb6: {  	v29 =	vld [tilespmem:s28+$0x430]  }
0xb7: {  	v30 =	vld [tilespmem:s28+$0xA440]  }
0xb8: {  	v50 =	vld [tilespmem:s28+$0x450]  }
0xb9: {  	v31 =	vld [tilespmem:s28+$0xA450]  }
0xba: {  	v32 =	vld [tilespmem:s28+$0x460]  }
0xbb: {  	v33 =	vld [tilespmem:s28+$0xA460]  }
0xbc: {  	v23 =	vadd.f32 v23, v26;
	v26 =	vld [tilespmem:s28+$0xA430]  }
0xbd: {  	[tilespmem:s28+$0x14470] =	vst v19;
	v24 =	vadd.f32 v24, v27;
	v27 =	vld [tilespmem:s28+$0x440]  }
0xbe: {  	[tilespmem:s28+$0x14400] =	vst v23;
	v25 =	vadd.f32 v25, v28  }
0xbf: {  	[tilespmem:s28+$0x14410] =	vst v24;
	v28 =	vadd.f32 v31, v50  }
0xc0: {  	s17 =	smul.u32 $0x140, s15;
	v51 =	vadd.f32 v33, v32;
	[tilespmem:s28+$0x14420] =	vst v25  }
0xc1: {  	s12 =	rddreg [dreg:$0x1a];
	v26 =	vadd.f32 v26, v29;
	[tilespmem:s28+$0x14450] =	vst v28  }
0xc2: {  	s29 =	sadd.s32 s12, s17;
	[tilespmem:s28+$0x14460] =	vst v51;
	v27 =	vadd.f32 v30, v27  }
0xc3: {  	s29 =	sshll.u32 s29, $0x4;
	[tilespmem:s28+$0x14430] =	vst v26  }
0xc4: {  	[tilespmem:s28+$0x14440] =	vst v27;
	s28 =	sadd.s32 s8, s29  }
0xc5: {  	[hbm4b:s28+s5] =	stream.linear.scatter [tilespmem:s10], [sflag:$0x9], $0x2800, $0x38;
	[tilespmem:$0x19B00] =	vst v63  }
0xc6: {  	v52 =	vld [tilespmem:$0x0]  }
0xc7: {  	v53 =	vld [tilespmem:$0x10]  }
0xc8: {  	v54 =	vld [tilespmem:$0x20]  }
0xc9: {  	v55 =	vld [tilespmem:$0x30]  }
0xca: {  	v34 =	vld [tilespmem:$0x40]  }
0xcb: {  	[tilespmem:$0x19A00] =	vst v52  }
0xcc: {  	[tilespmem:$0x19A10] =	vst v53  }
0xcd: {  	s12 =	rddreg [dreg:$0x16];
	[tilespmem:$0x19A20] =	vst v54  }
0xce: {  	s28 =	sadd.s32 s17, s12;
	[tilespmem:$0x19A30] =	vst v55  }
0xcf: {  	s28 =	sshrl.u32 s28, $0x3;
	[tilespmem:$0x19A40] =	vst v34  }
0xd0: {  	[spmem:s4] =	stream.indirect.scatter.add.f32 [tilespmem:s0], [sflag:$0xB], $0x1, s22, s19, $0xb8;
	[tilespmem:$0x19B00] =	vst v63  }
0xd1: {  	s29 =	sadd.s32 s6, s28  }
0xd2: {  	[tilespmem:s5], [sflag:$0x1] =	stream.linear.gather [hbm4b:s29+s5], $0x50, $0x38;
	[tilespmem:$0x19B00] =	vst v63  }
0xd3: {  	s28 =	sadd.s32 s7, s28  }
0xd4: {  	[tilespmem:s3], [sflag:$0x1] =	stream.linear.gather [hbm4b:s28+s5], $0x50, $0x38;
	[tilespmem:$0x19B00] =	vst v63  }
0xd5: {  	_ =	swait.ge [sflag:s25], $0x2800  }
0xd6: {  	[sflag:s25] =	ssyncset.done $0x0  }
0xd7: {  	[sflag:s25] =	ssyncadd.s32 $0xFFFFD800  }
0xd8: {  	_ =	swait.ge [sflag:s25], $0x2800  }
0xd9: {  	[sflag:s25] =	ssyncset.done $0x0  }
0xda: {  	[sflag:s25] =	ssyncadd.s32 $0xFFFFD800  }
0xdb: {  	_ =	swait.ge [sflag:s26], $0x50  }
0xdc: {  	[sflag:s26] =	ssyncset.done $0x0  }
0xdd: {  	[sflag:s26] =	ssyncadd.s32 $0xFFFFFFB0  }
0xde: {  	_ =	swait.ge [sflag:s26], $0x50  }
0xdf: {  	[sflag:s26] =	ssyncset.done $0x0  }
0xe0: {  	s12 =	simm.s32 $0x7C00;
	[sflag:s26] =	ssyncadd.s32 $0xFFFFFFB0  }
0xe1: {  	[tilespmem:s12], [sflag:$0x8] =	stream.indirect.gather [hbm4b:s1+s19], $0x80, s30, s19, $0xb8;
	[tilespmem:$0x19B00] =	vst v63  }
0xe2: {  	s28 =	simm.s32 $0x11C00;
	s12 =	simm.s32 $0x380  }
0xe3: {  	[tilespmem:s28], [sflag:$0x8] =	stream.indirect.gather [hbm4b:s2+s19], $0x80, s12, s19, $0xb8;
	[tilespmem:$0x19B00] =	vst v63  }
0xe4: {  	s28 =	simm.s32 @!p0 $0xA  }
0xe5: {  	_ =	swait.ge @!p0 [sflag:s28], $0x2800  }
0xe6: {  	[sflag:s28] =	ssyncset.done @!p0 $0x0  }
0xe7: {  	[sflag:s28] =	ssyncadd.s32 @!p0 $0xFFFFD800;
	s28 =	simm.s32 @!p0 $0xC  }
0xe8: {  	_ =	swait.ge @!p0 [sflag:s28], $0x50  }
0xe9: {  	[sflag:s28] =	ssyncset.done @!p0 $0x0  }
0xea: {  	[sflag:s28] =	ssyncadd.s32 @!p0 $0xFFFFFFB0;
	s28 =	simm.s32 $0x0  }
0xeb: {  	v8 =	vadd.f32 v20, v8;
	v58 =	vmul.f32 v17, v17;
	v56 =	vld [tilespmem:s28+$0x2C70]  }
0xec: {  	v4 =	vadd.f32 v18, v4;
	v17 =	vadd.f32 v17, v7;
	v57 =	vld [tilespmem:s28+$0xCC70]  }
0xed: {  	v18 =	vmul.f32 v22, v22;
	v32 =	vadd.f32 v58, v3;
	v3 =	vmul.f32 v21, v21;
	v59 =	vld [tilespmem:s28+$0x2C00]  }
0xee: {  	v6 =	vadd.f32 v22, v6;
	v5 =	vadd.f32 v21, v5;
	v21 =	vmul.f32 v19, v19;
	v20 =	vld [tilespmem:s28+$0xCC00]  }
0xef: {  	v2 =	vadd.f32 v18, v2;
	v22 =	vadd.f32 v3, v1;
	v1 =	vmul.f32 v23, v23;
	v7 =	vld [tilespmem:s28+$0x2C10]  }
0xf0: {  	v15 =	vadd.f32 v19, v15;
	v11 =	vadd.f32 v21, v11;
	v3 =	vmul.f32 v24, v24;
	v18 =	vld [tilespmem:s28+$0xCC10]  }
0xf1: {  	v23 =	vadd.f32 v23, v12;
	v35 =	vadd.f32 v1, v10;
	v1 =	vmul.f32 v25, v25;
	v60 =	vld [tilespmem:s28+$0x2C20]  }
0xf2: {  	v24 =	vadd.f32 v24, v9;
	v9 =	vmul.f32 v28, v28;
	v63 =	vadd.f32 v3, v14;
	v61 =	vld [tilespmem:s28+$0xCC20]  }
0xf3: {  	v16 =	vadd.f32 v1, v16;
	v1 =	vadd.f32 v26, v8;
	v8 =	vmul.f32 v27, v27;
	v62 =	vld [tilespmem:s28+$0x2C30]  }
0xf4: {  	v25 =	vadd.f32 v25, v13;
	v9 =	vadd.f32 v9, v2;
	v36 =	vld [tilespmem:s28+$0xCC30]  }
0xf5: {  	v3 =	vmul.f32 v26, v26;
	v14 =	vadd.f32 v51, v5;
	v8 =	vadd.f32 v8, v32  }
0xf6: {  	v19 =	vadd.f32 v57, v56;
	v10 =	vadd.f32 v20, v59  }
0xf7: {  	v26 =	vld [tilespmem:s28+$0xCC40];
	v13 =	vadd.f32 v18, v7;
	v7 =	vadd.f32 v3, v4  }
0xf8: {  	v18 =	vld [tilespmem:s28+$0x2C40];
	v3 =	vadd.f32 v27, v17;
	v4 =	vadd.f32 v28, v6;
	v6 =	vmul.f32 v51, v51  }
0xf9: {  	v27 =	vadd.f32 v61, v60;
	v17 =	vadd.f32 v36, v62;
	v2 =	vmul.f32 v19, v19  }
0xfa: {  	v21 =	vld [tilespmem:s28+$0xCC50];
	[tilespmem:s28+$0x16C70] =	vst v19;
	v12 =	vadd.f32 v6, v22;
	v5 =	vmul.f32 v10, v10;
	v15 =	vadd.f32 v19, v15  }
0xfb: {  	v20 =	vld [tilespmem:s28+$0x2C50];
	[tilespmem:s28+$0x16C00] =	vst v10;
	v10 =	vadd.f32 v10, v23;
	v19 =	vmul.f32 v27, v27;
	v6 =	vadd.f32 v2, v11  }
0xfc: {  	[tilespmem:s28+$0x16C10] =	vst v13;
	v22 =	vld [tilespmem:s28+$0x2C60];
	v5 =	vadd.f32 v5, v35;
	v11 =	vmul.f32 v13, v13;
	v2 =	vadd.f32 v13, v24  }
0xfd: {  	s29 =	simm.s32 $0x80;
	[tilespmem:s28+$0x16C20] =	vst v27;
	v24 =	vld [tilespmem:s28+$0xCC60];
	v16 =	vadd.f32 v19, v16;
	v18 =	vadd.f32 v26, v18  }
0xfe: {  	s30 =	simm.s32 $0x400;
	v23 =	vld [tilespmem:s29+$0x2C70];
	[tilespmem:s28+$0x16C30] =	vst v17;
	v19 =	vmul.f32 v17, v17;
	v13 =	vadd.f32 v11, v63;
	v11 =	vadd.f32 v27, v25  }
.LBB2_5:
0xff: {  	p0 =	sne.s32 s30, $0x9E00;
	v25 =	vld [tilespmem:s29+$0xCC70];
	v1 =	vadd.f32 v17, v1  }
0x100: {  	v17 =	vld [tilespmem:s29+$0x2C00];
	v7 =	vadd.f32 v19, v7;
	[tilespmem:s28+$0x16C40] =	vst v18;
	v19 =	vmul.f32 v18, v18;
	v20 =	vadd.f32 v21, v20  }
0x101: {  	v3 =	vadd.f32 v18, v3;
	v21 =	vld [tilespmem:s29+$0xCC00]  }
0x102: {  	v18 =	vld [tilespmem:s29+$0x2C10];
	v8 =	vadd.f32 v19, v8;
	[tilespmem:s28+$0x16C50] =	vst v20;
	v19 =	vmul.f32 v20, v20;
	v22 =	vadd.f32 v24, v22  }
0x103: {  	v4 =	vadd.f32 v20, v4;
	v24 =	vld [tilespmem:s29+$0xCC10]  }
0x104: {  	v20 =	vld [tilespmem:s29+$0x2C20];
	v23 =	vadd.f32 v25, v23;
	v9 =	vadd.f32 v19, v9;
	[tilespmem:s28+$0x16C60] =	vst v22;
	v19 =	vmul.f32 v22, v22;
	s28 =	smov.u32 s29  }
0x105: {  	v14 =	vadd.f32 v22, v14;
	v25 =	vld [tilespmem:s28+$0xCC20]  }
0x106: {  	v17 =	vadd.f32 v21, v17;
	v22 =	vld [tilespmem:s28+$0x2C30];
	[tilespmem:s28+$0x16C70] =	vst v23;
	v21 =	vmul.f32 v23, v23;
	v12 =	vadd.f32 v19, v12  }
0x107: {  	v15 =	vadd.f32 v23, v15;
	v19 =	vld [tilespmem:s28+$0xCC30]  }
0x108: {  	[tilespmem:s28+$0x16C00] =	vst v17;
	v23 =	vmul.f32 v17, v17;
	v18 =	vadd.f32 v24, v18;
	v26 =	vld [tilespmem:s28+$0x2C40];
	v6 =	vadd.f32 v21, v6  }
0x109: {  	v10 =	vadd.f32 v17, v10;
	v27 =	vld [tilespmem:s28+$0xCC40]  }
.Ltmp1:
0x10a: {  	v5 =	vadd.f32 v23, v5;
	[tilespmem:s28+$0x16C10] =	vst v18;
	v17 =	vmul.f32 v18, v18;
	v23 =	vadd.f32 v25, v20;
	v20 =	vld [tilespmem:s28+$0x2C50];
	(pc) =	sbr.rel @p0 .LBB2_5-.Ltmp1, $4  }
0x10b: {  	v2 =	vadd.f32 v18, v2;
	v21 =	vld [tilespmem:s28+$0xCC50]  }
0x10c: {  	v13 =	vadd.f32 v17, v13;
	[tilespmem:s28+$0x16C20] =	vst v23;
	v18 =	vmul.f32 v23, v23;
	v17 =	vadd.f32 v19, v22;
	v22 =	vld [tilespmem:s28+$0x2C60]  }
0x10d: {  	s29 =	sshra.s32 s30, $0x2;
	v11 =	vadd.f32 v23, v11;
	v24 =	vld [tilespmem:s28+$0xCC60]  }
0x10e: {  	s30 =	sadd.s32 $0x200, s30;
	v23 =	vld [tilespmem:s29+$0x2C70];
	v16 =	vadd.f32 v18, v16;
	[tilespmem:s28+$0x16C30] =	vst v17;
	v19 =	vmul.f32 v17, v17;
	v18 =	vadd.f32 v27, v26  }
0x10f: {  	v25 =	vld [tilespmem:s29+$0xCC70]  }
0x110: {  	v26 =	vld [tilespmem:s29+$0x2C00];
	[tilespmem:s28+$0x16C40] =	vst v18;
	v20 =	vadd.f32 v21, v20  }
0x111: {  	v21 =	vld [tilespmem:s29+$0xCC00]  }
0x112: {  	v27 =	vld [tilespmem:s29+$0x2C10];
	[tilespmem:s28+$0x16C50] =	vst v20;
	v22 =	vadd.f32 v24, v22  }
0x113: {  	v24 =	vld [tilespmem:s29+$0xCC10]  }
0x114: {  	v28 =	vld [tilespmem:s29+$0x2C20];
	[tilespmem:s28+$0x16C60] =	vst v22  }
0x115: {  	v23 =	vadd.f32 v25, v23;
	v25 =	vld [tilespmem:s29+$0xCC20]  }
0x116: {  	v29 =	vld [tilespmem:s29+$0x2C30]  }
0x117: {  	v30 =	vld [tilespmem:s29+$0xCC40]  }
0x118: {  	v51 =	vld [tilespmem:s29+$0x2C50]  }
0x119: {  	v31 =	vld [tilespmem:s29+$0xCC50]  }
0x11a: {  	v32 =	vld [tilespmem:s29+$0x2C60]  }
0x11b: {  	v33 =	vld [tilespmem:s29+$0xCC60]  }
0x11c: {  	v21 =	vadd.f32 v21, v26;
	v26 =	vld [tilespmem:s29+$0xCC30]  }
0x11d: {  	[tilespmem:s29+$0x16C70] =	vst v23;
	v24 =	vadd.f32 v24, v27;
	v27 =	vld [tilespmem:s29+$0x2C40]  }
0x11e: {  	[tilespmem:s29+$0x16C00] =	vst v21;
	v25 =	vadd.f32 v25, v28  }
0x11f: {  	[tilespmem:s29+$0x16C10] =	vst v24;
	v28 =	vadd.f32 v31, v51  }
0x120: {  	v52 =	vadd.f32 v33, v32;
	[tilespmem:s29+$0x16C20] =	vst v25  }
0x121: {  	s12 =	rddreg [dreg:$0x6];
	v26 =	vadd.f32 v26, v29;
	[tilespmem:s29+$0x16C50] =	vst v28  }
0x122: {  	s28 =	sadd.s32 s17, s12;
	[tilespmem:s29+$0x16C60] =	vst v52;
	v27 =	vadd.f32 v30, v27  }
0x123: {  	s28 =	sshll.u32 s28, $0x4;
	[tilespmem:s29+$0x16C30] =	vst v26  }
0x124: {  	s28 =	sadd.s32 s8, s28;
	[tilespmem:s29+$0x16C40] =	vst v27  }
0x125: {  	[hbm4b:s28+s5] =	stream.linear.scatter [tilespmem:s13], [sflag:$0xA], $0x2800, $0x38;
	[tilespmem:$0x19B00] =	vst v63  }
0x126: {  	v53 =	vld [tilespmem:$0x80]  }
0x127: {  	v54 =	vld [tilespmem:$0x90]  }
0x128: {  	v55 =	vld [tilespmem:$0xA0]  }
0x129: {  	v56 =	vld [tilespmem:$0xB0]  }
0x12a: {  	v34 =	vld [tilespmem:$0xC0]  }
0x12b: {  	[tilespmem:$0x19A80] =	vst v53  }
0x12c: {  	[tilespmem:$0x19A90] =	vst v54  }
0x12d: {  	p0 =	seq.s32 s15, $0x1E;
	s12 =	rddreg [dreg:$0x17];
	[tilespmem:$0x19AA0] =	vst v55  }
0x12e: {  	s28 =	sadd.s32 @!p0 s17, s12;
	[tilespmem:$0x19AB0] =	vst v56  }
0x12f: {  	s28 =	sshrl.u32 @!p0 s28, $0x3;
	[tilespmem:$0x19AC0] =	vst v34  }
0x130: {  	[spmem:s4] =	stream.indirect.scatter.add.f32 [tilespmem:s0], [sflag:$0xC], $0x1, s16, s19, $0xb8;
	[tilespmem:$0x19B00] =	vst v63  }
0x131: {  	s30 =	simm.s32 @!p0 $0x0;
	s12 =	simm.s32 @!p0 $0x80;
	s29 =	sadd.s32 @!p0 s6, s28  }
0x132: {  	[tilespmem:s12], [sflag:$0x2] =	stream.linear.gather @!p0 [hbm4b:s29+s30], $0x50, $0x38;
	[tilespmem:$0x19B00] =	vst v63  }
0x133: {  	s12 =	sadd.s32 @!p0 s7, s28;
	s28 =	simm.s32 @!p0 $0x280  }
0x134: {  	[tilespmem:s28], [sflag:$0x2] =	stream.linear.gather @!p0 [hbm4b:s12+s30], $0x50, $0x38;
	[tilespmem:$0x19B00] =	vst v63  }
0x135: {  	_ =	swait.ge [sflag:s20], $0x2800  }
0x136: {  	[sflag:s20] =	ssyncset.done $0x0  }
0x137: {  	[sflag:s20] =	ssyncadd.s32 $0xFFFFD800  }
0x138: {  	_ =	swait.ge [sflag:s20], $0x2800  }
0x139: {  	[sflag:s20] =	ssyncset.done $0x0  }
0x13a: {  	[sflag:s20] =	ssyncadd.s32 $0xFFFFD800  }
0x13b: {  	_ =	swait.ge [sflag:s18], $0x50  }
0x13c: {  	[sflag:s18] =	ssyncset.done $0x0  }
0x13d: {  	[sflag:s18] =	ssyncadd.s32 $0xFFFFFFB0  }
0x13e: {  	_ =	swait.ge [sflag:s18], $0x50  }
0x13f: {  	[sflag:s18] =	ssyncset.done $0x0  }
0x140: {  	s12 =	simm.s32 $0x0;
	s28 =	simm.s32 $0x400;
	[sflag:s18] =	ssyncadd.s32 $0xFFFFFFB0  }
0x141: {  	[tilespmem:s28], [sflag:$0x5] =	stream.indirect.gather [hbm4b:s1+s19], $0x80, s12, s19, $0xb8;
	[tilespmem:$0x19B00] =	vst v63  }
0x142: {  	s12 =	simm.s32 $0xA400  }
0x143: {  	[tilespmem:s12], [sflag:$0x5] =	stream.indirect.gather [hbm4b:s2+s19], $0x80, s3, s19, $0xb8;
	[tilespmem:$0x19B00] =	vst v63  }
0x144: {  	_ =	swait.ge [sflag:s21], $0x2800  }
0x145: {  	[sflag:s21] =	ssyncset.done $0x0  }
0x146: {  	[sflag:s21] =	ssyncadd.s32 $0xFFFFD800  }
0x147: {  	_ =	swait.ge [sflag:s31], $0x50  }
0x148: {  	v59 =	vmul.f32 v18, v18;
	[sflag:s31] =	ssyncset.done $0x0  }
0x149: {  	v1 =	vadd.f32 v17, v1;
	v7 =	vadd.f32 v19, v7;
	v17 =	vmul.f32 v20, v20;
	s28 =	simm.s32 $0x0;
	[sflag:s31] =	ssyncadd.s32 $0xFFFFFFB0  }
0x14a: {  	v3 =	vadd.f32 v18, v3;
	v8 =	vadd.f32 v59, v8;
	v18 =	vmul.f32 v22, v22;
	v57 =	vld [tilespmem:s28+$0x5470]  }
0x14b: {  	v4 =	vadd.f32 v20, v4;
	v9 =	vadd.f32 v17, v9;
	v20 =	vmul.f32 v23, v23;
	v58 =	vld [tilespmem:s28+$0xF470]  }
0x14c: {  	v14 =	vadd.f32 v22, v14;
	v12 =	vadd.f32 v18, v12;
	v22 =	vmul.f32 v21, v21;
	v60 =	vld [tilespmem:s28+$0x5400]  }
0x14d: {  	v15 =	vadd.f32 v23, v15;
	v6 =	vadd.f32 v20, v6;
	v20 =	vmul.f32 v24, v24;
	v19 =	vld [tilespmem:s28+$0xF400]  }
0x14e: {  	v10 =	vadd.f32 v21, v10;
	v5 =	vadd.f32 v22, v5;
	v61 =	vld [tilespmem:s28+$0x5410]  }
0x14f: {  	v2 =	vadd.f32 v24, v2;
	v21 =	vmul.f32 v25, v25;
	v13 =	vadd.f32 v20, v13;
	v17 =	vld [tilespmem:s28+$0xF410]  }
0x150: {  	v11 =	vadd.f32 v25, v11;
	v4 =	vadd.f32 v28, v4;
	v20 =	vmul.f32 v26, v26;
	v18 =	vld [tilespmem:s28+$0x5420]  }
0x151: {  	v14 =	vadd.f32 v52, v14;
	v16 =	vadd.f32 v21, v16;
	v21 =	vmul.f32 v27, v27;
	v62 =	vld [tilespmem:s28+$0xF420]  }
0x152: {  	v1 =	vadd.f32 v26, v1;
	v7 =	vadd.f32 v20, v7;
	v20 =	vmul.f32 v28, v28;
	v63 =	vld [tilespmem:s28+$0x5430]  }
0x153: {  	v3 =	vadd.f32 v27, v3;
	v8 =	vadd.f32 v21, v8;
	v21 =	vmul.f32 v52, v52;
	v24 =	vld [tilespmem:s28+$0xF430]  }
0x154: {  	v9 =	vadd.f32 v20, v9;
	v23 =	vadd.f32 v58, v57  }
0x155: {  	v12 =	vadd.f32 v21, v12;
	v25 =	vld [tilespmem:s28+$0x5440];
	v19 =	vadd.f32 v19, v60  }
0x156: {  	v26 =	vld [tilespmem:s28+$0xF440];
	v17 =	vadd.f32 v17, v61;
	v18 =	vadd.f32 v62, v18;
	v22 =	vmul.f32 v23, v23  }
0x157: {  	v20 =	vld [tilespmem:s28+$0x5450];
	[tilespmem:s28+$0x14400] =	vst v19;
	v27 =	vmul.f32 v19, v19;
	v15 =	vadd.f32 v23, v15;
	v10 =	vadd.f32 v19, v10  }
0x158: {  	v21 =	vld [tilespmem:s28+$0xF450];
	[tilespmem:s28+$0x14410] =	vst v17;
	v19 =	vmul.f32 v17, v17;
	v2 =	vadd.f32 v17, v2;
	v17 =	vadd.f32 v24, v63  }
0x159: {  	[tilespmem:s28+$0x14470] =	vst v23;
	v24 =	vld [tilespmem:s28+$0xF460];
	v11 =	vadd.f32 v18, v11;
	v5 =	vadd.f32 v27, v5;
	v27 =	vmul.f32 v18, v18  }
0x15a: {  	s29 =	simm.s32 $0x80;
	[tilespmem:s28+$0x14420] =	vst v18;
	v6 =	vadd.f32 v22, v6;
	v22 =	vld [tilespmem:s28+$0x5460];
	v13 =	vadd.f32 v19, v13  }
0x15b: {  	s30 =	simm.s32 $0x400;
	v23 =	vld [tilespmem:s29+$0x5470];
	[tilespmem:s28+$0x14430] =	vst v17;
	v19 =	vmul.f32 v17, v17;
	v18 =	vadd.f32 v26, v25;
	v16 =	vadd.f32 v27, v16  }
.LBB2_7:
0x15c: {  	p1 =	sne.s32 s30, $0x9E00;
	v25 =	vld [tilespmem:s29+$0xF470];
	v1 =	vadd.f32 v17, v1  }
0x15d: {  	v17 =	vld [tilespmem:s29+$0x5400];
	v7 =	vadd.f32 v19, v7;
	[tilespmem:s28+$0x14440] =	vst v18;
	v19 =	vmul.f32 v18, v18;
	v20 =	vadd.f32 v21, v20  }
0x15e: {  	v3 =	vadd.f32 v18, v3;
	v21 =	vld [tilespmem:s29+$0xF400]  }
0x15f: {  	v18 =	vld [tilespmem:s29+$0x5410];
	v8 =	vadd.f32 v19, v8;
	[tilespmem:s28+$0x14450] =	vst v20;
	v19 =	vmul.f32 v20, v20;
	v22 =	vadd.f32 v24, v22  }
0x160: {  	v4 =	vadd.f32 v20, v4;
	v24 =	vld [tilespmem:s29+$0xF410]  }
0x161: {  	v20 =	vld [tilespmem:s29+$0x5420];
	v23 =	vadd.f32 v25, v23;
	v9 =	vadd.f32 v19, v9;
	[tilespmem:s28+$0x14460] =	vst v22;
	v19 =	vmul.f32 v22, v22;
	s28 =	smov.u32 s29  }
0x162: {  	v14 =	vadd.f32 v22, v14;
	v25 =	vld [tilespmem:s28+$0xF420]  }
0x163: {  	v17 =	vadd.f32 v21, v17;
	v22 =	vld [tilespmem:s28+$0x5430];
	[tilespmem:s28+$0x14470] =	vst v23;
	v21 =	vmul.f32 v23, v23;
	v12 =	vadd.f32 v19, v12  }
0x164: {  	v15 =	vadd.f32 v23, v15;
	v19 =	vld [tilespmem:s28+$0xF430]  }
0x165: {  	[tilespmem:s28+$0x14400] =	vst v17;
	v23 =	vmul.f32 v17, v17;
	v18 =	vadd.f32 v24, v18;
	v26 =	vld [tilespmem:s28+$0x5440];
	v6 =	vadd.f32 v21, v6  }
0x166: {  	v10 =	vadd.f32 v17, v10;
	v27 =	vld [tilespmem:s28+$0xF440]  }
.Ltmp2:
0x167: {  	v5 =	vadd.f32 v23, v5;
	[tilespmem:s28+$0x14410] =	vst v18;
	v17 =	vmul.f32 v18, v18;
	v23 =	vadd.f32 v25, v20;
	v20 =	vld [tilespmem:s28+$0x5450];
	(pc) =	sbr.rel @p1 .LBB2_7-.Ltmp2, $4  }
0x168: {  	v2 =	vadd.f32 v18, v2;
	v21 =	vld [tilespmem:s28+$0xF450]  }
0x169: {  	v13 =	vadd.f32 v17, v13;
	[tilespmem:s28+$0x14420] =	vst v23;
	v18 =	vmul.f32 v23, v23;
	v17 =	vadd.f32 v19, v22;
	v22 =	vld [tilespmem:s28+$0x5460]  }
0x16a: {  	s29 =	sshra.s32 s30, $0x2;
	v11 =	vadd.f32 v23, v11;
	v24 =	vld [tilespmem:s28+$0xF460]  }
0x16b: {  	s30 =	sadd.s32 $0x200, s30;
	v23 =	vld [tilespmem:s29+$0x5470];
	v16 =	vadd.f32 v18, v16;
	[tilespmem:s28+$0x14430] =	vst v17;
	v19 =	vmul.f32 v17, v17;
	v18 =	vadd.f32 v27, v26  }
0x16c: {  	v25 =	vld [tilespmem:s29+$0xF470]  }
0x16d: {  	v26 =	vld [tilespmem:s29+$0x5400];
	[tilespmem:s28+$0x14440] =	vst v18;
	v20 =	vadd.f32 v21, v20  }
0x16e: {  	v21 =	vld [tilespmem:s29+$0xF400]  }
0x16f: {  	v27 =	vld [tilespmem:s29+$0x5410];
	[tilespmem:s28+$0x14450] =	vst v20;
	v22 =	vadd.f32 v24, v22  }
0x170: {  	v24 =	vld [tilespmem:s29+$0xF410]  }
0x171: {  	v28 =	vld [tilespmem:s29+$0x5420];
	[tilespmem:s28+$0x14460] =	vst v22  }
0x172: {  	v23 =	vadd.f32 v25, v23;
	v25 =	vld [tilespmem:s29+$0xF420]  }
0x173: {  	v29 =	vld [tilespmem:s29+$0x5430]  }
0x174: {  	v30 =	vld [tilespmem:s29+$0xF440]  }
0x175: {  	v49 =	vld [tilespmem:s29+$0x5450]  }
0x176: {  	v31 =	vld [tilespmem:s29+$0xF450]  }
0x177: {  	v32 =	vld [tilespmem:s29+$0x5460]  }
0x178: {  	v33 =	vld [tilespmem:s29+$0xF460]  }
0x179: {  	v21 =	vadd.f32 v21, v26;
	v26 =	vld [tilespmem:s29+$0xF430]  }
0x17a: {  	[tilespmem:s29+$0x14470] =	vst v23;
	v24 =	vadd.f32 v24, v27;
	v27 =	vld [tilespmem:s29+$0x5440]  }
0x17b: {  	[tilespmem:s29+$0x14400] =	vst v21;
	v25 =	vadd.f32 v25, v28  }
0x17c: {  	[tilespmem:s29+$0x14410] =	vst v24;
	v28 =	vadd.f32 v31, v49  }
0x17d: {  	v50 =	vadd.f32 v33, v32;
	[tilespmem:s29+$0x14420] =	vst v25  }
0x17e: {  	s12 =	rddreg [dreg:$0xa];
	v26 =	vadd.f32 v26, v29;
	[tilespmem:s29+$0x14450] =	vst v28  }
0x17f: {  	s12 =	sadd.s32 s17, s12;
	[tilespmem:s29+$0x14460] =	vst v50;
	v27 =	vadd.f32 v30, v27  }
0x180: {  	s12 =	sshll.u32 s12, $0x4;
	[tilespmem:s29+$0x14430] =	vst v26  }
0x181: {  	s12 =	sadd.s32 s8, s12;
	[tilespmem:s29+$0x14440] =	vst v27  }
0x182: {  	[hbm4b:s12+s5] =	stream.linear.scatter [tilespmem:s10], [sflag:$0x9], $0x2800, $0x38;
	[tilespmem:$0x19B00] =	vst v63  }
0x183: {  	v51 =	vld [tilespmem:$0x100]  }
0x184: {  	v52 =	vld [tilespmem:$0x110]  }
0x185: {  	v53 =	vld [tilespmem:$0x120]  }
0x186: {  	v54 =	vld [tilespmem:$0x130]  }
0x187: {  	v34 =	vld [tilespmem:$0x140]  }
0x188: {  	[tilespmem:$0x19A00] =	vst v51  }
0x189: {  	[tilespmem:$0x19A10] =	vst v52  }
0x18a: {  	[tilespmem:$0x19A20] =	vst v53  }
0x18b: {  	[tilespmem:$0x19A30] =	vst v54  }
0x18c: {  	s12 =	simm.s32 @p0 $0x8;
	[tilespmem:$0x19A40] =	vst v34  }
0x18d: {  	[spmem:s4] =	stream.indirect.scatter.add.f32 [tilespmem:s0], [sflag:$0xB], $0x1, s22, s19, $0xb8;
	[tilespmem:$0x19B00] =	vst v63  }
0x18e: {  	_ =	swait.ge @p0 [sflag:s12], $0x2800  }
0x18f: {  	[sflag:s12] =	ssyncset.done @p0 $0x0  }
0x190: {  	[sflag:s12] =	ssyncadd.s32 @p0 $0xFFFFD800  }
0x191: {  	_ =	swait.ge @p0 [sflag:s12], $0x2800  }
0x192: {  	s28 =	rddreg [dreg:$0x18]  }
0x193: {  	[sflag:s12] =	ssyncset.done @p0 $0x0;
	s28 =	sadd.s32 @!p0 s17, s28  }
0x194: {  	[sflag:s12] =	ssyncadd.s32 @p0 $0xFFFFD800;
	s12 =	sshrl.u32 @!p0 s28, $0x3  }
0x195: {  	s30 =	simm.s32 @!p0 $0x100;
	s29 =	simm.s32 @!p0 $0x0;
	s28 =	sadd.s32 @!p0 s6, s12  }
0x196: {  	[tilespmem:s30], [sflag:$0x3] =	stream.linear.gather @!p0 [hbm4b:s28+s29], $0x50, $0x38;
	[tilespmem:$0x19B00] =	vst v63  }
0x197: {  	s12 =	sadd.s32 @!p0 s7, s12;
	s28 =	simm.s32 @!p0 $0x300  }
0x198: {  	[tilespmem:s28], [sflag:$0x3] =	stream.linear.gather @!p0 [hbm4b:s12+s29], $0x50, $0x38;
	[tilespmem:$0x19B00] =	vst v63  }
0x199: {  	s12 =	simm.s32 @!p0 $0x8  }
0x19a: {  	_ =	swait.ge @!p0 [sflag:s12], $0x2800  }
0x19b: {  	[sflag:s12] =	ssyncset.done @!p0 $0x0  }
0x19c: {  	[sflag:s12] =	ssyncadd.s32 @!p0 $0xFFFFD800  }
0x19d: {  	_ =	swait.ge @!p0 [sflag:s12], $0x2800  }
0x19e: {  	[sflag:s12] =	ssyncset.done @!p0 $0x0  }
0x19f: {  	[sflag:s12] =	ssyncadd.s32 @!p0 $0xFFFFD800;
	s12 =	simm.s32 @!p0 $0x2  }
0x1a0: {  	_ =	swait.ge @!p0 [sflag:s12], $0x50  }
0x1a1: {  	[sflag:s12] =	ssyncset.done @!p0 $0x0  }
0x1a2: {  	[sflag:s12] =	ssyncadd.s32 @!p0 $0xFFFFFFB0  }
0x1a3: {  	_ =	swait.ge @!p0 [sflag:s12], $0x50  }
0x1a4: {  	s28 =	simm.s32 @!p0 $0x80;
	[sflag:s12] =	ssyncset.done @!p0 $0x0  }
0x1a5: {  	s29 =	simm.s32 @!p0 $0x2C00;
	[sflag:s12] =	ssyncadd.s32 @!p0 $0xFFFFFFB0;
	s12 =	simm.s32 @!p0 $0x50  }
0x1a6: {  	[tilespmem:s29], [sflag:$0x6] =	stream.indirect.gather @!p0 [hbm4b:s1+s12], $0x80, s28, s12, $0xb8;
	[tilespmem:$0x19B00] =	vst v63  }
0x1a7: {  	s28 =	simm.s32 @!p0 $0x280;
	s29 =	simm.s32 @!p0 $0xCC00  }
0x1a8: {  	[tilespmem:s29], [sflag:$0x6] =	stream.indirect.gather @!p0 [hbm4b:s2+s12], $0x80, s28, s12, $0xb8;
	[tilespmem:$0x19B00] =	vst v63  }
0x1a9: {  	_ =	swait.ge [sflag:s11], $0x2800  }
0x1aa: {  	[sflag:s11] =	ssyncset.done $0x0  }
0x1ab: {  	[sflag:s11] =	ssyncadd.s32 $0xFFFFD800  }
0x1ac: {  	_ =	swait.ge [sflag:s9], $0x50  }
0x1ad: {  	[sflag:s9] =	ssyncset.done $0x0  }
0x1ae: {  	v1 =	vadd.f32 v17, v1;
	v57 =	vmul.f32 v18, v18;
	s28 =	simm.s32 $0x0;
	[sflag:s9] =	ssyncadd.s32 $0xFFFFFFB0  }
0x1af: {  	v7 =	vadd.f32 v19, v7;
	v3 =	vadd.f32 v18, v3;
	v17 =	vmul.f32 v20, v20;
	v55 =	vld [tilespmem:s28+$0x7C70]  }
0x1b0: {  	v8 =	vadd.f32 v57, v8;
	v20 =	vadd.f32 v20, v4;
	v18 =	vmul.f32 v22, v22;
	v56 =	vld [tilespmem:s28+$0x11C70]  }
0x1b1: {  	v9 =	vadd.f32 v17, v9;
	v14 =	vadd.f32 v22, v14;
	v17 =	vmul.f32 v23, v23;
	v58 =	vld [tilespmem:s28+$0x7C00]  }
0x1b2: {  	v12 =	vadd.f32 v18, v12;
	v15 =	vadd.f32 v23, v15;
	v22 =	vmul.f32 v21, v21;
	v19 =	vld [tilespmem:s28+$0x11C00]  }
0x1b3: {  	v17 =	vadd.f32 v17, v6;
	v61 =	vadd.f32 v21, v10;
	v6 =	vmul.f32 v24, v24;
	v59 =	vld [tilespmem:s28+$0x7C10]  }
0x1b4: {  	v22 =	vadd.f32 v22, v5;
	v24 =	vadd.f32 v24, v2;
	v5 =	vmul.f32 v25, v25;
	v4 =	vld [tilespmem:s28+$0x11C10]  }
0x1b5: {  	v35 =	vadd.f32 v6, v13;
	v25 =	vadd.f32 v25, v11;
	v6 =	vmul.f32 v28, v28;
	v18 =	vld [tilespmem:s28+$0x7C20]  }
0x1b6: {  	v10 =	vadd.f32 v50, v14;
	v16 =	vadd.f32 v5, v16;
	v5 =	vmul.f32 v27, v27;
	v60 =	vld [tilespmem:s28+$0x11C20]  }
0x1b7: {  	v1 =	vadd.f32 v26, v1;
	v6 =	vadd.f32 v6, v9  }
0x1b8: {  	v2 =	vmul.f32 v26, v26;
	v5 =	vadd.f32 v5, v8;
	v23 =	vadd.f32 v56, v55  }
0x1b9: {  	v62 =	vld [tilespmem:s28+$0x7C30];
	v33 =	vadd.f32 v19, v58;
	v26 =	vadd.f32 v4, v59  }
0x1ba: {  	v36 =	vld [tilespmem:s28+$0x11C30];
	v4 =	vadd.f32 v2, v7;
	v2 =	vadd.f32 v27, v3;
	v7 =	vmul.f32 v50, v50  }
0x1bb: {  	v63 =	vld [tilespmem:s28+$0x7C40];
	v3 =	vadd.f32 v28, v20;
	v18 =	vadd.f32 v60, v18  }
0x1bc: {  	v27 =	vld [tilespmem:s28+$0x11C40];
	v8 =	vmul.f32 v23, v23;
	v11 =	vadd.f32 v7, v12;
	v9 =	vmul.f32 v33, v33  }
0x1bd: {  	v21 =	vld [tilespmem:s28+$0x11C50];
	[tilespmem:s28+$0x16C70] =	vst v23;
	v12 =	vadd.f32 v23, v15;
	v7 =	vadd.f32 v33, v61  }
0x1be: {  	v19 =	vld [tilespmem:s28+$0x7C50];
	[tilespmem:s28+$0x16C00] =	vst v33;
	v14 =	vmul.f32 v26, v26;
	v13 =	vadd.f32 v8, v17;
	v8 =	vadd.f32 v9, v22  }
0x1bf: {  	[tilespmem:s28+$0x16C10] =	vst v26;
	v20 =	vmul.f32 v18, v18;
	v22 =	vld [tilespmem:s28+$0x7C60];
	v9 =	vadd.f32 v26, v24;
	v17 =	vadd.f32 v36, v62  }
0x1c0: {  	s29 =	simm.s32 $0x80;
	[tilespmem:s28+$0x16C20] =	vst v18;
	v24 =	vld [tilespmem:s28+$0x11C60];
	v15 =	vadd.f32 v14, v35;
	v14 =	vadd.f32 v18, v25  }
0x1c1: {  	s30 =	simm.s32 $0x400;
	v23 =	vld [tilespmem:s29+$0x7C70];
	v16 =	vadd.f32 v20, v16;
	v18 =	vadd.f32 v27, v63;
	[tilespmem:s28+$0x16C30] =	vst v17;
	v20 =	vmul.f32 v17, v17  }
.LBB2_9:
0x1c2: {  	p1 =	sne.s32 s30, $0x9E00;
	v25 =	vld [tilespmem:s29+$0x11C70];
	v1 =	vadd.f32 v17, v1  }
0x1c3: {  	v17 =	vld [tilespmem:s29+$0x7C00];
	v4 =	vadd.f32 v20, v4;
	[tilespmem:s28+$0x16C40] =	vst v18;
	v20 =	vmul.f32 v18, v18;
	v19 =	vadd.f32 v21, v19  }
0x1c4: {  	v2 =	vadd.f32 v18, v2;
	v21 =	vld [tilespmem:s29+$0x11C00]  }
0x1c5: {  	v18 =	vld [tilespmem:s29+$0x7C10];
	v5 =	vadd.f32 v20, v5;
	[tilespmem:s28+$0x16C50] =	vst v19;
	v20 =	vmul.f32 v19, v19;
	v22 =	vadd.f32 v24, v22  }
0x1c6: {  	v3 =	vadd.f32 v19, v3;
	v24 =	vld [tilespmem:s29+$0x11C10]  }
0x1c7: {  	v19 =	vld [tilespmem:s29+$0x7C20];
	v23 =	vadd.f32 v25, v23;
	v6 =	vadd.f32 v20, v6;
	[tilespmem:s28+$0x16C60] =	vst v22;
	v20 =	vmul.f32 v22, v22;
	s28 =	smov.u32 s29  }
0x1c8: {  	v10 =	vadd.f32 v22, v10;
	v25 =	vld [tilespmem:s28+$0x11C20]  }
0x1c9: {  	v17 =	vadd.f32 v21, v17;
	v22 =	vld [tilespmem:s28+$0x7C30];
	[tilespmem:s28+$0x16C70] =	vst v23;
	v21 =	vmul.f32 v23, v23;
	v11 =	vadd.f32 v20, v11  }
0x1ca: {  	v12 =	vadd.f32 v23, v12;
	v20 =	vld [tilespmem:s28+$0x11C30]  }
0x1cb: {  	[tilespmem:s28+$0x16C00] =	vst v17;
	v23 =	vmul.f32 v17, v17;
	v18 =	vadd.f32 v24, v18;
	v26 =	vld [tilespmem:s28+$0x7C40];
	v13 =	vadd.f32 v21, v13  }
0x1cc: {  	v7 =	vadd.f32 v17, v7;
	v27 =	vld [tilespmem:s28+$0x11C40]  }
.Ltmp3:
0x1cd: {  	v8 =	vadd.f32 v23, v8;
	[tilespmem:s28+$0x16C10] =	vst v18;
	v17 =	vmul.f32 v18, v18;
	v23 =	vadd.f32 v25, v19;
	v19 =	vld [tilespmem:s28+$0x7C50];
	(pc) =	sbr.rel @p1 .LBB2_9-.Ltmp3, $4  }
0x1ce: {  	v9 =	vadd.f32 v18, v9;
	v21 =	vld [tilespmem:s28+$0x11C50]  }
0x1cf: {  	v15 =	vadd.f32 v17, v15;
	[tilespmem:s28+$0x16C20] =	vst v23;
	v18 =	vmul.f32 v23, v23;
	v17 =	vadd.f32 v20, v22;
	v22 =	vld [tilespmem:s28+$0x7C60]  }
0x1d0: {  	s29 =	sshra.s32 s30, $0x2;
	v14 =	vadd.f32 v23, v14;
	v24 =	vld [tilespmem:s28+$0x11C60]  }
0x1d1: {  	s30 =	sadd.s32 $0x200, s30;
	v23 =	vld [tilespmem:s29+$0x7C70];
	v16 =	vadd.f32 v18, v16;
	[tilespmem:s28+$0x16C30] =	vst v17;
	v20 =	vmul.f32 v17, v17;
	v18 =	vadd.f32 v27, v26  }
0x1d2: {  	v25 =	vld [tilespmem:s29+$0x11C70]  }
0x1d3: {  	v26 =	vld [tilespmem:s29+$0x7C00];
	[tilespmem:s28+$0x16C40] =	vst v18;
	v19 =	vadd.f32 v21, v19  }
0x1d4: {  	v21 =	vld [tilespmem:s29+$0x11C00]  }
0x1d5: {  	v27 =	vld [tilespmem:s29+$0x7C10];
	[tilespmem:s28+$0x16C50] =	vst v19;
	v22 =	vadd.f32 v24, v22  }
0x1d6: {  	v53 =	vld [tilespmem:s29+$0x11C10]  }
0x1d7: {  	v28 =	vld [tilespmem:s29+$0x7C20];
	[tilespmem:s28+$0x16C60] =	vst v22  }
0x1d8: {  	v54 =	vld [tilespmem:s29+$0x11C20]  }
0x1d9: {  	v29 =	vld [tilespmem:s29+$0x7C30]  }
0x1da: {  	v55 =	vld [tilespmem:s29+$0x11C30]  }
0x1db: {  	v56 =	vld [tilespmem:s29+$0x7C40]  }
0x1dc: {  	v30 =	vld [tilespmem:s29+$0x11C40]  }
0x1dd: {  	v57 =	vld [tilespmem:s29+$0x7C50]  }
0x1de: {  	v23 =	vadd.f32 v25, v23;
	v31 =	vld [tilespmem:s29+$0x11C50]  }
0x1df: {  	v32 =	vld [tilespmem:s29+$0x7C60];
	v21 =	vadd.f32 v21, v26  }
0x1e0: {  	v33 =	vld [tilespmem:s29+$0x11C60];
	[tilespmem:s29+$0x16C70] =	vst v23;
	v24 =	vadd.f32 v53, v27  }
0x1e1: {  	[tilespmem:s29+$0x16C00] =	vst v21;
	v25 =	vadd.f32 v54, v28  }
0x1e2: {  	[tilespmem:s29+$0x16C10] =	vst v24;
	v26 =	vadd.f32 v55, v29  }
0x1e3: {  	v27 =	vadd.f32 v30, v56;
	[tilespmem:s29+$0x16C20] =	vst v25  }
0x1e4: {  	s12 =	rddreg [dreg:$0xc];
	v28 =	vadd.f32 v31, v57;
	[tilespmem:s29+$0x16C30] =	vst v26  }
0x1e5: {  	s12 =	sadd.s32 s17, s12;
	v58 =	vadd.f32 v33, v32;
	[tilespmem:s29+$0x16C40] =	vst v27  }
0x1e6: {  	s12 =	sshll.u32 s12, $0x4;
	[tilespmem:s29+$0x16C50] =	vst v28  }
0x1e7: {  	v59 =	vmul.f32 v18, v18;
	s12 =	sadd.s32 s8, s12;
	[tilespmem:s29+$0x16C60] =	vst v58  }
0x1e8: {  	v1 =	vadd.f32 v17, v1;
	v4 =	vadd.f32 v20, v4;
	v17 =	vmul.f32 v19, v19;
	[hbm4b:s12+s5] =	stream.linear.scatter [tilespmem:s13], [sflag:$0xA], $0x2800, $0x38;
	[tilespmem:$0x19B00] =	vst v63  }
0x1e9: {  	v2 =	vadd.f32 v18, v2;
	v5 =	vadd.f32 v59, v5;
	v18 =	vmul.f32 v22, v22;
	v60 =	vld [tilespmem:$0x180]  }
0x1ea: {  	v62 =	vadd.f32 v19, v3;
	v63 =	vadd.f32 v17, v6;
	v3 =	vmul.f32 v23, v23;
	v20 =	vld [tilespmem:$0x190]  }
0x1eb: {  	v22 =	vadd.f32 v22, v10;
	v34 =	vadd.f32 v18, v11;
	v17 =	vmul.f32 v21, v21;
	v61 =	vld [tilespmem:$0x1A0]  }
0x1ec: {  	v11 =	vadd.f32 v23, v12;
	v10 =	vadd.f32 v3, v13;
	v3 =	vmul.f32 v24, v24;
	v6 =	vld [tilespmem:$0x1B0]  }
0x1ed: {  	v12 =	vadd.f32 v21, v7;
	v21 =	vadd.f32 v17, v8;
	v7 =	vmul.f32 v25, v25;
	v35 =	vld [tilespmem:$0x1C0]  }
0x1ee: {  	v19 =	vadd.f32 v3, v15;
	v3 =	vmul.f32 v26, v26;
	v18 =	vadd.f32 v25, v14;
	[tilespmem:$0x19A80] =	vst v60  }
.Ltmp4:
0x1ef: {  	v8 =	vadd.f32 v26, v1;
	[tilespmem:$0x19A90] =	vst v20;
	v20 =	vadd.f32 v24, v9;
	v9 =	vmul.f32 v27, v27;
	(pc) =	sbr.rel @p0 .LBB2_12-.Ltmp4, $4  }
0x1f0: {  	v1 =	vmul.f32 v28, v28;
	v17 =	vadd.f32 v7, v16;
	v4 =	vadd.f32 v3, v4;
	[tilespmem:$0x19AA0] =	vst v61  }
0x1f1: {  	v7 =	vadd.f32 v27, v2;
	[tilespmem:$0x19AB0] =	vst v6;
	v3 =	vadd.f32 v9, v5;
	v9 =	vmul.f32 v58, v58  }
0x1f2: {  	v2 =	vadd.f32 v1, v63;
	[tilespmem:$0x19AC0] =	vst v35;
	v6 =	vadd.f32 v28, v62  }
0x1f3: {  	[spmem:s4] =	stream.indirect.scatter.add.f32 [tilespmem:s0], [sflag:$0xC], $0x1, s16, s19, $0xb8;
	v5 =	vadd.f32 v58, v22;
	v1 =	vadd.f32 v9, v34;
	[tilespmem:$0x19B00] =	vst v63  }
0x1f4: {  	s12 =	rddreg [dreg:$0x19]  }
0x1f5: {  	s12 =	sadd.s32 s17, s12  }
.Ltmp5:
0x1f6: {  	s12 =	sshrl.u32 s12, $0x3;
	(pc) =	sbr.rel .LBB2_2-.Ltmp5, $4  }
0x1f7: {  	s30 =	simm.s32 $0x180;
	s28 =	sadd.s32 s6, s12  }
0x1f8: {  	[tilespmem:s30], [sflag:$0x4] =	stream.linear.gather [hbm4b:s28+s5], $0x50, $0x38;
	[tilespmem:$0x19B00] =	vst v63  }
0x1f9: {  	s29 =	simm.s32 $0x380;
	s15 =	sadd.s32 $0x1, s15;
	s12 =	sadd.s32 s7, s12  }
0x1fa: {  	[tilespmem:s29], [sflag:$0x4] =	stream.linear.gather [hbm4b:s12+s5], $0x50, $0x38;
	[tilespmem:$0x19B00] =	vst v63  }
.LBB2_12:
0x1fb: {  	[dreg:$0x1b] =	wrdreg s14  }
0x1fc: {  	_ =	swait.ge [sflag:s23], $0x2800  }
0x1fd: {  	[sflag:s23] =	ssyncset.done $0x0  }
0x1fe: {  	[sflag:s23] =	ssyncadd.s32 $0xFFFFD800  }
0x1ff: {  	_ =	swait.ge [sflag:s23], $0x2800  }
0x200: {  	[sflag:s23] =	ssyncset.done $0x0  }
0x201: {  	[sflag:s23] =	ssyncadd.s32 $0xFFFFD800  }
0x202: {  	_ =	swait.ge [sflag:s21], $0x2800  }
0x203: {  	[sflag:s21] =	ssyncset.done $0x0  }
0x204: {  	[sflag:s21] =	ssyncadd.s32 $0xFFFFD800  }
0x205: {  	_ =	swait.ge [sflag:s31], $0x50  }
0x206: {  	[sflag:s31] =	ssyncset.done $0x0  }
0x207: {  	s15 =	simm.s32 $0x0;
	[sflag:s31] =	ssyncadd.s32 $0xFFFFFFB0  }
0x208: {  	v9 =	vld [tilespmem:s15+$0x470]  }
0x209: {  	v13 =	vld [tilespmem:s15+$0xA470]  }
0x20a: {  	v14 =	vld [tilespmem:s15+$0x400]  }
0x20b: {  	v15 =	vld [tilespmem:s15+$0xA400]  }
0x20c: {  	v16 =	vld [tilespmem:s15+$0x410]  }
0x20d: {  	v22 =	vld [tilespmem:s15+$0xA410]  }
0x20e: {  	v23 =	vld [tilespmem:s15+$0x420]  }
0x20f: {  	v9 =	vadd.f32 v13, v9;
	v13 =	vld [tilespmem:s15+$0xA420]  }
0x210: {  	v24 =	vld [tilespmem:s15+$0x430]  }
0x211: {  	v25 =	vld [tilespmem:s15+$0xA430];
	v14 =	vadd.f32 v15, v14  }
0x212: {  	v26 =	vld [tilespmem:s15+$0x440];
	v15 =	vadd.f32 v22, v16  }
0x213: {  	v27 =	vld [tilespmem:s15+$0xA440];
	[tilespmem:s15+$0x14400] =	vst v14;
	v16 =	vmul.f32 v9, v9;
	v29 =	vmul.f32 v14, v14;
	v14 =	vadd.f32 v14, v12  }
0x214: {  	v22 =	vld [tilespmem:s15+$0x450];
	v28 =	vadd.f32 v13, v23;
	v13 =	vadd.f32 v9, v11  }
0x215: {  	[tilespmem:s15+$0x14470] =	vst v9;
	v23 =	vld [tilespmem:s15+$0xA450];
	v9 =	vadd.f32 v16, v10;
	v10 =	vadd.f32 v29, v21;
	v11 =	vmul.f32 v15, v15  }
0x216: {  	[tilespmem:s15+$0x14410] =	vst v15;
	v21 =	vld [tilespmem:s15+$0x460];
	v15 =	vadd.f32 v15, v20;
	v20 =	vadd.f32 v25, v24;
	v12 =	vmul.f32 v28, v28  }
0x217: {  	s17 =	simm.s32 $0x80;
	v24 =	vld [tilespmem:s15+$0xA460];
	[tilespmem:s15+$0x14420] =	vst v28;
	v11 =	vadd.f32 v11, v19;
	v16 =	vadd.f32 v28, v18  }
0x218: {  	s28 =	simm.s32 $0x400;
	s30 =	simm.s32 $0x180;
	v18 =	vmul.f32 v20, v20;
	v19 =	vld [tilespmem:s17+$0x470];
	[tilespmem:s15+$0x14430] =	vst v20;
	v12 =	vadd.f32 v12, v17;
	v17 =	vadd.f32 v27, v26  }
.LBB2_13:
0x219: {  	p0 =	sne.s32 s28, $0x9E00;
	v25 =	vld [tilespmem:s17+$0xA470];
	v8 =	vadd.f32 v20, v8  }
0x21a: {  	v20 =	vld [tilespmem:s17+$0x400];
	v4 =	vadd.f32 v18, v4;
	[tilespmem:s15+$0x14440] =	vst v17;
	v18 =	vmul.f32 v17, v17;
	v22 =	vadd.f32 v23, v22  }
0x21b: {  	v7 =	vadd.f32 v17, v7;
	v23 =	vld [tilespmem:s17+$0xA400]  }
0x21c: {  	v17 =	vld [tilespmem:s17+$0x410];
	v3 =	vadd.f32 v18, v3;
	[tilespmem:s15+$0x14450] =	vst v22;
	v18 =	vmul.f32 v22, v22;
	v21 =	vadd.f32 v24, v21  }
0x21d: {  	v6 =	vadd.f32 v22, v6;
	v24 =	vld [tilespmem:s17+$0xA410]  }
0x21e: {  	v22 =	vld [tilespmem:s17+$0x420];
	v19 =	vadd.f32 v25, v19;
	v2 =	vadd.f32 v18, v2;
	[tilespmem:s15+$0x14460] =	vst v21;
	v18 =	vmul.f32 v21, v21;
	s15 =	smov.u32 s17  }
0x21f: {  	v5 =	vadd.f32 v21, v5;
	v25 =	vld [tilespmem:s15+$0xA420]  }
0x220: {  	v20 =	vadd.f32 v23, v20;
	v21 =	vld [tilespmem:s15+$0x430];
	[tilespmem:s15+$0x14470] =	vst v19;
	v23 =	vmul.f32 v19, v19;
	v1 =	vadd.f32 v18, v1  }
0x221: {  	v13 =	vadd.f32 v19, v13;
	v18 =	vld [tilespmem:s15+$0xA430]  }
0x222: {  	[tilespmem:s15+$0x14400] =	vst v20;
	v19 =	vmul.f32 v20, v20;
	v17 =	vadd.f32 v24, v17;
	v26 =	vld [tilespmem:s15+$0x440];
	v9 =	vadd.f32 v23, v9  }
0x223: {  	v14 =	vadd.f32 v20, v14;
	v27 =	vld [tilespmem:s15+$0xA440]  }
.Ltmp6:
0x224: {  	v10 =	vadd.f32 v19, v10;
	[tilespmem:s15+$0x14410] =	vst v17;
	v19 =	vmul.f32 v17, v17;
	v24 =	vadd.f32 v25, v22;
	v22 =	vld [tilespmem:s15+$0x450];
	(pc) =	sbr.rel @p0 .LBB2_13-.Ltmp6, $4  }
0x225: {  	v15 =	vadd.f32 v17, v15;
	v23 =	vld [tilespmem:s15+$0xA450]  }
0x226: {  	v11 =	vadd.f32 v19, v11;
	[tilespmem:s15+$0x14420] =	vst v24;
	v17 =	vmul.f32 v24, v24;
	v20 =	vadd.f32 v18, v21;
	v21 =	vld [tilespmem:s15+$0x460]  }
0x227: {  	s17 =	sshra.s32 s28, $0x2;
	v16 =	vadd.f32 v24, v16;
	v24 =	vld [tilespmem:s15+$0xA460]  }
0x228: {  	s28 =	sadd.s32 $0x200, s28;
	v19 =	vld [tilespmem:s17+$0x470];
	v12 =	vadd.f32 v17, v12;
	[tilespmem:s15+$0x14430] =	vst v20;
	v18 =	vmul.f32 v20, v20;
	v17 =	vadd.f32 v27, v26  }
0x229: {  	v25 =	vld [tilespmem:s17+$0xA470]  }
0x22a: {  	v26 =	vld [tilespmem:s17+$0x400];
	[tilespmem:s15+$0x14440] =	vst v17;
	v22 =	vadd.f32 v23, v22  }
0x22b: {  	v39 =	vld [tilespmem:s17+$0xA400]  }
0x22c: {  	v27 =	vld [tilespmem:s17+$0x410];
	[tilespmem:s15+$0x14450] =	vst v22;
	v21 =	vadd.f32 v24, v21  }
0x22d: {  	v40 =	vld [tilespmem:s17+$0xA410]  }
0x22e: {  	v28 =	vld [tilespmem:s17+$0x420];
	[tilespmem:s15+$0x14460] =	vst v21  }
0x22f: {  	v41 =	vld [tilespmem:s17+$0xA420]  }
0x230: {  	v29 =	vld [tilespmem:s17+$0x430]  }
0x231: {  	v42 =	vld [tilespmem:s17+$0xA430]  }
0x232: {  	v43 =	vld [tilespmem:s17+$0x440]  }
0x233: {  	v30 =	vld [tilespmem:s17+$0xA440]  }
0x234: {  	v44 =	vld [tilespmem:s17+$0x450]  }
0x235: {  	v19 =	vadd.f32 v25, v19;
	v31 =	vld [tilespmem:s17+$0xA450]  }
0x236: {  	v32 =	vld [tilespmem:s17+$0x460];
	v23 =	vadd.f32 v39, v26  }
0x237: {  	v33 =	vld [tilespmem:s17+$0xA460];
	[tilespmem:s17+$0x14470] =	vst v19;
	v24 =	vadd.f32 v40, v27  }
0x238: {  	[tilespmem:s17+$0x14400] =	vst v23;
	v25 =	vadd.f32 v41, v28  }
0x239: {  	[tilespmem:s17+$0x14410] =	vst v24;
	v26 =	vadd.f32 v42, v29  }
0x23a: {  	v27 =	vadd.f32 v30, v43;
	[tilespmem:s17+$0x14420] =	vst v25  }
0x23b: {  	v28 =	vadd.f32 v31, v44;
	[tilespmem:s17+$0x14430] =	vst v26  }
0x23c: {  	v45 =	vadd.f32 v33, v32;
	[tilespmem:s17+$0x14440] =	vst v27  }
0x23d: {  	[tilespmem:s17+$0x14450] =	vst v28  }
0x23e: {  	s12 =	rddreg [dreg:$0x11];
	[tilespmem:s17+$0x14460] =	vst v45  }
0x23f: {  	[hbm4b:s12+s5] =	stream.linear.scatter [tilespmem:s10], [sflag:$0x9], $0x2800, $0x38;
	[tilespmem:$0x19B00] =	vst v63  }
0x240: {  	v46 =	vld [tilespmem:$0x0]  }
0x241: {  	v47 =	vld [tilespmem:$0x10]  }
0x242: {  	v48 =	vld [tilespmem:$0x20]  }
0x243: {  	v49 =	vld [tilespmem:$0x30]  }
0x244: {  	v34 =	vld [tilespmem:$0x40]  }
0x245: {  	[tilespmem:$0x19A00] =	vst v46  }
0x246: {  	[tilespmem:$0x19A10] =	vst v47  }
0x247: {  	[tilespmem:$0x19A20] =	vst v48  }
0x248: {  	[tilespmem:$0x19A30] =	vst v49  }
0x249: {  	[tilespmem:$0x19A40] =	vst v34  }
0x24a: {  	[spmem:s4] =	stream.indirect.scatter.add.f32 [tilespmem:s0], [sflag:$0xB], $0x1, s22, s19, $0xb8;
	[tilespmem:$0x19B00] =	vst v63  }
0x24b: {  	_ =	swait.ge [sflag:s11], $0x2800  }
0x24c: {  	[sflag:s11] =	ssyncset.done $0x0  }
0x24d: {  	[sflag:s11] =	ssyncadd.s32 $0xFFFFD800  }
0x24e: {  	_ =	swait.ge [sflag:s21], $0x2800  }
0x24f: {  	[sflag:s21] =	ssyncset.done $0x0  }
0x250: {  	[sflag:s21] =	ssyncadd.s32 $0xFFFFD800  }
0x251: {  	_ =	swait.ge [sflag:s9], $0x50  }
0x252: {  	[sflag:s9] =	ssyncset.done $0x0  }
0x253: {  	[sflag:s9] =	ssyncadd.s32 $0xFFFFFFB0  }
0x254: {  	_ =	swait.ge [sflag:s31], $0x50  }
0x255: {  	v14 =	vadd.f32 v23, v14;
	[sflag:s31] =	ssyncset.done $0x0  }
0x256: {  	v8 =	vadd.f32 v20, v8;
	v15 =	vadd.f32 v24, v15;
	[sflag:s31] =	ssyncadd.s32 $0xFFFFFFB0  }
0x257: {  	v7 =	vadd.f32 v17, v7;
	v50 =	vadd.f32 v25, v16;
	[tilespmem:$0x19480] =	vst v14  }
0x258: {  	v6 =	vadd.f32 v22, v6;
	v8 =	vadd.f32 v26, v8;
	[tilespmem:$0x19490] =	vst v15  }
0x259: {  	v5 =	vadd.f32 v21, v5;
	v7 =	vadd.f32 v27, v7;
	[tilespmem:$0x194A0] =	vst v50  }
0x25a: {  	v6 =	vadd.f32 v28, v6;
	[tilespmem:$0x194B0] =	vst v8  }
0x25b: {  	v5 =	vadd.f32 v45, v5;
	[tilespmem:$0x194C0] =	vst v7  }
0x25c: {  	v51 =	vadd.f32 v19, v13;
	[tilespmem:$0x194D0] =	vst v6  }
0x25d: {  	[tilespmem:$0x194E0] =	vst v5  }
0x25e: {  	s28 =	simm.s32 $0x19480;
	s29 =	simm.s32 $0xD;
	s17 =	rddreg [dreg:$0x12];
	[tilespmem:$0x194F0] =	vst v51  }
0x25f: {  	v52 =	vmul.f32 v17, v17;
	v53 =	vmul.f32 v23, v23;
	[hbm4b:s17+s5] =	stream.linear.scatter [tilespmem:s28], [sflag:$0xD], $0x80, $0x38;
	[tilespmem:$0x19B00] =	vst v63  }
0x260: {  	v4 =	vadd.f32 v18, v4;
	v54 =	vmul.f32 v24, v24;
	_ =	swait.ge [sflag:s29], $0x80  }
0x261: {  	v3 =	vadd.f32 v52, v3;
	v55 =	vadd.f32 v53, v10;
	v56 =	vmul.f32 v25, v25;
	[sflag:s29] =	ssyncset.done $0x0  }
0x262: {  	v57 =	vmul.f32 v22, v22;
	v58 =	vmul.f32 v26, v26;
	v7 =	vadd.f32 v54, v11;
	[sflag:s29] =	ssyncadd.s32 $0xFFFFFF80  }
0x263: {  	v59 =	vmul.f32 v21, v21;
	v60 =	vmul.f32 v27, v27;
	v6 =	vadd.f32 v56, v12;
	[tilespmem:$0x19480] =	vst v55  }
0x264: {  	v2 =	vadd.f32 v57, v2;
	v61 =	vmul.f32 v28, v28;
	v4 =	vadd.f32 v58, v4;
	[tilespmem:$0x19490] =	vst v7  }
0x265: {  	v1 =	vadd.f32 v59, v1;
	v62 =	vmul.f32 v45, v45;
	v3 =	vadd.f32 v60, v3;
	[tilespmem:$0x194A0] =	vst v6  }
0x266: {  	v63 =	vmul.f32 v19, v19;
	v2 =	vadd.f32 v61, v2;
	[tilespmem:$0x194B0] =	vst v4  }
0x267: {  	v1 =	vadd.f32 v62, v1;
	[tilespmem:$0x194C0] =	vst v3  }
0x268: {  	v3 =	vadd.f32 v63, v9;
	[tilespmem:$0x194D0] =	vst v2  }
0x269: {  	[tilespmem:$0x194E0] =	vst v1  }
0x26a: {  	s13 =	rddreg [dreg:$0x13];
	[tilespmem:$0x194F0] =	vst v3  }
0x26b: {  	[hbm4b:s13+s5] =	stream.linear.scatter [tilespmem:s28], [sflag:$0xD], $0x80, $0x38;
	[tilespmem:$0x19B00] =	vst v63  }
0x26c: {  	_ =	swait.ge [sflag:s29], $0x80  }
0x26d: {  	[sflag:s29] =	ssyncset.done $0x0  }
0x26e: {  	s14 =	stileid.u32;
	[sflag:s29] =	ssyncadd.s32 $0xFFFFFF80  }
0x26f: {  	s12 =	sshll.u32 s14, $0x6;
	[bflag:$0x0] =	sbarrier.arrive $0xFFFF  }
0x270: {  	s14 =	simm.s32 $0x10;
	s12 =	sor.u32 $0x1C0D, s12;
	s17 =	rddreg [dreg:$0x5]  }
0x271: {  	s13 =	simm.s32 $0x20;
	s28 =	rddreg [dreg:$0x14];
	s15 =	sshrl.u32 s17, $0x3  }
0x272: {  	[hbm:s28@s13], [sflag:s12] =	dma.strided [spmem:s15@s14], $0x50, s18, $0x10   }
0x273: {  	_ =	swait.ge [sflag:s29], $0x50  }
0x274: {  	s15 =	rddreg [dreg:$0x1b]  }
0x275: {  	s28 =	rddreg [dreg:$0x15];
	s14 =	sadd.s32 $0x1, s15  }
0x276: {  	p0 =	sne.s32 s14, s28  }
.Ltmp7:
0x277: {  	_ = 	snop;
	(pc) =	sbr.rel @p0 .LBB2_1-.Ltmp7, $3  }
0x278: {  	_ =	sdelay $0x1  }
0x279: {  	[sflag:s29] =	ssyncset.done $0x0  }
0x27a: {  	s13 =	simm.s32 $0x16C00;
	[sflag:s29] =	ssyncadd.s32 $0xFFFFFFB0  }
0x27b: {  	_ =	sfence.sel $0x180000  }
0x27c: {  	[bflag:$0x0] =	sbarrier.arrive $0xFFFF  }
0x27d: {  	_ =	strace $0x90000047  }
0x27e: {  	s0 =	stileid.u32;
	[bflag:$0x2] =	sbarrier.arrive $0xFFFF  }
0x27f: {  	p0 =	sne.s32 s0, $0x0;
	s0 =	rddreg [dreg:$0x4]  }
0x280: {  	s0 =	sadd.s32 @!p0 $0x100000, s0  }
0x281: {  	[sflag:s0] =	ssyncadd.tile.s32 @!p0 $0x1;
	_ =	shalt  }
.Lfunc_end2:
_tile_overlayer_lowered:
.L_overlay_start_2:
0x282: {  	(tag) =	ssettag $0x2  }
0x283: {  	s0 =	rddreg [dreg:$0x0];
	s2 =	stileid.u32  }
0x284: {  	s1 =	rddreg [dreg:$0x1];
	p0 =	sne.s32 s2, $0x0  }
0x285: {  	s3 =	rddreg [dreg:$0x2];
	[bflag:$0x3] =	sbarrier.arrive $0xFFFF;
	s2 =	simm.s32 @!p0 $0x1C0D  }
0x286: {  	[timem:s3], [sflag:s2] =	dma.local @!p0 [hbm:s0], s1  }
0x287: {  	s0 =	simm.s32 @!p0 $0xD  }
0x288: {  	_ =	swait.ge @!p0 [sflag:s0], s1  }
0x289: {  	s1 =	ssub.s32 @!p0 $0x0, s1;
	[sflag:s0] =	ssyncset.done @!p0 $0x0  }
0x28a: {  	[sflag:s0] =	ssyncadd.s32 @!p0 s1  }
0x28b: {  	[bflag:$0x3] =	sbarrier.arrive $0xFFFF  }
0x28c: {  	_ =	shalt  }

// kernel: kernel.9.cloned.1.call-start
scs
__scs_entry_jumppad:
0x0: {  	(pc) =	sbr.rel $0x88, $3  }
0x1: {  	(tag) =	ssettag $0x0;
	lr =	simm.s32 $0x1  }
0x2: {  	[smem:$0x3F9C] =	sst lr;
	_ =	strace $0xD0000000  }
0x3: {  	_ = 	snop  }
0x4: {  	_ = 	snop  }
0x5: {  	_ = 	snop  }
0x6: {  	_ = 	snop  }
0x7: {  	_ = 	snop  }
__scs_overlays_trampoline_lowered:
0x8: {  	[smem:$0x3FAB] =	sst s0  }
0x9: {  	[smem:$0x3FAC] =	sst s1  }
0xa: {  	[smem:$0x3FAD] =	sst s2  }
0xb: {  	[smem:$0x3FAE] =	sst s3  }
0xc: {  	[smem:$0x3FAF] =	sst s4  }
0xd: {  	[smem:$0x3FB0] =	sst s5  }
0xe: {  	[smem:$0x3FB1] =	sst s6  }
0xf: {  	[smem:$0x3FB2] =	sst s7  }
0x10: {  	[smem:$0x3FB3] =	sst s8  }
0x11: {  	[smem:$0x3FB4] =	sst s9;
	s0 =	simm.s32 @!p0 $0x0  }
0x12: {  	s1 =	sld [smem:$0x3F9A];
	s0 =	simm.s32 @p0 $0x1  }
0x13: {  	[smem:$0x3FB5] =	sst s0;
	s0 =	simm.s32 @!p1 $0x0  }
0x14: {  	s2 =	sld [smem:$0x3F99];
	s0 =	simm.s32 @p1 $0x1  }
0x15: {  	[smem:$0x3FB6] =	sst s0;
	s0 =	simm.s32 @!p2 $0x0  }
0x16: {  	s3 =	sld [smem:$0x3FDB];
	s0 =	simm.s32 @p2 $0x1  }
0x17: {  	s4 =	simm.s32 $0x1BF5;
	[smem:$0x3FB8] =	sst s0  }
0x18: {  	s0 =	sld [smem:$0x3F9B];
	_ =	swait.ge [sflag:s4], $0x0  }
0x19: {  	s7 =	sld [smem:$0x3F9C]  }
0x1a: {  	s8 =	sadd.s32 $0xFFFFE003, lr  }
0x1b: {  	s9 =	sadd.s32 $0xFFFFFEF7, lr;
	s5 =	simm.s32 $0xFFFFFFFF;
	p2 =	slt.u32 s8, $0xFFFFF086  }
0x1c: {  	p1 =	slt.u32 s9, $0xF7A;
	s5 =	simm.s32 @!p2 $0x0  }
0x1d: {  	s5 =	simm.s32 @p1 $0x1;
	p0 =	seq.s32 s7, s2  }
0x1e: {  	s7 =	smul.u32 @!p0 $0xF7A, s2;
	p2 =	seq.s32 @!p0 s5, $0x0  }
0x1f: {  	s9 =	smul.u32 $0xF7A, s1;
	s8 =	simm.s32 @!p0 $0x1BF5;
	p2 =	por !p2, p0  }
0x20: {  	[sflag:s8] =	ssyncset.s32 @!p0 $0xFFFFF086;
	s6 =	sadd.s32 @!p0 s3, s7;
	s7 =	simm.s32 @!p0 $0x108  }
0x21: {  	s3 =	sadd.s32 s3, s9;
	s6 =	sadd.s32 @!p0 $0x88, s6;
	s7 =	simm.s32 @p2 $0x1082  }
0x22: {  	[simem:s7], [sflag:s8] =	dma.local @!p0 [hbm:s6], $0xF7A  }
0x23: {  	s9 =	sor.u32 $0xD0000000, s2;
	s6 =	simm.s32 $0x108;
	_ =	swait.ge @!p0 [sflag:s8], $0x0  }
0x24: {  	s3 =	sadd.s32 $0x88, s3;
	s6 =	simm.s32 @!p1 $0x1082;
	[sflag:s4] =	ssyncset.s32 $0xFFFFF086  }
0x25: {  	[simem:s6], [sflag:s4] =	dma.local [hbm:s3], $0xF7A  }
0x26: {  	[smem:$0x3F9C] =	sst s1;
	(tag) =	ssettag s2;
	_ =	strace s9  }
0x27: {  	s1 =	sld [smem:$0x3FAC]  }
0x28: {  	s2 =	sld [smem:$0x3FAD]  }
0x29: {  	s4 =	sld [smem:$0x3FAF]  }
0x2a: {  	p0 =	seq.s32 s5, $0x0;
	s5 =	sld [smem:$0x3FB0]  }
0x2b: {  	s6 =	sld [smem:$0x3FB1]  }
0x2c: {  	s7 =	sld [smem:$0x3FB2]  }
0x2d: {  	s3 =	simm.s32 $0x108;
	s8 =	sld [smem:$0x3FB3]  }
0x2e: {  	s3 =	simm.s32 @!p0 $0x1082;
	s9 =	sld [smem:$0x3FB4]  }
0x2f: {  	lr =	sadd.s32 s0, s3;
	s0 =	sld [smem:$0x3FAB]  }
0x30: {  	s3 =	sld [smem:$0x3FAE]  }
0x31: {  	[smem:$0x3FB7] =	sst s10  }
0x32: {  	s10 =	sld [smem:$0x3FB5];
	_ =	sdelay $0x3  }
0x33: {  	p0 =	seq.s32 s10, $0x1;
	s10 =	sld [smem:$0x3FB7];
	_ =	sdelay $0x3  }
0x34: {  	[smem:$0x3FB7] =	sst s10  }
0x35: {  	s10 =	sld [smem:$0x3FB6];
	_ =	sdelay $0x3  }
0x36: {  	p1 =	seq.s32 s10, $0x1;
	s10 =	sld [smem:$0x3FB7];
	_ =	sdelay $0x3  }
0x37: {  	[smem:$0x3FB7] =	sst s10  }
0x38: {  	s10 =	sld [smem:$0x3FB8]  }
0x39: {  	_ = 	snop;
	(pc) =	sbr.ind lr, $3  }
0x3a: {  	_ = 	snop  }
0x3b: {  	_ = 	snop  }
0x3c: {  	p2 =	seq.s32 s10, $0x1;
	s10 =	sld [smem:$0x3FB7]  }
0x3d: {  	_ =	shalt  }
0x3e: {  	_ =	shalt  }
0x3f: {  	_ =	shalt  }
0x40: {  	_ =	shalt  }
0x41: {  	_ =	shalt  }
0x42: {  	_ =	shalt  }
0x43: {  	_ =	shalt  }
0x44: {  	_ =	shalt  }
0x45: {  	_ =	shalt  }
0x46: {  	_ =	shalt  }
0x47: {  	_ =	shalt  }
0x48: {  	_ =	shalt  }
0x49: {  	_ =	shalt  }
0x4a: {  	_ =	shalt  }
0x4b: {  	_ =	shalt  }
0x4c: {  	_ =	shalt  }
0x4d: {  	_ =	shalt  }
0x4e: {  	_ =	shalt  }
0x4f: {  	_ =	shalt  }
0x50: {  	_ =	shalt  }
0x51: {  	_ =	shalt  }
0x52: {  	_ =	shalt  }
0x53: {  	_ =	shalt  }
0x54: {  	_ =	shalt  }
0x55: {  	_ =	shalt  }
0x56: {  	_ =	shalt  }
0x57: {  	_ =	shalt  }
0x58: {  	_ =	shalt  }
0x59: {  	_ =	shalt  }
0x5a: {  	_ =	shalt  }
0x5b: {  	_ =	shalt  }
0x5c: {  	_ =	shalt  }
0x5d: {  	_ =	shalt  }
0x5e: {  	_ =	shalt  }
0x5f: {  	_ =	shalt  }
0x60: {  	_ =	shalt  }
0x61: {  	_ =	shalt  }
0x62: {  	_ =	shalt  }
0x63: {  	_ =	shalt  }
0x64: {  	_ =	shalt  }
0x65: {  	_ =	shalt  }
0x66: {  	_ =	shalt  }
0x67: {  	_ =	shalt  }
0x68: {  	_ =	shalt  }
0x69: {  	_ =	shalt  }
0x6a: {  	_ =	shalt  }
0x6b: {  	_ =	shalt  }
0x6c: {  	_ =	shalt  }
0x6d: {  	_ =	shalt  }
0x6e: {  	_ =	shalt  }
0x6f: {  	_ =	shalt  }
0x70: {  	_ =	shalt  }
0x71: {  	_ =	shalt  }
0x72: {  	_ =	shalt  }
0x73: {  	_ =	shalt  }
0x74: {  	_ =	shalt  }
0x75: {  	_ =	shalt  }
0x76: {  	_ =	shalt  }
0x77: {  	_ =	shalt  }
0x78: {  	_ =	shalt  }
0x79: {  	_ =	shalt  }
0x7a: {  	_ =	shalt  }
0x7b: {  	_ =	shalt  }
0x7c: {  	_ =	shalt  }
0x7d: {  	_ =	shalt  }
0x7e: {  	_ =	shalt  }
0x7f: {  	_ =	shalt  }
0x80: {  	_ =	shalt  }
0x81: {  	_ =	shalt  }
0x82: {  	_ =	shalt  }
0x83: {  	_ =	shalt  }
0x84: {  	_ =	shalt  }
0x85: {  	_ =	shalt  }
0x86: {  	_ =	shalt  }
0x87: {  	_ =	shalt  }
.Lfunc_end0:
.L_simem_size_0:
called_computation.1_lowered:
.L_overlay_start_0:
0x88: {  	s2 =	sld [smem:$0x3FD9]  }
0x89: {  	s3 =	sld [smem:$0x3FFE];
	_ =	sdelay $0x1  }
0x8a: {  	s1 =	srdreg.scid  }
0x8b: {  	s0 =	sand.u32 $0x1, s1  }
0x8c: {  	s14 =	sshll.u32 s0, $0xA;
	s2 =	sadd.s32 s3, s2  }
0x8d: {  	s2 =	sadd.s32 s2, s14  }
0x8e: {  	[smem:$0x3FC3] =	sst s2  }
0x8f: {  	_ = 	snop  }
0x90: {  	s2 =	sld [smem:$0x3FD0];
	_ =	sdelay $0x2  }
0x91: {  	s15 =	simm.s32 $0xA;
	s4 =	simm.s32 $0x10  }
0x92: {  	[smem:s4], [sflag:s15] =	dma.local [hbm:s2], $0x1  }
0x93: {  	_ =	swait.eq [sflag:s15], $0x1  }
0x94: {  	[sflag:s15] =	ssyncset.done $0x0  }
0x95: {  	s16 =	sld [smem:$0x10];
	[sflag:s15] =	ssyncadd.s32 $0xFFFFFFFF  }
0x96: {  	s17 =	sld [smem:$0x11];
	(tm) =	ssettm $0x1  }
0x97: {  	s18 =	sld [smem:$0x3FFB];
	_ =	sdelay $0x3  }
0x98: {  	_ =	strace s18  }
0x99: {  	s4 =	sld [smem:$0x3FFC];
	_ =	sdelay $0x3  }
0x9a: {  	_ =	strace s4  }
0x9b: {  	s4 =	sld [smem:$0x3FFD];
	_ =	sdelay $0x3  }
0x9c: {  	_ =	strace s4  }
0x9d: {  	_ =	strace $0x8FFFFFFF  }
0x9e: {  	s19 =	sld [smem:$0x3FDB];
	_ =	sdelay $0x1  }
0x9f: {  	s5 =	simm.s32 $_scs_section_size  }
0xa0: {  	s6 =	simm.s32 $_size__tile_overlayer_lowered;
	s7 =	simm.s32 $_tile_overlayer_lowered  }
0xa1: {  	s22 =	simm.s32 $0x1BFF;
	s21 =	sshll.u32 s7, $0x1;
	s4 =	sadd.s32 s5, s19  }
0xa2: {  	s8 =	simm.s32 $0x0;
	s20 =	sshll.u32 s6, $0x1;
	s6 =	sadd.s32 s21, s4  }
0xa3: {  	[timem:s8], [sflag:s22] =	dma.local [hbm:s6], s20  }
0xa4: {  	_ =	swait.ge [sflag:s22], s20  }
0xa5: {  	s5 =	ssub.s32 $0x0, s20;
	[sflag:s22] =	ssyncset.done $0x0  }
0xa6: {  	[sflag:s22] =	ssyncadd.s32 s5;
	_ =	sdelay $0x1  }
0xa7: {  	s23 =	simm.s32 $0x1B8B  }
0xa8: {  	_ =	swait.ge [sflag:s23], $0x1  }
0xa9: {  	[sflag:s23] =	ssyncset.done $0x0  }
0xaa: {  	s25 =	simm.s32 $0x1B8E;
	s24 =	sld [smem:$0x3FFE];
	[sflag:s23] =	ssyncadd.s32 $0xFFFFFFFF  }
0xab: {  	s26 =	simm.s32 $execute0_lowered;
	[smem:$0x3FD2] =	sst s25  }
0xac: {  	s6 =	sshll.u32 s26, $0x1;
	_ =	strace $0x80000049;
	[dreg:$0x1] =	wrdreg $0xFFFFFFFF  }
0xad: {  	s28 =	simm.s32 $_size_execute0_lowered;
	s4 =	sadd.s32 s4, s6;
	[dreg:$0x0] =	wrdreg $0x0  }
0xae: {  	s6 =	sshll.u32 s28, $0x1;
	[dreg:$0x2] =	wrdreg s4  }
0xaf: {  	[dreg:$0x3] =	wrdreg s6  }
0xb0: {  	[dreg:$0x4] =	wrdreg $0xC0  }
0xb1: {  	_ =	task [dreg:s8], $0x5FFFF  }
0xb2: {  	[dreg:$0x1] =	wrdreg $0xFFFFFFFF  }
0xb3: {  	[dreg:$0x0] =	wrdreg $0x60  }
0xb4: {  	[dreg:$0x2] =	wrdreg s24  }
0xb5: {  	[dreg:$0x3] =	wrdreg s16  }
0xb6: {  	[dreg:$0x4] =	wrdreg s17  }
0xb7: {  	[dreg:$0x5] =	wrdreg $0xA3000  }
0xb8: {  	[dreg:$0x6] =	wrdreg $0x9  }
0xb9: {  	_ =	task.clear_ibuf [dreg:s8], $0x7FFFF;
	_ =	strace $0x90000049  }
0xba: {  	s29 =	simm.s32 $0x9;
	_ =	strace $0x8000004B  }
0xbb: {  	_ =	swait.ge [sflag:s29], $0x1  }
0xbc: {  	[sflag:s29] =	ssyncadd.s32 $0xFFFFFFFF  }
0xbd: {  	_ =	strace $0x9000004B  }
0xbe: {  	_ =	sfence  }
0xbf: {  	s30 =	sld [smem:$0x0];
	_ =	sdelay $0x2  }
0xc0: {  	s31 =	sshll.u32 s1, $0xD;
	s1 =	sshrl.u32 s1, $0x2  }
0xc1: {  	s3 =	sand.u32 $0x4000, s31;
	s1 =	sadd.s32 s1, s30  }
0xc2: {  	s0 =	sor.u32 s3, s0;
	s1 =	sshll.u32 s1, $0x11  }
0xc3: {  	s0 =	sor.u32 s1, s0  }
0xc4: {  	s0 =	sadd.s32 $0x8F2B, s0  }
0xc5: {  	[sflag:s0] =	ssyncadd.remote.s32 $0x1  }
0xc6: {  	_ =	sfence.sel $0xFFFF  }
0xc7: {  	[dreg:$0x0] =	wrdreg $0xFFFFFFFF;
	(pc) =	sbr.abs _section_cstart, $3  }
0xc8: {  	[dreg:$0x1] =	wrdreg $0xFFFFFFFF  }
0xc9: {  	_ =	task.clear_ibuf [dreg:s8], $0x2FFFF;
	_ =	strace $0x9FFFFFFF  }
0xca: {  	(tm) =	ssettm $0x7FFFFFFF  }
0xcb: {  	_ =	shalt  }
tec
execute0_lowered:
.L_overlay_start_1:
0x0: {  	(tag) =	ssettag $0x1  }
0x1: {  	s0 =	rddreg [dreg:$0x0]  }
0x2: {  	s2 =	rddreg [dreg:$0x2]  }
0x3: {  	s3 =	rddreg [dreg:$0x3];
	s1 =	srdreg.scid  }
0x4: {  	s5 =	simm.s32 $0x0;
	s9 =	stileid.u32;
	s31 =	simm.s32 $0x5200  }
0x5: {  	s29 =	simm.s32 $0x80;
	s1 =	sand.u32 $0x1, s1;
	s8 =	smul.u32 $0x14000, s9  }
0x6: {  	[smem:$0x7FF] =	sst s5;
	s30 =	smul.u32 $0x50000, s9;
	s9 =	sshll.u32 s9, $0x1  }
0x7: {  	s4 =	smul.u32 $0x140000, s1;
	s11 =	ssub.s32 $0x2, s1;
	s1 =	sor.u32 s1, s9  }
0x8: {  	s6 =	sadd.s32 $0xAE00, s0;
	s28 =	sadd.s32 $0x14C00, s0;
	s12 =	smul.u32 $0x2710, s1  }
0x9: {  	s7 =	sadd.s32 $0x15A00, s0;
	_ =	strace $0x8000004A;
	[dreg:$0x5] =	wrdreg s28  }
0xa: {  	s10 =	sshrl.u32 s11, $0x1;
	s17 =	smul.u32 $0x27100, s1;
	s21 =	sadd.s32 $0x50, s12  }
0xb: {  	s1 =	smul.u32 $0x138800, s1;
	s25 =	sadd.s32 $0xA0, s12;
	[dreg:$0xf] =	wrdreg s21  }
0xc: {  	s4 =	sadd.s32 s8, s4;
	s26 =	sadd.s32 $0xF0, s12;
	[dreg:$0x16] =	wrdreg s25  }
0xd: {  	s8 =	sshrl.u32 s30, $0x2;
	s28 =	sadd.s32 $0x140, s12;
	[dreg:$0x17] =	wrdreg s26  }
0xe: {  	s4 =	sshrl.u32 s4, $0x3;
	s30 =	sadd.s32 $0x190, s12;
	[dreg:$0x18] =	wrdreg s28  }
0xf: {  	s19 =	sadd.s32 s8, s3;
	s20 =	sshrl.u32 s12, $0x3;
	[dreg:$0x19] =	wrdreg s30  }
0x10: {  	s1 =	sshrl.u32 s1, $0x3;
	s8 =	sadd.s32 $0x2800, s19;
	[dreg:$0x6] =	wrdreg s19  }
0x11: {  	s0 =	sadd.s32 s4, s0;
	s13 =	sadd.s32 $0x5000, s19;
	[dreg:$0x7] =	wrdreg s8  }
0x12: {  	s4 =	ssub.s32 s11, s10;
	s14 =	sadd.s32 $0x7800, s19;
	[dreg:$0x8] =	wrdreg s13  }
0x13: {  	s15 =	sadd.s32 $0xA000, s19;
	s16 =	sadd.s32 $0xC800, s19;
	[dreg:$0x9] =	wrdreg s14  }
0x14: {  	s18 =	sadd.s32 $0xF000, s19;
	s11 =	sadd.s32 $0x11800, s19;
	[dreg:$0xa] =	wrdreg s15  }
0x15: {  	s9 =	sadd.s32 s6, s20;
	s22 =	sshrl.u32 s21, $0x3;
	[dreg:$0xb] =	wrdreg s16  }
0x16: {  	s23 =	sshll.u32 s21, $0x4;
	s1 =	sadd.s32 s2, s1;
	[dreg:$0xc] =	wrdreg s18  }
0x17: {  	s10 =	simm.s32 $0xB;
	s20 =	simm.s32 $0x7;
	[dreg:$0xd] =	wrdreg s11  }
0x18: {  	s21 =	simm.s32 $0x9;
	s25 =	simm.s32 $0x4;
	[dreg:$0xe] =	wrdreg s9  }
0x19: {  	s8 =	sadd.s32 s7, s17;
	s1 =	sadd.s32 $0x26C00, s1;
	s0 =	sadd.s32 $0x4F7A00, s0  }
0x1a: {  	s24 =	smax.u32 s4, $0x1;
	s4 =	smov.u32 s12;
	s11 =	simm.s32 $0x5  }
0x1b: {  	s12 =	simm.s32 $0x1;
	s13 =	simm.s32 $0x50;
	s14 =	simm.s32 $0x100  }
0x1c: {  	s15 =	simm.s32 $0x6;
	s16 =	simm.s32 $0x2;
	[dreg:$0x10] =	wrdreg s8  }
0x1d: {  	s17 =	simm.s32 $0x7A00;
	s18 =	simm.s32 $0x180;
	[dreg:$0x13] =	wrdreg s1  }
0x1e: {  	s9 =	simm.s32 $0x0;
	s8 =	sadd.s32 s6, s22;
	[dreg:$0x14] =	wrdreg s0  }
0x1f: {  	[dreg:$0x15] =	wrdreg s24;
	s1 =	simm.s32 $0x200;
	s22 =	simm.s32 $0x3  }
0x20: {  	s24 =	simm.s32 $0xA;
	[dreg:$0x11] =	wrdreg s8;
	s8 =	sadd.s32 s7, s23  }
0x21: {  	v0 =	vimm.f32 $0.0e+00;
	s23 =	simm.s32 $0x8;
	[dreg:$0x12] =	wrdreg s8;
	s8 =	simm.s32 $0x2A00  }
.LBB2_1:
0x22: {  	[dreg:$0x1a] =	wrdreg s9  }
0x23: {  	s0 =	rddreg [dreg:$0x5];
	s26 =	simm.s32 $0xA200  }
0x24: {  	[tilespmem:s26], [sflag:$0xB] =	stream.linear.gather [hbm4b:s0+s5], $0x80, $0x38;
	[tilespmem:$0x1E300] =	vst v63  }
0x25: {  	_ =	swait.ge [sflag:s10], $0x80  }
0x26: {  	[sflag:s10] =	ssyncset.done $0x0  }
0x27: {  	[sflag:s10] =	ssyncadd.s32 $0xFFFFFF80  }
0x28: {  	s30 =	simm.s32 $0xA280;
	s28 =	rddreg [dreg:$0x1]  }
0x29: {  	[tilespmem:s30], [sflag:$0xB] =	stream.linear.gather [hbm4b:s28+s5], $0x80, $0x38;
	[tilespmem:$0x1E300] =	vst v63  }
0x2a: {  	_ =	swait.ge [sflag:s10], $0x80  }
0x2b: {  	[sflag:s10] =	ssyncset.done $0x0  }
0x2c: {  	[sflag:s10] =	ssyncadd.s32 $0xFFFFFF80  }
0x2d: {  	v13 =	vld [tilespmem:$0xA200]  }
0x2e: {  	v11 =	vld [tilespmem:$0xA210]  }
0x2f: {  	v9 =	vld [tilespmem:$0xA220]  }
0x30: {  	v8 =	vld [tilespmem:$0xA230]  }
0x31: {  	v5 =	vld [tilespmem:$0xA240]  }
0x32: {  	v3 =	vld [tilespmem:$0xA250]  }
0x33: {  	v1 =	vld [tilespmem:$0xA260]  }
0x34: {  	v15 =	vld [tilespmem:$0xA270]  }
0x35: {  	v14 =	vld [tilespmem:$0xA280]  }
0x36: {  	v12 =	vld [tilespmem:$0xA290]  }
0x37: {  	v10 =	vld [tilespmem:$0xA2A0]  }
0x38: {  	v7 =	vld [tilespmem:$0xA2B0]  }
0x39: {  	v6 =	vld [tilespmem:$0xA2C0]  }
0x3a: {  	v4 =	vld [tilespmem:$0xA2D0]  }
0x3b: {  	v2 =	vld [tilespmem:$0xA2E0]  }
0x3c: {  	s9 =	simm.s32 $0x200;
	s0 =	simm.s32 $0x0;
	v16 =	vld [tilespmem:$0xA2F0]  }
.LBB2_2:
0x3d: {  	p0 =	sne.s32 s9, $0x9E00;
	[tilespmem:s0+$0x5270] =	vst v0  }
0x3e: {  	[tilespmem:s0+$0x5200] =	vst v0  }
0x3f: {  	[tilespmem:s0+$0x5210] =	vst v0  }
.Ltmp0:
0x40: {  	[tilespmem:s0+$0x5220] =	vst v0;
	(pc) =	sbr.rel @p0 .LBB2_2-.Ltmp0, $4  }
0x41: {  	[tilespmem:s0+$0x5230] =	vst v0  }
0x42: {  	[tilespmem:s0+$0x5240] =	vst v0  }
0x43: {  	[tilespmem:s0+$0x5250] =	vst v0  }
0x44: {  	[tilespmem:s0+$0x5260] =	vst v0;
	s0 =	sshra.s32 s9, $0x2;
	s9 =	sadd.s32 $0x200, s9  }
0x45: {  	[tilespmem:s0+$0x5270] =	vst v0  }
0x46: {  	[tilespmem:s0+$0x5200] =	vst v0  }
0x47: {  	[tilespmem:s0+$0x5210] =	vst v0  }
0x48: {  	[tilespmem:s0+$0x5220] =	vst v0  }
0x49: {  	[tilespmem:s0+$0x5230] =	vst v0  }
0x4a: {  	[tilespmem:s0+$0x5240] =	vst v0  }
0x4b: {  	[tilespmem:s0+$0x5250] =	vst v0  }
0x4c: {  	[tilespmem:s0+$0x5260] =	vst v0  }
0x4d: {  	[spmem:s19] =	stream.linear.scatter [tilespmem:s31], [sflag:$0xB], $0x2800, $0x38;
	[tilespmem:$0x1E300] =	vst v63  }
0x4e: {  	_ =	swait.ge [sflag:s10], $0x2800  }
0x4f: {  	[sflag:s10] =	ssyncset.done $0x0  }
0x50: {  	s30 =	rddreg [dreg:$0x7];
	[sflag:s10] =	ssyncadd.s32 $0xFFFFD800  }
0x51: {  	[spmem:s30] =	stream.linear.scatter [tilespmem:s31], [sflag:$0xB], $0x2800, $0x38;
	[tilespmem:$0x1E300] =	vst v63  }
0x52: {  	_ =	swait.ge [sflag:s10], $0x2800  }
0x53: {  	[sflag:s10] =	ssyncset.done $0x0  }
0x54: {  	s9 =	rddreg [dreg:$0x8];
	[sflag:s10] =	ssyncadd.s32 $0xFFFFD800  }
0x55: {  	[spmem:s9] =	stream.linear.scatter [tilespmem:s31], [sflag:$0xB], $0x2800, $0x38;
	[tilespmem:$0x1E300] =	vst v63  }
0x56: {  	_ =	swait.ge [sflag:s10], $0x2800  }
0x57: {  	[sflag:s10] =	ssyncset.done $0x0  }
0x58: {  	s19 =	rddreg [dreg:$0x9];
	[sflag:s10] =	ssyncadd.s32 $0xFFFFD800  }
0x59: {  	[spmem:s19] =	stream.linear.scatter [tilespmem:s31], [sflag:$0xB], $0x2800, $0x38;
	[tilespmem:$0x1E300] =	vst v63  }
0x5a: {  	_ =	swait.ge [sflag:s10], $0x2800  }
0x5b: {  	[sflag:s10] =	ssyncset.done $0x0  }
0x5c: {  	s26 =	rddreg [dreg:$0xa];
	[sflag:s10] =	ssyncadd.s32 $0xFFFFD800  }
0x5d: {  	[spmem:s26] =	stream.linear.scatter [tilespmem:s31], [sflag:$0xB], $0x2800, $0x38;
	[tilespmem:$0x1E300] =	vst v63  }
0x5e: {  	_ =	swait.ge [sflag:s10], $0x2800  }
0x5f: {  	[sflag:s10] =	ssyncset.done $0x0  }
0x60: {  	s28 =	rddreg [dreg:$0xb];
	[sflag:s10] =	ssyncadd.s32 $0xFFFFD800  }
0x61: {  	[spmem:s28] =	stream.linear.scatter [tilespmem:s31], [sflag:$0xB], $0x2800, $0x38;
	[tilespmem:$0x1E300] =	vst v63  }
0x62: {  	_ =	swait.ge [sflag:s10], $0x2800  }
0x63: {  	[sflag:s10] =	ssyncset.done $0x0  }
0x64: {  	s30 =	rddreg [dreg:$0xc];
	[sflag:s10] =	ssyncadd.s32 $0xFFFFD800  }
0x65: {  	[spmem:s30] =	stream.linear.scatter [tilespmem:s31], [sflag:$0xB], $0x2800, $0x38;
	[tilespmem:$0x1E300] =	vst v63  }
0x66: {  	_ =	swait.ge [sflag:s10], $0x2800  }
0x67: {  	[sflag:s10] =	ssyncset.done $0x0  }
0x68: {  	s9 =	rddreg [dreg:$0xd];
	[sflag:s10] =	ssyncadd.s32 $0xFFFFD800  }
0x69: {  	[spmem:s9] =	stream.linear.scatter [tilespmem:s31], [sflag:$0xB], $0x2800, $0x38;
	[tilespmem:$0x1E300] =	vst v63  }
0x6a: {  	_ =	swait.ge [sflag:s10], $0x2800  }
0x6b: {  	[sflag:s10] =	ssyncset.done $0x0  }
0x6c: {  	[sflag:s10] =	ssyncadd.s32 $0xFFFFD800  }
0x6d: {  	[bflag:$0x0] =	sbarrier.arrive $0xFFFF  }
0x6e: {  	s10 =	simm.s32 $0x0;
	s19 =	rddreg [dreg:$0xe]  }
0x6f: {  	[tilespmem:s10], [sflag:$0x1] =	stream.linear.gather [hbm4b:s19+s10], $0x50, $0x38;
	[tilespmem:$0x1E300] =	vst v63  }
0x70: {  	s26 =	rddreg [dreg:$0x10]  }
0x71: {  	[tilespmem:s1], [sflag:$0x5] =	stream.linear.gather [hbm4b:s26+s10], $0x2800, $0x38;
	[tilespmem:$0x1E300] =	vst v63  }
0x72: {  	s28 =	rddreg [dreg:$0x11]  }
0x73: {  	[tilespmem:s29], [sflag:$0x2] =	stream.linear.gather [hbm4b:s28+s10], $0x50, $0x38;
	[tilespmem:$0x1E300] =	vst v63  }
0x74: {  	s30 =	rddreg [dreg:$0x12]  }
0x75: {  	[tilespmem:s8], [sflag:$0x6] =	stream.linear.gather [hbm4b:s30+s10], $0x2800, $0x38;
	[tilespmem:$0x1E300] =	vst v63  }
.LBB2_4:
0x76: {  	_ =	swait.ge [sflag:s11], $0x2800  }
0x77: {  	p0 =	seq.s32 s10, $0x0;
	[sflag:s11] =	ssyncset.done $0x0  }
0x78: {  	s0 =	simm.s32 @!p0 $0x7;
	[sflag:s11] =	ssyncadd.s32 $0xFFFFD800  }
0x79: {  	_ =	swait.ge @!p0 [sflag:s0], $0x2800  }
0x7a: {  	[sflag:s0] =	ssyncset.done @!p0 $0x0  }
0x7b: {  	[sflag:s0] =	ssyncadd.s32 @!p0 $0xFFFFD800;
	s0 =	simm.s32 @!p0 $0x9  }
0x7c: {  	_ =	swait.ge @!p0 [sflag:s0], $0x2800  }
0x7d: {  	[sflag:s0] =	ssyncset.done @!p0 $0x0  }
0x7e: {  	s9 =	simm.s32 $0x0;
	[sflag:s0] =	ssyncadd.s32 @!p0 $0xFFFFD800  }
0x7f: {  	v17 =	vld [tilespmem:s9+$0x270]  }
0x80: {  	v18 =	vld [tilespmem:s9+$0x200]  }
0x81: {  	v19 =	vld [tilespmem:s9+$0x210]  }
0x82: {  	v20 =	vld [tilespmem:s9+$0x220]  }
0x83: {  	v21 =	vld [tilespmem:s9+$0x230]  }
0x84: {  	v22 =	vld [tilespmem:s9+$0x240];
	v17 =	vmul.f32 v17, v15  }
0x85: {  	v23 =	vld [tilespmem:s9+$0x250]  }
0x86: {  	s0 =	simm.s32 $0x80;
	v24 =	vld [tilespmem:s9+$0x260];
	v18 =	vmul.f32 v18, v13;
	v17 =	vadd.f32 v17, v16  }
0x87: {  	v25 =	vld [tilespmem:s0+$0x270];
	v19 =	vmul.f32 v19, v11  }
0x88: {  	v26 =	vld [tilespmem:s0+$0x200];
	v18 =	vadd.f32 v18, v14;
	v17 =	vmax.f32 v17, $0.0e+00  }
0x89: {  	v27 =	vld [tilespmem:s0+$0x210];
	[tilespmem:s9+$0x5270] =	vst v17;
	v17 =	vmul.f32 v20, v9;
	v20 =	vadd.f32 v19, v12  }
0x8a: {  	v18 =	vmax.f32 v18, $0.0e+00  }
0x8b: {  	v19 =	vld [tilespmem:s0+$0x220];
	[tilespmem:s9+$0x5200] =	vst v18;
	v18 =	vmul.f32 v21, v8;
	v21 =	vmax.f32 v20, $0.0e+00  }
0x8c: {  	v17 =	vadd.f32 v17, v10;
	v20 =	vld [tilespmem:s0+$0x230];
	[tilespmem:s9+$0x5210] =	vst v21;
	v21 =	vmul.f32 v22, v5  }
0x8d: {  	v23 =	vmul.f32 v23, v3;
	v18 =	vadd.f32 v18, v7  }
0x8e: {  	v24 =	vmul.f32 v24, v1;
	v22 =	vmax.f32 v17, $0.0e+00;
	v21 =	vadd.f32 v21, v6  }
0x8f: {  	v25 =	vmul.f32 v25, v15;
	v28 =	vadd.f32 v23, v4;
	v17 =	vld [tilespmem:s0+$0x240];
	[tilespmem:s9+$0x5220] =	vst v22;
	v22 =	vmax.f32 v18, $0.0e+00  }
0x90: {  	v24 =	vadd.f32 v24, v2;
	v18 =	vld [tilespmem:s0+$0x250];
	[tilespmem:s9+$0x5230] =	vst v22;
	v22 =	vmul.f32 v26, v13;
	v26 =	vmax.f32 v21, $0.0e+00  }
0x91: {  	s19 =	simm.s32 $0x100;
	s26 =	simm.s32 $0x600;
	v23 =	vmul.f32 v27, v11;
	v25 =	vadd.f32 v25, v16;
	v21 =	vld [tilespmem:s0+$0x260];
	[tilespmem:s9+$0x5240] =	vst v26;
	v26 =	vmax.f32 v28, $0.0e+00  }
.LBB2_5:
0x92: {  	p1 =	sne.s32 s26, $0x9E00;
	v27 =	vld [tilespmem:s19+$0x270];
	v22 =	vadd.f32 v22, v14;
	v19 =	vmul.f32 v19, v9;
	[tilespmem:s9+$0x5250] =	vst v26;
	v24 =	vmax.f32 v24, $0.0e+00  }
0x93: {  	v26 =	vld [tilespmem:s19+$0x200];
	v23 =	vadd.f32 v23, v12;
	v20 =	vmul.f32 v20, v8;
	v25 =	vmax.f32 v25, $0.0e+00;
	[tilespmem:s9+$0x5260] =	vst v24;
	s9 =	smov.u32 s0;
	s0 =	smov.u32 s19  }
0x94: {  	v28 =	vld [tilespmem:s0+$0x210];
	v22 =	vmax.f32 v22, $0.0e+00;
	v24 =	vadd.f32 v19, v10;
	v17 =	vmul.f32 v17, v5;
	[tilespmem:s9+$0x5270] =	vst v25  }
.Ltmp1:
0x95: {  	v19 =	vld [tilespmem:s0+$0x220];
	[tilespmem:s9+$0x5200] =	vst v22;
	v22 =	vmax.f32 v23, $0.0e+00;
	v23 =	vadd.f32 v20, v7;
	v18 =	vmul.f32 v18, v3;
	(pc) =	sbr.rel @p1 .LBB2_5-.Ltmp1, $4  }
0x96: {  	v20 =	vld [tilespmem:s0+$0x230];
	[tilespmem:s9+$0x5210] =	vst v22;
	v22 =	vmax.f32 v24, $0.0e+00;
	v24 =	vadd.f32 v17, v6;
	v21 =	vmul.f32 v21, v1  }
0x97: {  	v17 =	vld [tilespmem:s0+$0x240];
	v25 =	vmul.f32 v27, v15;
	[tilespmem:s9+$0x5220] =	vst v22;
	v23 =	vmax.f32 v23, $0.0e+00;
	v27 =	vadd.f32 v18, v4  }
0x98: {  	v22 =	vmul.f32 v26, v13;
	v18 =	vld [tilespmem:s0+$0x250];
	[tilespmem:s9+$0x5230] =	vst v23;
	v26 =	vmax.f32 v24, $0.0e+00;
	v24 =	vadd.f32 v21, v2  }
0x99: {  	s19 =	sshra.s32 s26, $0x2;
	s26 =	sadd.s32 $0x200, s26;
	v23 =	vmul.f32 v28, v11;
	v21 =	vld [tilespmem:s0+$0x260];
	v25 =	vadd.f32 v25, v16;
	[tilespmem:s9+$0x5240] =	vst v26;
	v26 =	vmax.f32 v27, $0.0e+00  }
0x9a: {  	v27 =	vld [tilespmem:s19+$0x270];
	[tilespmem:s9+$0x5250] =	vst v26;
	v24 =	vmax.f32 v24, $0.0e+00;
	v22 =	vadd.f32 v22, v14;
	v19 =	vmul.f32 v19, v9  }
0x9b: {  	v26 =	vld [tilespmem:s19+$0x200];
	[tilespmem:s9+$0x5260] =	vst v24;
	v24 =	vmax.f32 v25, $0.0e+00;
	v23 =	vadd.f32 v23, v12  }
0x9c: {  	v20 =	vmul.f32 v20, v8;
	v25 =	vld [tilespmem:s19+$0x210];
	[tilespmem:s0+$0x5270] =	vst v24;
	v22 =	vmax.f32 v22, $0.0e+00;
	v19 =	vadd.f32 v19, v10  }
0x9d: {  	v17 =	vmul.f32 v17, v5;
	v24 =	vld [tilespmem:s19+$0x220];
	[tilespmem:s0+$0x5200] =	vst v22;
	v22 =	vmax.f32 v23, $0.0e+00  }
0x9e: {  	v20 =	vadd.f32 v20, v7;
	v18 =	vmul.f32 v18, v3;
	v23 =	vld [tilespmem:s19+$0x230];
	[tilespmem:s0+$0x5210] =	vst v22;
	v19 =	vmax.f32 v19, $0.0e+00  }
0x9f: {  	v17 =	vadd.f32 v17, v6;
	v22 =	vld [tilespmem:s19+$0x240];
	[tilespmem:s0+$0x5220] =	vst v19;
	v19 =	vmul.f32 v21, v1  }
0xa0: {  	v20 =	vmax.f32 v20, $0.0e+00;
	v27 =	vmul.f32 v27, v15;
	v18 =	vadd.f32 v18, v4  }
0xa1: {  	v21 =	vld [tilespmem:s19+$0x250];
	[tilespmem:s0+$0x5230] =	vst v20;
	v20 =	vmul.f32 v26, v13;
	v17 =	vmax.f32 v17, $0.0e+00;
	v19 =	vadd.f32 v19, v2  }
0xa2: {  	v26 =	vld [tilespmem:s19+$0x260];
	v25 =	vmul.f32 v25, v11;
	v27 =	vadd.f32 v27, v16;
	[tilespmem:s0+$0x5240] =	vst v17;
	v17 =	vmax.f32 v18, $0.0e+00  }
0xa3: {  	v18 =	vadd.f32 v20, v14;
	v20 =	vmul.f32 v24, v9;
	[tilespmem:s0+$0x5250] =	vst v17;
	v17 =	vmax.f32 v19, $0.0e+00  }
0xa4: {  	v19 =	vadd.f32 v25, v12;
	v23 =	vmul.f32 v23, v8;
	v24 =	vmax.f32 v27, $0.0e+00;
	[tilespmem:s0+$0x5260] =	vst v17  }
0xa5: {  	v17 =	vmax.f32 v18, $0.0e+00;
	v18 =	vadd.f32 v20, v10;
	v20 =	vmul.f32 v22, v5;
	[tilespmem:s19+$0x5270] =	vst v24  }
0xa6: {  	[tilespmem:s19+$0x5200] =	vst v17;
	v17 =	vmax.f32 v19, $0.0e+00;
	v19 =	vadd.f32 v23, v7;
	v21 =	vmul.f32 v21, v3  }
0xa7: {  	[tilespmem:s19+$0x5210] =	vst v17;
	v17 =	vmax.f32 v18, $0.0e+00;
	v18 =	vadd.f32 v20, v6;
	v20 =	vmul.f32 v26, v1  }
0xa8: {  	[tilespmem:s19+$0x5220] =	vst v17;
	v17 =	vmax.f32 v19, $0.0e+00;
	v19 =	vadd.f32 v21, v4  }
0xa9: {  	[tilespmem:s19+$0x5230] =	vst v17;
	v17 =	vmax.f32 v18, $0.0e+00;
	v18 =	vadd.f32 v20, v2  }
0xaa: {  	[tilespmem:s19+$0x5240] =	vst v17;
	v17 =	vmax.f32 v19, $0.0e+00  }
0xab: {  	s0 =	smul.u32 $0x140, s10;
	[tilespmem:s19+$0x5250] =	vst v17;
	v17 =	vmax.f32 v18, $0.0e+00  }
0xac: {  	[tilespmem:s19+$0x5260] =	vst v17  }
0xad: {  	s26 =	sadd.s32 s4, s0;
	_ =	swait.ge [sflag:s12], $0x50  }
0xae: {  	s9 =	sshll.u32 s26, $0x4;
	[sflag:s12] =	ssyncset.done $0x0  }
0xaf: {  	s9 =	sadd.s32 s2, s9;
	s19 =	rddreg [dreg:$0x16];
	[sflag:s12] =	ssyncadd.s32 $0xFFFFFFB0  }
0xb0: {  	[hbm4b:s9+s5] =	stream.linear.scatter [tilespmem:s31], [sflag:$0x7], $0x2800, $0x38;
	[tilespmem:$0x1E300] =	vst v63  }
0xb1: {  	s9 =	sadd.s32 s0, s19  }
0xb2: {  	s30 =	sshll.u32 s9, $0x4  }
0xb3: {  	[spmem:s3] =	stream.indirect.scatter.add.f32 [tilespmem:s31], [sflag:$0x9], $0x80, s5, s13, $0xb8;
	[tilespmem:$0x1E300] =	vst v63  }
0xb4: {  	s9 =	sshrl.u32 s9, $0x3;
	s26 =	sadd.s32 s7, s30  }
0xb5: {  	[tilespmem:s1], [sflag:$0x5] =	stream.linear.gather [hbm4b:s26+s5], $0x2800, $0x38;
	[tilespmem:$0x1E300] =	vst v63  }
0xb6: {  	s9 =	sadd.s32 s6, s9  }
0xb7: {  	[tilespmem:s14], [sflag:$0x3] =	stream.linear.gather [hbm4b:s9+s5], $0x50, $0x38;
	[tilespmem:$0x1E300] =	vst v63  }
0xb8: {  	_ =	swait.ge [sflag:s15], $0x2800  }
0xb9: {  	[sflag:s15] =	ssyncset.done $0x0  }
0xba: {  	s9 =	simm.s32 @!p0 $0x8;
	[sflag:s15] =	ssyncadd.s32 $0xFFFFD800  }
0xbb: {  	_ =	swait.ge @!p0 [sflag:s9], $0x2800  }
0xbc: {  	[sflag:s9] =	ssyncset.done @!p0 $0x0  }
0xbd: {  	[sflag:s9] =	ssyncadd.s32 @!p0 $0xFFFFD800;
	s9 =	simm.s32 @!p0 $0xA  }
0xbe: {  	_ =	swait.ge @!p0 [sflag:s9], $0x2800  }
0xbf: {  	[sflag:s9] =	ssyncset.done @!p0 $0x0  }
0xc0: {  	s19 =	simm.s32 $0x0;
	[sflag:s9] =	ssyncadd.s32 @!p0 $0xFFFFD800  }
0xc1: {  	v17 =	vld [tilespmem:s19+$0x2A70]  }
0xc2: {  	v18 =	vld [tilespmem:s19+$0x2A00]  }
0xc3: {  	v19 =	vld [tilespmem:s19+$0x2A10]  }
0xc4: {  	v20 =	vld [tilespmem:s19+$0x2A20]  }
0xc5: {  	v21 =	vld [tilespmem:s19+$0x2A30]  }
0xc6: {  	v22 =	vld [tilespmem:s19+$0x2A40];
	v17 =	vmul.f32 v17, v15  }
0xc7: {  	v23 =	vld [tilespmem:s19+$0x2A50]  }
0xc8: {  	s9 =	simm.s32 $0x80;
	v24 =	vld [tilespmem:s19+$0x2A60];
	v18 =	vmul.f32 v18, v13;
	v17 =	vadd.f32 v17, v16  }
0xc9: {  	v25 =	vld [tilespmem:s9+$0x2A70];
	v19 =	vmul.f32 v19, v11  }
0xca: {  	v26 =	vld [tilespmem:s9+$0x2A00];
	v18 =	vadd.f32 v18, v14;
	v17 =	vmax.f32 v17, $0.0e+00  }
0xcb: {  	v27 =	vld [tilespmem:s9+$0x2A10];
	[tilespmem:s19+$0x7A70] =	vst v17;
	v17 =	vmul.f32 v20, v9;
	v20 =	vadd.f32 v19, v12  }
0xcc: {  	v18 =	vmax.f32 v18, $0.0e+00  }
0xcd: {  	v19 =	vld [tilespmem:s9+$0x2A20];
	[tilespmem:s19+$0x7A00] =	vst v18;
	v18 =	vmul.f32 v21, v8;
	v21 =	vmax.f32 v20, $0.0e+00  }
0xce: {  	v17 =	vadd.f32 v17, v10;
	v20 =	vld [tilespmem:s9+$0x2A30];
	[tilespmem:s19+$0x7A10] =	vst v21;
	v21 =	vmul.f32 v22, v5  }
0xcf: {  	v23 =	vmul.f32 v23, v3;
	v18 =	vadd.f32 v18, v7  }
0xd0: {  	v24 =	vmul.f32 v24, v1;
	v22 =	vmax.f32 v17, $0.0e+00;
	v21 =	vadd.f32 v21, v6  }
0xd1: {  	v25 =	vmul.f32 v25, v15;
	v28 =	vadd.f32 v23, v4;
	v17 =	vld [tilespmem:s9+$0x2A40];
	[tilespmem:s19+$0x7A20] =	vst v22;
	v22 =	vmax.f32 v18, $0.0e+00  }
0xd2: {  	v24 =	vadd.f32 v24, v2;
	v18 =	vld [tilespmem:s9+$0x2A50];
	[tilespmem:s19+$0x7A30] =	vst v22;
	v22 =	vmul.f32 v26, v13;
	v26 =	vmax.f32 v21, $0.0e+00  }
0xd3: {  	s28 =	simm.s32 $0x600;
	s26 =	simm.s32 $0x100;
	v23 =	vmul.f32 v27, v11;
	v25 =	vadd.f32 v25, v16;
	v21 =	vld [tilespmem:s9+$0x2A60];
	[tilespmem:s19+$0x7A40] =	vst v26;
	v26 =	vmax.f32 v28, $0.0e+00  }
.LBB2_7:
0xd4: {  	p0 =	sne.s32 s28, $0x9E00;
	v27 =	vld [tilespmem:s26+$0x2A70];
	v22 =	vadd.f32 v22, v14;
	v19 =	vmul.f32 v19, v9;
	[tilespmem:s19+$0x7A50] =	vst v26;
	v24 =	vmax.f32 v24, $0.0e+00  }
0xd5: {  	v26 =	vld [tilespmem:s26+$0x2A00];
	v23 =	vadd.f32 v23, v12;
	v20 =	vmul.f32 v20, v8;
	v25 =	vmax.f32 v25, $0.0e+00;
	[tilespmem:s19+$0x7A60] =	vst v24;
	s19 =	smov.u32 s9;
	s9 =	smov.u32 s26  }
0xd6: {  	v28 =	vld [tilespmem:s9+$0x2A10];
	v22 =	vmax.f32 v22, $0.0e+00;
	v24 =	vadd.f32 v19, v10;
	v17 =	vmul.f32 v17, v5;
	[tilespmem:s19+$0x7A70] =	vst v25  }
.Ltmp2:
0xd7: {  	v19 =	vld [tilespmem:s9+$0x2A20];
	[tilespmem:s19+$0x7A00] =	vst v22;
	v22 =	vmax.f32 v23, $0.0e+00;
	v23 =	vadd.f32 v20, v7;
	v18 =	vmul.f32 v18, v3;
	(pc) =	sbr.rel @p0 .LBB2_7-.Ltmp2, $4  }
0xd8: {  	v20 =	vld [tilespmem:s9+$0x2A30];
	[tilespmem:s19+$0x7A10] =	vst v22;
	v22 =	vmax.f32 v24, $0.0e+00;
	v24 =	vadd.f32 v17, v6;
	v21 =	vmul.f32 v21, v1  }
0xd9: {  	v17 =	vld [tilespmem:s9+$0x2A40];
	v25 =	vmul.f32 v27, v15;
	[tilespmem:s19+$0x7A20] =	vst v22;
	v23 =	vmax.f32 v23, $0.0e+00;
	v27 =	vadd.f32 v18, v4  }
0xda: {  	v22 =	vmul.f32 v26, v13;
	v18 =	vld [tilespmem:s9+$0x2A50];
	[tilespmem:s19+$0x7A30] =	vst v23;
	v26 =	vmax.f32 v24, $0.0e+00;
	v24 =	vadd.f32 v21, v2  }
0xdb: {  	s26 =	sshra.s32 s28, $0x2;
	s28 =	sadd.s32 $0x200, s28;
	v23 =	vmul.f32 v28, v11;
	v21 =	vld [tilespmem:s9+$0x2A60];
	v25 =	vadd.f32 v25, v16;
	[tilespmem:s19+$0x7A40] =	vst v26;
	v26 =	vmax.f32 v27, $0.0e+00  }
0xdc: {  	v27 =	vld [tilespmem:s26+$0x2A70];
	[tilespmem:s19+$0x7A50] =	vst v26;
	v24 =	vmax.f32 v24, $0.0e+00;
	v22 =	vadd.f32 v22, v14;
	v19 =	vmul.f32 v19, v9  }
0xdd: {  	v26 =	vld [tilespmem:s26+$0x2A00];
	[tilespmem:s19+$0x7A60] =	vst v24;
	v24 =	vmax.f32 v25, $0.0e+00;
	v23 =	vadd.f32 v23, v12  }
0xde: {  	v20 =	vmul.f32 v20, v8;
	v25 =	vld [tilespmem:s26+$0x2A10];
	[tilespmem:s9+$0x7A70] =	vst v24;
	v22 =	vmax.f32 v22, $0.0e+00;
	v19 =	vadd.f32 v19, v10  }
0xdf: {  	v17 =	vmul.f32 v17, v5;
	v24 =	vld [tilespmem:s26+$0x2A20];
	[tilespmem:s9+$0x7A00] =	vst v22;
	v22 =	vmax.f32 v23, $0.0e+00  }
0xe0: {  	v20 =	vadd.f32 v20, v7;
	v18 =	vmul.f32 v18, v3;
	v23 =	vld [tilespmem:s26+$0x2A30];
	[tilespmem:s9+$0x7A10] =	vst v22;
	v19 =	vmax.f32 v19, $0.0e+00  }
0xe1: {  	v17 =	vadd.f32 v17, v6;
	v22 =	vld [tilespmem:s26+$0x2A40];
	[tilespmem:s9+$0x7A20] =	vst v19;
	v19 =	vmul.f32 v21, v1  }
0xe2: {  	v20 =	vmax.f32 v20, $0.0e+00;
	v27 =	vmul.f32 v27, v15;
	v18 =	vadd.f32 v18, v4  }
0xe3: {  	v21 =	vld [tilespmem:s26+$0x2A50];
	[tilespmem:s9+$0x7A30] =	vst v20;
	v20 =	vmul.f32 v26, v13;
	v17 =	vmax.f32 v17, $0.0e+00;
	v19 =	vadd.f32 v19, v2  }
0xe4: {  	v26 =	vld [tilespmem:s26+$0x2A60];
	v25 =	vmul.f32 v25, v11;
	v27 =	vadd.f32 v27, v16;
	[tilespmem:s9+$0x7A40] =	vst v17;
	v17 =	vmax.f32 v18, $0.0e+00  }
0xe5: {  	v18 =	vadd.f32 v20, v14;
	v20 =	vmul.f32 v24, v9;
	[tilespmem:s9+$0x7A50] =	vst v17;
	v17 =	vmax.f32 v19, $0.0e+00  }
0xe6: {  	v19 =	vadd.f32 v25, v12;
	v23 =	vmul.f32 v23, v8;
	v24 =	vmax.f32 v27, $0.0e+00;
	[tilespmem:s9+$0x7A60] =	vst v17  }
0xe7: {  	v17 =	vmax.f32 v18, $0.0e+00;
	v18 =	vadd.f32 v20, v10;
	v20 =	vmul.f32 v22, v5;
	[tilespmem:s26+$0x7A70] =	vst v24  }
0xe8: {  	[tilespmem:s26+$0x7A00] =	vst v17;
	v17 =	vmax.f32 v19, $0.0e+00;
	v19 =	vadd.f32 v23, v7;
	v21 =	vmul.f32 v21, v3  }
0xe9: {  	[tilespmem:s26+$0x7A10] =	vst v17;
	v17 =	vmax.f32 v18, $0.0e+00;
	v18 =	vadd.f32 v20, v6;
	v20 =	vmul.f32 v26, v1  }
0xea: {  	[tilespmem:s26+$0x7A20] =	vst v17;
	v17 =	vmax.f32 v19, $0.0e+00;
	v19 =	vadd.f32 v21, v4  }
0xeb: {  	[tilespmem:s26+$0x7A30] =	vst v17;
	v17 =	vmax.f32 v18, $0.0e+00;
	v18 =	vadd.f32 v20, v2  }
0xec: {  	[tilespmem:s26+$0x7A40] =	vst v17;
	v17 =	vmax.f32 v19, $0.0e+00  }
0xed: {  	[tilespmem:s26+$0x7A50] =	vst v17;
	v17 =	vmax.f32 v18, $0.0e+00  }
0xee: {  	[tilespmem:s26+$0x7A60] =	vst v17  }
0xef: {  	_ =	swait.ge [sflag:s16], $0x50  }
0xf0: {  	s19 =	rddreg [dreg:$0xf]  }
0xf1: {  	[sflag:s16] =	ssyncset.done $0x0;
	s9 =	sadd.s32 s0, s19  }
0xf2: {  	s26 =	rddreg [dreg:$0x17];
	[sflag:s16] =	ssyncadd.s32 $0xFFFFFFB0;
	s9 =	sshll.u32 s9, $0x4  }
0xf3: {  	s19 =	simm.s32 $0x0;
	s26 =	sadd.s32 s0, s26;
	s9 =	sadd.s32 s2, s9  }
0xf4: {  	[hbm4b:s9+s19] =	stream.linear.scatter [tilespmem:s17], [sflag:$0x8], $0x2800, $0x38;
	[tilespmem:$0x1E300] =	vst v63  }
0xf5: {  	s9 =	sshll.u32 s26, $0x4  }
0xf6: {  	[spmem:s3] =	stream.indirect.scatter.add.f32 [tilespmem:s17], [sflag:$0xA], $0x80, s29, s13, $0xb8;
	[tilespmem:$0x1E300] =	vst v63  }
0xf7: {  	s26 =	sshrl.u32 s26, $0x3;
	s28 =	sadd.s32 s7, s9  }
0xf8: {  	[tilespmem:s8], [sflag:$0x6] =	stream.linear.gather [hbm4b:s28+s19], $0x2800, $0x38;
	[tilespmem:$0x1E300] =	vst v63  }
0xf9: {  	s26 =	sadd.s32 s6, s26  }
0xfa: {  	[tilespmem:s18], [sflag:$0x4] =	stream.linear.gather [hbm4b:s26+s19], $0x50, $0x38;
	[tilespmem:$0x1E300] =	vst v63  }
0xfb: {  	_ =	swait.ge [sflag:s11], $0x2800  }
0xfc: {  	[sflag:s11] =	ssyncset.done $0x0  }
0xfd: {  	[sflag:s11] =	ssyncadd.s32 $0xFFFFD800  }
0xfe: {  	_ =	swait.ge [sflag:s20], $0x2800  }
0xff: {  	[sflag:s20] =	ssyncset.done $0x0  }
0x100: {  	[sflag:s20] =	ssyncadd.s32 $0xFFFFD800  }
0x101: {  	_ =	swait.ge [sflag:s21], $0x2800  }
0x102: {  	[sflag:s21] =	ssyncset.done $0x0  }
0x103: {  	s26 =	simm.s32 $0x0;
	[sflag:s21] =	ssyncadd.s32 $0xFFFFD800  }
0x104: {  	v17 =	vld [tilespmem:s26+$0x270]  }
0x105: {  	v18 =	vld [tilespmem:s26+$0x200]  }
0x106: {  	v19 =	vld [tilespmem:s26+$0x210]  }
0x107: {  	v20 =	vld [tilespmem:s26+$0x220]  }
0x108: {  	v21 =	vld [tilespmem:s26+$0x230]  }
0x109: {  	v22 =	vld [tilespmem:s26+$0x240];
	v17 =	vmul.f32 v17, v15  }
0x10a: {  	v23 =	vld [tilespmem:s26+$0x250]  }
0x10b: {  	s19 =	simm.s32 $0x80;
	v24 =	vld [tilespmem:s26+$0x260];
	v18 =	vmul.f32 v18, v13;
	v17 =	vadd.f32 v17, v16  }
0x10c: {  	v25 =	vld [tilespmem:s19+$0x270];
	v19 =	vmul.f32 v19, v11  }
0x10d: {  	v26 =	vld [tilespmem:s19+$0x200];
	v18 =	vadd.f32 v18, v14;
	v17 =	vmax.f32 v17, $0.0e+00  }
0x10e: {  	v27 =	vld [tilespmem:s19+$0x210];
	[tilespmem:s26+$0x5270] =	vst v17;
	v17 =	vmul.f32 v20, v9;
	v20 =	vadd.f32 v19, v12  }
0x10f: {  	v18 =	vmax.f32 v18, $0.0e+00  }
0x110: {  	v19 =	vld [tilespmem:s19+$0x220];
	[tilespmem:s26+$0x5200] =	vst v18;
	v18 =	vmul.f32 v21, v8;
	v21 =	vmax.f32 v20, $0.0e+00  }
0x111: {  	v17 =	vadd.f32 v17, v10;
	v20 =	vld [tilespmem:s19+$0x230];
	[tilespmem:s26+$0x5210] =	vst v21;
	v21 =	vmul.f32 v22, v5  }
0x112: {  	v23 =	vmul.f32 v23, v3;
	v18 =	vadd.f32 v18, v7  }
0x113: {  	v24 =	vmul.f32 v24, v1;
	v22 =	vmax.f32 v17, $0.0e+00;
	v21 =	vadd.f32 v21, v6  }
0x114: {  	v25 =	vmul.f32 v25, v15;
	v28 =	vadd.f32 v23, v4;
	v17 =	vld [tilespmem:s19+$0x240];
	[tilespmem:s26+$0x5220] =	vst v22;
	v22 =	vmax.f32 v18, $0.0e+00  }
0x115: {  	v24 =	vadd.f32 v24, v2;
	v18 =	vld [tilespmem:s19+$0x250];
	[tilespmem:s26+$0x5230] =	vst v22;
	v22 =	vmul.f32 v26, v13;
	v26 =	vmax.f32 v21, $0.0e+00  }
0x116: {  	s29 =	simm.s32 $0x600;
	s28 =	simm.s32 $0x100;
	v23 =	vmul.f32 v27, v11;
	v25 =	vadd.f32 v25, v16;
	v21 =	vld [tilespmem:s19+$0x260];
	[tilespmem:s26+$0x5240] =	vst v26;
	v26 =	vmax.f32 v28, $0.0e+00  }
.LBB2_9:
0x117: {  	p0 =	sne.s32 s29, $0x9E00;
	v27 =	vld [tilespmem:s28+$0x270];
	v22 =	vadd.f32 v22, v14;
	v19 =	vmul.f32 v19, v9;
	[tilespmem:s26+$0x5250] =	vst v26;
	v24 =	vmax.f32 v24, $0.0e+00  }
0x118: {  	v26 =	vld [tilespmem:s28+$0x200];
	v23 =	vadd.f32 v23, v12;
	v20 =	vmul.f32 v20, v8;
	v25 =	vmax.f32 v25, $0.0e+00;
	[tilespmem:s26+$0x5260] =	vst v24;
	s26 =	smov.u32 s19;
	s19 =	smov.u32 s28  }
0x119: {  	v28 =	vld [tilespmem:s19+$0x210];
	v22 =	vmax.f32 v22, $0.0e+00;
	v24 =	vadd.f32 v19, v10;
	v17 =	vmul.f32 v17, v5;
	[tilespmem:s26+$0x5270] =	vst v25  }
.Ltmp3:
0x11a: {  	v19 =	vld [tilespmem:s19+$0x220];
	[tilespmem:s26+$0x5200] =	vst v22;
	v22 =	vmax.f32 v23, $0.0e+00;
	v23 =	vadd.f32 v20, v7;
	v18 =	vmul.f32 v18, v3;
	(pc) =	sbr.rel @p0 .LBB2_9-.Ltmp3, $4  }
0x11b: {  	v20 =	vld [tilespmem:s19+$0x230];
	[tilespmem:s26+$0x5210] =	vst v22;
	v22 =	vmax.f32 v24, $0.0e+00;
	v24 =	vadd.f32 v17, v6;
	v21 =	vmul.f32 v21, v1  }
0x11c: {  	v17 =	vld [tilespmem:s19+$0x240];
	v25 =	vmul.f32 v27, v15;
	[tilespmem:s26+$0x5220] =	vst v22;
	v23 =	vmax.f32 v23, $0.0e+00;
	v27 =	vadd.f32 v18, v4  }
0x11d: {  	v22 =	vmul.f32 v26, v13;
	v18 =	vld [tilespmem:s19+$0x250];
	[tilespmem:s26+$0x5230] =	vst v23;
	v26 =	vmax.f32 v24, $0.0e+00;
	v24 =	vadd.f32 v21, v2  }
0x11e: {  	s28 =	sshra.s32 s29, $0x2;
	s29 =	sadd.s32 $0x200, s29;
	v23 =	vmul.f32 v28, v11;
	v21 =	vld [tilespmem:s19+$0x260];
	v25 =	vadd.f32 v25, v16;
	[tilespmem:s26+$0x5240] =	vst v26;
	v26 =	vmax.f32 v27, $0.0e+00  }
0x11f: {  	v27 =	vld [tilespmem:s28+$0x270];
	[tilespmem:s26+$0x5250] =	vst v26;
	v24 =	vmax.f32 v24, $0.0e+00;
	v22 =	vadd.f32 v22, v14;
	v19 =	vmul.f32 v19, v9  }
0x120: {  	v26 =	vld [tilespmem:s28+$0x200];
	[tilespmem:s26+$0x5260] =	vst v24;
	v24 =	vmax.f32 v25, $0.0e+00;
	v23 =	vadd.f32 v23, v12  }
0x121: {  	v20 =	vmul.f32 v20, v8;
	v25 =	vld [tilespmem:s28+$0x210];
	[tilespmem:s19+$0x5270] =	vst v24;
	v22 =	vmax.f32 v22, $0.0e+00;
	v19 =	vadd.f32 v19, v10  }
0x122: {  	v17 =	vmul.f32 v17, v5;
	v24 =	vld [tilespmem:s28+$0x220];
	[tilespmem:s19+$0x5200] =	vst v22;
	v22 =	vmax.f32 v23, $0.0e+00  }
0x123: {  	v20 =	vadd.f32 v20, v7;
	v18 =	vmul.f32 v18, v3;
	v23 =	vld [tilespmem:s28+$0x230];
	[tilespmem:s19+$0x5210] =	vst v22;
	v19 =	vmax.f32 v19, $0.0e+00  }
0x124: {  	v17 =	vadd.f32 v17, v6;
	v22 =	vld [tilespmem:s28+$0x240];
	[tilespmem:s19+$0x5220] =	vst v19;
	v19 =	vmul.f32 v21, v1  }
0x125: {  	v20 =	vmax.f32 v20, $0.0e+00;
	v27 =	vmul.f32 v27, v15;
	v18 =	vadd.f32 v18, v4  }
0x126: {  	v21 =	vld [tilespmem:s28+$0x250];
	[tilespmem:s19+$0x5230] =	vst v20;
	v20 =	vmul.f32 v26, v13;
	v17 =	vmax.f32 v17, $0.0e+00;
	v19 =	vadd.f32 v19, v2  }
0x127: {  	v26 =	vld [tilespmem:s28+$0x260];
	v25 =	vmul.f32 v25, v11;
	v27 =	vadd.f32 v27, v16;
	[tilespmem:s19+$0x5240] =	vst v17;
	v17 =	vmax.f32 v18, $0.0e+00  }
0x128: {  	v18 =	vadd.f32 v20, v14;
	v20 =	vmul.f32 v24, v9;
	[tilespmem:s19+$0x5250] =	vst v17;
	v17 =	vmax.f32 v19, $0.0e+00  }
0x129: {  	v19 =	vadd.f32 v25, v12;
	v23 =	vmul.f32 v23, v8;
	v24 =	vmax.f32 v27, $0.0e+00;
	[tilespmem:s19+$0x5260] =	vst v17  }
0x12a: {  	v17 =	vmax.f32 v18, $0.0e+00;
	v18 =	vadd.f32 v20, v10;
	v20 =	vmul.f32 v22, v5;
	[tilespmem:s28+$0x5270] =	vst v24  }
0x12b: {  	[tilespmem:s28+$0x5200] =	vst v17;
	v17 =	vmax.f32 v19, $0.0e+00;
	v19 =	vadd.f32 v23, v7;
	v21 =	vmul.f32 v21, v3  }
0x12c: {  	[tilespmem:s28+$0x5210] =	vst v17;
	v17 =	vmax.f32 v18, $0.0e+00;
	v18 =	vadd.f32 v20, v6;
	v20 =	vmul.f32 v26, v1  }
0x12d: {  	[tilespmem:s28+$0x5220] =	vst v17;
	v17 =	vmax.f32 v19, $0.0e+00;
	v19 =	vadd.f32 v21, v4  }
0x12e: {  	[tilespmem:s28+$0x5230] =	vst v17;
	v17 =	vmax.f32 v18, $0.0e+00;
	v18 =	vadd.f32 v20, v2  }
0x12f: {  	[tilespmem:s28+$0x5240] =	vst v17;
	v17 =	vmax.f32 v19, $0.0e+00  }
0x130: {  	[tilespmem:s28+$0x5250] =	vst v17;
	v17 =	vmax.f32 v18, $0.0e+00  }
0x131: {  	[tilespmem:s28+$0x5260] =	vst v17  }
0x132: {  	_ =	swait.ge [sflag:s22], $0x50  }
0x133: {  	[sflag:s22] =	ssyncset.done $0x0  }
0x134: {  	s30 =	sadd.s32 s2, s30;
	s26 =	simm.s32 $0x0;
	[sflag:s22] =	ssyncadd.s32 $0xFFFFFFB0  }
0x135: {  	[hbm4b:s30+s26] =	stream.linear.scatter [tilespmem:s31], [sflag:$0x7], $0x2800, $0x38;
	[tilespmem:$0x1E300] =	vst v63  }
0x136: {  	s30 =	rddreg [dreg:$0x18]  }
0x137: {  	s19 =	sadd.s32 s0, s30  }
0x138: {  	[spmem:s3] =	stream.indirect.scatter.add.f32 [tilespmem:s31], [sflag:$0x9], $0x80, s14, s13, $0xb8;
	[tilespmem:$0x1E300] =	vst v63  }
0x139: {  	s28 =	sshll.u32 s19, $0x4  }
0x13a: {  	s19 =	sshrl.u32 s19, $0x3;
	s28 =	sadd.s32 s7, s28  }
0x13b: {  	[tilespmem:s1], [sflag:$0x5] =	stream.linear.gather [hbm4b:s28+s26], $0x2800, $0x38;
	[tilespmem:$0x1E300] =	vst v63  }
0x13c: {  	s19 =	sadd.s32 s6, s19  }
0x13d: {  	[tilespmem:s26], [sflag:$0x1] =	stream.linear.gather [hbm4b:s19+s26], $0x50, $0x38;
	[tilespmem:$0x1E300] =	vst v63  }
0x13e: {  	_ =	swait.ge [sflag:s15], $0x2800  }
0x13f: {  	[sflag:s15] =	ssyncset.done $0x0  }
0x140: {  	[sflag:s15] =	ssyncadd.s32 $0xFFFFD800  }
0x141: {  	_ =	swait.ge [sflag:s23], $0x2800  }
0x142: {  	[sflag:s23] =	ssyncset.done $0x0  }
0x143: {  	[sflag:s23] =	ssyncadd.s32 $0xFFFFD800  }
0x144: {  	_ =	swait.ge [sflag:s24], $0x2800  }
0x145: {  	[sflag:s24] =	ssyncset.done $0x0  }
0x146: {  	s26 =	simm.s32 $0x0;
	[sflag:s24] =	ssyncadd.s32 $0xFFFFD800  }
0x147: {  	v17 =	vld [tilespmem:s26+$0x2A70]  }
0x148: {  	v18 =	vld [tilespmem:s26+$0x2A00]  }
0x149: {  	v19 =	vld [tilespmem:s26+$0x2A10]  }
0x14a: {  	v20 =	vld [tilespmem:s26+$0x2A20]  }
0x14b: {  	v21 =	vld [tilespmem:s26+$0x2A30]  }
0x14c: {  	v22 =	vld [tilespmem:s26+$0x2A40];
	v17 =	vmul.f32 v17, v15  }
0x14d: {  	v23 =	vld [tilespmem:s26+$0x2A50]  }
0x14e: {  	s19 =	simm.s32 $0x80;
	v24 =	vld [tilespmem:s26+$0x2A60];
	v18 =	vmul.f32 v18, v13;
	v17 =	vadd.f32 v17, v16  }
0x14f: {  	v25 =	vld [tilespmem:s19+$0x2A70];
	v19 =	vmul.f32 v19, v11  }
0x150: {  	v26 =	vld [tilespmem:s19+$0x2A00];
	v18 =	vadd.f32 v18, v14;
	v17 =	vmax.f32 v17, $0.0e+00  }
0x151: {  	v27 =	vld [tilespmem:s19+$0x2A10];
	[tilespmem:s26+$0x7A70] =	vst v17;
	v17 =	vmul.f32 v20, v9;
	v20 =	vadd.f32 v19, v12  }
0x152: {  	v18 =	vmax.f32 v18, $0.0e+00  }
0x153: {  	v19 =	vld [tilespmem:s19+$0x2A20];
	[tilespmem:s26+$0x7A00] =	vst v18;
	v18 =	vmul.f32 v21, v8;
	v21 =	vmax.f32 v20, $0.0e+00  }
0x154: {  	v17 =	vadd.f32 v17, v10;
	v20 =	vld [tilespmem:s19+$0x2A30];
	[tilespmem:s26+$0x7A10] =	vst v21;
	v21 =	vmul.f32 v22, v5  }
0x155: {  	v23 =	vmul.f32 v23, v3;
	v18 =	vadd.f32 v18, v7  }
0x156: {  	v24 =	vmul.f32 v24, v1;
	v22 =	vmax.f32 v17, $0.0e+00;
	v21 =	vadd.f32 v21, v6  }
0x157: {  	v25 =	vmul.f32 v25, v15;
	v28 =	vadd.f32 v23, v4;
	v17 =	vld [tilespmem:s19+$0x2A40];
	[tilespmem:s26+$0x7A20] =	vst v22;
	v22 =	vmax.f32 v18, $0.0e+00  }
0x158: {  	v24 =	vadd.f32 v24, v2;
	v18 =	vld [tilespmem:s19+$0x2A50];
	[tilespmem:s26+$0x7A30] =	vst v22;
	v22 =	vmul.f32 v26, v13;
	v26 =	vmax.f32 v21, $0.0e+00  }
0x159: {  	s29 =	simm.s32 $0x600;
	s28 =	simm.s32 $0x100;
	v23 =	vmul.f32 v27, v11;
	v25 =	vadd.f32 v25, v16;
	v21 =	vld [tilespmem:s19+$0x2A60];
	[tilespmem:s26+$0x7A40] =	vst v26;
	v26 =	vmax.f32 v28, $0.0e+00  }
.LBB2_11:
0x15a: {  	p0 =	sne.s32 s29, $0x9E00;
	v27 =	vld [tilespmem:s28+$0x2A70];
	v22 =	vadd.f32 v22, v14;
	v19 =	vmul.f32 v19, v9;
	[tilespmem:s26+$0x7A50] =	vst v26;
	v24 =	vmax.f32 v24, $0.0e+00  }
0x15b: {  	v26 =	vld [tilespmem:s28+$0x2A00];
	v23 =	vadd.f32 v23, v12;
	v20 =	vmul.f32 v20, v8;
	v25 =	vmax.f32 v25, $0.0e+00;
	[tilespmem:s26+$0x7A60] =	vst v24;
	s26 =	smov.u32 s19;
	s19 =	smov.u32 s28  }
0x15c: {  	v28 =	vld [tilespmem:s19+$0x2A10];
	v22 =	vmax.f32 v22, $0.0e+00;
	v24 =	vadd.f32 v19, v10;
	v17 =	vmul.f32 v17, v5;
	[tilespmem:s26+$0x7A70] =	vst v25  }
.Ltmp4:
0x15d: {  	v19 =	vld [tilespmem:s19+$0x2A20];
	[tilespmem:s26+$0x7A00] =	vst v22;
	v22 =	vmax.f32 v23, $0.0e+00;
	v23 =	vadd.f32 v20, v7;
	v18 =	vmul.f32 v18, v3;
	(pc) =	sbr.rel @p0 .LBB2_11-.Ltmp4, $4  }
0x15e: {  	v20 =	vld [tilespmem:s19+$0x2A30];
	[tilespmem:s26+$0x7A10] =	vst v22;
	v22 =	vmax.f32 v24, $0.0e+00;
	v24 =	vadd.f32 v17, v6;
	v21 =	vmul.f32 v21, v1  }
0x15f: {  	v17 =	vld [tilespmem:s19+$0x2A40];
	v25 =	vmul.f32 v27, v15;
	[tilespmem:s26+$0x7A20] =	vst v22;
	v23 =	vmax.f32 v23, $0.0e+00;
	v27 =	vadd.f32 v18, v4  }
0x160: {  	v22 =	vmul.f32 v26, v13;
	v18 =	vld [tilespmem:s19+$0x2A50];
	[tilespmem:s26+$0x7A30] =	vst v23;
	v26 =	vmax.f32 v24, $0.0e+00;
	v24 =	vadd.f32 v21, v2  }
0x161: {  	s28 =	sshra.s32 s29, $0x2;
	s29 =	sadd.s32 $0x200, s29;
	v23 =	vmul.f32 v28, v11;
	v21 =	vld [tilespmem:s19+$0x2A60];
	v25 =	vadd.f32 v25, v16;
	[tilespmem:s26+$0x7A40] =	vst v26;
	v26 =	vmax.f32 v27, $0.0e+00  }
0x162: {  	v27 =	vld [tilespmem:s28+$0x2A70];
	[tilespmem:s26+$0x7A50] =	vst v26;
	v24 =	vmax.f32 v24, $0.0e+00;
	v22 =	vadd.f32 v22, v14;
	v19 =	vmul.f32 v19, v9  }
0x163: {  	v26 =	vld [tilespmem:s28+$0x2A00];
	[tilespmem:s26+$0x7A60] =	vst v24;
	v53 =	vmax.f32 v25, $0.0e+00;
	v23 =	vadd.f32 v23, v12  }
0x164: {  	v20 =	vmul.f32 v20, v8;
	v54 =	vld [tilespmem:s28+$0x2A10];
	[tilespmem:s19+$0x7A70] =	vst v53;
	v22 =	vmax.f32 v22, $0.0e+00;
	v19 =	vadd.f32 v19, v10  }
0x165: {  	v17 =	vmul.f32 v17, v5;
	v24 =	vld [tilespmem:s28+$0x2A20];
	[tilespmem:s19+$0x7A00] =	vst v22;
	v55 =	vmax.f32 v23, $0.0e+00  }
0x166: {  	v20 =	vadd.f32 v20, v7;
	v18 =	vmul.f32 v18, v3;
	v56 =	vld [tilespmem:s28+$0x2A30];
	[tilespmem:s19+$0x7A10] =	vst v55;
	v19 =	vmax.f32 v19, $0.0e+00  }
0x167: {  	v17 =	vadd.f32 v17, v6;
	v22 =	vld [tilespmem:s28+$0x2A40];
	[tilespmem:s19+$0x7A20] =	vst v19;
	v19 =	vmul.f32 v21, v1  }
0x168: {  	v20 =	vmax.f32 v20, $0.0e+00;
	v27 =	vmul.f32 v27, v15;
	v18 =	vadd.f32 v18, v4  }
0x169: {  	v57 =	vld [tilespmem:s28+$0x2A50];
	[tilespmem:s19+$0x7A30] =	vst v20;
	v58 =	vmul.f32 v26, v13;
	v17 =	vmax.f32 v17, $0.0e+00;
	v19 =	vadd.f32 v19, v2  }
0x16a: {  	v59 =	vld [tilespmem:s28+$0x2A60];
	v25 =	vmul.f32 v54, v11;
	v27 =	vadd.f32 v27, v16;
	[tilespmem:s19+$0x7A40] =	vst v17;
	v17 =	vmax.f32 v18, $0.0e+00  }
0x16b: {  	v18 =	vadd.f32 v58, v14;
	v60 =	vmul.f32 v24, v9;
	[tilespmem:s19+$0x7A50] =	vst v17;
	v17 =	vmax.f32 v19, $0.0e+00  }
0x16c: {  	v19 =	vadd.f32 v25, v12;
	v23 =	vmul.f32 v56, v8;
	v61 =	vmax.f32 v27, $0.0e+00;
	[tilespmem:s19+$0x7A60] =	vst v17  }
0x16d: {  	v17 =	vmax.f32 v18, $0.0e+00;
	v18 =	vadd.f32 v60, v10;
	v62 =	vmul.f32 v22, v5;
	[tilespmem:s28+$0x7A70] =	vst v61  }
0x16e: {  	[tilespmem:s28+$0x7A00] =	vst v17;
	v17 =	vmax.f32 v19, $0.0e+00;
	v19 =	vadd.f32 v23, v7;
	v21 =	vmul.f32 v57, v3  }
0x16f: {  	[tilespmem:s28+$0x7A10] =	vst v17;
	v17 =	vmax.f32 v18, $0.0e+00;
	v18 =	vadd.f32 v62, v6;
	v63 =	vmul.f32 v59, v1  }
0x170: {  	[tilespmem:s28+$0x7A20] =	vst v17;
	v17 =	vmax.f32 v19, $0.0e+00;
	v19 =	vadd.f32 v21, v4  }
0x171: {  	[tilespmem:s28+$0x7A30] =	vst v17;
	v17 =	vmax.f32 v18, $0.0e+00;
	v18 =	vadd.f32 v63, v2  }
0x172: {  	[tilespmem:s28+$0x7A40] =	vst v17;
	v17 =	vmax.f32 v19, $0.0e+00  }
0x173: {  	[tilespmem:s28+$0x7A50] =	vst v17;
	v17 =	vmax.f32 v18, $0.0e+00  }
0x174: {  	[tilespmem:s28+$0x7A60] =	vst v17  }
0x175: {  	p0 =	seq.s32 s10, $0x1E;
	_ =	swait.ge [sflag:s25], $0x50  }
.Ltmp5:
0x176: {  	[sflag:s25] =	ssyncset.done $0x0;
	(pc) =	sbr.rel @p0 .LBB2_14-.Ltmp5, $4  }
0x177: {  	s9 =	sadd.s32 s2, s9;
	[sflag:s25] =	ssyncadd.s32 $0xFFFFFFB0  }
0x178: {  	[hbm4b:s9+s5] =	stream.linear.scatter [tilespmem:s17], [sflag:$0x8], $0x2800, $0x38;
	[tilespmem:$0x1E300] =	vst v63  }
0x179: {  	_ = 	snop  }
0x17a: {  	[spmem:s3] =	stream.indirect.scatter.add.f32 [tilespmem:s17], [sflag:$0xA], $0x80, s18, s13, $0xb8;
	[tilespmem:$0x1E300] =	vst v63  }
0x17b: {  	s9 =	rddreg [dreg:$0x19]  }
0x17c: {  	s0 =	sadd.s32 s0, s9  }
.Ltmp6:
0x17d: {  	s9 =	sshll.u32 s0, $0x4;
	(pc) =	sbr.rel .LBB2_4-.Ltmp6, $4  }
0x17e: {  	s0 =	sshrl.u32 s0, $0x3;
	s9 =	sadd.s32 s7, s9  }
0x17f: {  	[tilespmem:s8], [sflag:$0x6] =	stream.linear.gather [hbm4b:s9+s5], $0x2800, $0x38;
	[tilespmem:$0x1E300] =	vst v63  }
0x180: {  	s29 =	simm.s32 $0x80;
	s10 =	sadd.s32 $0x1, s10;
	s0 =	sadd.s32 s6, s0  }
0x181: {  	[tilespmem:s29], [sflag:$0x2] =	stream.linear.gather [hbm4b:s0+s5], $0x50, $0x38;
	[tilespmem:$0x1E300] =	vst v63  }
.LBB2_14:
0x182: {  	_ =	swait.ge [sflag:s11], $0x2800  }
0x183: {  	[sflag:s11] =	ssyncset.done $0x0  }
0x184: {  	[sflag:s11] =	ssyncadd.s32 $0xFFFFD800  }
0x185: {  	_ =	swait.ge [sflag:s20], $0x2800  }
0x186: {  	[sflag:s20] =	ssyncset.done $0x0  }
0x187: {  	[sflag:s20] =	ssyncadd.s32 $0xFFFFD800  }
0x188: {  	_ =	swait.ge [sflag:s21], $0x2800  }
0x189: {  	[sflag:s21] =	ssyncset.done $0x0  }
0x18a: {  	s9 =	simm.s32 $0x0;
	[sflag:s21] =	ssyncadd.s32 $0xFFFFD800  }
0x18b: {  	v17 =	vld [tilespmem:s9+$0x270]  }
0x18c: {  	v18 =	vld [tilespmem:s9+$0x200]  }
0x18d: {  	v19 =	vld [tilespmem:s9+$0x210]  }
0x18e: {  	v20 =	vld [tilespmem:s9+$0x220]  }
0x18f: {  	v21 =	vld [tilespmem:s9+$0x230]  }
0x190: {  	v22 =	vld [tilespmem:s9+$0x240];
	v17 =	vmul.f32 v17, v15  }
0x191: {  	v23 =	vld [tilespmem:s9+$0x250]  }
0x192: {  	s0 =	simm.s32 $0x80;
	v24 =	vld [tilespmem:s9+$0x260];
	v18 =	vmul.f32 v18, v13;
	v17 =	vadd.f32 v17, v16  }
0x193: {  	v25 =	vld [tilespmem:s0+$0x270];
	v19 =	vmul.f32 v19, v11  }
0x194: {  	v26 =	vld [tilespmem:s0+$0x200];
	v18 =	vadd.f32 v18, v14;
	v17 =	vmax.f32 v17, $0.0e+00  }
0x195: {  	v27 =	vld [tilespmem:s0+$0x210];
	[tilespmem:s9+$0x5270] =	vst v17;
	v17 =	vmul.f32 v20, v9;
	v20 =	vadd.f32 v19, v12  }
0x196: {  	v18 =	vmax.f32 v18, $0.0e+00  }
0x197: {  	v19 =	vld [tilespmem:s0+$0x220];
	[tilespmem:s9+$0x5200] =	vst v18;
	v18 =	vmul.f32 v21, v8;
	v21 =	vmax.f32 v20, $0.0e+00  }
0x198: {  	v17 =	vadd.f32 v17, v10;
	v20 =	vld [tilespmem:s0+$0x230];
	[tilespmem:s9+$0x5210] =	vst v21;
	v21 =	vmul.f32 v22, v5  }
0x199: {  	v23 =	vmul.f32 v23, v3;
	v18 =	vadd.f32 v18, v7  }
0x19a: {  	v24 =	vmul.f32 v24, v1;
	v22 =	vmax.f32 v17, $0.0e+00;
	v21 =	vadd.f32 v21, v6  }
0x19b: {  	v25 =	vmul.f32 v25, v15;
	v28 =	vadd.f32 v23, v4;
	v17 =	vld [tilespmem:s0+$0x240];
	[tilespmem:s9+$0x5220] =	vst v22;
	v22 =	vmax.f32 v18, $0.0e+00  }
0x19c: {  	v24 =	vadd.f32 v24, v2;
	v18 =	vld [tilespmem:s0+$0x250];
	[tilespmem:s9+$0x5230] =	vst v22;
	v22 =	vmul.f32 v26, v13;
	v26 =	vmax.f32 v21, $0.0e+00  }
0x19d: {  	s10 =	simm.s32 $0x100;
	s19 =	simm.s32 $0x600;
	s29 =	simm.s32 $0x80;
	v23 =	vmul.f32 v27, v11;
	v25 =	vadd.f32 v25, v16;
	v21 =	vld [tilespmem:s0+$0x260];
	[tilespmem:s9+$0x5240] =	vst v26;
	v26 =	vmax.f32 v28, $0.0e+00  }
.LBB2_15:
0x19e: {  	p0 =	sne.s32 s19, $0x9E00;
	v27 =	vld [tilespmem:s10+$0x270];
	v22 =	vadd.f32 v22, v14;
	v19 =	vmul.f32 v19, v9;
	[tilespmem:s9+$0x5250] =	vst v26;
	v24 =	vmax.f32 v24, $0.0e+00  }
0x19f: {  	v26 =	vld [tilespmem:s10+$0x200];
	v23 =	vadd.f32 v23, v12;
	v20 =	vmul.f32 v20, v8;
	v25 =	vmax.f32 v25, $0.0e+00;
	[tilespmem:s9+$0x5260] =	vst v24;
	s9 =	smov.u32 s0;
	s0 =	smov.u32 s10  }
0x1a0: {  	v28 =	vld [tilespmem:s0+$0x210];
	v22 =	vmax.f32 v22, $0.0e+00;
	v24 =	vadd.f32 v19, v10;
	v17 =	vmul.f32 v17, v5;
	[tilespmem:s9+$0x5270] =	vst v25  }
.Ltmp7:
0x1a1: {  	v19 =	vld [tilespmem:s0+$0x220];
	[tilespmem:s9+$0x5200] =	vst v22;
	v22 =	vmax.f32 v23, $0.0e+00;
	v23 =	vadd.f32 v20, v7;
	v18 =	vmul.f32 v18, v3;
	(pc) =	sbr.rel @p0 .LBB2_15-.Ltmp7, $4  }
0x1a2: {  	v20 =	vld [tilespmem:s0+$0x230];
	[tilespmem:s9+$0x5210] =	vst v22;
	v22 =	vmax.f32 v24, $0.0e+00;
	v24 =	vadd.f32 v17, v6;
	v21 =	vmul.f32 v21, v1  }
0x1a3: {  	v17 =	vld [tilespmem:s0+$0x240];
	v25 =	vmul.f32 v27, v15;
	[tilespmem:s9+$0x5220] =	vst v22;
	v23 =	vmax.f32 v23, $0.0e+00;
	v27 =	vadd.f32 v18, v4  }
0x1a4: {  	v22 =	vmul.f32 v26, v13;
	v18 =	vld [tilespmem:s0+$0x250];
	[tilespmem:s9+$0x5230] =	vst v23;
	v26 =	vmax.f32 v24, $0.0e+00;
	v24 =	vadd.f32 v21, v2  }
0x1a5: {  	s10 =	sshra.s32 s19, $0x2;
	s19 =	sadd.s32 $0x200, s19;
	v23 =	vmul.f32 v28, v11;
	v21 =	vld [tilespmem:s0+$0x260];
	v25 =	vadd.f32 v25, v16;
	[tilespmem:s9+$0x5240] =	vst v26;
	v26 =	vmax.f32 v27, $0.0e+00  }
0x1a6: {  	v27 =	vld [tilespmem:s10+$0x270];
	[tilespmem:s9+$0x5250] =	vst v26;
	v24 =	vmax.f32 v24, $0.0e+00;
	v22 =	vadd.f32 v22, v14;
	v19 =	vmul.f32 v19, v9  }
0x1a7: {  	v26 =	vld [tilespmem:s10+$0x200];
	[tilespmem:s9+$0x5260] =	vst v24;
	v47 =	vmax.f32 v25, $0.0e+00;
	v23 =	vadd.f32 v23, v12;
	v20 =	vmul.f32 v20, v8  }
0x1a8: {  	v48 =	vld [tilespmem:s10+$0x210];
	[tilespmem:s0+$0x5270] =	vst v47;
	v22 =	vmax.f32 v22, $0.0e+00;
	v19 =	vadd.f32 v19, v10;
	v17 =	vmul.f32 v17, v5  }
0x1a9: {  	v24 =	vld [tilespmem:s10+$0x220];
	[tilespmem:s0+$0x5200] =	vst v22;
	v49 =	vmax.f32 v23, $0.0e+00;
	v20 =	vadd.f32 v20, v7;
	v18 =	vmul.f32 v18, v3  }
0x1aa: {  	v50 =	vld [tilespmem:s10+$0x230];
	[tilespmem:s0+$0x5210] =	vst v49;
	v19 =	vmax.f32 v19, $0.0e+00;
	v17 =	vadd.f32 v17, v6;
	v51 =	vmul.f32 v21, v1  }
0x1ab: {  	v22 =	vld [tilespmem:s10+$0x240];
	[tilespmem:s0+$0x5220] =	vst v19;
	v20 =	vmax.f32 v20, $0.0e+00;
	v15 =	vmul.f32 v27, v15;
	v18 =	vadd.f32 v18, v4  }
0x1ac: {  	v52 =	vld [tilespmem:s10+$0x250];
	[tilespmem:s0+$0x5230] =	vst v20;
	v13 =	vmul.f32 v26, v13;
	v17 =	vmax.f32 v17, $0.0e+00;
	v19 =	vadd.f32 v51, v2  }
0x1ad: {  	v20 =	vld [tilespmem:s10+$0x260];
	v11 =	vmul.f32 v48, v11;
	v15 =	vadd.f32 v15, v16;
	[tilespmem:s0+$0x5240] =	vst v17;
	v53 =	vmax.f32 v18, $0.0e+00  }
0x1ae: {  	v13 =	vadd.f32 v13, v14;
	v54 =	vmul.f32 v24, v9;
	[tilespmem:s0+$0x5250] =	vst v53;
	v55 =	vmax.f32 v19, $0.0e+00  }
0x1af: {  	v11 =	vadd.f32 v11, v12;
	v56 =	vmul.f32 v50, v8;
	v57 =	vmax.f32 v15, $0.0e+00;
	[tilespmem:s0+$0x5260] =	vst v55  }
0x1b0: {  	v13 =	vmax.f32 v13, $0.0e+00;
	v9 =	vadd.f32 v54, v10;
	v58 =	vmul.f32 v22, v5;
	[tilespmem:s10+$0x5270] =	vst v57  }
0x1b1: {  	[tilespmem:s10+$0x5200] =	vst v13;
	v59 =	vmax.f32 v11, $0.0e+00;
	v60 =	vadd.f32 v56, v7;
	v3 =	vmul.f32 v52, v3  }
0x1b2: {  	[tilespmem:s10+$0x5210] =	vst v59;
	v61 =	vmax.f32 v9, $0.0e+00;
	v5 =	vadd.f32 v58, v6;
	v1 =	vmul.f32 v20, v1  }
0x1b3: {  	[tilespmem:s10+$0x5220] =	vst v61;
	v62 =	vmax.f32 v60, $0.0e+00;
	v3 =	vadd.f32 v3, v4  }
0x1b4: {  	[tilespmem:s10+$0x5230] =	vst v62;
	v63 =	vmax.f32 v5, $0.0e+00;
	v1 =	vadd.f32 v1, v2  }
0x1b5: {  	[tilespmem:s10+$0x5240] =	vst v63;
	v2 =	vmax.f32 v3, $0.0e+00  }
0x1b6: {  	[tilespmem:s10+$0x5250] =	vst v2;
	v1 =	vmax.f32 v1, $0.0e+00  }
0x1b7: {  	[tilespmem:s10+$0x5260] =	vst v1  }
0x1b8: {  	_ =	swait.ge [sflag:s12], $0x50  }
0x1b9: {  	[sflag:s12] =	ssyncset.done $0x0  }
0x1ba: {  	s30 =	rddreg [dreg:$0x13];
	[sflag:s12] =	ssyncadd.s32 $0xFFFFFFB0  }
0x1bb: {  	[hbm4b:s30+s5] =	stream.linear.scatter [tilespmem:s31], [sflag:$0x7], $0x2800, $0x38;
	[tilespmem:$0x1E300] =	vst v63  }
0x1bc: {  	_ = 	snop  }
0x1bd: {  	[spmem:s3] =	stream.indirect.scatter.add.f32 [tilespmem:s31], [sflag:$0x9], $0x80, s5, s13, $0xb8;
	[tilespmem:$0x1E300] =	vst v63  }
0x1be: {  	_ =	swait.ge [sflag:s23], $0x2800  }
0x1bf: {  	[sflag:s23] =	ssyncset.done $0x0  }
0x1c0: {  	[sflag:s23] =	ssyncadd.s32 $0xFFFFD800  }
0x1c1: {  	_ =	swait.ge [sflag:s20], $0x2800  }
0x1c2: {  	[sflag:s20] =	ssyncset.done $0x0  }
0x1c3: {  	[sflag:s20] =	ssyncadd.s32 $0xFFFFD800  }
0x1c4: {  	_ =	swait.ge [sflag:s24], $0x2800  }
0x1c5: {  	[sflag:s24] =	ssyncset.done $0x0  }
0x1c6: {  	[sflag:s24] =	ssyncadd.s32 $0xFFFFD800  }
0x1c7: {  	_ =	swait.ge [sflag:s21], $0x2800  }
0x1c8: {  	[sflag:s21] =	ssyncset.done $0x0  }
0x1c9: {  	[sflag:s21] =	ssyncadd.s32 $0xFFFFD800  }
0x1ca: {  	s9 =	stileid.u32;
	[bflag:$0x0] =	sbarrier.arrive $0xFFFF  }
0x1cb: {  	s0 =	sshll.u32 s9, $0x6;
	s19 =	rddreg [dreg:$0x6]  }
0x1cc: {  	s0 =	sor.u32 $0x1C0B, s0;
	s26 =	rddreg [dreg:$0x14];
	s10 =	sshrl.u32 s19, $0x3  }
0x1cd: {  	[hbm:s26], [sflag:s0] =	dma.local [spmem:s10], $0x2800  }
0x1ce: {  	s10 =	simm.s32 $0xB  }
0x1cf: {  	_ =	swait.ge [sflag:s10], $0x2800  }
0x1d0: {  	s28 =	rddreg [dreg:$0x1a]  }
0x1d1: {  	s30 =	rddreg [dreg:$0x15];
	s9 =	sadd.s32 $0x1, s28  }
0x1d2: {  	p0 =	sne.s32 s9, s30  }
.Ltmp8:
0x1d3: {  	_ = 	snop;
	(pc) =	sbr.rel @p0 .LBB2_1-.Ltmp8, $3  }
0x1d4: {  	_ =	sdelay $0x1  }
0x1d5: {  	[sflag:s10] =	ssyncset.done $0x0  }
0x1d6: {  	[sflag:s10] =	ssyncadd.s32 $0xFFFFD800  }
0x1d7: {  	_ =	sfence.sel $0x180000  }
0x1d8: {  	[bflag:$0x0] =	sbarrier.arrive $0xFFFF  }
0x1d9: {  	_ =	strace $0x9000004A  }
0x1da: {  	s0 =	stileid.u32;
	[bflag:$0x2] =	sbarrier.arrive $0xFFFF  }
0x1db: {  	p0 =	sne.s32 s0, $0x0;
	s0 =	rddreg [dreg:$0x4]  }
0x1dc: {  	s0 =	sadd.s32 @!p0 $0x100000, s0  }
0x1dd: {  	[sflag:s0] =	ssyncadd.tile.s32 @!p0 $0x1;
	_ =	shalt  }
.Lfunc_end2:
_tile_overlayer_lowered:
.L_overlay_start_2:
0x1de: {  	(tag) =	ssettag $0x2  }
0x1df: {  	s0 =	rddreg [dreg:$0x0];
	s2 =	stileid.u32  }
0x1e0: {  	s1 =	rddreg [dreg:$0x1];
	p0 =	sne.s32 s2, $0x0  }
0x1e1: {  	s3 =	rddreg [dreg:$0x2];
	[bflag:$0x3] =	sbarrier.arrive $0xFFFF;
	s2 =	simm.s32 @!p0 $0x1C0B  }
0x1e2: {  	[timem:s3], [sflag:s2] =	dma.local @!p0 [hbm:s0], s1  }
0x1e3: {  	s0 =	simm.s32 @!p0 $0xB  }
0x1e4: {  	_ =	swait.ge @!p0 [sflag:s0], s1  }
0x1e5: {  	s1 =	ssub.s32 @!p0 $0x0, s1;
	[sflag:s0] =	ssyncset.done @!p0 $0x0  }
0x1e6: {  	[sflag:s0] =	ssyncadd.s32 @!p0 s1  }
0x1e7: {  	[bflag:$0x3] =	sbarrier.arrive $0xFFFF  }
0x1e8: {  	_ =	shalt  }

</sc_bundles>
